<compile_context>
chip_gen: v7x
topology: tpu7x:2x2x1
jax: 0.10.2.dev20260603
libtpu: 0.0.44.dev20260713+nightly
codegen_flags: <defaults>
</compile_context>

<pallas_src>
import jax
import jax.numpy as jnp
from jax import lax
from jax.experimental import pallas as pl
from jax.experimental.pallas import tpu as pltpu
from jax.experimental.pallas import tpu_sc as plsc

NUM_EXAMPLES = 10000
SEQ_LEN = 50
VOCAB = 128
BATCH = 4096

NC, NS, L = 2, 16, 16
NW = NC * NS
TOTAL = SEQ_LEN * BATCH
PER_W = TOTAL // NW
K = 64
NCHUNKS = PER_W // K
NBUF = 5
LN2 = 0.6931471805599453


_P5 = (0.04392872, -0.40947646, 1.61018061, -3.52022406, 5.06976063, -2.79415506)


def _vlog(sv):
    bits = lax.bitcast_convert_type(sv, jnp.int32)
    e = lax.shift_right_logical(bits, 23) - 127
    mant = lax.bitcast_convert_type(
        (bits & jnp.int32(0x7FFFFF)) | jnp.int32(0x3F800000), jnp.float32
    )
    p = jnp.float32(_P5[0])
    for c in _P5[1:]:
        p = p * mant + jnp.float32(c)
    return (e.astype(jnp.float32) + p) * LN2


_GDN = lax.GatherDimensionNumbers(
    offset_dims=(), collapsed_slice_dims=(0,), start_index_map=(0,)
)


def _shuffle(v, p):
    return lax.gather(
        v, p[:, None], _GDN, (1,),
        mode=lax.GatherScatterMode.PROMISE_IN_BOUNDS,
    )


def _butterfly(v, op, perms):
    for p in perms:
        v = op(v, _shuffle(v, p))
    return v


def _perms():
    base = lax.iota(jnp.int32, 16)
    return [base ^ k for k in (8, 4, 2, 1)]


def _pos_body(buf, obuf, s, perms):
    v = [buf[s, pl.ds(16 * j, 16)] for j in range(8)]
    e = [jnp.exp(vj) for vj in v]
    s01 = e[0] + e[1]
    s23 = e[2] + e[3]
    s45 = e[4] + e[5]
    s67 = e[6] + e[7]
    tot = (s01 + s23) + (s45 + s67)
    ls = _vlog(_butterfly(tot, jnp.add, perms))
    for j in range(8):
        obuf[s, pl.ds(16 * j, 16)] = v[j] - ls


def _compute_chunk(buf, obuf, perms):
    def body(q, _):
        _pos_body(buf, obuf, 2 * q, perms)
        _pos_body(buf, obuf, 2 * q + 1, perms)
        return 0

    lax.fori_loop(0, K // 2, body, 0)


def _sc_kernel(x_hbm, w_hbm, out_hbm, xv, idxv, bufs, obufs, gsems, ssems):
    wid = lax.axis_index("s") * NC + lax.axis_index("c")
    fbase = wid * PER_W
    perms = _perms()
    pltpu.sync_copy(x_hbm, xv)

    def build(k, _):
        f0 = fbase + k * 16
        s0 = lax.shift_right_logical(f0, 12)
        r0 = f0 & (BATCH - 1)
        xr = xv[pl.ds(r0, 16)]
        idxv[pl.ds(k * 16, 16)] = xr + jnp.full((16,), s0 * NUM_EXAMPLES, jnp.int32)
        return 0

    lax.fori_loop(0, PER_W // 16, build, 0)

    NITER = NCHUNKS // NBUF

    def gather(c, j):
        pltpu.make_async_copy(
            w_hbm.at[idxv.at[pl.ds(c * K, K)]], bufs[j], gsems[j]
        ).start()

    def gather_wait(c, j):
        pltpu.make_async_copy(
            w_hbm.at[idxv.at[pl.ds(c * K, K)]], bufs[j], gsems[j]
        ).wait()

    def scatter(c, j):
        pltpu.make_async_copy(
            obufs[j], out_hbm.at[pl.ds(fbase + c * K, K)], ssems[j]
        ).start()

    def scatter_wait(c, j):
        pltpu.make_async_copy(
            obufs[j], out_hbm.at[pl.ds(fbase + c * K, K)], ssems[j]
        ).wait()

    for j in range(NBUF):
        gather(j, j)

    def outer(i, _):
        for j in range(NBUF):
            c = NBUF * i + j
            gather_wait(c, j)

            @pl.when(c >= NBUF)
            def _():
                scatter_wait(c - NBUF, j)

            _compute_chunk(bufs[j], obufs[j], perms)
            scatter(c, j)
        for j in range(NBUF):

            @pl.when(i + 1 < NITER)
            def _():
                gather(NBUF * (i + 1) + j, j)

        return 0

    lax.fori_loop(0, NITER, outer, 0)
    for j in range(NBUF):
        scatter_wait(NBUF * (NITER - 1) + j, j)


@jax.jit
def kernel(x, weights):
    xi = x.astype(jnp.int32)
    w2d = jnp.transpose(weights, (1, 0, 2)).reshape(SEQ_LEN * NUM_EXAMPLES, VOCAB)
    mesh = plsc.VectorSubcoreMesh(core_axis_name="c", subcore_axis_name="s")

    def run(x_, w_, out_, xv, idxv, *rest):
        _sc_kernel(
            x_, w_, out_, xv, idxv,
            rest[0:NBUF], rest[NBUF:2 * NBUF],
            rest[2 * NBUF:3 * NBUF], rest[3 * NBUF:4 * NBUF],
        )

    f = pl.kernel(
        run,
        mesh=mesh,
        out_type=jax.ShapeDtypeStruct((TOTAL, VOCAB), jnp.float32),
        scratch_types=(
            [pltpu.VMEM((BATCH,), jnp.int32), pltpu.VMEM((PER_W,), jnp.int32)]
            + [pltpu.VMEM((K, VOCAB), jnp.float32)] * (2 * NBUF)
            + [pltpu.SemaphoreType.DMA] * (2 * NBUF)
        ),
    )
    out2d = f(xi, w2d)
    return jnp.transpose(out2d.reshape(SEQ_LEN, BATCH, VOCAB), (1, 0, 2))

# --- scband reference (transcript-rebuilt; emitter-appended) ---
"""Pipeline reference for scband-memorization-model-13202729468564 (READ-ONLY COPY).

The authoritative reference and input builder live on the scoring server;
editing this copy changes nothing except your own understanding.
"""

import jax, jax.numpy as jnp
import numpy as np

NUM_EXAMPLES = 10000
SEQ_LEN = 50
VOCAB_SIZE = 128
BATCH = 4096

def setup_inputs(seed: int = 0) -> dict:
    key = jax.random.key(seed)
    k1, k2 = jax.random.split(key)
    x = jax.random.randint(k1, (BATCH,), 0, NUM_EXAMPLES, dtype=jnp.int64 if jax.config.jax_enable_x64 else jnp.int32)
    weights = jax.random.normal(k2, (NUM_EXAMPLES, SEQ_LEN, VOCAB_SIZE), dtype=jnp.float32)
    return {"x": x, "weights": weights}

def reference(x, weights):
    # gather rows of the memorization table, then log_softmax over vocab dim
    gathered = jnp.take(weights, x, axis=0)  # [B, seq_len, vocab]
    return jax.nn.log_softmax(gathered, axis=-1)

if __name__ == "__main__":
    import jax
    _d = setup_inputs()
    print(jax.jit(kernel)(*tuple(_d.values())))

</pallas_src>

<mosaic_0001>
#map = affine_map<(d0, d1) -> (0)>
#map1 = affine_map<(d0, d1) -> (0, 0)>
module attributes {stable_mosaic.version = 14 : i64} {
  func.func @run(%arg0: i32, %arg1: i32, %arg2: memref<4096xi32, #tpu.memory_space<hbm>>, %arg3: memref<500000x128xf32, #tpu.memory_space<hbm>>, %arg4: memref<204800x128xf32, #tpu.memory_space<hbm>>, %arg5: memref<4096xi32, #tpu.memory_space<vmem>>, %arg6: memref<6400xi32, #tpu.memory_space<vmem>>, %arg7: memref<64x128xf32, #tpu.memory_space<vmem>>, %arg8: memref<64x128xf32, #tpu.memory_space<vmem>>, %arg9: memref<64x128xf32, #tpu.memory_space<vmem>>, %arg10: memref<64x128xf32, #tpu.memory_space<vmem>>, %arg11: memref<64x128xf32, #tpu.memory_space<vmem>>, %arg12: memref<64x128xf32, #tpu.memory_space<vmem>>, %arg13: memref<64x128xf32, #tpu.memory_space<vmem>>, %arg14: memref<64x128xf32, #tpu.memory_space<vmem>>, %arg15: memref<64x128xf32, #tpu.memory_space<vmem>>, %arg16: memref<64x128xf32, #tpu.memory_space<vmem>>, %arg17: memref<!tpu.dma_semaphore, #tpu.memory_space<semaphore_mem>>, %arg18: memref<!tpu.dma_semaphore, #tpu.memory_space<semaphore_mem>>, %arg19: memref<!tpu.dma_semaphore, #tpu.memory_space<semaphore_mem>>, %arg20: memref<!tpu.dma_semaphore, #tpu.memory_space<semaphore_mem>>, %arg21: memref<!tpu.dma_semaphore, #tpu.memory_space<semaphore_mem>>, %arg22: memref<!tpu.dma_semaphore, #tpu.memory_space<semaphore_mem>>, %arg23: memref<!tpu.dma_semaphore, #tpu.memory_space<semaphore_mem>>, %arg24: memref<!tpu.dma_semaphore, #tpu.memory_space<semaphore_mem>>, %arg25: memref<!tpu.dma_semaphore, #tpu.memory_space<semaphore_mem>>, %arg26: memref<!tpu.dma_semaphore, #tpu.memory_space<semaphore_mem>>) attributes {dimension_semantics = [#tpu.dimension_semantics<core_parallel>, #tpu.dimension_semantics<subcore_parallel>], iteration_bounds = array<i64: 2, 16>, scalar_prefetch = 0 : i64, scratch_operands = 22 : i64, tpu.core_type = #tpu.core_type<sc_vector_subcore>, window_params = [{transform_indices = #map}, {transform_indices = #map1}, {transform_indices = #map1}]} {
    %mul3A = arith.constant 2 : i32
    %mul3A_0 = arith.muli %arg1, %mul3A : i32
    %add3A = arith.addi %mul3A_0, %arg0 : i32
    %mul3A_1 = arith.constant 6400 : i32
    %mul3A_2 = arith.muli %add3A, %mul3A_1 : i32
    %iota3A = tpu.iota {dimensions = array<i32: 0>} : vector<16xi32>
    %xor3A = arith.constant 8 : i32
    %xor3A_3 = vector.broadcast %xor3A : i32 to vector<16xi32>
    %xor3A_4 = arith.xori %iota3A, %xor3A_3 : vector<16xi32>
    %xor3A_5 = arith.constant 4 : i32
    %xor3A_6 = vector.broadcast %xor3A_5 : i32 to vector<16xi32>
    %xor3A_7 = arith.xori %iota3A, %xor3A_6 : vector<16xi32>
    %xor3A_8 = arith.constant 2 : i32
    %xor3A_9 = vector.broadcast %xor3A_8 : i32 to vector<16xi32>
    %xor3A_10 = arith.xori %iota3A, %xor3A_9 : vector<16xi32>
    %xor3A_11 = arith.constant 1 : i32
    %xor3A_12 = vector.broadcast %xor3A_11 : i32 to vector<16xi32>
    %xor3A_13 = arith.xori %iota3A, %xor3A_12 : vector<16xi32>
    "tpu.region"() ({
      %run_scoped3A = tpu.sem_alloc : memref<!tpu.dma_semaphore, #tpu.memory_space<semaphore_mem>>
      tpu.enqueue_dma source(%arg2 : memref<4096xi32, #tpu.memory_space<hbm>>) target(%arg5 : memref<4096xi32, #tpu.memory_space<vmem>>) target_semaphore(%run_scoped3A : memref<!tpu.dma_semaphore, #tpu.memory_space<semaphore_mem>>)
      tpu.wait_dma2 semaphore(%run_scoped3A : memref<!tpu.dma_semaphore, #tpu.memory_space<semaphore_mem>>) src(%arg2 : memref<4096xi32, #tpu.memory_space<hbm>>) dst(%arg5 : memref<4096xi32, #tpu.memory_space<vmem>>)
      tpu.yield
    }) : () -> ()
    %scan3A = arith.constant 0 : i32
    %scan3A_14 = arith.constant 0 : i32
    %scan3A_15 = arith.constant 400 : i32
    %scan3A_16 = arith.addi %scan3A_14, %scan3A_15 : i32
    %scan3A_17 = arith.constant 1 : i32
    %scan3A_18 = scf.for %scan3A_80 = %scan3A_14 to %scan3A_16 step %scan3A_17 iter_args(%scan3A_81 = %scan3A) -> (i32)  : i32 {
      %mul3A_82 = arith.constant 16 : i32
      %mul3A_83 = arith.muli %scan3A_80, %mul3A_82 : i32
      %add3A_84 = arith.addi %mul3A_2, %mul3A_83 : i32
      %shift_right_logical3A = arith.constant 12 : i32
      %shift_right_logical3A_85 = arith.shrui %add3A_84, %shift_right_logical3A : i32
      %and3A = arith.constant 4095 : i32
      %and3A_86 = arith.andi %add3A_84, %and3A : i32
      %get3A = arith.index_cast %and3A_86 : i32 to index
      %get3A_87 = tpu.vector_load %arg5[%get3A] {strides = array<i32>} : memref<4096xi32, #tpu.memory_space<vmem>>, vector<16xi32>,
      %get3A_88 = vector.shape_cast %get3A_87 : vector<16xi32> to vector<16xi32>
      %mul3A_89 = arith.constant 10000 : i32
      %mul3A_90 = arith.muli %shift_right_logical3A_85, %mul3A_89 : i32
      %broadcast_in_dim3A = vector.broadcast %mul3A_90 : i32 to vector<16xi32>
      %add3A_91 = arith.addi %get3A_88, %broadcast_in_dim3A : vector<16xi32>
      %mul3A_92 = arith.constant 16 : i32
      %mul3A_93 = arith.muli %scan3A_80, %mul3A_92 : i32
      %swap3A = arith.index_cast %mul3A_93 : i32 to index
      %swap3A_94 = tpu.vector_load %arg6[%swap3A] {strides = array<i32>} : memref<6400xi32, #tpu.memory_space<vmem>>, vector<16xi32>,
      %swap3A_95 = vector.shape_cast %swap3A_94 : vector<16xi32> to vector<16xi32>
      %swap3A_96 = vector.shape_cast %add3A_91 : vector<16xi32> to vector<16xi32>
      tpu.vector_store %arg6[%swap3A], %swap3A_96 {strides = array<i32>} : memref<6400xi32, #tpu.memory_space<vmem>>, vector<16xi32>,
      %scan3A_97 = arith.constant 0 : i32
      scf.yield %scan3A_97 : i32
    }
    %scan3A_19 = arith.constant 400 : i32
    %dma_start3A = arith.constant 0 : i32
    %dma_start3A_20 = tpu.memref_slice %arg6[%dma_start3A] : memref<6400xi32, #tpu.memory_space<vmem>> -> memref<64xi32, #tpu.memory_space<vmem>>
    %dma_start3A_21 = arith.constant 0 : i32
    %dma_start3A_22 = arith.constant 0 : i32
    %dma_start3A_23 = tpu.memref_slice %arg3[%dma_start3A_21, %dma_start3A_22] : memref<500000x128xf32, #tpu.memory_space<hbm>> -> memref<500000x128xf32, #tpu.memory_space<hbm>>
    tpu.enqueue_indirect_dma source(%dma_start3A_23 : memref<500000x128xf32, #tpu.memory_space<hbm>>) target(%arg7 : memref<64x128xf32, #tpu.memory_space<vmem>>) offsets(%dma_start3A_20 : memref<64xi32, #tpu.memory_space<vmem>>) semaphore(%arg17 : memref<!tpu.dma_semaphore, #tpu.memory_space<semaphore_mem>>)
    %dma_start3A_24 = arith.constant 64 : i32
    %dma_start3A_25 = tpu.memref_slice %arg6[%dma_start3A_24] : memref<6400xi32, #tpu.memory_space<vmem>> -> memref<64xi32, #tpu.memory_space<vmem>>
    %dma_start3A_26 = arith.constant 0 : i32
    %dma_start3A_27 = arith.constant 0 : i32
    %dma_start3A_28 = tpu.memref_slice %arg3[%dma_start3A_26, %dma_start3A_27] : memref<500000x128xf32, #tpu.memory_space<hbm>> -> memref<500000x128xf32, #tpu.memory_space<hbm>>
    tpu.enqueue_indirect_dma source(%dma_start3A_28 : memref<500000x128xf32, #tpu.memory_space<hbm>>) target(%arg8 : memref<64x128xf32, #tpu.memory_space<vmem>>) offsets(%dma_start3A_25 : memref<64xi32, #tpu.memory_space<vmem>>) semaphore(%arg18 : memref<!tpu.dma_semaphore, #tpu.memory_space<semaphore_mem>>)
    %dma_start3A_29 = arith.constant 128 : i32
    %dma_start3A_30 = tpu.memref_slice %arg6[%dma_start3A_29] : memref<6400xi32, #tpu.memory_space<vmem>> -> memref<64xi32, #tpu.memory_space<vmem>>
    %dma_start3A_31 = arith.constant 0 : i32
    %dma_start3A_32 = arith.constant 0 : i32
    %dma_start3A_33 = tpu.memref_slice %arg3[%dma_start3A_31, %dma_start3A_32] : memref<500000x128xf32, #tpu.memory_space<hbm>> -> memref<500000x128xf32, #tpu.memory_space<hbm>>
    tpu.enqueue_indirect_dma source(%dma_start3A_33 : memref<500000x128xf32, #tpu.memory_space<hbm>>) target(%arg9 : memref<64x128xf32, #tpu.memory_space<vmem>>) offsets(%dma_start3A_30 : memref<64xi32, #tpu.memory_space<vmem>>) semaphore(%arg19 : memref<!tpu.dma_semaphore, #tpu.memory_space<semaphore_mem>>)
    %dma_start3A_34 = arith.constant 192 : i32
    %dma_start3A_35 = tpu.memref_slice %arg6[%dma_start3A_34] : memref<6400xi32, #tpu.memory_space<vmem>> -> memref<64xi32, #tpu.memory_space<vmem>>
    %dma_start3A_36 = arith.constant 0 : i32
    %dma_start3A_37 = arith.constant 0 : i32
    %dma_start3A_38 = tpu.memref_slice %arg3[%dma_start3A_36, %dma_start3A_37] : memref<500000x128xf32, #tpu.memory_space<hbm>> -> memref<500000x128xf32, #tpu.memory_space<hbm>>
    tpu.enqueue_indirect_dma source(%dma_start3A_38 : memref<500000x128xf32, #tpu.memory_space<hbm>>) target(%arg10 : memref<64x128xf32, #tpu.memory_space<vmem>>) offsets(%dma_start3A_35 : memref<64xi32, #tpu.memory_space<vmem>>) semaphore(%arg20 : memref<!tpu.dma_semaphore, #tpu.memory_space<semaphore_mem>>)
    %dma_start3A_39 = arith.constant 256 : i32
    %dma_start3A_40 = tpu.memref_slice %arg6[%dma_start3A_39] : memref<6400xi32, #tpu.memory_space<vmem>> -> memref<64xi32, #tpu.memory_space<vmem>>
    %dma_start3A_41 = arith.constant 0 : i32
    %dma_start3A_42 = arith.constant 0 : i32
    %dma_start3A_43 = tpu.memref_slice %arg3[%dma_start3A_41, %dma_start3A_42] : memref<500000x128xf32, #tpu.memory_space<hbm>> -> memref<500000x128xf32, #tpu.memory_space<hbm>>
    tpu.enqueue_indirect_dma source(%dma_start3A_43 : memref<500000x128xf32, #tpu.memory_space<hbm>>) target(%arg11 : memref<64x128xf32, #tpu.memory_space<vmem>>) offsets(%dma_start3A_40 : memref<64xi32, #tpu.memory_space<vmem>>) semaphore(%arg21 : memref<!tpu.dma_semaphore, #tpu.memory_space<semaphore_mem>>)
    %scan3A_44 = arith.constant 0 : i32
    %scan3A_45 = arith.constant 0 : i32
    %scan3A_46 = arith.constant 20 : i32
    %scan3A_47 = arith.addi %scan3A_45, %scan3A_46 : i32
    %scan3A_48 = arith.constant 1 : i32
    %scan3A_49 = scf.for %scan3A_80 = %scan3A_45 to %scan3A_47 step %scan3A_48 iter_args(%scan3A_81 = %scan3A_44) -> (i32)  : i32 {
      %mul3A_82 = arith.constant 5 : i32
      %mul3A_83 = arith.muli %mul3A_82, %scan3A_80 : i32
      %add3A_84 = arith.constant 0 : i32
      %add3A_85 = arith.addi %mul3A_83, %add3A_84 : i32
      %mul3A_86 = arith.constant 64 : i32
      %mul3A_87 = arith.muli %add3A_85, %mul3A_86 : i32
      %dma_wait3A_88 = tpu.memref_slice %arg6[%mul3A_87] : memref<6400xi32, #tpu.memory_space<vmem>> -> memref<64xi32, #tpu.memory_space<vmem>>
      %dma_wait3A_89 = arith.constant 0 : i32
      %dma_wait3A_90 = arith.constant 0 : i32
      %dma_wait3A_91 = tpu.memref_slice %arg3[%dma_wait3A_89, %dma_wait3A_90] : memref<500000x128xf32, #tpu.memory_space<hbm>> -> memref<500000x128xf32, #tpu.memory_space<hbm>>
      tpu.wait_indirect_dma semaphore(%arg17 : memref<!tpu.dma_semaphore, #tpu.memory_space<semaphore_mem>>) src(%dma_wait3A_91 : memref<500000x128xf32, #tpu.memory_space<hbm>>) dst(%arg7 : memref<64x128xf32, #tpu.memory_space<vmem>>)
      %ge3A = arith.constant 5 : i32
      %ge3A_92 = arith.cmpi sge, %add3A_85, %ge3A : i32
      %convert_element_type3A = arith.extui %ge3A_92 : i1 to i32
      %cond3A = arith.constant 0 : i32
      %cond3A_93 = arith.cmpi ne, %convert_element_type3A, %cond3A : i32
      scf.if %cond3A_93 {
        %sub3A = arith.constant 5 : i32
        %sub3A_259 = arith.subi %add3A_85, %sub3A : i32
        %mul3A_260 = arith.constant 64 : i32
        %mul3A_261 = arith.muli %sub3A_259, %mul3A_260 : i32
        %add3A_262 = arith.addi %mul3A_2, %mul3A_261 : i32
        %dma_wait3A_263 = arith.constant 0 : i32
        %dma_wait3A_264 = tpu.memref_slice %arg4[%add3A_262, %dma_wait3A_263] : memref<204800x128xf32, #tpu.memory_space<hbm>> -> memref<64x128xf32, #tpu.memory_space<hbm>>
        %dma_wait3A_265 = arith.constant 0 : i32
        %dma_wait3A_266 = tpu.memref_slice %arg4[%add3A_262, %dma_wait3A_265] : memref<204800x128xf32, #tpu.memory_space<hbm>> -> memref<64x128xf32, #tpu.memory_space<hbm>>
        tpu.wait_dma2 semaphore(%arg22 : memref<!tpu.dma_semaphore, #tpu.memory_space<semaphore_mem>>) src(%arg12 : memref<64x128xf32, #tpu.memory_space<vmem>>) dst(%dma_wait3A_266 : memref<64x128xf32, #tpu.memory_space<hbm>>)
      } else {
      }
      %scan3A_94 = arith.constant 0 : i32
      %scan3A_95 = arith.constant 0 : i32
      %scan3A_96 = arith.constant 32 : i32
      %scan3A_97 = arith.addi %scan3A_95, %scan3A_96 : i32
      %scan3A_98 = arith.constant 1 : i32
      %scan3A_99 = scf.for %scan3A_259 = %scan3A_95 to %scan3A_97 step %scan3A_98 iter_args(%scan3A_260 = %scan3A_94) -> (i32)  : i32 {
        %mul3A_261 = arith.constant 2 : i32
        %mul3A_262 = arith.muli %mul3A_261, %scan3A_259 : i32
        %get3A = arith.index_cast %mul3A_262 : i32 to index
        %get3A_263 = arith.constant 0 : index
        %get3A_264 = tpu.vector_load %arg7[%get3A, %get3A_263] {strides = array<i32>} : memref<64x128xf32, #tpu.memory_space<vmem>>, vector<1x16xf32>,
        %get3A_265 = vector.shape_cast %get3A_264 : vector<1x16xf32> to vector<16xf32>
        %get3A_266 = arith.index_cast %mul3A_262 : i32 to index
        %get3A_267 = arith.constant 16 : index
        %get3A_268 = tpu.vector_load %arg7[%get3A_266, %get3A_267] {strides = array<i32>} : memref<64x128xf32, #tpu.memory_space<vmem>>, vector<1x16xf32>,
        %get3A_269 = vector.shape_cast %get3A_268 : vector<1x16xf32> to vector<16xf32>
        %get3A_270 = arith.index_cast %mul3A_262 : i32 to index
        %get3A_271 = arith.constant 32 : index
        %get3A_272 = tpu.vector_load %arg7[%get3A_270, %get3A_271] {strides = array<i32>} : memref<64x128xf32, #tpu.memory_space<vmem>>, vector<1x16xf32>,
        %get3A_273 = vector.shape_cast %get3A_272 : vector<1x16xf32> to vector<16xf32>
        %get3A_274 = arith.index_cast %mul3A_262 : i32 to index
        %get3A_275 = arith.constant 48 : index
        %get3A_276 = tpu.vector_load %arg7[%get3A_274, %get3A_275] {strides = array<i32>} : memref<64x128xf32, #tpu.memory_space<vmem>>, vector<1x16xf32>,
        %get3A_277 = vector.shape_cast %get3A_276 : vector<1x16xf32> to vector<16xf32>
        %get3A_278 = arith.index_cast %mul3A_262 : i32 to index
        %get3A_279 = arith.constant 64 : index
        %get3A_280 = tpu.vector_load %arg7[%get3A_278, %get3A_279] {strides = array<i32>} : memref<64x128xf32, #tpu.memory_space<vmem>>, vector<1x16xf32>,
        %get3A_281 = vector.shape_cast %get3A_280 : vector<1x16xf32> to vector<16xf32>
        %get3A_282 = arith.index_cast %mul3A_262 : i32 to index
        %get3A_283 = arith.constant 80 : index
        %get3A_284 = tpu.vector_load %arg7[%get3A_282, %get3A_283] {strides = array<i32>} : memref<64x128xf32, #tpu.memory_space<vmem>>, vector<1x16xf32>,
        %get3A_285 = vector.shape_cast %get3A_284 : vector<1x16xf32> to vector<16xf32>
        %get3A_286 = arith.index_cast %mul3A_262 : i32 to index
        %get3A_287 = arith.constant 96 : index
        %get3A_288 = tpu.vector_load %arg7[%get3A_286, %get3A_287] {strides = array<i32>} : memref<64x128xf32, #tpu.memory_space<vmem>>, vector<1x16xf32>,
        %get3A_289 = vector.shape_cast %get3A_288 : vector<1x16xf32> to vector<16xf32>
        %get3A_290 = arith.index_cast %mul3A_262 : i32 to index
        %get3A_291 = arith.constant 112 : index
        %get3A_292 = tpu.vector_load %arg7[%get3A_290, %get3A_291] {strides = array<i32>} : memref<64x128xf32, #tpu.memory_space<vmem>>, vector<1x16xf32>,
        %get3A_293 = vector.shape_cast %get3A_292 : vector<1x16xf32> to vector<16xf32>
        %exp3A = math.exp %get3A_265 : vector<16xf32>
        %exp3A_294 = math.exp %get3A_269 : vector<16xf32>
        %exp3A_295 = math.exp %get3A_273 : vector<16xf32>
        %exp3A_296 = math.exp %get3A_277 : vector<16xf32>
        %exp3A_297 = math.exp %get3A_281 : vector<16xf32>
        %exp3A_298 = math.exp %get3A_285 : vector<16xf32>
        %exp3A_299 = math.exp %get3A_289 : vector<16xf32>
        %exp3A_300 = math.exp %get3A_293 : vector<16xf32>
        %add3A_301 = arith.addf %exp3A, %exp3A_294 : vector<16xf32>
        %add3A_302 = arith.addf %exp3A_295, %exp3A_296 : vector<16xf32>
        %add3A_303 = arith.addf %exp3A_297, %exp3A_298 : vector<16xf32>
        %add3A_304 = arith.addf %exp3A_299, %exp3A_300 : vector<16xf32>
        %add3A_305 = arith.addf %add3A_301, %add3A_302 : vector<16xf32>
        %add3A_306 = arith.addf %add3A_303, %add3A_304 : vector<16xf32>
        %add3A_307 = arith.addf %add3A_305, %add3A_306 : vector<16xf32>
        %broadcast_in_dim3A = vector.shape_cast %xor3A_4 : vector<16xi32> to vector<16x1xi32>
        %gather3A = vector.shape_cast %broadcast_in_dim3A : vector<16x1xi32> to vector<16xi32>
        %gather3A_308 = tpu.dynamic_gather %add3A_307[%gather3A] in [0] : vector<16xf32>, vector<16xi32> -> vector<16xf32>
        %add3A_309 = arith.addf %add3A_307, %gather3A_308 : vector<16xf32>
        %broadcast_in_dim3A_310 = vector.shape_cast %xor3A_7 : vector<16xi32> to vector<16x1xi32>
        %gather3A_311 = vector.shape_cast %broadcast_in_dim3A_310 : vector<16x1xi32> to vector<16xi32>
        %gather3A_312 = tpu.dynamic_gather %add3A_309[%gather3A_311] in [0] : vector<16xf32>, vector<16xi32> -> vector<16xf32>
        %add3A_313 = arith.addf %add3A_309, %gather3A_312 : vector<16xf32>
        %broadcast_in_dim3A_314 = vector.shape_cast %xor3A_10 : vector<16xi32> to vector<16x1xi32>
        %gather3A_315 = vector.shape_cast %broadcast_in_dim3A_314 : vector<16x1xi32> to vector<16xi32>
        %gather3A_316 = tpu.dynamic_gather %add3A_313[%gather3A_315] in [0] : vector<16xf32>, vector<16xi32> -> vector<16xf32>
        %add3A_317 = arith.addf %add3A_313, %gather3A_316 : vector<16xf32>
        %broadcast_in_dim3A_318 = vector.shape_cast %xor3A_13 : vector<16xi32> to vector<16x1xi32>
        %gather3A_319 = vector.shape_cast %broadcast_in_dim3A_318 : vector<16x1xi32> to vector<16xi32>
        %gather3A_320 = tpu.dynamic_gather %add3A_317[%gather3A_319] in [0] : vector<16xf32>, vector<16xi32> -> vector<16xf32>
        %add3A_321 = arith.addf %add3A_317, %gather3A_320 : vector<16xf32>
        %bitcast_convert_type3A = tpu.bitcast %add3A_321 : vector<16xf32> -> vector<16xi32>
        %shift_right_logical3A = arith.constant 23 : i32
        %shift_right_logical3A_322 = vector.broadcast %shift_right_logical3A : i32 to vector<16xi32>
        %shift_right_logical3A_323 = arith.shrui %bitcast_convert_type3A, %shift_right_logical3A_322 : vector<16xi32>
        %sub3A = arith.constant 127 : i32
        %sub3A_324 = vector.broadcast %sub3A : i32 to vector<16xi32>
        %sub3A_325 = arith.subi %shift_right_logical3A_323, %sub3A_324 : vector<16xi32>
        %and3A = arith.constant 8388607 : i32
        %and3A_326 = vector.broadcast %and3A : i32 to vector<16xi32>
        %and3A_327 = arith.andi %bitcast_convert_type3A, %and3A_326 : vector<16xi32>
        %or3A = arith.constant 1065353216 : i32
        %or3A_328 = vector.broadcast %or3A : i32 to vector<16xi32>
        %or3A_329 = arith.ori %and3A_327, %or3A_328 : vector<16xi32>
        %bitcast_convert_type3A_330 = tpu.bitcast %or3A_329 : vector<16xi32> -> vector<16xf32>
        %mul3A_331 = arith.constant 0.0439287201 : f32
        %mul3A_332 = vector.broadcast %mul3A_331 : f32 to vector<16xf32>
        %mul3A_333 = arith.mulf %mul3A_332, %bitcast_convert_type3A_330 : vector<16xf32>
        %add3A_334 = arith.constant -0.409476459 : f32
        %add3A_335 = vector.broadcast %add3A_334 : f32 to vector<16xf32>
        %add3A_336 = arith.addf %mul3A_333, %add3A_335 : vector<16xf32>
        %mul3A_337 = arith.mulf %add3A_336, %bitcast_convert_type3A_330 : vector<16xf32>
        %add3A_338 = arith.constant 1.61018062 : f32
        %add3A_339 = vector.broadcast %add3A_338 : f32 to vector<16xf32>
        %add3A_340 = arith.addf %mul3A_337, %add3A_339 : vector<16xf32>
        %mul3A_341 = arith.mulf %add3A_340, %bitcast_convert_type3A_330 : vector<16xf32>
        %add3A_342 = arith.constant -3.52022409 : f32
        %add3A_343 = vector.broadcast %add3A_342 : f32 to vector<16xf32>
        %add3A_344 = arith.addf %mul3A_341, %add3A_343 : vector<16xf32>
        %mul3A_345 = arith.mulf %add3A_344, %bitcast_convert_type3A_330 : vector<16xf32>
        %add3A_346 = arith.constant 5.0697608 : f32
        %add3A_347 = vector.broadcast %add3A_346 : f32 to vector<16xf32>
        %add3A_348 = arith.addf %mul3A_345, %add3A_347 : vector<16xf32>
        %mul3A_349 = arith.mulf %add3A_348, %bitcast_convert_type3A_330 : vector<16xf32>
        %add3A_350 = arith.constant -2.79415512 : f32
        %add3A_351 = vector.broadcast %add3A_350 : f32 to vector<16xf32>
        %add3A_352 = arith.addf %mul3A_349, %add3A_351 : vector<16xf32>
        %convert_element_type3A_353 = arith.sitofp %sub3A_325 : vector<16xi32> to vector<16xf32>
        %add3A_354 = arith.addf %convert_element_type3A_353, %add3A_352 : vector<16xf32>
        %mul3A_355 = arith.constant 0.693147182 : f32
        %mul3A_356 = vector.broadcast %mul3A_355 : f32 to vector<16xf32>
        %mul3A_357 = arith.mulf %add3A_354, %mul3A_356 : vector<16xf32>
        %sub3A_358 = arith.subf %get3A_265, %mul3A_357 : vector<16xf32>
        %swap3A = arith.index_cast %mul3A_262 : i32 to index
        %swap3A_359 = arith.constant 0 : index
        %swap3A_360 = tpu.vector_load %arg12[%swap3A, %swap3A_359] {strides = array<i32>} : memref<64x128xf32, #tpu.memory_space<vmem>>, vector<1x16xf32>,
        %swap3A_361 = vector.shape_cast %swap3A_360 : vector<1x16xf32> to vector<16xf32>
        %swap3A_362 = vector.shape_cast %sub3A_358 : vector<16xf32> to vector<1x16xf32>
        tpu.vector_store %arg12[%swap3A, %swap3A_359], %swap3A_362 {strides = array<i32>} : memref<64x128xf32, #tpu.memory_space<vmem>>, vector<1x16xf32>,
        %sub3A_363 = arith.subf %get3A_269, %mul3A_357 : vector<16xf32>
        %swap3A_364 = arith.index_cast %mul3A_262 : i32 to index
        %swap3A_365 = arith.constant 16 : index
        %swap3A_366 = tpu.vector_load %arg12[%swap3A_364, %swap3A_365] {strides = array<i32>} : memref<64x128xf32, #tpu.memory_space<vmem>>, vector<1x16xf32>,
        %swap3A_367 = vector.shape_cast %swap3A_366 : vector<1x16xf32> to vector<16xf32>
        %swap3A_368 = vector.shape_cast %sub3A_363 : vector<16xf32> to vector<1x16xf32>
        tpu.vector_store %arg12[%swap3A_364, %swap3A_365], %swap3A_368 {strides = array<i32>} : memref<64x128xf32, #tpu.memory_space<vmem>>, vector<1x16xf32>,
        %sub3A_369 = arith.subf %get3A_273, %mul3A_357 : vector<16xf32>
        %swap3A_370 = arith.index_cast %mul3A_262 : i32 to index
        %swap3A_371 = arith.constant 32 : index
        %swap3A_372 = tpu.vector_load %arg12[%swap3A_370, %swap3A_371] {strides = array<i32>} : memref<64x128xf32, #tpu.memory_space<vmem>>, vector<1x16xf32>,
        %swap3A_373 = vector.shape_cast %swap3A_372 : vector<1x16xf32> to vector<16xf32>
        %swap3A_374 = vector.shape_cast %sub3A_369 : vector<16xf32> to vector<1x16xf32>
        tpu.vector_store %arg12[%swap3A_370, %swap3A_371], %swap3A_374 {strides = array<i32>} : memref<64x128xf32, #tpu.memory_space<vmem>>, vector<1x16xf32>,
        %sub3A_375 = arith.subf %get3A_277, %mul3A_357 : vector<16xf32>
        %swap3A_376 = arith.index_cast %mul3A_262 : i32 to index
        %swap3A_377 = arith.constant 48 : index
        %swap3A_378 = tpu.vector_load %arg12[%swap3A_376, %swap3A_377] {strides = array<i32>} : memref<64x128xf32, #tpu.memory_space<vmem>>, vector<1x16xf32>,
        %swap3A_379 = vector.shape_cast %swap3A_378 : vector<1x16xf32> to vector<16xf32>
        %swap3A_380 = vector.shape_cast %sub3A_375 : vector<16xf32> to vector<1x16xf32>
        tpu.vector_store %arg12[%swap3A_376, %swap3A_377], %swap3A_380 {strides = array<i32>} : memref<64x128xf32, #tpu.memory_space<vmem>>, vector<1x16xf32>,
        %sub3A_381 = arith.subf %get3A_281, %mul3A_357 : vector<16xf32>
        %swap3A_382 = arith.index_cast %mul3A_262 : i32 to index
        %swap3A_383 = arith.constant 64 : index
        %swap3A_384 = tpu.vector_load %arg12[%swap3A_382, %swap3A_383] {strides = array<i32>} : memref<64x128xf32, #tpu.memory_space<vmem>>, vector<1x16xf32>,
        %swap3A_385 = vector.shape_cast %swap3A_384 : vector<1x16xf32> to vector<16xf32>
        %swap3A_386 = vector.shape_cast %sub3A_381 : vector<16xf32> to vector<1x16xf32>
        tpu.vector_store %arg12[%swap3A_382, %swap3A_383], %swap3A_386 {strides = array<i32>} : memref<64x128xf32, #tpu.memory_space<vmem>>, vector<1x16xf32>,
        %sub3A_387 = arith.subf %get3A_285, %mul3A_357 : vector<16xf32>
        %swap3A_388 = arith.index_cast %mul3A_262 : i32 to index
        %swap3A_389 = arith.constant 80 : index
        %swap3A_390 = tpu.vector_load %arg12[%swap3A_388, %swap3A_389] {strides = array<i32>} : memref<64x128xf32, #tpu.memory_space<vmem>>, vector<1x16xf32>,
        %swap3A_391 = vector.shape_cast %swap3A_390 : vector<1x16xf32> to vector<16xf32>
        %swap3A_392 = vector.shape_cast %sub3A_387 : vector<16xf32> to vector<1x16xf32>
        tpu.vector_store %arg12[%swap3A_388, %swap3A_389], %swap3A_392 {strides = array<i32>} : memref<64x128xf32, #tpu.memory_space<vmem>>, vector<1x16xf32>,
        %sub3A_393 = arith.subf %get3A_289, %mul3A_357 : vector<16xf32>
        %swap3A_394 = arith.index_cast %mul3A_262 : i32 to index
        %swap3A_395 = arith.constant 96 : index
        %swap3A_396 = tpu.vector_load %arg12[%swap3A_394, %swap3A_395] {strides = array<i32>} : memref<64x128xf32, #tpu.memory_space<vmem>>, vector<1x16xf32>,
        %swap3A_397 = vector.shape_cast %swap3A_396 : vector<1x16xf32> to vector<16xf32>
        %swap3A_398 = vector.shape_cast %sub3A_393 : vector<16xf32> to vector<1x16xf32>
        tpu.vector_store %arg12[%swap3A_394, %swap3A_395], %swap3A_398 {strides = array<i32>} : memref<64x128xf32, #tpu.memory_space<vmem>>, vector<1x16xf32>,
        %sub3A_399 = arith.subf %get3A_293, %mul3A_357 : vector<16xf32>
        %swap3A_400 = arith.index_cast %mul3A_262 : i32 to index
        %swap3A_401 = arith.constant 112 : index
        %swap3A_402 = tpu.vector_load %arg12[%swap3A_400, %swap3A_401] {strides = array<i32>} : memref<64x128xf32, #tpu.memory_space<vmem>>, vector<1x16xf32>,
        %swap3A_403 = vector.shape_cast %swap3A_402 : vector<1x16xf32> to vector<16xf32>
        %swap3A_404 = vector.shape_cast %sub3A_399 : vector<16xf32> to vector<1x16xf32>
        tpu.vector_store %arg12[%swap3A_400, %swap3A_401], %swap3A_404 {strides = array<i32>} : memref<64x128xf32, #tpu.memory_space<vmem>>, vector<1x16xf32>,
        %mul3A_405 = arith.constant 2 : i32
        %mul3A_406 = arith.muli %mul3A_405, %scan3A_259 : i32
        %add3A_407 = arith.constant 1 : i32
        %add3A_408 = arith.addi %mul3A_406, %add3A_407 : i32
        %get3A_409 = arith.index_cast %add3A_408 : i32 to index
        %get3A_410 = arith.constant 0 : index
        %get3A_411 = tpu.vector_load %arg7[%get3A_409, %get3A_410] {strides = array<i32>} : memref<64x128xf32, #tpu.memory_space<vmem>>, vector<1x16xf32>,
        %get3A_412 = vector.shape_cast %get3A_411 : vector<1x16xf32> to vector<16xf32>
        %get3A_413 = arith.index_cast %add3A_408 : i32 to index
        %get3A_414 = arith.constant 16 : index
        %get3A_415 = tpu.vector_load %arg7[%get3A_413, %get3A_414] {strides = array<i32>} : memref<64x128xf32, #tpu.memory_space<vmem>>, vector<1x16xf32>,
        %get3A_416 = vector.shape_cast %get3A_415 : vector<1x16xf32> to vector<16xf32>
        %get3A_417 = arith.index_cast %add3A_408 : i32 to index
        %get3A_418 = arith.constant 32 : index
        %get3A_419 = tpu.vector_load %arg7[%get3A_417, %get3A_418] {strides = array<i32>} : memref<64x128xf32, #tpu.memory_space<vmem>>, vector<1x16xf32>,
        %get3A_420 = vector.shape_cast %get3A_419 : vector<1x16xf32> to vector<16xf32>
        %get3A_421 = arith.index_cast %add3A_408 : i32 to index
        %get3A_422 = arith.constant 48 : index
        %get3A_423 = tpu.vector_load %arg7[%get3A_421, %get3A_422] {strides = array<i32>} : memref<64x128xf32, #tpu.memory_space<vmem>>, vector<1x16xf32>,
        %get3A_424 = vector.shape_cast %get3A_423 : vector<1x16xf32> to vector<16xf32>
        %get3A_425 = arith.index_cast %add3A_408 : i32 to index
        %get3A_426 = arith.constant 64 : index
        %get3A_427 = tpu.vector_load %arg7[%get3A_425, %get3A_426] {strides = array<i32>} : memref<64x128xf32, #tpu.memory_space<vmem>>, vector<1x16xf32>,
        %get3A_428 = vector.shape_cast %get3A_427 : vector<1x16xf32> to vector<16xf32>
        %get3A_429 = arith.index_cast %add3A_408 : i32 to index
        %get3A_430 = arith.constant 80 : index
        %get3A_431 = tpu.vector_load %arg7[%get3A_429, %get3A_430] {strides = array<i32>} : memref<64x128xf32, #tpu.memory_space<vmem>>, vector<1x16xf32>,
        %get3A_432 = vector.shape_cast %get3A_431 : vector<1x16xf32> to vector<16xf32>
        %get3A_433 = arith.index_cast %add3A_408 : i32 to index
        %get3A_434 = arith.constant 96 : index
        %get3A_435 = tpu.vector_load %arg7[%get3A_433, %get3A_434] {strides = array<i32>} : memref<64x128xf32, #tpu.memory_space<vmem>>, vector<1x16xf32>,
        %get3A_436 = vector.shape_cast %get3A_435 : vector<1x16xf32> to vector<16xf32>
        %get3A_437 = arith.index_cast %add3A_408 : i32 to index
        %get3A_438 = arith.constant 112 : index
        %get3A_439 = tpu.vector_load %arg7[%get3A_437, %get3A_438] {strides = array<i32>} : memref<64x128xf32, #tpu.memory_space<vmem>>, vector<1x16xf32>,
        %get3A_440 = vector.shape_cast %get3A_439 : vector<1x16xf32> to vector<16xf32>
        %exp3A_441 = math.exp %get3A_412 : vector<16xf32>
        %exp3A_442 = math.exp %get3A_416 : vector<16xf32>
        %exp3A_443 = math.exp %get3A_420 : vector<16xf32>
        %exp3A_444 = math.exp %get3A_424 : vector<16xf32>
        %exp3A_445 = math.exp %get3A_428 : vector<16xf32>
        %exp3A_446 = math.exp %get3A_432 : vector<16xf32>
        %exp3A_447 = math.exp %get3A_436 : vector<16xf32>
        %exp3A_448 = math.exp %get3A_440 : vector<16xf32>
        %add3A_449 = arith.addf %exp3A_441, %exp3A_442 : vector<16xf32>
        %add3A_450 = arith.addf %exp3A_443, %exp3A_444 : vector<16xf32>
        %add3A_451 = arith.addf %exp3A_445, %exp3A_446 : vector<16xf32>
        %add3A_452 = arith.addf %exp3A_447, %exp3A_448 : vector<16xf32>
        %add3A_453 = arith.addf %add3A_449, %add3A_450 : vector<16xf32>
        %add3A_454 = arith.addf %add3A_451, %add3A_452 : vector<16xf32>
        %add3A_455 = arith.addf %add3A_453, %add3A_454 : vector<16xf32>
        %broadcast_in_dim3A_456 = vector.shape_cast %xor3A_4 : vector<16xi32> to vector<16x1xi32>
        %gather3A_457 = vector.shape_cast %broadcast_in_dim3A_456 : vector<16x1xi32> to vector<16xi32>
        %gather3A_458 = tpu.dynamic_gather %add3A_455[%gather3A_457] in [0] : vector<16xf32>, vector<16xi32> -> vector<16xf32>
        %add3A_459 = arith.addf %add3A_455, %gather3A_458 : vector<16xf32>
        %broadcast_in_dim3A_460 = vector.shape_cast %xor3A_7 : vector<16xi32> to vector<16x1xi32>
        %gather3A_461 = vector.shape_cast %broadcast_in_dim3A_460 : vector<16x1xi32> to vector<16xi32>
        %gather3A_462 = tpu.dynamic_gather %add3A_459[%gather3A_461] in [0] : vector<16xf32>, vector<16xi32> -> vector<16xf32>
        %add3A_463 = arith.addf %add3A_459, %gather3A_462 : vector<16xf32>
        %broadcast_in_dim3A_464 = vector.shape_cast %xor3A_10 : vector<16xi32> to vector<16x1xi32>
        %gather3A_465 = vector.shape_cast %broadcast_in_dim3A_464 : vector<16x1xi32> to vector<16xi32>
        %gather3A_466 = tpu.dynamic_gather %add3A_463[%gather3A_465] in [0] : vector<16xf32>, vector<16xi32> -> vector<16xf32>
        %add3A_467 = arith.addf %add3A_463, %gather3A_466 : vector<16xf32>
        %broadcast_in_dim3A_468 = vector.shape_cast %xor3A_13 : vector<16xi32> to vector<16x1xi32>
        %gather3A_469 = vector.shape_cast %broadcast_in_dim3A_468 : vector<16x1xi32> to vector<16xi32>
        %gather3A_470 = tpu.dynamic_gather %add3A_467[%gather3A_469] in [0] : vector<16xf32>, vector<16xi32> -> vector<16xf32>
        %add3A_471 = arith.addf %add3A_467, %gather3A_470 : vector<16xf32>
        %bitcast_convert_type3A_472 = tpu.bitcast %add3A_471 : vector<16xf32> -> vector<16xi32>
        %shift_right_logical3A_473 = arith.constant 23 : i32
        %shift_right_logical3A_474 = vector.broadcast %shift_right_logical3A_473 : i32 to vector<16xi32>
        %shift_right_logical3A_475 = arith.shrui %bitcast_convert_type3A_472, %shift_right_logical3A_474 : vector<16xi32>
        %sub3A_476 = arith.constant 127 : i32
        %sub3A_477 = vector.broadcast %sub3A_476 : i32 to vector<16xi32>
        %sub3A_478 = arith.subi %shift_right_logical3A_475, %sub3A_477 : vector<16xi32>
        %and3A_479 = arith.constant 8388607 : i32
        %and3A_480 = vector.broadcast %and3A_479 : i32 to vector<16xi32>
        %and3A_481 = arith.andi %bitcast_convert_type3A_472, %and3A_480 : vector<16xi32>
        %or3A_482 = arith.constant 1065353216 : i32
        %or3A_483 = vector.broadcast %or3A_482 : i32 to vector<16xi32>
        %or3A_484 = arith.ori %and3A_481, %or3A_483 : vector<16xi32>
        %bitcast_convert_type3A_485 = tpu.bitcast %or3A_484 : vector<16xi32> -> vector<16xf32>
        %mul3A_486 = arith.constant 0.0439287201 : f32
        %mul3A_487 = vector.broadcast %mul3A_486 : f32 to vector<16xf32>
        %mul3A_488 = arith.mulf %mul3A_487, %bitcast_convert_type3A_485 : vector<16xf32>
        %add3A_489 = arith.constant -0.409476459 : f32
        %add3A_490 = vector.broadcast %add3A_489 : f32 to vector<16xf32>
        %add3A_491 = arith.addf %mul3A_488, %add3A_490 : vector<16xf32>
        %mul3A_492 = arith.mulf %add3A_491, %bitcast_convert_type3A_485 : vector<16xf32>
        %add3A_493 = arith.constant 1.61018062 : f32
        %add3A_494 = vector.broadcast %add3A_493 : f32 to vector<16xf32>
        %add3A_495 = arith.addf %mul3A_492, %add3A_494 : vector<16xf32>
        %mul3A_496 = arith.mulf %add3A_495, %bitcast_convert_type3A_485 : vector<16xf32>
        %add3A_497 = arith.constant -3.52022409 : f32
        %add3A_498 = vector.broadcast %add3A_497 : f32 to vector<16xf32>
        %add3A_499 = arith.addf %mul3A_496, %add3A_498 : vector<16xf32>
        %mul3A_500 = arith.mulf %add3A_499, %bitcast_convert_type3A_485 : vector<16xf32>
        %add3A_501 = arith.constant 5.0697608 : f32
        %add3A_502 = vector.broadcast %add3A_501 : f32 to vector<16xf32>
        %add3A_503 = arith.addf %mul3A_500, %add3A_502 : vector<16xf32>
        %mul3A_504 = arith.mulf %add3A_503, %bitcast_convert_type3A_485 : vector<16xf32>
        %add3A_505 = arith.constant -2.79415512 : f32
        %add3A_506 = vector.broadcast %add3A_505 : f32 to vector<16xf32>
        %add3A_507 = arith.addf %mul3A_504, %add3A_506 : vector<16xf32>
        %convert_element_type3A_508 = arith.sitofp %sub3A_478 : vector<16xi32> to vector<16xf32>
        %add3A_509 = arith.addf %convert_element_type3A_508, %add3A_507 : vector<16xf32>
        %mul3A_510 = arith.constant 0.693147182 : f32
        %mul3A_511 = vector.broadcast %mul3A_510 : f32 to vector<16xf32>
        %mul3A_512 = arith.mulf %add3A_509, %mul3A_511 : vector<16xf32>
        %sub3A_513 = arith.subf %get3A_412, %mul3A_512 : vector<16xf32>
        %swap3A_514 = arith.index_cast %add3A_408 : i32 to index
        %swap3A_515 = arith.constant 0 : index
        %swap3A_516 = tpu.vector_load %arg12[%swap3A_514, %swap3A_515] {strides = array<i32>} : memref<64x128xf32, #tpu.memory_space<vmem>>, vector<1x16xf32>,
        %swap3A_517 = vector.shape_cast %swap3A_516 : vector<1x16xf32> to vector<16xf32>
        %swap3A_518 = vector.shape_cast %sub3A_513 : vector<16xf32> to vector<1x16xf32>
        tpu.vector_store %arg12[%swap3A_514, %swap3A_515], %swap3A_518 {strides = array<i32>} : memref<64x128xf32, #tpu.memory_space<vmem>>, vector<1x16xf32>,
        %sub3A_519 = arith.subf %get3A_416, %mul3A_512 : vector<16xf32>
        %swap3A_520 = arith.index_cast %add3A_408 : i32 to index
        %swap3A_521 = arith.constant 16 : index
        %swap3A_522 = tpu.vector_load %arg12[%swap3A_520, %swap3A_521] {strides = array<i32>} : memref<64x128xf32, #tpu.memory_space<vmem>>, vector<1x16xf32>,
        %swap3A_523 = vector.shape_cast %swap3A_522 : vector<1x16xf32> to vector<16xf32>
        %swap3A_524 = vector.shape_cast %sub3A_519 : vector<16xf32> to vector<1x16xf32>
        tpu.vector_store %arg12[%swap3A_520, %swap3A_521], %swap3A_524 {strides = array<i32>} : memref<64x128xf32, #tpu.memory_space<vmem>>, vector<1x16xf32>,
        %sub3A_525 = arith.subf %get3A_420, %mul3A_512 : vector<16xf32>
        %swap3A_526 = arith.index_cast %add3A_408 : i32 to index
        %swap3A_527 = arith.constant 32 : index
        %swap3A_528 = tpu.vector_load %arg12[%swap3A_526, %swap3A_527] {strides = array<i32>} : memref<64x128xf32, #tpu.memory_space<vmem>>, vector<1x16xf32>,
        %swap3A_529 = vector.shape_cast %swap3A_528 : vector<1x16xf32> to vector<16xf32>
        %swap3A_530 = vector.shape_cast %sub3A_525 : vector<16xf32> to vector<1x16xf32>
        tpu.vector_store %arg12[%swap3A_526, %swap3A_527], %swap3A_530 {strides = array<i32>} : memref<64x128xf32, #tpu.memory_space<vmem>>, vector<1x16xf32>,
        %sub3A_531 = arith.subf %get3A_424, %mul3A_512 : vector<16xf32>
        %swap3A_532 = arith.index_cast %add3A_408 : i32 to index
        %swap3A_533 = arith.constant 48 : index
        %swap3A_534 = tpu.vector_load %arg12[%swap3A_532, %swap3A_533] {strides = array<i32>} : memref<64x128xf32, #tpu.memory_space<vmem>>, vector<1x16xf32>,
        %swap3A_535 = vector.shape_cast %swap3A_534 : vector<1x16xf32> to vector<16xf32>
        %swap3A_536 = vector.shape_cast %sub3A_531 : vector<16xf32> to vector<1x16xf32>
        tpu.vector_store %arg12[%swap3A_532, %swap3A_533], %swap3A_536 {strides = array<i32>} : memref<64x128xf32, #tpu.memory_space<vmem>>, vector<1x16xf32>,
        %sub3A_537 = arith.subf %get3A_428, %mul3A_512 : vector<16xf32>
        %swap3A_538 = arith.index_cast %add3A_408 : i32 to index
        %swap3A_539 = arith.constant 64 : index
        %swap3A_540 = tpu.vector_load %arg12[%swap3A_538, %swap3A_539] {strides = array<i32>} : memref<64x128xf32, #tpu.memory_space<vmem>>, vector<1x16xf32>,
        %swap3A_541 = vector.shape_cast %swap3A_540 : vector<1x16xf32> to vector<16xf32>
        %swap3A_542 = vector.shape_cast %sub3A_537 : vector<16xf32> to vector<1x16xf32>
        tpu.vector_store %arg12[%swap3A_538, %swap3A_539], %swap3A_542 {strides = array<i32>} : memref<64x128xf32, #tpu.memory_space<vmem>>, vector<1x16xf32>,
        %sub3A_543 = arith.subf %get3A_432, %mul3A_512 : vector<16xf32>
        %swap3A_544 = arith.index_cast %add3A_408 : i32 to index
        %swap3A_545 = arith.constant 80 : index
        %swap3A_546 = tpu.vector_load %arg12[%swap3A_544, %swap3A_545] {strides = array<i32>} : memref<64x128xf32, #tpu.memory_space<vmem>>, vector<1x16xf32>,
        %swap3A_547 = vector.shape_cast %swap3A_546 : vector<1x16xf32> to vector<16xf32>
        %swap3A_548 = vector.shape_cast %sub3A_543 : vector<16xf32> to vector<1x16xf32>
        tpu.vector_store %arg12[%swap3A_544, %swap3A_545], %swap3A_548 {strides = array<i32>} : memref<64x128xf32, #tpu.memory_space<vmem>>, vector<1x16xf32>,
        %sub3A_549 = arith.subf %get3A_436, %mul3A_512 : vector<16xf32>
        %swap3A_550 = arith.index_cast %add3A_408 : i32 to index
        %swap3A_551 = arith.constant 96 : index
        %swap3A_552 = tpu.vector_load %arg12[%swap3A_550, %swap3A_551] {strides = array<i32>} : memref<64x128xf32, #tpu.memory_space<vmem>>, vector<1x16xf32>,
        %swap3A_553 = vector.shape_cast %swap3A_552 : vector<1x16xf32> to vector<16xf32>
        %swap3A_554 = vector.shape_cast %sub3A_549 : vector<16xf32> to vector<1x16xf32>
        tpu.vector_store %arg12[%swap3A_550, %swap3A_551], %swap3A_554 {strides = array<i32>} : memref<64x128xf32, #tpu.memory_space<vmem>>, vector<1x16xf32>,
        %sub3A_555 = arith.subf %get3A_440, %mul3A_512 : vector<16xf32>
        %swap3A_556 = arith.index_cast %add3A_408 : i32 to index
        %swap3A_557 = arith.constant 112 : index
        %swap3A_558 = tpu.vector_load %arg12[%swap3A_556, %swap3A_557] {strides = array<i32>} : memref<64x128xf32, #tpu.memory_space<vmem>>, vector<1x16xf32>,
        %swap3A_559 = vector.shape_cast %swap3A_558 : vector<1x16xf32> to vector<16xf32>
        %swap3A_560 = vector.shape_cast %sub3A_555 : vector<16xf32> to vector<1x16xf32>
        tpu.vector_store %arg12[%swap3A_556, %swap3A_557], %swap3A_560 {strides = array<i32>} : memref<64x128xf32, #tpu.memory_space<vmem>>, vector<1x16xf32>,
        %scan3A_561 = arith.constant 0 : i32
        scf.yield %scan3A_561 : i32
      }
      %scan3A_100 = arith.constant 32 : i32
      %mul3A_101 = arith.constant 64 : i32
      %mul3A_102 = arith.muli %add3A_85, %mul3A_101 : i32
      %add3A_103 = arith.addi %mul3A_2, %mul3A_102 : i32
      %dma_start3A_104 = arith.constant 0 : i32
      %dma_start3A_105 = tpu.memref_slice %arg4[%add3A_103, %dma_start3A_104] : memref<204800x128xf32, #tpu.memory_space<hbm>> -> memref<64x128xf32, #tpu.memory_space<hbm>>
      %dma_start3A_106 = arith.constant 0 : i32
      %dma_start3A_107 = tpu.memref_slice %arg4[%add3A_103, %dma_start3A_106] : memref<204800x128xf32, #tpu.memory_space<hbm>> -> memref<64x128xf32, #tpu.memory_space<hbm>>
      tpu.enqueue_dma source(%arg12 : memref<64x128xf32, #tpu.memory_space<vmem>>) target(%dma_start3A_107 : memref<64x128xf32, #tpu.memory_space<hbm>>) target_semaphore(%arg22 : memref<!tpu.dma_semaphore, #tpu.memory_space<semaphore_mem>>)
      %mul3A_108 = arith.constant 5 : i32
      %mul3A_109 = arith.muli %mul3A_108, %scan3A_80 : i32
      %add3A_110 = arith.constant 1 : i32
      %add3A_111 = arith.addi %mul3A_109, %add3A_110 : i32
      %mul3A_112 = arith.constant 64 : i32
      %mul3A_113 = arith.muli %add3A_111, %mul3A_112 : i32
      %dma_wait3A_114 = tpu.memref_slice %arg6[%mul3A_113] : memref<6400xi32, #tpu.memory_space<vmem>> -> memref<64xi32, #tpu.memory_space<vmem>>
      %dma_wait3A_115 = arith.constant 0 : i32
      %dma_wait3A_116 = arith.constant 0 : i32
      %dma_wait3A_117 = tpu.memref_slice %arg3[%dma_wait3A_115, %dma_wait3A_116] : memref<500000x128xf32, #tpu.memory_space<hbm>> -> memref<500000x128xf32, #tpu.memory_space<hbm>>
      tpu.wait_indirect_dma semaphore(%arg18 : memref<!tpu.dma_semaphore, #tpu.memory_space<semaphore_mem>>) src(%dma_wait3A_117 : memref<500000x128xf32, #tpu.memory_space<hbm>>) dst(%arg8 : memref<64x128xf32, #tpu.memory_space<vmem>>)
      %ge3A_118 = arith.constant 5 : i32
      %ge3A_119 = arith.cmpi sge, %add3A_111, %ge3A_118 : i32
      %convert_element_type3A_120 = arith.extui %ge3A_119 : i1 to i32
      %cond3A_121 = arith.constant 0 : i32
      %cond3A_122 = arith.cmpi ne, %convert_element_type3A_120, %cond3A_121 : i32
      scf.if %cond3A_122 {
        %sub3A = arith.constant 5 : i32
        %sub3A_259 = arith.subi %add3A_111, %sub3A : i32
        %mul3A_260 = arith.constant 64 : i32
        %mul3A_261 = arith.muli %sub3A_259, %mul3A_260 : i32
        %add3A_262 = arith.addi %mul3A_2, %mul3A_261 : i32
        %dma_wait3A_263 = arith.constant 0 : i32
        %dma_wait3A_264 = tpu.memref_slice %arg4[%add3A_262, %dma_wait3A_263] : memref<204800x128xf32, #tpu.memory_space<hbm>> -> memref<64x128xf32, #tpu.memory_space<hbm>>
        %dma_wait3A_265 = arith.constant 0 : i32
        %dma_wait3A_266 = tpu.memref_slice %arg4[%add3A_262, %dma_wait3A_265] : memref<204800x128xf32, #tpu.memory_space<hbm>> -> memref<64x128xf32, #tpu.memory_space<hbm>>
        tpu.wait_dma2 semaphore(%arg23 : memref<!tpu.dma_semaphore, #tpu.memory_space<semaphore_mem>>) src(%arg13 : memref<64x128xf32, #tpu.memory_space<vmem>>) dst(%dma_wait3A_266 : memref<64x128xf32, #tpu.memory_space<hbm>>)
      } else {
      }
      %scan3A_123 = arith.constant 0 : i32
      %scan3A_124 = arith.constant 0 : i32
      %scan3A_125 = arith.constant 32 : i32
      %scan3A_126 = arith.addi %scan3A_124, %scan3A_125 : i32
      %scan3A_127 = arith.constant 1 : i32
      %scan3A_128 = scf.for %scan3A_259 = %scan3A_124 to %scan3A_126 step %scan3A_127 iter_args(%scan3A_260 = %scan3A_123) -> (i32)  : i32 {
        %mul3A_261 = arith.constant 2 : i32
        %mul3A_262 = arith.muli %mul3A_261, %scan3A_259 : i32
        %get3A = arith.index_cast %mul3A_262 : i32 to index
        %get3A_263 = arith.constant 0 : index
        %get3A_264 = tpu.vector_load %arg8[%get3A, %get3A_263] {strides = array<i32>} : memref<64x128xf32, #tpu.memory_space<vmem>>, vector<1x16xf32>,
        %get3A_265 = vector.shape_cast %get3A_264 : vector<1x16xf32> to vector<16xf32>
        %get3A_266 = arith.index_cast %mul3A_262 : i32 to index
        %get3A_267 = arith.constant 16 : index
        %get3A_268 = tpu.vector_load %arg8[%get3A_266, %get3A_267] {strides = array<i32>} : memref<64x128xf32, #tpu.memory_space<vmem>>, vector<1x16xf32>,
        %get3A_269 = vector.shape_cast %get3A_268 : vector<1x16xf32> to vector<16xf32>
        %get3A_270 = arith.index_cast %mul3A_262 : i32 to index
        %get3A_271 = arith.constant 32 : index
        %get3A_272 = tpu.vector_load %arg8[%get3A_270, %get3A_271] {strides = array<i32>} : memref<64x128xf32, #tpu.memory_space<vmem>>, vector<1x16xf32>,
        %get3A_273 = vector.shape_cast %get3A_272 : vector<1x16xf32> to vector<16xf32>
        %get3A_274 = arith.index_cast %mul3A_262 : i32 to index
        %get3A_275 = arith.constant 48 : index
        %get3A_276 = tpu.vector_load %arg8[%get3A_274, %get3A_275] {strides = array<i32>} : memref<64x128xf32, #tpu.memory_space<vmem>>, vector<1x16xf32>,
        %get3A_277 = vector.shape_cast %get3A_276 : vector<1x16xf32> to vector<16xf32>
        %get3A_278 = arith.index_cast %mul3A_262 : i32 to index
        %get3A_279 = arith.constant 64 : index
        %get3A_280 = tpu.vector_load %arg8[%get3A_278, %get3A_279] {strides = array<i32>} : memref<64x128xf32, #tpu.memory_space<vmem>>, vector<1x16xf32>,
        %get3A_281 = vector.shape_cast %get3A_280 : vector<1x16xf32> to vector<16xf32>
        %get3A_282 = arith.index_cast %mul3A_262 : i32 to index
        %get3A_283 = arith.constant 80 : index
        %get3A_284 = tpu.vector_load %arg8[%get3A_282, %get3A_283] {strides = array<i32>} : memref<64x128xf32, #tpu.memory_space<vmem>>, vector<1x16xf32>,
        %get3A_285 = vector.shape_cast %get3A_284 : vector<1x16xf32> to vector<16xf32>
        %get3A_286 = arith.index_cast %mul3A_262 : i32 to index
        %get3A_287 = arith.constant 96 : index
        %get3A_288 = tpu.vector_load %arg8[%get3A_286, %get3A_287] {strides = array<i32>} : memref<64x128xf32, #tpu.memory_space<vmem>>, vector<1x16xf32>,
        %get3A_289 = vector.shape_cast %get3A_288 : vector<1x16xf32> to vector<16xf32>
        %get3A_290 = arith.index_cast %mul3A_262 : i32 to index
        %get3A_291 = arith.constant 112 : index
        %get3A_292 = tpu.vector_load %arg8[%get3A_290, %get3A_291] {strides = array<i32>} : memref<64x128xf32, #tpu.memory_space<vmem>>, vector<1x16xf32>,
        %get3A_293 = vector.shape_cast %get3A_292 : vector<1x16xf32> to vector<16xf32>
        %exp3A = math.exp %get3A_265 : vector<16xf32>
        %exp3A_294 = math.exp %get3A_269 : vector<16xf32>
        %exp3A_295 = math.exp %get3A_273 : vector<16xf32>
        %exp3A_296 = math.exp %get3A_277 : vector<16xf32>
        %exp3A_297 = math.exp %get3A_281 : vector<16xf32>
        %exp3A_298 = math.exp %get3A_285 : vector<16xf32>
        %exp3A_299 = math.exp %get3A_289 : vector<16xf32>
        %exp3A_300 = math.exp %get3A_293 : vector<16xf32>
        %add3A_301 = arith.addf %exp3A, %exp3A_294 : vector<16xf32>
        %add3A_302 = arith.addf %exp3A_295, %exp3A_296 : vector<16xf32>
        %add3A_303 = arith.addf %exp3A_297, %exp3A_298 : vector<16xf32>
        %add3A_304 = arith.addf %exp3A_299, %exp3A_300 : vector<16xf32>
        %add3A_305 = arith.addf %add3A_301, %add3A_302 : vector<16xf32>
        %add3A_306 = arith.addf %add3A_303, %add3A_304 : vector<16xf32>
        %add3A_307 = arith.addf %add3A_305, %add3A_306 : vector<16xf32>
        %broadcast_in_dim3A = vector.shape_cast %xor3A_4 : vector<16xi32> to vector<16x1xi32>
        %gather3A = vector.shape_cast %broadcast_in_dim3A : vector<16x1xi32> to vector<16xi32>
        %gather3A_308 = tpu.dynamic_gather %add3A_307[%gather3A] in [0] : vector<16xf32>, vector<16xi32> -> vector<16xf32>
        %add3A_309 = arith.addf %add3A_307, %gather3A_308 : vector<16xf32>
        %broadcast_in_dim3A_310 = vector.shape_cast %xor3A_7 : vector<16xi32> to vector<16x1xi32>
        %gather3A_311 = vector.shape_cast %broadcast_in_dim3A_310 : vector<16x1xi32> to vector<16xi32>
        %gather3A_312 = tpu.dynamic_gather %add3A_309[%gather3A_311] in [0] : vector<16xf32>, vector<16xi32> -> vector<16xf32>
        %add3A_313 = arith.addf %add3A_309, %gather3A_312 : vector<16xf32>
        %broadcast_in_dim3A_314 = vector.shape_cast %xor3A_10 : vector<16xi32> to vector<16x1xi32>
        %gather3A_315 = vector.shape_cast %broadcast_in_dim3A_314 : vector<16x1xi32> to vector<16xi32>
        %gather3A_316 = tpu.dynamic_gather %add3A_313[%gather3A_315] in [0] : vector<16xf32>, vector<16xi32> -> vector<16xf32>
        %add3A_317 = arith.addf %add3A_313, %gather3A_316 : vector<16xf32>
        %broadcast_in_dim3A_318 = vector.shape_cast %xor3A_13 : vector<16xi32> to vector<16x1xi32>
        %gather3A_319 = vector.shape_cast %broadcast_in_dim3A_318 : vector<16x1xi32> to vector<16xi32>
        %gather3A_320 = tpu.dynamic_gather %add3A_317[%gather3A_319] in [0] : vector<16xf32>, vector<16xi32> -> vector<16xf32>
        %add3A_321 = arith.addf %add3A_317, %gather3A_320 : vector<16xf32>
        %bitcast_convert_type3A = tpu.bitcast %add3A_321 : vector<16xf32> -> vector<16xi32>
        %shift_right_logical3A = arith.constant 23 : i32
        %shift_right_logical3A_322 = vector.broadcast %shift_right_logical3A : i32 to vector<16xi32>
        %shift_right_logical3A_323 = arith.shrui %bitcast_convert_type3A, %shift_right_logical3A_322 : vector<16xi32>
        %sub3A = arith.constant 127 : i32
        %sub3A_324 = vector.broadcast %sub3A : i32 to vector<16xi32>
        %sub3A_325 = arith.subi %shift_right_logical3A_323, %sub3A_324 : vector<16xi32>
        %and3A = arith.constant 8388607 : i32
        %and3A_326 = vector.broadcast %and3A : i32 to vector<16xi32>
        %and3A_327 = arith.andi %bitcast_convert_type3A, %and3A_326 : vector<16xi32>
        %or3A = arith.constant 1065353216 : i32
        %or3A_328 = vector.broadcast %or3A : i32 to vector<16xi32>
        %or3A_329 = arith.ori %and3A_327, %or3A_328 : vector<16xi32>
        %bitcast_convert_type3A_330 = tpu.bitcast %or3A_329 : vector<16xi32> -> vector<16xf32>
        %mul3A_331 = arith.constant 0.0439287201 : f32
        %mul3A_332 = vector.broadcast %mul3A_331 : f32 to vector<16xf32>
        %mul3A_333 = arith.mulf %mul3A_332, %bitcast_convert_type3A_330 : vector<16xf32>
        %add3A_334 = arith.constant -0.409476459 : f32
        %add3A_335 = vector.broadcast %add3A_334 : f32 to vector<16xf32>
        %add3A_336 = arith.addf %mul3A_333, %add3A_335 : vector<16xf32>
        %mul3A_337 = arith.mulf %add3A_336, %bitcast_convert_type3A_330 : vector<16xf32>
        %add3A_338 = arith.constant 1.61018062 : f32
        %add3A_339 = vector.broadcast %add3A_338 : f32 to vector<16xf32>
        %add3A_340 = arith.addf %mul3A_337, %add3A_339 : vector<16xf32>
        %mul3A_341 = arith.mulf %add3A_340, %bitcast_convert_type3A_330 : vector<16xf32>
        %add3A_342 = arith.constant -3.52022409 : f32
        %add3A_343 = vector.broadcast %add3A_342 : f32 to vector<16xf32>
        %add3A_344 = arith.addf %mul3A_341, %add3A_343 : vector<16xf32>
        %mul3A_345 = arith.mulf %add3A_344, %bitcast_convert_type3A_330 : vector<16xf32>
        %add3A_346 = arith.constant 5.0697608 : f32
        %add3A_347 = vector.broadcast %add3A_346 : f32 to vector<16xf32>
        %add3A_348 = arith.addf %mul3A_345, %add3A_347 : vector<16xf32>
        %mul3A_349 = arith.mulf %add3A_348, %bitcast_convert_type3A_330 : vector<16xf32>
        %add3A_350 = arith.constant -2.79415512 : f32
        %add3A_351 = vector.broadcast %add3A_350 : f32 to vector<16xf32>
        %add3A_352 = arith.addf %mul3A_349, %add3A_351 : vector<16xf32>
        %convert_element_type3A_353 = arith.sitofp %sub3A_325 : vector<16xi32> to vector<16xf32>
        %add3A_354 = arith.addf %convert_element_type3A_353, %add3A_352 : vector<16xf32>
        %mul3A_355 = arith.constant 0.693147182 : f32
        %mul3A_356 = vector.broadcast %mul3A_355 : f32 to vector<16xf32>
        %mul3A_357 = arith.mulf %add3A_354, %mul3A_356 : vector<16xf32>
        %sub3A_358 = arith.subf %get3A_265, %mul3A_357 : vector<16xf32>
        %swap3A = arith.index_cast %mul3A_262 : i32 to index
        %swap3A_359 = arith.constant 0 : index
        %swap3A_360 = tpu.vector_load %arg13[%swap3A, %swap3A_359] {strides = array<i32>} : memref<64x128xf32, #tpu.memory_space<vmem>>, vector<1x16xf32>,
        %swap3A_361 = vector.shape_cast %swap3A_360 : vector<1x16xf32> to vector<16xf32>
        %swap3A_362 = vector.shape_cast %sub3A_358 : vector<16xf32> to vector<1x16xf32>
        tpu.vector_store %arg13[%swap3A, %swap3A_359], %swap3A_362 {strides = array<i32>} : memref<64x128xf32, #tpu.memory_space<vmem>>, vector<1x16xf32>,
        %sub3A_363 = arith.subf %get3A_269, %mul3A_357 : vector<16xf32>
        %swap3A_364 = arith.index_cast %mul3A_262 : i32 to index
        %swap3A_365 = arith.constant 16 : index
        %swap3A_366 = tpu.vector_load %arg13[%swap3A_364, %swap3A_365] {strides = array<i32>} : memref<64x128xf32, #tpu.memory_space<vmem>>, vector<1x16xf32>,
        %swap3A_367 = vector.shape_cast %swap3A_366 : vector<1x16xf32> to vector<16xf32>
        %swap3A_368 = vector.shape_cast %sub3A_363 : vector<16xf32> to vector<1x16xf32>
        tpu.vector_store %arg13[%swap3A_364, %swap3A_365], %swap3A_368 {strides = array<i32>} : memref<64x128xf32, #tpu.memory_space<vmem>>, vector<1x16xf32>,
        %sub3A_369 = arith.subf %get3A_273, %mul3A_357 : vector<16xf32>
        %swap3A_370 = arith.index_cast %mul3A_262 : i32 to index
        %swap3A_371 = arith.constant 32 : index
        %swap3A_372 = tpu.vector_load %arg13[%swap3A_370, %swap3A_371] {strides = array<i32>} : memref<64x128xf32, #tpu.memory_space<vmem>>, vector<1x16xf32>,
        %swap3A_373 = vector.shape_cast %swap3A_372 : vector<1x16xf32> to vector<16xf32>
        %swap3A_374 = vector.shape_cast %sub3A_369 : vector<16xf32> to vector<1x16xf32>
        tpu.vector_store %arg13[%swap3A_370, %swap3A_371], %swap3A_374 {strides = array<i32>} : memref<64x128xf32, #tpu.memory_space<vmem>>, vector<1x16xf32>,
        %sub3A_375 = arith.subf %get3A_277, %mul3A_357 : vector<16xf32>
        %swap3A_376 = arith.index_cast %mul3A_262 : i32 to index
        %swap3A_377 = arith.constant 48 : index
        %swap3A_378 = tpu.vector_load %arg13[%swap3A_376, %swap3A_377] {strides = array<i32>} : memref<64x128xf32, #tpu.memory_space<vmem>>, vector<1x16xf32>,
        %swap3A_379 = vector.shape_cast %swap3A_378 : vector<1x16xf32> to vector<16xf32>
        %swap3A_380 = vector.shape_cast %sub3A_375 : vector<16xf32> to vector<1x16xf32>
        tpu.vector_store %arg13[%swap3A_376, %swap3A_377], %swap3A_380 {strides = array<i32>} : memref<64x128xf32, #tpu.memory_space<vmem>>, vector<1x16xf32>,
        %sub3A_381 = arith.subf %get3A_281, %mul3A_357 : vector<16xf32>
        %swap3A_382 = arith.index_cast %mul3A_262 : i32 to index
        %swap3A_383 = arith.constant 64 : index
        %swap3A_384 = tpu.vector_load %arg13[%swap3A_382, %swap3A_383] {strides = array<i32>} : memref<64x128xf32, #tpu.memory_space<vmem>>, vector<1x16xf32>,
        %swap3A_385 = vector.shape_cast %swap3A_384 : vector<1x16xf32> to vector<16xf32>
        %swap3A_386 = vector.shape_cast %sub3A_381 : vector<16xf32> to vector<1x16xf32>
        tpu.vector_store %arg13[%swap3A_382, %swap3A_383], %swap3A_386 {strides = array<i32>} : memref<64x128xf32, #tpu.memory_space<vmem>>, vector<1x16xf32>,
        %sub3A_387 = arith.subf %get3A_285, %mul3A_357 : vector<16xf32>
        %swap3A_388 = arith.index_cast %mul3A_262 : i32 to index
        %swap3A_389 = arith.constant 80 : index
        %swap3A_390 = tpu.vector_load %arg13[%swap3A_388, %swap3A_389] {strides = array<i32>} : memref<64x128xf32, #tpu.memory_space<vmem>>, vector<1x16xf32>,
        %swap3A_391 = vector.shape_cast %swap3A_390 : vector<1x16xf32> to vector<16xf32>
        %swap3A_392 = vector.shape_cast %sub3A_387 : vector<16xf32> to vector<1x16xf32>
        tpu.vector_store %arg13[%swap3A_388, %swap3A_389], %swap3A_392 {strides = array<i32>} : memref<64x128xf32, #tpu.memory_space<vmem>>, vector<1x16xf32>,
        %sub3A_393 = arith.subf %get3A_289, %mul3A_357 : vector<16xf32>
        %swap3A_394 = arith.index_cast %mul3A_262 : i32 to index
        %swap3A_395 = arith.constant 96 : index
        %swap3A_396 = tpu.vector_load %arg13[%swap3A_394, %swap3A_395] {strides = array<i32>} : memref<64x128xf32, #tpu.memory_space<vmem>>, vector<1x16xf32>,
        %swap3A_397 = vector.shape_cast %swap3A_396 : vector<1x16xf32> to vector<16xf32>
        %swap3A_398 = vector.shape_cast %sub3A_393 : vector<16xf32> to vector<1x16xf32>
        tpu.vector_store %arg13[%swap3A_394, %swap3A_395], %swap3A_398 {strides = array<i32>} : memref<64x128xf32, #tpu.memory_space<vmem>>, vector<1x16xf32>,
        %sub3A_399 = arith.subf %get3A_293, %mul3A_357 : vector<16xf32>
        %swap3A_400 = arith.index_cast %mul3A_262 : i32 to index
        %swap3A_401 = arith.constant 112 : index
        %swap3A_402 = tpu.vector_load %arg13[%swap3A_400, %swap3A_401] {strides = array<i32>} : memref<64x128xf32, #tpu.memory_space<vmem>>, vector<1x16xf32>,
        %swap3A_403 = vector.shape_cast %swap3A_402 : vector<1x16xf32> to vector<16xf32>
        %swap3A_404 = vector.shape_cast %sub3A_399 : vector<16xf32> to vector<1x16xf32>
        tpu.vector_store %arg13[%swap3A_400, %swap3A_401], %swap3A_404 {strides = array<i32>} : memref<64x128xf32, #tpu.memory_space<vmem>>, vector<1x16xf32>,
        %mul3A_405 = arith.constant 2 : i32
        %mul3A_406 = arith.muli %mul3A_405, %scan3A_259 : i32
        %add3A_407 = arith.constant 1 : i32
        %add3A_408 = arith.addi %mul3A_406, %add3A_407 : i32
        %get3A_409 = arith.index_cast %add3A_408 : i32 to index
        %get3A_410 = arith.constant 0 : index
        %get3A_411 = tpu.vector_load %arg8[%get3A_409, %get3A_410] {strides = array<i32>} : memref<64x128xf32, #tpu.memory_space<vmem>>, vector<1x16xf32>,
        %get3A_412 = vector.shape_cast %get3A_411 : vector<1x16xf32> to vector<16xf32>
        %get3A_413 = arith.index_cast %add3A_408 : i32 to index
        %get3A_414 = arith.constant 16 : index
        %get3A_415 = tpu.vector_load %arg8[%get3A_413, %get3A_414] {strides = array<i32>} : memref<64x128xf32, #tpu.memory_space<vmem>>, vector<1x16xf32>,
        %get3A_416 = vector.shape_cast %get3A_415 : vector<1x16xf32> to vector<16xf32>
        %get3A_417 = arith.index_cast %add3A_408 : i32 to index
        %get3A_418 = arith.constant 32 : index
        %get3A_419 = tpu.vector_load %arg8[%get3A_417, %get3A_418] {strides = array<i32>} : memref<64x128xf32, #tpu.memory_space<vmem>>, vector<1x16xf32>,
        %get3A_420 = vector.shape_cast %get3A_419 : vector<1x16xf32> to vector<16xf32>
        %get3A_421 = arith.index_cast %add3A_408 : i32 to index
        %get3A_422 = arith.constant 48 : index
        %get3A_423 = tpu.vector_load %arg8[%get3A_421, %get3A_422] {strides = array<i32>} : memref<64x128xf32, #tpu.memory_space<vmem>>, vector<1x16xf32>,
        %get3A_424 = vector.shape_cast %get3A_423 : vector<1x16xf32> to vector<16xf32>
        %get3A_425 = arith.index_cast %add3A_408 : i32 to index
        %get3A_426 = arith.constant 64 : index
        %get3A_427 = tpu.vector_load %arg8[%get3A_425, %get3A_426] {strides = array<i32>} : memref<64x128xf32, #tpu.memory_space<vmem>>, vector<1x16xf32>,
        %get3A_428 = vector.shape_cast %get3A_427 : vector<1x16xf32> to vector<16xf32>
        %get3A_429 = arith.index_cast %add3A_408 : i32 to index
        %get3A_430 = arith.constant 80 : index
        %get3A_431 = tpu.vector_load %arg8[%get3A_429, %get3A_430] {strides = array<i32>} : memref<64x128xf32, #tpu.memory_space<vmem>>, vector<1x16xf32>,
        %get3A_432 = vector.shape_cast %get3A_431 : vector<1x16xf32> to vector<16xf32>
        %get3A_433 = arith.index_cast %add3A_408 : i32 to index
        %get3A_434 = arith.constant 96 : index
        %get3A_435 = tpu.vector_load %arg8[%get3A_433, %get3A_434] {strides = array<i32>} : memref<64x128xf32, #tpu.memory_space<vmem>>, vector<1x16xf32>,
        %get3A_436 = vector.shape_cast %get3A_435 : vector<1x16xf32> to vector<16xf32>
        %get3A_437 = arith.index_cast %add3A_408 : i32 to index
        %get3A_438 = arith.constant 112 : index
        %get3A_439 = tpu.vector_load %arg8[%get3A_437, %get3A_438] {strides = array<i32>} : memref<64x128xf32, #tpu.memory_space<vmem>>, vector<1x16xf32>,
        %get3A_440 = vector.shape_cast %get3A_439 : vector<1x16xf32> to vector<16xf32>
        %exp3A_441 = math.exp %get3A_412 : vector<16xf32>
        %exp3A_442 = math.exp %get3A_416 : vector<16xf32>
        %exp3A_443 = math.exp %get3A_420 : vector<16xf32>
        %exp3A_444 = math.exp %get3A_424 : vector<16xf32>
        %exp3A_445 = math.exp %get3A_428 : vector<16xf32>
        %exp3A_446 = math.exp %get3A_432 : vector<16xf32>
        %exp3A_447 = math.exp %get3A_436 : vector<16xf32>
        %exp3A_448 = math.exp %get3A_440 : vector<16xf32>
        %add3A_449 = arith.addf %exp3A_441, %exp3A_442 : vector<16xf32>
        %add3A_450 = arith.addf %exp3A_443, %exp3A_444 : vector<16xf32>
        %add3A_451 = arith.addf %exp3A_445, %exp3A_446 : vector<16xf32>
        %add3A_452 = arith.addf %exp3A_447, %exp3A_448 : vector<16xf32>
        %add3A_453 = arith.addf %add3A_449, %add3A_450 : vector<16xf32>
        %add3A_454 = arith.addf %add3A_451, %add3A_452 : vector<16xf32>
        %add3A_455 = arith.addf %add3A_453, %add3A_454 : vector<16xf32>
        %broadcast_in_dim3A_456 = vector.shape_cast %xor3A_4 : vector<16xi32> to vector<16x1xi32>
        %gather3A_457 = vector.shape_cast %broadcast_in_dim3A_456 : vector<16x1xi32> to vector<16xi32>
        %gather3A_458 = tpu.dynamic_gather %add3A_455[%gather3A_457] in [0] : vector<16xf32>, vector<16xi32> -> vector<16xf32>
        %add3A_459 = arith.addf %add3A_455, %gather3A_458 : vector<16xf32>
        %broadcast_in_dim3A_460 = vector.shape_cast %xor3A_7 : vector<16xi32> to vector<16x1xi32>
        %gather3A_461 = vector.shape_cast %broadcast_in_dim3A_460 : vector<16x1xi32> to vector<16xi32>
        %gather3A_462 = tpu.dynamic_gather %add3A_459[%gather3A_461] in [0] : vector<16xf32>, vector<16xi32> -> vector<16xf32>
        %add3A_463 = arith.addf %add3A_459, %gather3A_462 : vector<16xf32>
        %broadcast_in_dim3A_464 = vector.shape_cast %xor3A_10 : vector<16xi32> to vector<16x1xi32>
        %gather3A_465 = vector.shape_cast %broadcast_in_dim3A_464 : vector<16x1xi32> to vector<16xi32>
        %gather3A_466 = tpu.dynamic_gather %add3A_463[%gather3A_465] in [0] : vector<16xf32>, vector<16xi32> -> vector<16xf32>
        %add3A_467 = arith.addf %add3A_463, %gather3A_466 : vector<16xf32>
        %broadcast_in_dim3A_468 = vector.shape_cast %xor3A_13 : vector<16xi32> to vector<16x1xi32>
        %gather3A_469 = vector.shape_cast %broadcast_in_dim3A_468 : vector<16x1xi32> to vector<16xi32>
        %gather3A_470 = tpu.dynamic_gather %add3A_467[%gather3A_469] in [0] : vector<16xf32>, vector<16xi32> -> vector<16xf32>
        %add3A_471 = arith.addf %add3A_467, %gather3A_470 : vector<16xf32>
        %bitcast_convert_type3A_472 = tpu.bitcast %add3A_471 : vector<16xf32> -> vector<16xi32>
        %shift_right_logical3A_473 = arith.constant 23 : i32
        %shift_right_logical3A_474 = vector.broadcast %shift_right_logical3A_473 : i32 to vector<16xi32>
        %shift_right_logical3A_475 = arith.shrui %bitcast_convert_type3A_472, %shift_right_logical3A_474 : vector<16xi32>
        %sub3A_476 = arith.constant 127 : i32
        %sub3A_477 = vector.broadcast %sub3A_476 : i32 to vector<16xi32>
        %sub3A_478 = arith.subi %shift_right_logical3A_475, %sub3A_477 : vector<16xi32>
        %and3A_479 = arith.constant 8388607 : i32
        %and3A_480 = vector.broadcast %and3A_479 : i32 to vector<16xi32>
        %and3A_481 = arith.andi %bitcast_convert_type3A_472, %and3A_480 : vector<16xi32>
        %or3A_482 = arith.constant 1065353216 : i32
        %or3A_483 = vector.broadcast %or3A_482 : i32 to vector<16xi32>
        %or3A_484 = arith.ori %and3A_481, %or3A_483 : vector<16xi32>
        %bitcast_convert_type3A_485 = tpu.bitcast %or3A_484 : vector<16xi32> -> vector<16xf32>
        %mul3A_486 = arith.constant 0.0439287201 : f32
        %mul3A_487 = vector.broadcast %mul3A_486 : f32 to vector<16xf32>
        %mul3A_488 = arith.mulf %mul3A_487, %bitcast_convert_type3A_485 : vector<16xf32>
        %add3A_489 = arith.constant -0.409476459 : f32
        %add3A_490 = vector.broadcast %add3A_489 : f32 to vector<16xf32>
        %add3A_491 = arith.addf %mul3A_488, %add3A_490 : vector<16xf32>
        %mul3A_492 = arith.mulf %add3A_491, %bitcast_convert_type3A_485 : vector<16xf32>
        %add3A_493 = arith.constant 1.61018062 : f32
        %add3A_494 = vector.broadcast %add3A_493 : f32 to vector<16xf32>
        %add3A_495 = arith.addf %mul3A_492, %add3A_494 : vector<16xf32>
        %mul3A_496 = arith.mulf %add3A_495, %bitcast_convert_type3A_485 : vector<16xf32>
        %add3A_497 = arith.constant -3.52022409 : f32
        %add3A_498 = vector.broadcast %add3A_497 : f32 to vector<16xf32>
        %add3A_499 = arith.addf %mul3A_496, %add3A_498 : vector<16xf32>
        %mul3A_500 = arith.mulf %add3A_499, %bitcast_convert_type3A_485 : vector<16xf32>
        %add3A_501 = arith.constant 5.0697608 : f32
        %add3A_502 = vector.broadcast %add3A_501 : f32 to vector<16xf32>
        %add3A_503 = arith.addf %mul3A_500, %add3A_502 : vector<16xf32>
        %mul3A_504 = arith.mulf %add3A_503, %bitcast_convert_type3A_485 : vector<16xf32>
        %add3A_505 = arith.constant -2.79415512 : f32
        %add3A_506 = vector.broadcast %add3A_505 : f32 to vector<16xf32>
        %add3A_507 = arith.addf %mul3A_504, %add3A_506 : vector<16xf32>
        %convert_element_type3A_508 = arith.sitofp %sub3A_478 : vector<16xi32> to vector<16xf32>
        %add3A_509 = arith.addf %convert_element_type3A_508, %add3A_507 : vector<16xf32>
        %mul3A_510 = arith.constant 0.693147182 : f32
        %mul3A_511 = vector.broadcast %mul3A_510 : f32 to vector<16xf32>
        %mul3A_512 = arith.mulf %add3A_509, %mul3A_511 : vector<16xf32>
        %sub3A_513 = arith.subf %get3A_412, %mul3A_512 : vector<16xf32>
        %swap3A_514 = arith.index_cast %add3A_408 : i32 to index
        %swap3A_515 = arith.constant 0 : index
        %swap3A_516 = tpu.vector_load %arg13[%swap3A_514, %swap3A_515] {strides = array<i32>} : memref<64x128xf32, #tpu.memory_space<vmem>>, vector<1x16xf32>,
        %swap3A_517 = vector.shape_cast %swap3A_516 : vector<1x16xf32> to vector<16xf32>
        %swap3A_518 = vector.shape_cast %sub3A_513 : vector<16xf32> to vector<1x16xf32>
        tpu.vector_store %arg13[%swap3A_514, %swap3A_515], %swap3A_518 {strides = array<i32>} : memref<64x128xf32, #tpu.memory_space<vmem>>, vector<1x16xf32>,
        %sub3A_519 = arith.subf %get3A_416, %mul3A_512 : vector<16xf32>
        %swap3A_520 = arith.index_cast %add3A_408 : i32 to index
        %swap3A_521 = arith.constant 16 : index
        %swap3A_522 = tpu.vector_load %arg13[%swap3A_520, %swap3A_521] {strides = array<i32>} : memref<64x128xf32, #tpu.memory_space<vmem>>, vector<1x16xf32>,
        %swap3A_523 = vector.shape_cast %swap3A_522 : vector<1x16xf32> to vector<16xf32>
        %swap3A_524 = vector.shape_cast %sub3A_519 : vector<16xf32> to vector<1x16xf32>
        tpu.vector_store %arg13[%swap3A_520, %swap3A_521], %swap3A_524 {strides = array<i32>} : memref<64x128xf32, #tpu.memory_space<vmem>>, vector<1x16xf32>,
        %sub3A_525 = arith.subf %get3A_420, %mul3A_512 : vector<16xf32>
        %swap3A_526 = arith.index_cast %add3A_408 : i32 to index
        %swap3A_527 = arith.constant 32 : index
        %swap3A_528 = tpu.vector_load %arg13[%swap3A_526, %swap3A_527] {strides = array<i32>} : memref<64x128xf32, #tpu.memory_space<vmem>>, vector<1x16xf32>,
        %swap3A_529 = vector.shape_cast %swap3A_528 : vector<1x16xf32> to vector<16xf32>
        %swap3A_530 = vector.shape_cast %sub3A_525 : vector<16xf32> to vector<1x16xf32>
        tpu.vector_store %arg13[%swap3A_526, %swap3A_527], %swap3A_530 {strides = array<i32>} : memref<64x128xf32, #tpu.memory_space<vmem>>, vector<1x16xf32>,
        %sub3A_531 = arith.subf %get3A_424, %mul3A_512 : vector<16xf32>
        %swap3A_532 = arith.index_cast %add3A_408 : i32 to index
        %swap3A_533 = arith.constant 48 : index
        %swap3A_534 = tpu.vector_load %arg13[%swap3A_532, %swap3A_533] {strides = array<i32>} : memref<64x128xf32, #tpu.memory_space<vmem>>, vector<1x16xf32>,
        %swap3A_535 = vector.shape_cast %swap3A_534 : vector<1x16xf32> to vector<16xf32>
        %swap3A_536 = vector.shape_cast %sub3A_531 : vector<16xf32> to vector<1x16xf32>
        tpu.vector_store %arg13[%swap3A_532, %swap3A_533], %swap3A_536 {strides = array<i32>} : memref<64x128xf32, #tpu.memory_space<vmem>>, vector<1x16xf32>,
        %sub3A_537 = arith.subf %get3A_428, %mul3A_512 : vector<16xf32>
        %swap3A_538 = arith.index_cast %add3A_408 : i32 to index
        %swap3A_539 = arith.constant 64 : index
        %swap3A_540 = tpu.vector_load %arg13[%swap3A_538, %swap3A_539] {strides = array<i32>} : memref<64x128xf32, #tpu.memory_space<vmem>>, vector<1x16xf32>,
        %swap3A_541 = vector.shape_cast %swap3A_540 : vector<1x16xf32> to vector<16xf32>
        %swap3A_542 = vector.shape_cast %sub3A_537 : vector<16xf32> to vector<1x16xf32>
        tpu.vector_store %arg13[%swap3A_538, %swap3A_539], %swap3A_542 {strides = array<i32>} : memref<64x128xf32, #tpu.memory_space<vmem>>, vector<1x16xf32>,
        %sub3A_543 = arith.subf %get3A_432, %mul3A_512 : vector<16xf32>
        %swap3A_544 = arith.index_cast %add3A_408 : i32 to index
        %swap3A_545 = arith.constant 80 : index
        %swap3A_546 = tpu.vector_load %arg13[%swap3A_544, %swap3A_545] {strides = array<i32>} : memref<64x128xf32, #tpu.memory_space<vmem>>, vector<1x16xf32>,
        %swap3A_547 = vector.shape_cast %swap3A_546 : vector<1x16xf32> to vector<16xf32>
        %swap3A_548 = vector.shape_cast %sub3A_543 : vector<16xf32> to vector<1x16xf32>
        tpu.vector_store %arg13[%swap3A_544, %swap3A_545], %swap3A_548 {strides = array<i32>} : memref<64x128xf32, #tpu.memory_space<vmem>>, vector<1x16xf32>,
        %sub3A_549 = arith.subf %get3A_436, %mul3A_512 : vector<16xf32>
        %swap3A_550 = arith.index_cast %add3A_408 : i32 to index
        %swap3A_551 = arith.constant 96 : index
        %swap3A_552 = tpu.vector_load %arg13[%swap3A_550, %swap3A_551] {strides = array<i32>} : memref<64x128xf32, #tpu.memory_space<vmem>>, vector<1x16xf32>,
        %swap3A_553 = vector.shape_cast %swap3A_552 : vector<1x16xf32> to vector<16xf32>
        %swap3A_554 = vector.shape_cast %sub3A_549 : vector<16xf32> to vector<1x16xf32>
        tpu.vector_store %arg13[%swap3A_550, %swap3A_551], %swap3A_554 {strides = array<i32>} : memref<64x128xf32, #tpu.memory_space<vmem>>, vector<1x16xf32>,
        %sub3A_555 = arith.subf %get3A_440, %mul3A_512 : vector<16xf32>
        %swap3A_556 = arith.index_cast %add3A_408 : i32 to index
        %swap3A_557 = arith.constant 112 : index
        %swap3A_558 = tpu.vector_load %arg13[%swap3A_556, %swap3A_557] {strides = array<i32>} : memref<64x128xf32, #tpu.memory_space<vmem>>, vector<1x16xf32>,
        %swap3A_559 = vector.shape_cast %swap3A_558 : vector<1x16xf32> to vector<16xf32>
        %swap3A_560 = vector.shape_cast %sub3A_555 : vector<16xf32> to vector<1x16xf32>
        tpu.vector_store %arg13[%swap3A_556, %swap3A_557], %swap3A_560 {strides = array<i32>} : memref<64x128xf32, #tpu.memory_space<vmem>>, vector<1x16xf32>,
        %scan3A_561 = arith.constant 0 : i32
        scf.yield %scan3A_561 : i32
      }
      %scan3A_129 = arith.constant 32 : i32
      %mul3A_130 = arith.constant 64 : i32
      %mul3A_131 = arith.muli %add3A_111, %mul3A_130 : i32
      %add3A_132 = arith.addi %mul3A_2, %mul3A_131 : i32
      %dma_start3A_133 = arith.constant 0 : i32
      %dma_start3A_134 = tpu.memref_slice %arg4[%add3A_132, %dma_start3A_133] : memref<204800x128xf32, #tpu.memory_space<hbm>> -> memref<64x128xf32, #tpu.memory_space<hbm>>
      %dma_start3A_135 = arith.constant 0 : i32
      %dma_start3A_136 = tpu.memref_slice %arg4[%add3A_132, %dma_start3A_135] : memref<204800x128xf32, #tpu.memory_space<hbm>> -> memref<64x128xf32, #tpu.memory_space<hbm>>
      tpu.enqueue_dma source(%arg13 : memref<64x128xf32, #tpu.memory_space<vmem>>) target(%dma_start3A_136 : memref<64x128xf32, #tpu.memory_space<hbm>>) target_semaphore(%arg23 : memref<!tpu.dma_semaphore, #tpu.memory_space<semaphore_mem>>)
      %mul3A_137 = arith.constant 5 : i32
      %mul3A_138 = arith.muli %mul3A_137, %scan3A_80 : i32
      %add3A_139 = arith.constant 2 : i32
      %add3A_140 = arith.addi %mul3A_138, %add3A_139 : i32
      %mul3A_141 = arith.constant 64 : i32
      %mul3A_142 = arith.muli %add3A_140, %mul3A_141 : i32
      %dma_wait3A_143 = tpu.memref_slice %arg6[%mul3A_142] : memref<6400xi32, #tpu.memory_space<vmem>> -> memref<64xi32, #tpu.memory_space<vmem>>
      %dma_wait3A_144 = arith.constant 0 : i32
      %dma_wait3A_145 = arith.constant 0 : i32
      %dma_wait3A_146 = tpu.memref_slice %arg3[%dma_wait3A_144, %dma_wait3A_145] : memref<500000x128xf32, #tpu.memory_space<hbm>> -> memref<500000x128xf32, #tpu.memory_space<hbm>>
      tpu.wait_indirect_dma semaphore(%arg19 : memref<!tpu.dma_semaphore, #tpu.memory_space<semaphore_mem>>) src(%dma_wait3A_146 : memref<500000x128xf32, #tpu.memory_space<hbm>>) dst(%arg9 : memref<64x128xf32, #tpu.memory_space<vmem>>)
      %ge3A_147 = arith.constant 5 : i32
      %ge3A_148 = arith.cmpi sge, %add3A_140, %ge3A_147 : i32
      %convert_element_type3A_149 = arith.extui %ge3A_148 : i1 to i32
      %cond3A_150 = arith.constant 0 : i32
      %cond3A_151 = arith.cmpi ne, %convert_element_type3A_149, %cond3A_150 : i32
      scf.if %cond3A_151 {
        %sub3A = arith.constant 5 : i32
        %sub3A_259 = arith.subi %add3A_140, %sub3A : i32
        %mul3A_260 = arith.constant 64 : i32
        %mul3A_261 = arith.muli %sub3A_259, %mul3A_260 : i32
        %add3A_262 = arith.addi %mul3A_2, %mul3A_261 : i32
        %dma_wait3A_263 = arith.constant 0 : i32
        %dma_wait3A_264 = tpu.memref_slice %arg4[%add3A_262, %dma_wait3A_263] : memref<204800x128xf32, #tpu.memory_space<hbm>> -> memref<64x128xf32, #tpu.memory_space<hbm>>
        %dma_wait3A_265 = arith.constant 0 : i32
        %dma_wait3A_266 = tpu.memref_slice %arg4[%add3A_262, %dma_wait3A_265] : memref<204800x128xf32, #tpu.memory_space<hbm>> -> memref<64x128xf32, #tpu.memory_space<hbm>>
        tpu.wait_dma2 semaphore(%arg24 : memref<!tpu.dma_semaphore, #tpu.memory_space<semaphore_mem>>) src(%arg14 : memref<64x128xf32, #tpu.memory_space<vmem>>) dst(%dma_wait3A_266 : memref<64x128xf32, #tpu.memory_space<hbm>>)
      } else {
      }
      %scan3A_152 = arith.constant 0 : i32
      %scan3A_153 = arith.constant 0 : i32
      %scan3A_154 = arith.constant 32 : i32
      %scan3A_155 = arith.addi %scan3A_153, %scan3A_154 : i32
      %scan3A_156 = arith.constant 1 : i32
      %scan3A_157 = scf.for %scan3A_259 = %scan3A_153 to %scan3A_155 step %scan3A_156 iter_args(%scan3A_260 = %scan3A_152) -> (i32)  : i32 {
        %mul3A_261 = arith.constant 2 : i32
        %mul3A_262 = arith.muli %mul3A_261, %scan3A_259 : i32
        %get3A = arith.index_cast %mul3A_262 : i32 to index
        %get3A_263 = arith.constant 0 : index
        %get3A_264 = tpu.vector_load %arg9[%get3A, %get3A_263] {strides = array<i32>} : memref<64x128xf32, #tpu.memory_space<vmem>>, vector<1x16xf32>,
        %get3A_265 = vector.shape_cast %get3A_264 : vector<1x16xf32> to vector<16xf32>
        %get3A_266 = arith.index_cast %mul3A_262 : i32 to index
        %get3A_267 = arith.constant 16 : index
        %get3A_268 = tpu.vector_load %arg9[%get3A_266, %get3A_267] {strides = array<i32>} : memref<64x128xf32, #tpu.memory_space<vmem>>, vector<1x16xf32>,
        %get3A_269 = vector.shape_cast %get3A_268 : vector<1x16xf32> to vector<16xf32>
        %get3A_270 = arith.index_cast %mul3A_262 : i32 to index
        %get3A_271 = arith.constant 32 : index
        %get3A_272 = tpu.vector_load %arg9[%get3A_270, %get3A_271] {strides = array<i32>} : memref<64x128xf32, #tpu.memory_space<vmem>>, vector<1x16xf32>,
        %get3A_273 = vector.shape_cast %get3A_272 : vector<1x16xf32> to vector<16xf32>
        %get3A_274 = arith.index_cast %mul3A_262 : i32 to index
        %get3A_275 = arith.constant 48 : index
        %get3A_276 = tpu.vector_load %arg9[%get3A_274, %get3A_275] {strides = array<i32>} : memref<64x128xf32, #tpu.memory_space<vmem>>, vector<1x16xf32>,
        %get3A_277 = vector.shape_cast %get3A_276 : vector<1x16xf32> to vector<16xf32>
        %get3A_278 = arith.index_cast %mul3A_262 : i32 to index
        %get3A_279 = arith.constant 64 : index
        %get3A_280 = tpu.vector_load %arg9[%get3A_278, %get3A_279] {strides = array<i32>} : memref<64x128xf32, #tpu.memory_space<vmem>>, vector<1x16xf32>,
        %get3A_281 = vector.shape_cast %get3A_280 : vector<1x16xf32> to vector<16xf32>
        %get3A_282 = arith.index_cast %mul3A_262 : i32 to index
        %get3A_283 = arith.constant 80 : index
        %get3A_284 = tpu.vector_load %arg9[%get3A_282, %get3A_283] {strides = array<i32>} : memref<64x128xf32, #tpu.memory_space<vmem>>, vector<1x16xf32>,
        %get3A_285 = vector.shape_cast %get3A_284 : vector<1x16xf32> to vector<16xf32>
        %get3A_286 = arith.index_cast %mul3A_262 : i32 to index
        %get3A_287 = arith.constant 96 : index
        %get3A_288 = tpu.vector_load %arg9[%get3A_286, %get3A_287] {strides = array<i32>} : memref<64x128xf32, #tpu.memory_space<vmem>>, vector<1x16xf32>,
        %get3A_289 = vector.shape_cast %get3A_288 : vector<1x16xf32> to vector<16xf32>
        %get3A_290 = arith.index_cast %mul3A_262 : i32 to index
        %get3A_291 = arith.constant 112 : index
        %get3A_292 = tpu.vector_load %arg9[%get3A_290, %get3A_291] {strides = array<i32>} : memref<64x128xf32, #tpu.memory_space<vmem>>, vector<1x16xf32>,
        %get3A_293 = vector.shape_cast %get3A_292 : vector<1x16xf32> to vector<16xf32>
        %exp3A = math.exp %get3A_265 : vector<16xf32>
        %exp3A_294 = math.exp %get3A_269 : vector<16xf32>
        %exp3A_295 = math.exp %get3A_273 : vector<16xf32>
        %exp3A_296 = math.exp %get3A_277 : vector<16xf32>
        %exp3A_297 = math.exp %get3A_281 : vector<16xf32>
        %exp3A_298 = math.exp %get3A_285 : vector<16xf32>
        %exp3A_299 = math.exp %get3A_289 : vector<16xf32>
        %exp3A_300 = math.exp %get3A_293 : vector<16xf32>
        %add3A_301 = arith.addf %exp3A, %exp3A_294 : vector<16xf32>
        %add3A_302 = arith.addf %exp3A_295, %exp3A_296 : vector<16xf32>
        %add3A_303 = arith.addf %exp3A_297, %exp3A_298 : vector<16xf32>
        %add3A_304 = arith.addf %exp3A_299, %exp3A_300 : vector<16xf32>
        %add3A_305 = arith.addf %add3A_301, %add3A_302 : vector<16xf32>
        %add3A_306 = arith.addf %add3A_303, %add3A_304 : vector<16xf32>
        %add3A_307 = arith.addf %add3A_305, %add3A_306 : vector<16xf32>
        %broadcast_in_dim3A = vector.shape_cast %xor3A_4 : vector<16xi32> to vector<16x1xi32>
        %gather3A = vector.shape_cast %broadcast_in_dim3A : vector<16x1xi32> to vector<16xi32>
        %gather3A_308 = tpu.dynamic_gather %add3A_307[%gather3A] in [0] : vector<16xf32>, vector<16xi32> -> vector<16xf32>
        %add3A_309 = arith.addf %add3A_307, %gather3A_308 : vector<16xf32>
        %broadcast_in_dim3A_310 = vector.shape_cast %xor3A_7 : vector<16xi32> to vector<16x1xi32>
        %gather3A_311 = vector.shape_cast %broadcast_in_dim3A_310 : vector<16x1xi32> to vector<16xi32>
        %gather3A_312 = tpu.dynamic_gather %add3A_309[%gather3A_311] in [0] : vector<16xf32>, vector<16xi32> -> vector<16xf32>
        %add3A_313 = arith.addf %add3A_309, %gather3A_312 : vector<16xf32>
        %broadcast_in_dim3A_314 = vector.shape_cast %xor3A_10 : vector<16xi32> to vector<16x1xi32>
        %gather3A_315 = vector.shape_cast %broadcast_in_dim3A_314 : vector<16x1xi32> to vector<16xi32>
        %gather3A_316 = tpu.dynamic_gather %add3A_313[%gather3A_315] in [0] : vector<16xf32>, vector<16xi32> -> vector<16xf32>
        %add3A_317 = arith.addf %add3A_313, %gather3A_316 : vector<16xf32>
        %broadcast_in_dim3A_318 = vector.shape_cast %xor3A_13 : vector<16xi32> to vector<16x1xi32>
        %gather3A_319 = vector.shape_cast %broadcast_in_dim3A_318 : vector<16x1xi32> to vector<16xi32>
        %gather3A_320 = tpu.dynamic_gather %add3A_317[%gather3A_319] in [0] : vector<16xf32>, vector<16xi32> -> vector<16xf32>
        %add3A_321 = arith.addf %add3A_317, %gather3A_320 : vector<16xf32>
        %bitcast_convert_type3A = tpu.bitcast %add3A_321 : vector<16xf32> -> vector<16xi32>
        %shift_right_logical3A = arith.constant 23 : i32
        %shift_right_logical3A_322 = vector.broadcast %shift_right_logical3A : i32 to vector<16xi32>
        %shift_right_logical3A_323 = arith.shrui %bitcast_convert_type3A, %shift_right_logical3A_322 : vector<16xi32>
        %sub3A = arith.constant 127 : i32
        %sub3A_324 = vector.broadcast %sub3A : i32 to vector<16xi32>
        %sub3A_325 = arith.subi %shift_right_logical3A_323, %sub3A_324 : vector<16xi32>
        %and3A = arith.constant 8388607 : i32
        %and3A_326 = vector.broadcast %and3A : i32 to vector<16xi32>
        %and3A_327 = arith.andi %bitcast_convert_type3A, %and3A_326 : vector<16xi32>
        %or3A = arith.constant 1065353216 : i32
        %or3A_328 = vector.broadcast %or3A : i32 to vector<16xi32>
        %or3A_329 = arith.ori %and3A_327, %or3A_328 : vector<16xi32>
        %bitcast_convert_type3A_330 = tpu.bitcast %or3A_329 : vector<16xi32> -> vector<16xf32>
        %mul3A_331 = arith.constant 0.0439287201 : f32
        %mul3A_332 = vector.broadcast %mul3A_331 : f32 to vector<16xf32>
        %mul3A_333 = arith.mulf %mul3A_332, %bitcast_convert_type3A_330 : vector<16xf32>
        %add3A_334 = arith.constant -0.409476459 : f32
        %add3A_335 = vector.broadcast %add3A_334 : f32 to vector<16xf32>
        %add3A_336 = arith.addf %mul3A_333, %add3A_335 : vector<16xf32>
        %mul3A_337 = arith.mulf %add3A_336, %bitcast_convert_type3A_330 : vector<16xf32>
        %add3A_338 = arith.constant 1.61018062 : f32
        %add3A_339 = vector.broadcast %add3A_338 : f32 to vector<16xf32>
        %add3A_340 = arith.addf %mul3A_337, %add3A_339 : vector<16xf32>
        %mul3A_341 = arith.mulf %add3A_340, %bitcast_convert_type3A_330 : vector<16xf32>
        %add3A_342 = arith.constant -3.52022409 : f32
        %add3A_343 = vector.broadcast %add3A_342 : f32 to vector<16xf32>
        %add3A_344 = arith.addf %mul3A_341, %add3A_343 : vector<16xf32>
        %mul3A_345 = arith.mulf %add3A_344, %bitcast_convert_type3A_330 : vector<16xf32>
        %add3A_346 = arith.constant 5.0697608 : f32
        %add3A_347 = vector.broadcast %add3A_346 : f32 to vector<16xf32>
        %add3A_348 = arith.addf %mul3A_345, %add3A_347 : vector<16xf32>
        %mul3A_349 = arith.mulf %add3A_348, %bitcast_convert_type3A_330 : vector<16xf32>
        %add3A_350 = arith.constant -2.79415512 : f32
        %add3A_351 = vector.broadcast %add3A_350 : f32 to vector<16xf32>
        %add3A_352 = arith.addf %mul3A_349, %add3A_351 : vector<16xf32>
        %convert_element_type3A_353 = arith.sitofp %sub3A_325 : vector<16xi32> to vector<16xf32>
        %add3A_354 = arith.addf %convert_element_type3A_353, %add3A_352 : vector<16xf32>
        %mul3A_355 = arith.constant 0.693147182 : f32
        %mul3A_356 = vector.broadcast %mul3A_355 : f32 to vector<16xf32>
        %mul3A_357 = arith.mulf %add3A_354, %mul3A_356 : vector<16xf32>
        %sub3A_358 = arith.subf %get3A_265, %mul3A_357 : vector<16xf32>
        %swap3A = arith.index_cast %mul3A_262 : i32 to index
        %swap3A_359 = arith.constant 0 : index
        %swap3A_360 = tpu.vector_load %arg14[%swap3A, %swap3A_359] {strides = array<i32>} : memref<64x128xf32, #tpu.memory_space<vmem>>, vector<1x16xf32>,
        %swap3A_361 = vector.shape_cast %swap3A_360 : vector<1x16xf32> to vector<16xf32>
        %swap3A_362 = vector.shape_cast %sub3A_358 : vector<16xf32> to vector<1x16xf32>
        tpu.vector_store %arg14[%swap3A, %swap3A_359], %swap3A_362 {strides = array<i32>} : memref<64x128xf32, #tpu.memory_space<vmem>>, vector<1x16xf32>,
        %sub3A_363 = arith.subf %get3A_269, %mul3A_357 : vector<16xf32>
        %swap3A_364 = arith.index_cast %mul3A_262 : i32 to index
        %swap3A_365 = arith.constant 16 : index
        %swap3A_366 = tpu.vector_load %arg14[%swap3A_364, %swap3A_365] {strides = array<i32>} : memref<64x128xf32, #tpu.memory_space<vmem>>, vector<1x16xf32>,
        %swap3A_367 = vector.shape_cast %swap3A_366 : vector<1x16xf32> to vector<16xf32>
        %swap3A_368 = vector.shape_cast %sub3A_363 : vector<16xf32> to vector<1x16xf32>
        tpu.vector_store %arg14[%swap3A_364, %swap3A_365], %swap3A_368 {strides = array<i32>} : memref<64x128xf32, #tpu.memory_space<vmem>>, vector<1x16xf32>,
        %sub3A_369 = arith.subf %get3A_273, %mul3A_357 : vector<16xf32>
        %swap3A_370 = arith.index_cast %mul3A_262 : i32 to index
        %swap3A_371 = arith.constant 32 : index
        %swap3A_372 = tpu.vector_load %arg14[%swap3A_370, %swap3A_371] {strides = array<i32>} : memref<64x128xf32, #tpu.memory_space<vmem>>, vector<1x16xf32>,
        %swap3A_373 = vector.shape_cast %swap3A_372 : vector<1x16xf32> to vector<16xf32>
        %swap3A_374 = vector.shape_cast %sub3A_369 : vector<16xf32> to vector<1x16xf32>
        tpu.vector_store %arg14[%swap3A_370, %swap3A_371], %swap3A_374 {strides = array<i32>} : memref<64x128xf32, #tpu.memory_space<vmem>>, vector<1x16xf32>,
        %sub3A_375 = arith.subf %get3A_277, %mul3A_357 : vector<16xf32>
        %swap3A_376 = arith.index_cast %mul3A_262 : i32 to index
        %swap3A_377 = arith.constant 48 : index
        %swap3A_378 = tpu.vector_load %arg14[%swap3A_376, %swap3A_377] {strides = array<i32>} : memref<64x128xf32, #tpu.memory_space<vmem>>, vector<1x16xf32>,
        %swap3A_379 = vector.shape_cast %swap3A_378 : vector<1x16xf32> to vector<16xf32>
        %swap3A_380 = vector.shape_cast %sub3A_375 : vector<16xf32> to vector<1x16xf32>
        tpu.vector_store %arg14[%swap3A_376, %swap3A_377], %swap3A_380 {strides = array<i32>} : memref<64x128xf32, #tpu.memory_space<vmem>>, vector<1x16xf32>,
        %sub3A_381 = arith.subf %get3A_281, %mul3A_357 : vector<16xf32>
        %swap3A_382 = arith.index_cast %mul3A_262 : i32 to index
        %swap3A_383 = arith.constant 64 : index
        %swap3A_384 = tpu.vector_load %arg14[%swap3A_382, %swap3A_383] {strides = array<i32>} : memref<64x128xf32, #tpu.memory_space<vmem>>, vector<1x16xf32>,
        %swap3A_385 = vector.shape_cast %swap3A_384 : vector<1x16xf32> to vector<16xf32>
        %swap3A_386 = vector.shape_cast %sub3A_381 : vector<16xf32> to vector<1x16xf32>
        tpu.vector_store %arg14[%swap3A_382, %swap3A_383], %swap3A_386 {strides = array<i32>} : memref<64x128xf32, #tpu.memory_space<vmem>>, vector<1x16xf32>,
        %sub3A_387 = arith.subf %get3A_285, %mul3A_357 : vector<16xf32>
        %swap3A_388 = arith.index_cast %mul3A_262 : i32 to index
        %swap3A_389 = arith.constant 80 : index
        %swap3A_390 = tpu.vector_load %arg14[%swap3A_388, %swap3A_389] {strides = array<i32>} : memref<64x128xf32, #tpu.memory_space<vmem>>, vector<1x16xf32>,
        %swap3A_391 = vector.shape_cast %swap3A_390 : vector<1x16xf32> to vector<16xf32>
        %swap3A_392 = vector.shape_cast %sub3A_387 : vector<16xf32> to vector<1x16xf32>
        tpu.vector_store %arg14[%swap3A_388, %swap3A_389], %swap3A_392 {strides = array<i32>} : memref<64x128xf32, #tpu.memory_space<vmem>>, vector<1x16xf32>,
        %sub3A_393 = arith.subf %get3A_289, %mul3A_357 : vector<16xf32>
        %swap3A_394 = arith.index_cast %mul3A_262 : i32 to index
        %swap3A_395 = arith.constant 96 : index
        %swap3A_396 = tpu.vector_load %arg14[%swap3A_394, %swap3A_395] {strides = array<i32>} : memref<64x128xf32, #tpu.memory_space<vmem>>, vector<1x16xf32>,
        %swap3A_397 = vector.shape_cast %swap3A_396 : vector<1x16xf32> to vector<16xf32>
        %swap3A_398 = vector.shape_cast %sub3A_393 : vector<16xf32> to vector<1x16xf32>
        tpu.vector_store %arg14[%swap3A_394, %swap3A_395], %swap3A_398 {strides = array<i32>} : memref<64x128xf32, #tpu.memory_space<vmem>>, vector<1x16xf32>,
        %sub3A_399 = arith.subf %get3A_293, %mul3A_357 : vector<16xf32>
        %swap3A_400 = arith.index_cast %mul3A_262 : i32 to index
        %swap3A_401 = arith.constant 112 : index
        %swap3A_402 = tpu.vector_load %arg14[%swap3A_400, %swap3A_401] {strides = array<i32>} : memref<64x128xf32, #tpu.memory_space<vmem>>, vector<1x16xf32>,
        %swap3A_403 = vector.shape_cast %swap3A_402 : vector<1x16xf32> to vector<16xf32>
        %swap3A_404 = vector.shape_cast %sub3A_399 : vector<16xf32> to vector<1x16xf32>
        tpu.vector_store %arg14[%swap3A_400, %swap3A_401], %swap3A_404 {strides = array<i32>} : memref<64x128xf32, #tpu.memory_space<vmem>>, vector<1x16xf32>,
        %mul3A_405 = arith.constant 2 : i32
        %mul3A_406 = arith.muli %mul3A_405, %scan3A_259 : i32
        %add3A_407 = arith.constant 1 : i32
        %add3A_408 = arith.addi %mul3A_406, %add3A_407 : i32
        %get3A_409 = arith.index_cast %add3A_408 : i32 to index
        %get3A_410 = arith.constant 0 : index
        %get3A_411 = tpu.vector_load %arg9[%get3A_409, %get3A_410] {strides = array<i32>} : memref<64x128xf32, #tpu.memory_space<vmem>>, vector<1x16xf32>,
        %get3A_412 = vector.shape_cast %get3A_411 : vector<1x16xf32> to vector<16xf32>
        %get3A_413 = arith.index_cast %add3A_408 : i32 to index
        %get3A_414 = arith.constant 16 : index
        %get3A_415 = tpu.vector_load %arg9[%get3A_413, %get3A_414] {strides = array<i32>} : memref<64x128xf32, #tpu.memory_space<vmem>>, vector<1x16xf32>,
        %get3A_416 = vector.shape_cast %get3A_415 : vector<1x16xf32> to vector<16xf32>
        %get3A_417 = arith.index_cast %add3A_408 : i32 to index
        %get3A_418 = arith.constant 32 : index
        %get3A_419 = tpu.vector_load %arg9[%get3A_417, %get3A_418] {strides = array<i32>} : memref<64x128xf32, #tpu.memory_space<vmem>>, vector<1x16xf32>,
        %get3A_420 = vector.shape_cast %get3A_419 : vector<1x16xf32> to vector<16xf32>
        %get3A_421 = arith.index_cast %add3A_408 : i32 to index
        %get3A_422 = arith.constant 48 : index
        %get3A_423 = tpu.vector_load %arg9[%get3A_421, %get3A_422] {strides = array<i32>} : memref<64x128xf32, #tpu.memory_space<vmem>>, vector<1x16xf32>,
        %get3A_424 = vector.shape_cast %get3A_423 : vector<1x16xf32> to vector<16xf32>
        %get3A_425 = arith.index_cast %add3A_408 : i32 to index
        %get3A_426 = arith.constant 64 : index
        %get3A_427 = tpu.vector_load %arg9[%get3A_425, %get3A_426] {strides = array<i32>} : memref<64x128xf32, #tpu.memory_space<vmem>>, vector<1x16xf32>,
        %get3A_428 = vector.shape_cast %get3A_427 : vector<1x16xf32> to vector<16xf32>
        %get3A_429 = arith.index_cast %add3A_408 : i32 to index
        %get3A_430 = arith.constant 80 : index
        %get3A_431 = tpu.vector_load %arg9[%get3A_429, %get3A_430] {strides = array<i32>} : memref<64x128xf32, #tpu.memory_space<vmem>>, vector<1x16xf32>,
        %get3A_432 = vector.shape_cast %get3A_431 : vector<1x16xf32> to vector<16xf32>
        %get3A_433 = arith.index_cast %add3A_408 : i32 to index
        %get3A_434 = arith.constant 96 : index
        %get3A_435 = tpu.vector_load %arg9[%get3A_433, %get3A_434] {strides = array<i32>} : memref<64x128xf32, #tpu.memory_space<vmem>>, vector<1x16xf32>,
        %get3A_436 = vector.shape_cast %get3A_435 : vector<1x16xf32> to vector<16xf32>
        %get3A_437 = arith.index_cast %add3A_408 : i32 to index
        %get3A_438 = arith.constant 112 : index
        %get3A_439 = tpu.vector_load %arg9[%get3A_437, %get3A_438] {strides = array<i32>} : memref<64x128xf32, #tpu.memory_space<vmem>>, vector<1x16xf32>,
        %get3A_440 = vector.shape_cast %get3A_439 : vector<1x16xf32> to vector<16xf32>
        %exp3A_441 = math.exp %get3A_412 : vector<16xf32>
        %exp3A_442 = math.exp %get3A_416 : vector<16xf32>
        %exp3A_443 = math.exp %get3A_420 : vector<16xf32>
        %exp3A_444 = math.exp %get3A_424 : vector<16xf32>
        %exp3A_445 = math.exp %get3A_428 : vector<16xf32>
        %exp3A_446 = math.exp %get3A_432 : vector<16xf32>
        %exp3A_447 = math.exp %get3A_436 : vector<16xf32>
        %exp3A_448 = math.exp %get3A_440 : vector<16xf32>
        %add3A_449 = arith.addf %exp3A_441, %exp3A_442 : vector<16xf32>
        %add3A_450 = arith.addf %exp3A_443, %exp3A_444 : vector<16xf32>
        %add3A_451 = arith.addf %exp3A_445, %exp3A_446 : vector<16xf32>
        %add3A_452 = arith.addf %exp3A_447, %exp3A_448 : vector<16xf32>
        %add3A_453 = arith.addf %add3A_449, %add3A_450 : vector<16xf32>
        %add3A_454 = arith.addf %add3A_451, %add3A_452 : vector<16xf32>
        %add3A_455 = arith.addf %add3A_453, %add3A_454 : vector<16xf32>
        %broadcast_in_dim3A_456 = vector.shape_cast %xor3A_4 : vector<16xi32> to vector<16x1xi32>
        %gather3A_457 = vector.shape_cast %broadcast_in_dim3A_456 : vector<16x1xi32> to vector<16xi32>
        %gather3A_458 = tpu.dynamic_gather %add3A_455[%gather3A_457] in [0] : vector<16xf32>, vector<16xi32> -> vector<16xf32>
        %add3A_459 = arith.addf %add3A_455, %gather3A_458 : vector<16xf32>
        %broadcast_in_dim3A_460 = vector.shape_cast %xor3A_7 : vector<16xi32> to vector<16x1xi32>
        %gather3A_461 = vector.shape_cast %broadcast_in_dim3A_460 : vector<16x1xi32> to vector<16xi32>
        %gather3A_462 = tpu.dynamic_gather %add3A_459[%gather3A_461] in [0] : vector<16xf32>, vector<16xi32> -> vector<16xf32>
        %add3A_463 = arith.addf %add3A_459, %gather3A_462 : vector<16xf32>
        %broadcast_in_dim3A_464 = vector.shape_cast %xor3A_10 : vector<16xi32> to vector<16x1xi32>
        %gather3A_465 = vector.shape_cast %broadcast_in_dim3A_464 : vector<16x1xi32> to vector<16xi32>
        %gather3A_466 = tpu.dynamic_gather %add3A_463[%gather3A_465] in [0] : vector<16xf32>, vector<16xi32> -> vector<16xf32>
        %add3A_467 = arith.addf %add3A_463, %gather3A_466 : vector<16xf32>
        %broadcast_in_dim3A_468 = vector.shape_cast %xor3A_13 : vector<16xi32> to vector<16x1xi32>
        %gather3A_469 = vector.shape_cast %broadcast_in_dim3A_468 : vector<16x1xi32> to vector<16xi32>
        %gather3A_470 = tpu.dynamic_gather %add3A_467[%gather3A_469] in [0] : vector<16xf32>, vector<16xi32> -> vector<16xf32>
        %add3A_471 = arith.addf %add3A_467, %gather3A_470 : vector<16xf32>
        %bitcast_convert_type3A_472 = tpu.bitcast %add3A_471 : vector<16xf32> -> vector<16xi32>
        %shift_right_logical3A_473 = arith.constant 23 : i32
        %shift_right_logical3A_474 = vector.broadcast %shift_right_logical3A_473 : i32 to vector<16xi32>
        %shift_right_logical3A_475 = arith.shrui %bitcast_convert_type3A_472, %shift_right_logical3A_474 : vector<16xi32>
        %sub3A_476 = arith.constant 127 : i32
        %sub3A_477 = vector.broadcast %sub3A_476 : i32 to vector<16xi32>
        %sub3A_478 = arith.subi %shift_right_logical3A_475, %sub3A_477 : vector<16xi32>
        %and3A_479 = arith.constant 8388607 : i32
        %and3A_480 = vector.broadcast %and3A_479 : i32 to vector<16xi32>
        %and3A_481 = arith.andi %bitcast_convert_type3A_472, %and3A_480 : vector<16xi32>
        %or3A_482 = arith.constant 1065353216 : i32
        %or3A_483 = vector.broadcast %or3A_482 : i32 to vector<16xi32>
        %or3A_484 = arith.ori %and3A_481, %or3A_483 : vector<16xi32>
        %bitcast_convert_type3A_485 = tpu.bitcast %or3A_484 : vector<16xi32> -> vector<16xf32>
        %mul3A_486 = arith.constant 0.0439287201 : f32
        %mul3A_487 = vector.broadcast %mul3A_486 : f32 to vector<16xf32>
        %mul3A_488 = arith.mulf %mul3A_487, %bitcast_convert_type3A_485 : vector<16xf32>
        %add3A_489 = arith.constant -0.409476459 : f32
        %add3A_490 = vector.broadcast %add3A_489 : f32 to vector<16xf32>
        %add3A_491 = arith.addf %mul3A_488, %add3A_490 : vector<16xf32>
        %mul3A_492 = arith.mulf %add3A_491, %bitcast_convert_type3A_485 : vector<16xf32>
        %add3A_493 = arith.constant 1.61018062 : f32
        %add3A_494 = vector.broadcast %add3A_493 : f32 to vector<16xf32>
        %add3A_495 = arith.addf %mul3A_492, %add3A_494 : vector<16xf32>
        %mul3A_496 = arith.mulf %add3A_495, %bitcast_convert_type3A_485 : vector<16xf32>
        %add3A_497 = arith.constant -3.52022409 : f32
        %add3A_498 = vector.broadcast %add3A_497 : f32 to vector<16xf32>
        %add3A_499 = arith.addf %mul3A_496, %add3A_498 : vector<16xf32>
        %mul3A_500 = arith.mulf %add3A_499, %bitcast_convert_type3A_485 : vector<16xf32>
        %add3A_501 = arith.constant 5.0697608 : f32
        %add3A_502 = vector.broadcast %add3A_501 : f32 to vector<16xf32>
        %add3A_503 = arith.addf %mul3A_500, %add3A_502 : vector<16xf32>
        %mul3A_504 = arith.mulf %add3A_503, %bitcast_convert_type3A_485 : vector<16xf32>
        %add3A_505 = arith.constant -2.79415512 : f32
        %add3A_506 = vector.broadcast %add3A_505 : f32 to vector<16xf32>
        %add3A_507 = arith.addf %mul3A_504, %add3A_506 : vector<16xf32>
        %convert_element_type3A_508 = arith.sitofp %sub3A_478 : vector<16xi32> to vector<16xf32>
        %add3A_509 = arith.addf %convert_element_type3A_508, %add3A_507 : vector<16xf32>
        %mul3A_510 = arith.constant 0.693147182 : f32
        %mul3A_511 = vector.broadcast %mul3A_510 : f32 to vector<16xf32>
        %mul3A_512 = arith.mulf %add3A_509, %mul3A_511 : vector<16xf32>
        %sub3A_513 = arith.subf %get3A_412, %mul3A_512 : vector<16xf32>
        %swap3A_514 = arith.index_cast %add3A_408 : i32 to index
        %swap3A_515 = arith.constant 0 : index
        %swap3A_516 = tpu.vector_load %arg14[%swap3A_514, %swap3A_515] {strides = array<i32>} : memref<64x128xf32, #tpu.memory_space<vmem>>, vector<1x16xf32>,
        %swap3A_517 = vector.shape_cast %swap3A_516 : vector<1x16xf32> to vector<16xf32>
        %swap3A_518 = vector.shape_cast %sub3A_513 : vector<16xf32> to vector<1x16xf32>
        tpu.vector_store %arg14[%swap3A_514, %swap3A_515], %swap3A_518 {strides = array<i32>} : memref<64x128xf32, #tpu.memory_space<vmem>>, vector<1x16xf32>,
        %sub3A_519 = arith.subf %get3A_416, %mul3A_512 : vector<16xf32>
        %swap3A_520 = arith.index_cast %add3A_408 : i32 to index
        %swap3A_521 = arith.constant 16 : index
        %swap3A_522 = tpu.vector_load %arg14[%swap3A_520, %swap3A_521] {strides = array<i32>} : memref<64x128xf32, #tpu.memory_space<vmem>>, vector<1x16xf32>,
        %swap3A_523 = vector.shape_cast %swap3A_522 : vector<1x16xf32> to vector<16xf32>
        %swap3A_524 = vector.shape_cast %sub3A_519 : vector<16xf32> to vector<1x16xf32>
        tpu.vector_store %arg14[%swap3A_520, %swap3A_521], %swap3A_524 {strides = array<i32>} : memref<64x128xf32, #tpu.memory_space<vmem>>, vector<1x16xf32>,
        %sub3A_525 = arith.subf %get3A_420, %mul3A_512 : vector<16xf32>
        %swap3A_526 = arith.index_cast %add3A_408 : i32 to index
        %swap3A_527 = arith.constant 32 : index
        %swap3A_528 = tpu.vector_load %arg14[%swap3A_526, %swap3A_527] {strides = array<i32>} : memref<64x128xf32, #tpu.memory_space<vmem>>, vector<1x16xf32>,
        %swap3A_529 = vector.shape_cast %swap3A_528 : vector<1x16xf32> to vector<16xf32>
        %swap3A_530 = vector.shape_cast %sub3A_525 : vector<16xf32> to vector<1x16xf32>
        tpu.vector_store %arg14[%swap3A_526, %swap3A_527], %swap3A_530 {strides = array<i32>} : memref<64x128xf32, #tpu.memory_space<vmem>>, vector<1x16xf32>,
        %sub3A_531 = arith.subf %get3A_424, %mul3A_512 : vector<16xf32>
        %swap3A_532 = arith.index_cast %add3A_408 : i32 to index
        %swap3A_533 = arith.constant 48 : index
        %swap3A_534 = tpu.vector_load %arg14[%swap3A_532, %swap3A_533] {strides = array<i32>} : memref<64x128xf32, #tpu.memory_space<vmem>>, vector<1x16xf32>,
        %swap3A_535 = vector.shape_cast %swap3A_534 : vector<1x16xf32> to vector<16xf32>
        %swap3A_536 = vector.shape_cast %sub3A_531 : vector<16xf32> to vector<1x16xf32>
        tpu.vector_store %arg14[%swap3A_532, %swap3A_533], %swap3A_536 {strides = array<i32>} : memref<64x128xf32, #tpu.memory_space<vmem>>, vector<1x16xf32>,
        %sub3A_537 = arith.subf %get3A_428, %mul3A_512 : vector<16xf32>
        %swap3A_538 = arith.index_cast %add3A_408 : i32 to index
        %swap3A_539 = arith.constant 64 : index
        %swap3A_540 = tpu.vector_load %arg14[%swap3A_538, %swap3A_539] {strides = array<i32>} : memref<64x128xf32, #tpu.memory_space<vmem>>, vector<1x16xf32>,
        %swap3A_541 = vector.shape_cast %swap3A_540 : vector<1x16xf32> to vector<16xf32>
        %swap3A_542 = vector.shape_cast %sub3A_537 : vector<16xf32> to vector<1x16xf32>
        tpu.vector_store %arg14[%swap3A_538, %swap3A_539], %swap3A_542 {strides = array<i32>} : memref<64x128xf32, #tpu.memory_space<vmem>>, vector<1x16xf32>,
        %sub3A_543 = arith.subf %get3A_432, %mul3A_512 : vector<16xf32>
        %swap3A_544 = arith.index_cast %add3A_408 : i32 to index
        %swap3A_545 = arith.constant 80 : index
        %swap3A_546 = tpu.vector_load %arg14[%swap3A_544, %swap3A_545] {strides = array<i32>} : memref<64x128xf32, #tpu.memory_space<vmem>>, vector<1x16xf32>,
        %swap3A_547 = vector.shape_cast %swap3A_546 : vector<1x16xf32> to vector<16xf32>
        %swap3A_548 = vector.shape_cast %sub3A_543 : vector<16xf32> to vector<1x16xf32>
        tpu.vector_store %arg14[%swap3A_544, %swap3A_545], %swap3A_548 {strides = array<i32>} : memref<64x128xf32, #tpu.memory_space<vmem>>, vector<1x16xf32>,
        %sub3A_549 = arith.subf %get3A_436, %mul3A_512 : vector<16xf32>
        %swap3A_550 = arith.index_cast %add3A_408 : i32 to index
        %swap3A_551 = arith.constant 96 : index
        %swap3A_552 = tpu.vector_load %arg14[%swap3A_550, %swap3A_551] {strides = array<i32>} : memref<64x128xf32, #tpu.memory_space<vmem>>, vector<1x16xf32>,
        %swap3A_553 = vector.shape_cast %swap3A_552 : vector<1x16xf32> to vector<16xf32>
        %swap3A_554 = vector.shape_cast %sub3A_549 : vector<16xf32> to vector<1x16xf32>
        tpu.vector_store %arg14[%swap3A_550, %swap3A_551], %swap3A_554 {strides = array<i32>} : memref<64x128xf32, #tpu.memory_space<vmem>>, vector<1x16xf32>,
        %sub3A_555 = arith.subf %get3A_440, %mul3A_512 : vector<16xf32>
        %swap3A_556 = arith.index_cast %add3A_408 : i32 to index
        %swap3A_557 = arith.constant 112 : index
        %swap3A_558 = tpu.vector_load %arg14[%swap3A_556, %swap3A_557] {strides = array<i32>} : memref<64x128xf32, #tpu.memory_space<vmem>>, vector<1x16xf32>,
        %swap3A_559 = vector.shape_cast %swap3A_558 : vector<1x16xf32> to vector<16xf32>
        %swap3A_560 = vector.shape_cast %sub3A_555 : vector<16xf32> to vector<1x16xf32>
        tpu.vector_store %arg14[%swap3A_556, %swap3A_557], %swap3A_560 {strides = array<i32>} : memref<64x128xf32, #tpu.memory_space<vmem>>, vector<1x16xf32>,
        %scan3A_561 = arith.constant 0 : i32
        scf.yield %scan3A_561 : i32
      }
      %scan3A_158 = arith.constant 32 : i32
      %mul3A_159 = arith.constant 64 : i32
      %mul3A_160 = arith.muli %add3A_140, %mul3A_159 : i32
      %add3A_161 = arith.addi %mul3A_2, %mul3A_160 : i32
      %dma_start3A_162 = arith.constant 0 : i32
      %dma_start3A_163 = tpu.memref_slice %arg4[%add3A_161, %dma_start3A_162] : memref<204800x128xf32, #tpu.memory_space<hbm>> -> memref<64x128xf32, #tpu.memory_space<hbm>>
      %dma_start3A_164 = arith.constant 0 : i32
      %dma_start3A_165 = tpu.memref_slice %arg4[%add3A_161, %dma_start3A_164] : memref<204800x128xf32, #tpu.memory_space<hbm>> -> memref<64x128xf32, #tpu.memory_space<hbm>>
      tpu.enqueue_dma source(%arg14 : memref<64x128xf32, #tpu.memory_space<vmem>>) target(%dma_start3A_165 : memref<64x128xf32, #tpu.memory_space<hbm>>) target_semaphore(%arg24 : memref<!tpu.dma_semaphore, #tpu.memory_space<semaphore_mem>>)
      %mul3A_166 = arith.constant 5 : i32
      %mul3A_167 = arith.muli %mul3A_166, %scan3A_80 : i32
      %add3A_168 = arith.constant 3 : i32
      %add3A_169 = arith.addi %mul3A_167, %add3A_168 : i32
      %mul3A_170 = arith.constant 64 : i32
      %mul3A_171 = arith.muli %add3A_169, %mul3A_170 : i32
      %dma_wait3A_172 = tpu.memref_slice %arg6[%mul3A_171] : memref<6400xi32, #tpu.memory_space<vmem>> -> memref<64xi32, #tpu.memory_space<vmem>>
      %dma_wait3A_173 = arith.constant 0 : i32
      %dma_wait3A_174 = arith.constant 0 : i32
      %dma_wait3A_175 = tpu.memref_slice %arg3[%dma_wait3A_173, %dma_wait3A_174] : memref<500000x128xf32, #tpu.memory_space<hbm>> -> memref<500000x128xf32, #tpu.memory_space<hbm>>
      tpu.wait_indirect_dma semaphore(%arg20 : memref<!tpu.dma_semaphore, #tpu.memory_space<semaphore_mem>>) src(%dma_wait3A_175 : memref<500000x128xf32, #tpu.memory_space<hbm>>) dst(%arg10 : memref<64x128xf32, #tpu.memory_space<vmem>>)
      %ge3A_176 = arith.constant 5 : i32
      %ge3A_177 = arith.cmpi sge, %add3A_169, %ge3A_176 : i32
      %convert_element_type3A_178 = arith.extui %ge3A_177 : i1 to i32
      %cond3A_179 = arith.constant 0 : i32
      %cond3A_180 = arith.cmpi ne, %convert_element_type3A_178, %cond3A_179 : i32
      scf.if %cond3A_180 {
        %sub3A = arith.constant 5 : i32
        %sub3A_259 = arith.subi %add3A_169, %sub3A : i32
        %mul3A_260 = arith.constant 64 : i32
        %mul3A_261 = arith.muli %sub3A_259, %mul3A_260 : i32
        %add3A_262 = arith.addi %mul3A_2, %mul3A_261 : i32
        %dma_wait3A_263 = arith.constant 0 : i32
        %dma_wait3A_264 = tpu.memref_slice %arg4[%add3A_262, %dma_wait3A_263] : memref<204800x128xf32, #tpu.memory_space<hbm>> -> memref<64x128xf32, #tpu.memory_space<hbm>>
        %dma_wait3A_265 = arith.constant 0 : i32
        %dma_wait3A_266 = tpu.memref_slice %arg4[%add3A_262, %dma_wait3A_265] : memref<204800x128xf32, #tpu.memory_space<hbm>> -> memref<64x128xf32, #tpu.memory_space<hbm>>
        tpu.wait_dma2 semaphore(%arg25 : memref<!tpu.dma_semaphore, #tpu.memory_space<semaphore_mem>>) src(%arg15 : memref<64x128xf32, #tpu.memory_space<vmem>>) dst(%dma_wait3A_266 : memref<64x128xf32, #tpu.memory_space<hbm>>)
      } else {
      }
      %scan3A_181 = arith.constant 0 : i32
      %scan3A_182 = arith.constant 0 : i32
      %scan3A_183 = arith.constant 32 : i32
      %scan3A_184 = arith.addi %scan3A_182, %scan3A_183 : i32
      %scan3A_185 = arith.constant 1 : i32
      %scan3A_186 = scf.for %scan3A_259 = %scan3A_182 to %scan3A_184 step %scan3A_185 iter_args(%scan3A_260 = %scan3A_181) -> (i32)  : i32 {
        %mul3A_261 = arith.constant 2 : i32
        %mul3A_262 = arith.muli %mul3A_261, %scan3A_259 : i32
        %get3A = arith.index_cast %mul3A_262 : i32 to index
        %get3A_263 = arith.constant 0 : index
        %get3A_264 = tpu.vector_load %arg10[%get3A, %get3A_263] {strides = array<i32>} : memref<64x128xf32, #tpu.memory_space<vmem>>, vector<1x16xf32>,
        %get3A_265 = vector.shape_cast %get3A_264 : vector<1x16xf32> to vector<16xf32>
        %get3A_266 = arith.index_cast %mul3A_262 : i32 to index
        %get3A_267 = arith.constant 16 : index
        %get3A_268 = tpu.vector_load %arg10[%get3A_266, %get3A_267] {strides = array<i32>} : memref<64x128xf32, #tpu.memory_space<vmem>>, vector<1x16xf32>,
        %get3A_269 = vector.shape_cast %get3A_268 : vector<1x16xf32> to vector<16xf32>
        %get3A_270 = arith.index_cast %mul3A_262 : i32 to index
        %get3A_271 = arith.constant 32 : index
        %get3A_272 = tpu.vector_load %arg10[%get3A_270, %get3A_271] {strides = array<i32>} : memref<64x128xf32, #tpu.memory_space<vmem>>, vector<1x16xf32>,
        %get3A_273 = vector.shape_cast %get3A_272 : vector<1x16xf32> to vector<16xf32>
        %get3A_274 = arith.index_cast %mul3A_262 : i32 to index
        %get3A_275 = arith.constant 48 : index
        %get3A_276 = tpu.vector_load %arg10[%get3A_274, %get3A_275] {strides = array<i32>} : memref<64x128xf32, #tpu.memory_space<vmem>>, vector<1x16xf32>,
        %get3A_277 = vector.shape_cast %get3A_276 : vector<1x16xf32> to vector<16xf32>
        %get3A_278 = arith.index_cast %mul3A_262 : i32 to index
        %get3A_279 = arith.constant 64 : index
        %get3A_280 = tpu.vector_load %arg10[%get3A_278, %get3A_279] {strides = array<i32>} : memref<64x128xf32, #tpu.memory_space<vmem>>, vector<1x16xf32>,
        %get3A_281 = vector.shape_cast %get3A_280 : vector<1x16xf32> to vector<16xf32>
        %get3A_282 = arith.index_cast %mul3A_262 : i32 to index
        %get3A_283 = arith.constant 80 : index
        %get3A_284 = tpu.vector_load %arg10[%get3A_282, %get3A_283] {strides = array<i32>} : memref<64x128xf32, #tpu.memory_space<vmem>>, vector<1x16xf32>,
        %get3A_285 = vector.shape_cast %get3A_284 : vector<1x16xf32> to vector<16xf32>
        %get3A_286 = arith.index_cast %mul3A_262 : i32 to index
        %get3A_287 = arith.constant 96 : index
        %get3A_288 = tpu.vector_load %arg10[%get3A_286, %get3A_287] {strides = array<i32>} : memref<64x128xf32, #tpu.memory_space<vmem>>, vector<1x16xf32>,
        %get3A_289 = vector.shape_cast %get3A_288 : vector<1x16xf32> to vector<16xf32>
        %get3A_290 = arith.index_cast %mul3A_262 : i32 to index
        %get3A_291 = arith.constant 112 : index
        %get3A_292 = tpu.vector_load %arg10[%get3A_290, %get3A_291] {strides = array<i32>} : memref<64x128xf32, #tpu.memory_space<vmem>>, vector<1x16xf32>,
        %get3A_293 = vector.shape_cast %get3A_292 : vector<1x16xf32> to vector<16xf32>
        %exp3A = math.exp %get3A_265 : vector<16xf32>
        %exp3A_294 = math.exp %get3A_269 : vector<16xf32>
        %exp3A_295 = math.exp %get3A_273 : vector<16xf32>
        %exp3A_296 = math.exp %get3A_277 : vector<16xf32>
        %exp3A_297 = math.exp %get3A_281 : vector<16xf32>
        %exp3A_298 = math.exp %get3A_285 : vector<16xf32>
        %exp3A_299 = math.exp %get3A_289 : vector<16xf32>
        %exp3A_300 = math.exp %get3A_293 : vector<16xf32>
        %add3A_301 = arith.addf %exp3A, %exp3A_294 : vector<16xf32>
        %add3A_302 = arith.addf %exp3A_295, %exp3A_296 : vector<16xf32>
        %add3A_303 = arith.addf %exp3A_297, %exp3A_298 : vector<16xf32>
        %add3A_304 = arith.addf %exp3A_299, %exp3A_300 : vector<16xf32>
        %add3A_305 = arith.addf %add3A_301, %add3A_302 : vector<16xf32>
        %add3A_306 = arith.addf %add3A_303, %add3A_304 : vector<16xf32>
        %add3A_307 = arith.addf %add3A_305, %add3A_306 : vector<16xf32>
        %broadcast_in_dim3A = vector.shape_cast %xor3A_4 : vector<16xi32> to vector<16x1xi32>
        %gather3A = vector.shape_cast %broadcast_in_dim3A : vector<16x1xi32> to vector<16xi32>
        %gather3A_308 = tpu.dynamic_gather %add3A_307[%gather3A] in [0] : vector<16xf32>, vector<16xi32> -> vector<16xf32>
        %add3A_309 = arith.addf %add3A_307, %gather3A_308 : vector<16xf32>
        %broadcast_in_dim3A_310 = vector.shape_cast %xor3A_7 : vector<16xi32> to vector<16x1xi32>
        %gather3A_311 = vector.shape_cast %broadcast_in_dim3A_310 : vector<16x1xi32> to vector<16xi32>
        %gather3A_312 = tpu.dynamic_gather %add3A_309[%gather3A_311] in [0] : vector<16xf32>, vector<16xi32> -> vector<16xf32>
        %add3A_313 = arith.addf %add3A_309, %gather3A_312 : vector<16xf32>
        %broadcast_in_dim3A_314 = vector.shape_cast %xor3A_10 : vector<16xi32> to vector<16x1xi32>
        %gather3A_315 = vector.shape_cast %broadcast_in_dim3A_314 : vector<16x1xi32> to vector<16xi32>
        %gather3A_316 = tpu.dynamic_gather %add3A_313[%gather3A_315] in [0] : vector<16xf32>, vector<16xi32> -> vector<16xf32>
        %add3A_317 = arith.addf %add3A_313, %gather3A_316 : vector<16xf32>
        %broadcast_in_dim3A_318 = vector.shape_cast %xor3A_13 : vector<16xi32> to vector<16x1xi32>
        %gather3A_319 = vector.shape_cast %broadcast_in_dim3A_318 : vector<16x1xi32> to vector<16xi32>
        %gather3A_320 = tpu.dynamic_gather %add3A_317[%gather3A_319] in [0] : vector<16xf32>, vector<16xi32> -> vector<16xf32>
        %add3A_321 = arith.addf %add3A_317, %gather3A_320 : vector<16xf32>
        %bitcast_convert_type3A = tpu.bitcast %add3A_321 : vector<16xf32> -> vector<16xi32>
        %shift_right_logical3A = arith.constant 23 : i32
        %shift_right_logical3A_322 = vector.broadcast %shift_right_logical3A : i32 to vector<16xi32>
        %shift_right_logical3A_323 = arith.shrui %bitcast_convert_type3A, %shift_right_logical3A_322 : vector<16xi32>
        %sub3A = arith.constant 127 : i32
        %sub3A_324 = vector.broadcast %sub3A : i32 to vector<16xi32>
        %sub3A_325 = arith.subi %shift_right_logical3A_323, %sub3A_324 : vector<16xi32>
        %and3A = arith.constant 8388607 : i32
        %and3A_326 = vector.broadcast %and3A : i32 to vector<16xi32>
        %and3A_327 = arith.andi %bitcast_convert_type3A, %and3A_326 : vector<16xi32>
        %or3A = arith.constant 1065353216 : i32
        %or3A_328 = vector.broadcast %or3A : i32 to vector<16xi32>
        %or3A_329 = arith.ori %and3A_327, %or3A_328 : vector<16xi32>
        %bitcast_convert_type3A_330 = tpu.bitcast %or3A_329 : vector<16xi32> -> vector<16xf32>
        %mul3A_331 = arith.constant 0.0439287201 : f32
        %mul3A_332 = vector.broadcast %mul3A_331 : f32 to vector<16xf32>
        %mul3A_333 = arith.mulf %mul3A_332, %bitcast_convert_type3A_330 : vector<16xf32>
        %add3A_334 = arith.constant -0.409476459 : f32
        %add3A_335 = vector.broadcast %add3A_334 : f32 to vector<16xf32>
        %add3A_336 = arith.addf %mul3A_333, %add3A_335 : vector<16xf32>
        %mul3A_337 = arith.mulf %add3A_336, %bitcast_convert_type3A_330 : vector<16xf32>
        %add3A_338 = arith.constant 1.61018062 : f32
        %add3A_339 = vector.broadcast %add3A_338 : f32 to vector<16xf32>
        %add3A_340 = arith.addf %mul3A_337, %add3A_339 : vector<16xf32>
        %mul3A_341 = arith.mulf %add3A_340, %bitcast_convert_type3A_330 : vector<16xf32>
        %add3A_342 = arith.constant -3.52022409 : f32
        %add3A_343 = vector.broadcast %add3A_342 : f32 to vector<16xf32>
        %add3A_344 = arith.addf %mul3A_341, %add3A_343 : vector<16xf32>
        %mul3A_345 = arith.mulf %add3A_344, %bitcast_convert_type3A_330 : vector<16xf32>
        %add3A_346 = arith.constant 5.0697608 : f32
        %add3A_347 = vector.broadcast %add3A_346 : f32 to vector<16xf32>
        %add3A_348 = arith.addf %mul3A_345, %add3A_347 : vector<16xf32>
        %mul3A_349 = arith.mulf %add3A_348, %bitcast_convert_type3A_330 : vector<16xf32>
        %add3A_350 = arith.constant -2.79415512 : f32
        %add3A_351 = vector.broadcast %add3A_350 : f32 to vector<16xf32>
        %add3A_352 = arith.addf %mul3A_349, %add3A_351 : vector<16xf32>
        %convert_element_type3A_353 = arith.sitofp %sub3A_325 : vector<16xi32> to vector<16xf32>
        %add3A_354 = arith.addf %convert_element_type3A_353, %add3A_352 : vector<16xf32>
        %mul3A_355 = arith.constant 0.693147182 : f32
        %mul3A_356 = vector.broadcast %mul3A_355 : f32 to vector<16xf32>
        %mul3A_357 = arith.mulf %add3A_354, %mul3A_356 : vector<16xf32>
        %sub3A_358 = arith.subf %get3A_265, %mul3A_357 : vector<16xf32>
        %swap3A = arith.index_cast %mul3A_262 : i32 to index
        %swap3A_359 = arith.constant 0 : index
        %swap3A_360 = tpu.vector_load %arg15[%swap3A, %swap3A_359] {strides = array<i32>} : memref<64x128xf32, #tpu.memory_space<vmem>>, vector<1x16xf32>,
        %swap3A_361 = vector.shape_cast %swap3A_360 : vector<1x16xf32> to vector<16xf32>
        %swap3A_362 = vector.shape_cast %sub3A_358 : vector<16xf32> to vector<1x16xf32>
        tpu.vector_store %arg15[%swap3A, %swap3A_359], %swap3A_362 {strides = array<i32>} : memref<64x128xf32, #tpu.memory_space<vmem>>, vector<1x16xf32>,
        %sub3A_363 = arith.subf %get3A_269, %mul3A_357 : vector<16xf32>
        %swap3A_364 = arith.index_cast %mul3A_262 : i32 to index
        %swap3A_365 = arith.constant 16 : index
        %swap3A_366 = tpu.vector_load %arg15[%swap3A_364, %swap3A_365] {strides = array<i32>} : memref<64x128xf32, #tpu.memory_space<vmem>>, vector<1x16xf32>,
        %swap3A_367 = vector.shape_cast %swap3A_366 : vector<1x16xf32> to vector<16xf32>
        %swap3A_368 = vector.shape_cast %sub3A_363 : vector<16xf32> to vector<1x16xf32>
        tpu.vector_store %arg15[%swap3A_364, %swap3A_365], %swap3A_368 {strides = array<i32>} : memref<64x128xf32, #tpu.memory_space<vmem>>, vector<1x16xf32>,
        %sub3A_369 = arith.subf %get3A_273, %mul3A_357 : vector<16xf32>
        %swap3A_370 = arith.index_cast %mul3A_262 : i32 to index
        %swap3A_371 = arith.constant 32 : index
        %swap3A_372 = tpu.vector_load %arg15[%swap3A_370, %swap3A_371] {strides = array<i32>} : memref<64x128xf32, #tpu.memory_space<vmem>>, vector<1x16xf32>,
        %swap3A_373 = vector.shape_cast %swap3A_372 : vector<1x16xf32> to vector<16xf32>
        %swap3A_374 = vector.shape_cast %sub3A_369 : vector<16xf32> to vector<1x16xf32>
        tpu.vector_store %arg15[%swap3A_370, %swap3A_371], %swap3A_374 {strides = array<i32>} : memref<64x128xf32, #tpu.memory_space<vmem>>, vector<1x16xf32>,
        %sub3A_375 = arith.subf %get3A_277, %mul3A_357 : vector<16xf32>
        %swap3A_376 = arith.index_cast %mul3A_262 : i32 to index
        %swap3A_377 = arith.constant 48 : index
        %swap3A_378 = tpu.vector_load %arg15[%swap3A_376, %swap3A_377] {strides = array<i32>} : memref<64x128xf32, #tpu.memory_space<vmem>>, vector<1x16xf32>,
        %swap3A_379 = vector.shape_cast %swap3A_378 : vector<1x16xf32> to vector<16xf32>
        %swap3A_380 = vector.shape_cast %sub3A_375 : vector<16xf32> to vector<1x16xf32>
        tpu.vector_store %arg15[%swap3A_376, %swap3A_377], %swap3A_380 {strides = array<i32>} : memref<64x128xf32, #tpu.memory_space<vmem>>, vector<1x16xf32>,
        %sub3A_381 = arith.subf %get3A_281, %mul3A_357 : vector<16xf32>
        %swap3A_382 = arith.index_cast %mul3A_262 : i32 to index
        %swap3A_383 = arith.constant 64 : index
        %swap3A_384 = tpu.vector_load %arg15[%swap3A_382, %swap3A_383] {strides = array<i32>} : memref<64x128xf32, #tpu.memory_space<vmem>>, vector<1x16xf32>,
        %swap3A_385 = vector.shape_cast %swap3A_384 : vector<1x16xf32> to vector<16xf32>
        %swap3A_386 = vector.shape_cast %sub3A_381 : vector<16xf32> to vector<1x16xf32>
        tpu.vector_store %arg15[%swap3A_382, %swap3A_383], %swap3A_386 {strides = array<i32>} : memref<64x128xf32, #tpu.memory_space<vmem>>, vector<1x16xf32>,
        %sub3A_387 = arith.subf %get3A_285, %mul3A_357 : vector<16xf32>
        %swap3A_388 = arith.index_cast %mul3A_262 : i32 to index
        %swap3A_389 = arith.constant 80 : index
        %swap3A_390 = tpu.vector_load %arg15[%swap3A_388, %swap3A_389] {strides = array<i32>} : memref<64x128xf32, #tpu.memory_space<vmem>>, vector<1x16xf32>,
        %swap3A_391 = vector.shape_cast %swap3A_390 : vector<1x16xf32> to vector<16xf32>
        %swap3A_392 = vector.shape_cast %sub3A_387 : vector<16xf32> to vector<1x16xf32>
        tpu.vector_store %arg15[%swap3A_388, %swap3A_389], %swap3A_392 {strides = array<i32>} : memref<64x128xf32, #tpu.memory_space<vmem>>, vector<1x16xf32>,
        %sub3A_393 = arith.subf %get3A_289, %mul3A_357 : vector<16xf32>
        %swap3A_394 = arith.index_cast %mul3A_262 : i32 to index
        %swap3A_395 = arith.constant 96 : index
        %swap3A_396 = tpu.vector_load %arg15[%swap3A_394, %swap3A_395] {strides = array<i32>} : memref<64x128xf32, #tpu.memory_space<vmem>>, vector<1x16xf32>,
        %swap3A_397 = vector.shape_cast %swap3A_396 : vector<1x16xf32> to vector<16xf32>
        %swap3A_398 = vector.shape_cast %sub3A_393 : vector<16xf32> to vector<1x16xf32>
        tpu.vector_store %arg15[%swap3A_394, %swap3A_395], %swap3A_398 {strides = array<i32>} : memref<64x128xf32, #tpu.memory_space<vmem>>, vector<1x16xf32>,
        %sub3A_399 = arith.subf %get3A_293, %mul3A_357 : vector<16xf32>
        %swap3A_400 = arith.index_cast %mul3A_262 : i32 to index
        %swap3A_401 = arith.constant 112 : index
        %swap3A_402 = tpu.vector_load %arg15[%swap3A_400, %swap3A_401] {strides = array<i32>} : memref<64x128xf32, #tpu.memory_space<vmem>>, vector<1x16xf32>,
        %swap3A_403 = vector.shape_cast %swap3A_402 : vector<1x16xf32> to vector<16xf32>
        %swap3A_404 = vector.shape_cast %sub3A_399 : vector<16xf32> to vector<1x16xf32>
        tpu.vector_store %arg15[%swap3A_400, %swap3A_401], %swap3A_404 {strides = array<i32>} : memref<64x128xf32, #tpu.memory_space<vmem>>, vector<1x16xf32>,
        %mul3A_405 = arith.constant 2 : i32
        %mul3A_406 = arith.muli %mul3A_405, %scan3A_259 : i32
        %add3A_407 = arith.constant 1 : i32
        %add3A_408 = arith.addi %mul3A_406, %add3A_407 : i32
        %get3A_409 = arith.index_cast %add3A_408 : i32 to index
        %get3A_410 = arith.constant 0 : index
        %get3A_411 = tpu.vector_load %arg10[%get3A_409, %get3A_410] {strides = array<i32>} : memref<64x128xf32, #tpu.memory_space<vmem>>, vector<1x16xf32>,
        %get3A_412 = vector.shape_cast %get3A_411 : vector<1x16xf32> to vector<16xf32>
        %get3A_413 = arith.index_cast %add3A_408 : i32 to index
        %get3A_414 = arith.constant 16 : index
        %get3A_415 = tpu.vector_load %arg10[%get3A_413, %get3A_414] {strides = array<i32>} : memref<64x128xf32, #tpu.memory_space<vmem>>, vector<1x16xf32>,
        %get3A_416 = vector.shape_cast %get3A_415 : vector<1x16xf32> to vector<16xf32>
        %get3A_417 = arith.index_cast %add3A_408 : i32 to index
        %get3A_418 = arith.constant 32 : index
        %get3A_419 = tpu.vector_load %arg10[%get3A_417, %get3A_418] {strides = array<i32>} : memref<64x128xf32, #tpu.memory_space<vmem>>, vector<1x16xf32>,
        %get3A_420 = vector.shape_cast %get3A_419 : vector<1x16xf32> to vector<16xf32>
        %get3A_421 = arith.index_cast %add3A_408 : i32 to index
        %get3A_422 = arith.constant 48 : index
        %get3A_423 = tpu.vector_load %arg10[%get3A_421, %get3A_422] {strides = array<i32>} : memref<64x128xf32, #tpu.memory_space<vmem>>, vector<1x16xf32>,
        %get3A_424 = vector.shape_cast %get3A_423 : vector<1x16xf32> to vector<16xf32>
        %get3A_425 = arith.index_cast %add3A_408 : i32 to index
        %get3A_426 = arith.constant 64 : index
        %get3A_427 = tpu.vector_load %arg10[%get3A_425, %get3A_426] {strides = array<i32>} : memref<64x128xf32, #tpu.memory_space<vmem>>, vector<1x16xf32>,
        %get3A_428 = vector.shape_cast %get3A_427 : vector<1x16xf32> to vector<16xf32>
        %get3A_429 = arith.index_cast %add3A_408 : i32 to index
        %get3A_430 = arith.constant 80 : index
        %get3A_431 = tpu.vector_load %arg10[%get3A_429, %get3A_430] {strides = array<i32>} : memref<64x128xf32, #tpu.memory_space<vmem>>, vector<1x16xf32>,
        %get3A_432 = vector.shape_cast %get3A_431 : vector<1x16xf32> to vector<16xf32>
        %get3A_433 = arith.index_cast %add3A_408 : i32 to index
        %get3A_434 = arith.constant 96 : index
        %get3A_435 = tpu.vector_load %arg10[%get3A_433, %get3A_434] {strides = array<i32>} : memref<64x128xf32, #tpu.memory_space<vmem>>, vector<1x16xf32>,
        %get3A_436 = vector.shape_cast %get3A_435 : vector<1x16xf32> to vector<16xf32>
        %get3A_437 = arith.index_cast %add3A_408 : i32 to index
        %get3A_438 = arith.constant 112 : index
        %get3A_439 = tpu.vector_load %arg10[%get3A_437, %get3A_438] {strides = array<i32>} : memref<64x128xf32, #tpu.memory_space<vmem>>, vector<1x16xf32>,
        %get3A_440 = vector.shape_cast %get3A_439 : vector<1x16xf32> to vector<16xf32>
        %exp3A_441 = math.exp %get3A_412 : vector<16xf32>
        %exp3A_442 = math.exp %get3A_416 : vector<16xf32>
        %exp3A_443 = math.exp %get3A_420 : vector<16xf32>
        %exp3A_444 = math.exp %get3A_424 : vector<16xf32>
        %exp3A_445 = math.exp %get3A_428 : vector<16xf32>
        %exp3A_446 = math.exp %get3A_432 : vector<16xf32>
        %exp3A_447 = math.exp %get3A_436 : vector<16xf32>
        %exp3A_448 = math.exp %get3A_440 : vector<16xf32>
        %add3A_449 = arith.addf %exp3A_441, %exp3A_442 : vector<16xf32>
        %add3A_450 = arith.addf %exp3A_443, %exp3A_444 : vector<16xf32>
        %add3A_451 = arith.addf %exp3A_445, %exp3A_446 : vector<16xf32>
        %add3A_452 = arith.addf %exp3A_447, %exp3A_448 : vector<16xf32>
        %add3A_453 = arith.addf %add3A_449, %add3A_450 : vector<16xf32>
        %add3A_454 = arith.addf %add3A_451, %add3A_452 : vector<16xf32>
        %add3A_455 = arith.addf %add3A_453, %add3A_454 : vector<16xf32>
        %broadcast_in_dim3A_456 = vector.shape_cast %xor3A_4 : vector<16xi32> to vector<16x1xi32>
        %gather3A_457 = vector.shape_cast %broadcast_in_dim3A_456 : vector<16x1xi32> to vector<16xi32>
        %gather3A_458 = tpu.dynamic_gather %add3A_455[%gather3A_457] in [0] : vector<16xf32>, vector<16xi32> -> vector<16xf32>
        %add3A_459 = arith.addf %add3A_455, %gather3A_458 : vector<16xf32>
        %broadcast_in_dim3A_460 = vector.shape_cast %xor3A_7 : vector<16xi32> to vector<16x1xi32>
        %gather3A_461 = vector.shape_cast %broadcast_in_dim3A_460 : vector<16x1xi32> to vector<16xi32>
        %gather3A_462 = tpu.dynamic_gather %add3A_459[%gather3A_461] in [0] : vector<16xf32>, vector<16xi32> -> vector<16xf32>
        %add3A_463 = arith.addf %add3A_459, %gather3A_462 : vector<16xf32>
        %broadcast_in_dim3A_464 = vector.shape_cast %xor3A_10 : vector<16xi32> to vector<16x1xi32>
        %gather3A_465 = vector.shape_cast %broadcast_in_dim3A_464 : vector<16x1xi32> to vector<16xi32>
        %gather3A_466 = tpu.dynamic_gather %add3A_463[%gather3A_465] in [0] : vector<16xf32>, vector<16xi32> -> vector<16xf32>
        %add3A_467 = arith.addf %add3A_463, %gather3A_466 : vector<16xf32>
        %broadcast_in_dim3A_468 = vector.shape_cast %xor3A_13 : vector<16xi32> to vector<16x1xi32>
        %gather3A_469 = vector.shape_cast %broadcast_in_dim3A_468 : vector<16x1xi32> to vector<16xi32>
        %gather3A_470 = tpu.dynamic_gather %add3A_467[%gather3A_469] in [0] : vector<16xf32>, vector<16xi32> -> vector<16xf32>
        %add3A_471 = arith.addf %add3A_467, %gather3A_470 : vector<16xf32>
        %bitcast_convert_type3A_472 = tpu.bitcast %add3A_471 : vector<16xf32> -> vector<16xi32>
        %shift_right_logical3A_473 = arith.constant 23 : i32
        %shift_right_logical3A_474 = vector.broadcast %shift_right_logical3A_473 : i32 to vector<16xi32>
        %shift_right_logical3A_475 = arith.shrui %bitcast_convert_type3A_472, %shift_right_logical3A_474 : vector<16xi32>
        %sub3A_476 = arith.constant 127 : i32
        %sub3A_477 = vector.broadcast %sub3A_476 : i32 to vector<16xi32>
        %sub3A_478 = arith.subi %shift_right_logical3A_475, %sub3A_477 : vector<16xi32>
        %and3A_479 = arith.constant 8388607 : i32
        %and3A_480 = vector.broadcast %and3A_479 : i32 to vector<16xi32>
        %and3A_481 = arith.andi %bitcast_convert_type3A_472, %and3A_480 : vector<16xi32>
        %or3A_482 = arith.constant 1065353216 : i32
        %or3A_483 = vector.broadcast %or3A_482 : i32 to vector<16xi32>
        %or3A_484 = arith.ori %and3A_481, %or3A_483 : vector<16xi32>
        %bitcast_convert_type3A_485 = tpu.bitcast %or3A_484 : vector<16xi32> -> vector<16xf32>
        %mul3A_486 = arith.constant 0.0439287201 : f32
        %mul3A_487 = vector.broadcast %mul3A_486 : f32 to vector<16xf32>
        %mul3A_488 = arith.mulf %mul3A_487, %bitcast_convert_type3A_485 : vector<16xf32>
        %add3A_489 = arith.constant -0.409476459 : f32
        %add3A_490 = vector.broadcast %add3A_489 : f32 to vector<16xf32>
        %add3A_491 = arith.addf %mul3A_488, %add3A_490 : vector<16xf32>
        %mul3A_492 = arith.mulf %add3A_491, %bitcast_convert_type3A_485 : vector<16xf32>
        %add3A_493 = arith.constant 1.61018062 : f32
        %add3A_494 = vector.broadcast %add3A_493 : f32 to vector<16xf32>
        %add3A_495 = arith.addf %mul3A_492, %add3A_494 : vector<16xf32>
        %mul3A_496 = arith.mulf %add3A_495, %bitcast_convert_type3A_485 : vector<16xf32>
        %add3A_497 = arith.constant -3.52022409 : f32
        %add3A_498 = vector.broadcast %add3A_497 : f32 to vector<16xf32>
        %add3A_499 = arith.addf %mul3A_496, %add3A_498 : vector<16xf32>
        %mul3A_500 = arith.mulf %add3A_499, %bitcast_convert_type3A_485 : vector<16xf32>
        %add3A_501 = arith.constant 5.0697608 : f32
        %add3A_502 = vector.broadcast %add3A_501 : f32 to vector<16xf32>
        %add3A_503 = arith.addf %mul3A_500, %add3A_502 : vector<16xf32>
        %mul3A_504 = arith.mulf %add3A_503, %bitcast_convert_type3A_485 : vector<16xf32>
        %add3A_505 = arith.constant -2.79415512 : f32
        %add3A_506 = vector.broadcast %add3A_505 : f32 to vector<16xf32>
        %add3A_507 = arith.addf %mul3A_504, %add3A_506 : vector<16xf32>
        %convert_element_type3A_508 = arith.sitofp %sub3A_478 : vector<16xi32> to vector<16xf32>
        %add3A_509 = arith.addf %convert_element_type3A_508, %add3A_507 : vector<16xf32>
        %mul3A_510 = arith.constant 0.693147182 : f32
        %mul3A_511 = vector.broadcast %mul3A_510 : f32 to vector<16xf32>
        %mul3A_512 = arith.mulf %add3A_509, %mul3A_511 : vector<16xf32>
        %sub3A_513 = arith.subf %get3A_412, %mul3A_512 : vector<16xf32>
        %swap3A_514 = arith.index_cast %add3A_408 : i32 to index
        %swap3A_515 = arith.constant 0 : index
        %swap3A_516 = tpu.vector_load %arg15[%swap3A_514, %swap3A_515] {strides = array<i32>} : memref<64x128xf32, #tpu.memory_space<vmem>>, vector<1x16xf32>,
        %swap3A_517 = vector.shape_cast %swap3A_516 : vector<1x16xf32> to vector<16xf32>
        %swap3A_518 = vector.shape_cast %sub3A_513 : vector<16xf32> to vector<1x16xf32>
        tpu.vector_store %arg15[%swap3A_514, %swap3A_515], %swap3A_518 {strides = array<i32>} : memref<64x128xf32, #tpu.memory_space<vmem>>, vector<1x16xf32>,
        %sub3A_519 = arith.subf %get3A_416, %mul3A_512 : vector<16xf32>
        %swap3A_520 = arith.index_cast %add3A_408 : i32 to index
        %swap3A_521 = arith.constant 16 : index
        %swap3A_522 = tpu.vector_load %arg15[%swap3A_520, %swap3A_521] {strides = array<i32>} : memref<64x128xf32, #tpu.memory_space<vmem>>, vector<1x16xf32>,
        %swap3A_523 = vector.shape_cast %swap3A_522 : vector<1x16xf32> to vector<16xf32>
        %swap3A_524 = vector.shape_cast %sub3A_519 : vector<16xf32> to vector<1x16xf32>
        tpu.vector_store %arg15[%swap3A_520, %swap3A_521], %swap3A_524 {strides = array<i32>} : memref<64x128xf32, #tpu.memory_space<vmem>>, vector<1x16xf32>,
        %sub3A_525 = arith.subf %get3A_420, %mul3A_512 : vector<16xf32>
        %swap3A_526 = arith.index_cast %add3A_408 : i32 to index
        %swap3A_527 = arith.constant 32 : index
        %swap3A_528 = tpu.vector_load %arg15[%swap3A_526, %swap3A_527] {strides = array<i32>} : memref<64x128xf32, #tpu.memory_space<vmem>>, vector<1x16xf32>,
        %swap3A_529 = vector.shape_cast %swap3A_528 : vector<1x16xf32> to vector<16xf32>
        %swap3A_530 = vector.shape_cast %sub3A_525 : vector<16xf32> to vector<1x16xf32>
        tpu.vector_store %arg15[%swap3A_526, %swap3A_527], %swap3A_530 {strides = array<i32>} : memref<64x128xf32, #tpu.memory_space<vmem>>, vector<1x16xf32>,
        %sub3A_531 = arith.subf %get3A_424, %mul3A_512 : vector<16xf32>
        %swap3A_532 = arith.index_cast %add3A_408 : i32 to index
        %swap3A_533 = arith.constant 48 : index
        %swap3A_534 = tpu.vector_load %arg15[%swap3A_532, %swap3A_533] {strides = array<i32>} : memref<64x128xf32, #tpu.memory_space<vmem>>, vector<1x16xf32>,
        %swap3A_535 = vector.shape_cast %swap3A_534 : vector<1x16xf32> to vector<16xf32>
        %swap3A_536 = vector.shape_cast %sub3A_531 : vector<16xf32> to vector<1x16xf32>
        tpu.vector_store %arg15[%swap3A_532, %swap3A_533], %swap3A_536 {strides = array<i32>} : memref<64x128xf32, #tpu.memory_space<vmem>>, vector<1x16xf32>,
        %sub3A_537 = arith.subf %get3A_428, %mul3A_512 : vector<16xf32>
        %swap3A_538 = arith.index_cast %add3A_408 : i32 to index
        %swap3A_539 = arith.constant 64 : index
        %swap3A_540 = tpu.vector_load %arg15[%swap3A_538, %swap3A_539] {strides = array<i32>} : memref<64x128xf32, #tpu.memory_space<vmem>>, vector<1x16xf32>,
        %swap3A_541 = vector.shape_cast %swap3A_540 : vector<1x16xf32> to vector<16xf32>
        %swap3A_542 = vector.shape_cast %sub3A_537 : vector<16xf32> to vector<1x16xf32>
        tpu.vector_store %arg15[%swap3A_538, %swap3A_539], %swap3A_542 {strides = array<i32>} : memref<64x128xf32, #tpu.memory_space<vmem>>, vector<1x16xf32>,
        %sub3A_543 = arith.subf %get3A_432, %mul3A_512 : vector<16xf32>
        %swap3A_544 = arith.index_cast %add3A_408 : i32 to index
        %swap3A_545 = arith.constant 80 : index
        %swap3A_546 = tpu.vector_load %arg15[%swap3A_544, %swap3A_545] {strides = array<i32>} : memref<64x128xf32, #tpu.memory_space<vmem>>, vector<1x16xf32>,
        %swap3A_547 = vector.shape_cast %swap3A_546 : vector<1x16xf32> to vector<16xf32>
        %swap3A_548 = vector.shape_cast %sub3A_543 : vector<16xf32> to vector<1x16xf32>
        tpu.vector_store %arg15[%swap3A_544, %swap3A_545], %swap3A_548 {strides = array<i32>} : memref<64x128xf32, #tpu.memory_space<vmem>>, vector<1x16xf32>,
        %sub3A_549 = arith.subf %get3A_436, %mul3A_512 : vector<16xf32>
        %swap3A_550 = arith.index_cast %add3A_408 : i32 to index
        %swap3A_551 = arith.constant 96 : index
        %swap3A_552 = tpu.vector_load %arg15[%swap3A_550, %swap3A_551] {strides = array<i32>} : memref<64x128xf32, #tpu.memory_space<vmem>>, vector<1x16xf32>,
        %swap3A_553 = vector.shape_cast %swap3A_552 : vector<1x16xf32> to vector<16xf32>
        %swap3A_554 = vector.shape_cast %sub3A_549 : vector<16xf32> to vector<1x16xf32>
        tpu.vector_store %arg15[%swap3A_550, %swap3A_551], %swap3A_554 {strides = array<i32>} : memref<64x128xf32, #tpu.memory_space<vmem>>, vector<1x16xf32>,
        %sub3A_555 = arith.subf %get3A_440, %mul3A_512 : vector<16xf32>
        %swap3A_556 = arith.index_cast %add3A_408 : i32 to index
        %swap3A_557 = arith.constant 112 : index
        %swap3A_558 = tpu.vector_load %arg15[%swap3A_556, %swap3A_557] {strides = array<i32>} : memref<64x128xf32, #tpu.memory_space<vmem>>, vector<1x16xf32>,
        %swap3A_559 = vector.shape_cast %swap3A_558 : vector<1x16xf32> to vector<16xf32>
        %swap3A_560 = vector.shape_cast %sub3A_555 : vector<16xf32> to vector<1x16xf32>
        tpu.vector_store %arg15[%swap3A_556, %swap3A_557], %swap3A_560 {strides = array<i32>} : memref<64x128xf32, #tpu.memory_space<vmem>>, vector<1x16xf32>,
        %scan3A_561 = arith.constant 0 : i32
        scf.yield %scan3A_561 : i32
      }
      %scan3A_187 = arith.constant 32 : i32
      %mul3A_188 = arith.constant 64 : i32
      %mul3A_189 = arith.muli %add3A_169, %mul3A_188 : i32
      %add3A_190 = arith.addi %mul3A_2, %mul3A_189 : i32
      %dma_start3A_191 = arith.constant 0 : i32
      %dma_start3A_192 = tpu.memref_slice %arg4[%add3A_190, %dma_start3A_191] : memref<204800x128xf32, #tpu.memory_space<hbm>> -> memref<64x128xf32, #tpu.memory_space<hbm>>
      %dma_start3A_193 = arith.constant 0 : i32
      %dma_start3A_194 = tpu.memref_slice %arg4[%add3A_190, %dma_start3A_193] : memref<204800x128xf32, #tpu.memory_space<hbm>> -> memref<64x128xf32, #tpu.memory_space<hbm>>
      tpu.enqueue_dma source(%arg15 : memref<64x128xf32, #tpu.memory_space<vmem>>) target(%dma_start3A_194 : memref<64x128xf32, #tpu.memory_space<hbm>>) target_semaphore(%arg25 : memref<!tpu.dma_semaphore, #tpu.memory_space<semaphore_mem>>)
      %mul3A_195 = arith.constant 5 : i32
      %mul3A_196 = arith.muli %mul3A_195, %scan3A_80 : i32
      %add3A_197 = arith.constant 4 : i32
      %add3A_198 = arith.addi %mul3A_196, %add3A_197 : i32
      %mul3A_199 = arith.constant 64 : i32
      %mul3A_200 = arith.muli %add3A_198, %mul3A_199 : i32
      %dma_wait3A_201 = tpu.memref_slice %arg6[%mul3A_200] : memref<6400xi32, #tpu.memory_space<vmem>> -> memref<64xi32, #tpu.memory_space<vmem>>
      %dma_wait3A_202 = arith.constant 0 : i32
      %dma_wait3A_203 = arith.constant 0 : i32
      %dma_wait3A_204 = tpu.memref_slice %arg3[%dma_wait3A_202, %dma_wait3A_203] : memref<500000x128xf32, #tpu.memory_space<hbm>> -> memref<500000x128xf32, #tpu.memory_space<hbm>>
      tpu.wait_indirect_dma semaphore(%arg21 : memref<!tpu.dma_semaphore, #tpu.memory_space<semaphore_mem>>) src(%dma_wait3A_204 : memref<500000x128xf32, #tpu.memory_space<hbm>>) dst(%arg11 : memref<64x128xf32, #tpu.memory_space<vmem>>)
      %ge3A_205 = arith.constant 5 : i32
      %ge3A_206 = arith.cmpi sge, %add3A_198, %ge3A_205 : i32
      %convert_element_type3A_207 = arith.extui %ge3A_206 : i1 to i32
      %cond3A_208 = arith.constant 0 : i32
      %cond3A_209 = arith.cmpi ne, %convert_element_type3A_207, %cond3A_208 : i32
      scf.if %cond3A_209 {
        %sub3A = arith.constant 5 : i32
        %sub3A_259 = arith.subi %add3A_198, %sub3A : i32
        %mul3A_260 = arith.constant 64 : i32
        %mul3A_261 = arith.muli %sub3A_259, %mul3A_260 : i32
        %add3A_262 = arith.addi %mul3A_2, %mul3A_261 : i32
        %dma_wait3A_263 = arith.constant 0 : i32
        %dma_wait3A_264 = tpu.memref_slice %arg4[%add3A_262, %dma_wait3A_263] : memref<204800x128xf32, #tpu.memory_space<hbm>> -> memref<64x128xf32, #tpu.memory_space<hbm>>
        %dma_wait3A_265 = arith.constant 0 : i32
        %dma_wait3A_266 = tpu.memref_slice %arg4[%add3A_262, %dma_wait3A_265] : memref<204800x128xf32, #tpu.memory_space<hbm>> -> memref<64x128xf32, #tpu.memory_space<hbm>>
        tpu.wait_dma2 semaphore(%arg26 : memref<!tpu.dma_semaphore, #tpu.memory_space<semaphore_mem>>) src(%arg16 : memref<64x128xf32, #tpu.memory_space<vmem>>) dst(%dma_wait3A_266 : memref<64x128xf32, #tpu.memory_space<hbm>>)
      } else {
      }
      %scan3A_210 = arith.constant 0 : i32
      %scan3A_211 = arith.constant 0 : i32
      %scan3A_212 = arith.constant 32 : i32
      %scan3A_213 = arith.addi %scan3A_211, %scan3A_212 : i32
      %scan3A_214 = arith.constant 1 : i32
      %scan3A_215 = scf.for %scan3A_259 = %scan3A_211 to %scan3A_213 step %scan3A_214 iter_args(%scan3A_260 = %scan3A_210) -> (i32)  : i32 {
        %mul3A_261 = arith.constant 2 : i32
        %mul3A_262 = arith.muli %mul3A_261, %scan3A_259 : i32
        %get3A = arith.index_cast %mul3A_262 : i32 to index
        %get3A_263 = arith.constant 0 : index
        %get3A_264 = tpu.vector_load %arg11[%get3A, %get3A_263] {strides = array<i32>} : memref<64x128xf32, #tpu.memory_space<vmem>>, vector<1x16xf32>,
        %get3A_265 = vector.shape_cast %get3A_264 : vector<1x16xf32> to vector<16xf32>
        %get3A_266 = arith.index_cast %mul3A_262 : i32 to index
        %get3A_267 = arith.constant 16 : index
        %get3A_268 = tpu.vector_load %arg11[%get3A_266, %get3A_267] {strides = array<i32>} : memref<64x128xf32, #tpu.memory_space<vmem>>, vector<1x16xf32>,
        %get3A_269 = vector.shape_cast %get3A_268 : vector<1x16xf32> to vector<16xf32>
        %get3A_270 = arith.index_cast %mul3A_262 : i32 to index
        %get3A_271 = arith.constant 32 : index
        %get3A_272 = tpu.vector_load %arg11[%get3A_270, %get3A_271] {strides = array<i32>} : memref<64x128xf32, #tpu.memory_space<vmem>>, vector<1x16xf32>,
        %get3A_273 = vector.shape_cast %get3A_272 : vector<1x16xf32> to vector<16xf32>
        %get3A_274 = arith.index_cast %mul3A_262 : i32 to index
        %get3A_275 = arith.constant 48 : index
        %get3A_276 = tpu.vector_load %arg11[%get3A_274, %get3A_275] {strides = array<i32>} : memref<64x128xf32, #tpu.memory_space<vmem>>, vector<1x16xf32>,
        %get3A_277 = vector.shape_cast %get3A_276 : vector<1x16xf32> to vector<16xf32>
        %get3A_278 = arith.index_cast %mul3A_262 : i32 to index
        %get3A_279 = arith.constant 64 : index
        %get3A_280 = tpu.vector_load %arg11[%get3A_278, %get3A_279] {strides = array<i32>} : memref<64x128xf32, #tpu.memory_space<vmem>>, vector<1x16xf32>,
        %get3A_281 = vector.shape_cast %get3A_280 : vector<1x16xf32> to vector<16xf32>
        %get3A_282 = arith.index_cast %mul3A_262 : i32 to index
        %get3A_283 = arith.constant 80 : index
        %get3A_284 = tpu.vector_load %arg11[%get3A_282, %get3A_283] {strides = array<i32>} : memref<64x128xf32, #tpu.memory_space<vmem>>, vector<1x16xf32>,
        %get3A_285 = vector.shape_cast %get3A_284 : vector<1x16xf32> to vector<16xf32>
        %get3A_286 = arith.index_cast %mul3A_262 : i32 to index
        %get3A_287 = arith.constant 96 : index
        %get3A_288 = tpu.vector_load %arg11[%get3A_286, %get3A_287] {strides = array<i32>} : memref<64x128xf32, #tpu.memory_space<vmem>>, vector<1x16xf32>,
        %get3A_289 = vector.shape_cast %get3A_288 : vector<1x16xf32> to vector<16xf32>
        %get3A_290 = arith.index_cast %mul3A_262 : i32 to index
        %get3A_291 = arith.constant 112 : index
        %get3A_292 = tpu.vector_load %arg11[%get3A_290, %get3A_291] {strides = array<i32>} : memref<64x128xf32, #tpu.memory_space<vmem>>, vector<1x16xf32>,
        %get3A_293 = vector.shape_cast %get3A_292 : vector<1x16xf32> to vector<16xf32>
        %exp3A = math.exp %get3A_265 : vector<16xf32>
        %exp3A_294 = math.exp %get3A_269 : vector<16xf32>
        %exp3A_295 = math.exp %get3A_273 : vector<16xf32>
        %exp3A_296 = math.exp %get3A_277 : vector<16xf32>
        %exp3A_297 = math.exp %get3A_281 : vector<16xf32>
        %exp3A_298 = math.exp %get3A_285 : vector<16xf32>
        %exp3A_299 = math.exp %get3A_289 : vector<16xf32>
        %exp3A_300 = math.exp %get3A_293 : vector<16xf32>
        %add3A_301 = arith.addf %exp3A, %exp3A_294 : vector<16xf32>
        %add3A_302 = arith.addf %exp3A_295, %exp3A_296 : vector<16xf32>
        %add3A_303 = arith.addf %exp3A_297, %exp3A_298 : vector<16xf32>
        %add3A_304 = arith.addf %exp3A_299, %exp3A_300 : vector<16xf32>
        %add3A_305 = arith.addf %add3A_301, %add3A_302 : vector<16xf32>
        %add3A_306 = arith.addf %add3A_303, %add3A_304 : vector<16xf32>
        %add3A_307 = arith.addf %add3A_305, %add3A_306 : vector<16xf32>
        %broadcast_in_dim3A = vector.shape_cast %xor3A_4 : vector<16xi32> to vector<16x1xi32>
        %gather3A = vector.shape_cast %broadcast_in_dim3A : vector<16x1xi32> to vector<16xi32>
        %gather3A_308 = tpu.dynamic_gather %add3A_307[%gather3A] in [0] : vector<16xf32>, vector<16xi32> -> vector<16xf32>
        %add3A_309 = arith.addf %add3A_307, %gather3A_308 : vector<16xf32>
        %broadcast_in_dim3A_310 = vector.shape_cast %xor3A_7 : vector<16xi32> to vector<16x1xi32>
        %gather3A_311 = vector.shape_cast %broadcast_in_dim3A_310 : vector<16x1xi32> to vector<16xi32>
        %gather3A_312 = tpu.dynamic_gather %add3A_309[%gather3A_311] in [0] : vector<16xf32>, vector<16xi32> -> vector<16xf32>
        %add3A_313 = arith.addf %add3A_309, %gather3A_312 : vector<16xf32>
        %broadcast_in_dim3A_314 = vector.shape_cast %xor3A_10 : vector<16xi32> to vector<16x1xi32>
        %gather3A_315 = vector.shape_cast %broadcast_in_dim3A_314 : vector<16x1xi32> to vector<16xi32>
        %gather3A_316 = tpu.dynamic_gather %add3A_313[%gather3A_315] in [0] : vector<16xf32>, vector<16xi32> -> vector<16xf32>
        %add3A_317 = arith.addf %add3A_313, %gather3A_316 : vector<16xf32>
        %broadcast_in_dim3A_318 = vector.shape_cast %xor3A_13 : vector<16xi32> to vector<16x1xi32>
        %gather3A_319 = vector.shape_cast %broadcast_in_dim3A_318 : vector<16x1xi32> to vector<16xi32>
        %gather3A_320 = tpu.dynamic_gather %add3A_317[%gather3A_319] in [0] : vector<16xf32>, vector<16xi32> -> vector<16xf32>
        %add3A_321 = arith.addf %add3A_317, %gather3A_320 : vector<16xf32>
        %bitcast_convert_type3A = tpu.bitcast %add3A_321 : vector<16xf32> -> vector<16xi32>
        %shift_right_logical3A = arith.constant 23 : i32
        %shift_right_logical3A_322 = vector.broadcast %shift_right_logical3A : i32 to vector<16xi32>
        %shift_right_logical3A_323 = arith.shrui %bitcast_convert_type3A, %shift_right_logical3A_322 : vector<16xi32>
        %sub3A = arith.constant 127 : i32
        %sub3A_324 = vector.broadcast %sub3A : i32 to vector<16xi32>
        %sub3A_325 = arith.subi %shift_right_logical3A_323, %sub3A_324 : vector<16xi32>
        %and3A = arith.constant 8388607 : i32
        %and3A_326 = vector.broadcast %and3A : i32 to vector<16xi32>
        %and3A_327 = arith.andi %bitcast_convert_type3A, %and3A_326 : vector<16xi32>
        %or3A = arith.constant 1065353216 : i32
        %or3A_328 = vector.broadcast %or3A : i32 to vector<16xi32>
        %or3A_329 = arith.ori %and3A_327, %or3A_328 : vector<16xi32>
        %bitcast_convert_type3A_330 = tpu.bitcast %or3A_329 : vector<16xi32> -> vector<16xf32>
        %mul3A_331 = arith.constant 0.0439287201 : f32
        %mul3A_332 = vector.broadcast %mul3A_331 : f32 to vector<16xf32>
        %mul3A_333 = arith.mulf %mul3A_332, %bitcast_convert_type3A_330 : vector<16xf32>
        %add3A_334 = arith.constant -0.409476459 : f32
        %add3A_335 = vector.broadcast %add3A_334 : f32 to vector<16xf32>
        %add3A_336 = arith.addf %mul3A_333, %add3A_335 : vector<16xf32>
        %mul3A_337 = arith.mulf %add3A_336, %bitcast_convert_type3A_330 : vector<16xf32>
        %add3A_338 = arith.constant 1.61018062 : f32
        %add3A_339 = vector.broadcast %add3A_338 : f32 to vector<16xf32>
        %add3A_340 = arith.addf %mul3A_337, %add3A_339 : vector<16xf32>
        %mul3A_341 = arith.mulf %add3A_340, %bitcast_convert_type3A_330 : vector<16xf32>
        %add3A_342 = arith.constant -3.52022409 : f32
        %add3A_343 = vector.broadcast %add3A_342 : f32 to vector<16xf32>
        %add3A_344 = arith.addf %mul3A_341, %add3A_343 : vector<16xf32>
        %mul3A_345 = arith.mulf %add3A_344, %bitcast_convert_type3A_330 : vector<16xf32>
        %add3A_346 = arith.constant 5.0697608 : f32
        %add3A_347 = vector.broadcast %add3A_346 : f32 to vector<16xf32>
        %add3A_348 = arith.addf %mul3A_345, %add3A_347 : vector<16xf32>
        %mul3A_349 = arith.mulf %add3A_348, %bitcast_convert_type3A_330 : vector<16xf32>
        %add3A_350 = arith.constant -2.79415512 : f32
        %add3A_351 = vector.broadcast %add3A_350 : f32 to vector<16xf32>
        %add3A_352 = arith.addf %mul3A_349, %add3A_351 : vector<16xf32>
        %convert_element_type3A_353 = arith.sitofp %sub3A_325 : vector<16xi32> to vector<16xf32>
        %add3A_354 = arith.addf %convert_element_type3A_353, %add3A_352 : vector<16xf32>
        %mul3A_355 = arith.constant 0.693147182 : f32
        %mul3A_356 = vector.broadcast %mul3A_355 : f32 to vector<16xf32>
        %mul3A_357 = arith.mulf %add3A_354, %mul3A_356 : vector<16xf32>
        %sub3A_358 = arith.subf %get3A_265, %mul3A_357 : vector<16xf32>
        %swap3A = arith.index_cast %mul3A_262 : i32 to index
        %swap3A_359 = arith.constant 0 : index
        %swap3A_360 = tpu.vector_load %arg16[%swap3A, %swap3A_359] {strides = array<i32>} : memref<64x128xf32, #tpu.memory_space<vmem>>, vector<1x16xf32>,
        %swap3A_361 = vector.shape_cast %swap3A_360 : vector<1x16xf32> to vector<16xf32>
        %swap3A_362 = vector.shape_cast %sub3A_358 : vector<16xf32> to vector<1x16xf32>
        tpu.vector_store %arg16[%swap3A, %swap3A_359], %swap3A_362 {strides = array<i32>} : memref<64x128xf32, #tpu.memory_space<vmem>>, vector<1x16xf32>,
        %sub3A_363 = arith.subf %get3A_269, %mul3A_357 : vector<16xf32>
        %swap3A_364 = arith.index_cast %mul3A_262 : i32 to index
        %swap3A_365 = arith.constant 16 : index
        %swap3A_366 = tpu.vector_load %arg16[%swap3A_364, %swap3A_365] {strides = array<i32>} : memref<64x128xf32, #tpu.memory_space<vmem>>, vector<1x16xf32>,
        %swap3A_367 = vector.shape_cast %swap3A_366 : vector<1x16xf32> to vector<16xf32>
        %swap3A_368 = vector.shape_cast %sub3A_363 : vector<16xf32> to vector<1x16xf32>
        tpu.vector_store %arg16[%swap3A_364, %swap3A_365], %swap3A_368 {strides = array<i32>} : memref<64x128xf32, #tpu.memory_space<vmem>>, vector<1x16xf32>,
        %sub3A_369 = arith.subf %get3A_273, %mul3A_357 : vector<16xf32>
        %swap3A_370 = arith.index_cast %mul3A_262 : i32 to index
        %swap3A_371 = arith.constant 32 : index
        %swap3A_372 = tpu.vector_load %arg16[%swap3A_370, %swap3A_371] {strides = array<i32>} : memref<64x128xf32, #tpu.memory_space<vmem>>, vector<1x16xf32>,
        %swap3A_373 = vector.shape_cast %swap3A_372 : vector<1x16xf32> to vector<16xf32>
        %swap3A_374 = vector.shape_cast %sub3A_369 : vector<16xf32> to vector<1x16xf32>
        tpu.vector_store %arg16[%swap3A_370, %swap3A_371], %swap3A_374 {strides = array<i32>} : memref<64x128xf32, #tpu.memory_space<vmem>>, vector<1x16xf32>,
        %sub3A_375 = arith.subf %get3A_277, %mul3A_357 : vector<16xf32>
        %swap3A_376 = arith.index_cast %mul3A_262 : i32 to index
        %swap3A_377 = arith.constant 48 : index
        %swap3A_378 = tpu.vector_load %arg16[%swap3A_376, %swap3A_377] {strides = array<i32>} : memref<64x128xf32, #tpu.memory_space<vmem>>, vector<1x16xf32>,
        %swap3A_379 = vector.shape_cast %swap3A_378 : vector<1x16xf32> to vector<16xf32>
        %swap3A_380 = vector.shape_cast %sub3A_375 : vector<16xf32> to vector<1x16xf32>
        tpu.vector_store %arg16[%swap3A_376, %swap3A_377], %swap3A_380 {strides = array<i32>} : memref<64x128xf32, #tpu.memory_space<vmem>>, vector<1x16xf32>,
        %sub3A_381 = arith.subf %get3A_281, %mul3A_357 : vector<16xf32>
        %swap3A_382 = arith.index_cast %mul3A_262 : i32 to index
        %swap3A_383 = arith.constant 64 : index
        %swap3A_384 = tpu.vector_load %arg16[%swap3A_382, %swap3A_383] {strides = array<i32>} : memref<64x128xf32, #tpu.memory_space<vmem>>, vector<1x16xf32>,
        %swap3A_385 = vector.shape_cast %swap3A_384 : vector<1x16xf32> to vector<16xf32>
        %swap3A_386 = vector.shape_cast %sub3A_381 : vector<16xf32> to vector<1x16xf32>
        tpu.vector_store %arg16[%swap3A_382, %swap3A_383], %swap3A_386 {strides = array<i32>} : memref<64x128xf32, #tpu.memory_space<vmem>>, vector<1x16xf32>,
        %sub3A_387 = arith.subf %get3A_285, %mul3A_357 : vector<16xf32>
        %swap3A_388 = arith.index_cast %mul3A_262 : i32 to index
        %swap3A_389 = arith.constant 80 : index
        %swap3A_390 = tpu.vector_load %arg16[%swap3A_388, %swap3A_389] {strides = array<i32>} : memref<64x128xf32, #tpu.memory_space<vmem>>, vector<1x16xf32>,
        %swap3A_391 = vector.shape_cast %swap3A_390 : vector<1x16xf32> to vector<16xf32>
        %swap3A_392 = vector.shape_cast %sub3A_387 : vector<16xf32> to vector<1x16xf32>
        tpu.vector_store %arg16[%swap3A_388, %swap3A_389], %swap3A_392 {strides = array<i32>} : memref<64x128xf32, #tpu.memory_space<vmem>>, vector<1x16xf32>,
        %sub3A_393 = arith.subf %get3A_289, %mul3A_357 : vector<16xf32>
        %swap3A_394 = arith.index_cast %mul3A_262 : i32 to index
        %swap3A_395 = arith.constant 96 : index
        %swap3A_396 = tpu.vector_load %arg16[%swap3A_394, %swap3A_395] {strides = array<i32>} : memref<64x128xf32, #tpu.memory_space<vmem>>, vector<1x16xf32>,
        %swap3A_397 = vector.shape_cast %swap3A_396 : vector<1x16xf32> to vector<16xf32>
        %swap3A_398 = vector.shape_cast %sub3A_393 : vector<16xf32> to vector<1x16xf32>
        tpu.vector_store %arg16[%swap3A_394, %swap3A_395], %swap3A_398 {strides = array<i32>} : memref<64x128xf32, #tpu.memory_space<vmem>>, vector<1x16xf32>,
        %sub3A_399 = arith.subf %get3A_293, %mul3A_357 : vector<16xf32>
        %swap3A_400 = arith.index_cast %mul3A_262 : i32 to index
        %swap3A_401 = arith.constant 112 : index
        %swap3A_402 = tpu.vector_load %arg16[%swap3A_400, %swap3A_401] {strides = array<i32>} : memref<64x128xf32, #tpu.memory_space<vmem>>, vector<1x16xf32>,
        %swap3A_403 = vector.shape_cast %swap3A_402 : vector<1x16xf32> to vector<16xf32>
        %swap3A_404 = vector.shape_cast %sub3A_399 : vector<16xf32> to vector<1x16xf32>
        tpu.vector_store %arg16[%swap3A_400, %swap3A_401], %swap3A_404 {strides = array<i32>} : memref<64x128xf32, #tpu.memory_space<vmem>>, vector<1x16xf32>,
        %mul3A_405 = arith.constant 2 : i32
        %mul3A_406 = arith.muli %mul3A_405, %scan3A_259 : i32
        %add3A_407 = arith.constant 1 : i32
        %add3A_408 = arith.addi %mul3A_406, %add3A_407 : i32
        %get3A_409 = arith.index_cast %add3A_408 : i32 to index
        %get3A_410 = arith.constant 0 : index
        %get3A_411 = tpu.vector_load %arg11[%get3A_409, %get3A_410] {strides = array<i32>} : memref<64x128xf32, #tpu.memory_space<vmem>>, vector<1x16xf32>,
        %get3A_412 = vector.shape_cast %get3A_411 : vector<1x16xf32> to vector<16xf32>
        %get3A_413 = arith.index_cast %add3A_408 : i32 to index
        %get3A_414 = arith.constant 16 : index
        %get3A_415 = tpu.vector_load %arg11[%get3A_413, %get3A_414] {strides = array<i32>} : memref<64x128xf32, #tpu.memory_space<vmem>>, vector<1x16xf32>,
        %get3A_416 = vector.shape_cast %get3A_415 : vector<1x16xf32> to vector<16xf32>
        %get3A_417 = arith.index_cast %add3A_408 : i32 to index
        %get3A_418 = arith.constant 32 : index
        %get3A_419 = tpu.vector_load %arg11[%get3A_417, %get3A_418] {strides = array<i32>} : memref<64x128xf32, #tpu.memory_space<vmem>>, vector<1x16xf32>,
        %get3A_420 = vector.shape_cast %get3A_419 : vector<1x16xf32> to vector<16xf32>
        %get3A_421 = arith.index_cast %add3A_408 : i32 to index
        %get3A_422 = arith.constant 48 : index
        %get3A_423 = tpu.vector_load %arg11[%get3A_421, %get3A_422] {strides = array<i32>} : memref<64x128xf32, #tpu.memory_space<vmem>>, vector<1x16xf32>,
        %get3A_424 = vector.shape_cast %get3A_423 : vector<1x16xf32> to vector<16xf32>
        %get3A_425 = arith.index_cast %add3A_408 : i32 to index
        %get3A_426 = arith.constant 64 : index
        %get3A_427 = tpu.vector_load %arg11[%get3A_425, %get3A_426] {strides = array<i32>} : memref<64x128xf32, #tpu.memory_space<vmem>>, vector<1x16xf32>,
        %get3A_428 = vector.shape_cast %get3A_427 : vector<1x16xf32> to vector<16xf32>
        %get3A_429 = arith.index_cast %add3A_408 : i32 to index
        %get3A_430 = arith.constant 80 : index
        %get3A_431 = tpu.vector_load %arg11[%get3A_429, %get3A_430] {strides = array<i32>} : memref<64x128xf32, #tpu.memory_space<vmem>>, vector<1x16xf32>,
        %get3A_432 = vector.shape_cast %get3A_431 : vector<1x16xf32> to vector<16xf32>
        %get3A_433 = arith.index_cast %add3A_408 : i32 to index
        %get3A_434 = arith.constant 96 : index
        %get3A_435 = tpu.vector_load %arg11[%get3A_433, %get3A_434] {strides = array<i32>} : memref<64x128xf32, #tpu.memory_space<vmem>>, vector<1x16xf32>,
        %get3A_436 = vector.shape_cast %get3A_435 : vector<1x16xf32> to vector<16xf32>
        %get3A_437 = arith.index_cast %add3A_408 : i32 to index
        %get3A_438 = arith.constant 112 : index
        %get3A_439 = tpu.vector_load %arg11[%get3A_437, %get3A_438] {strides = array<i32>} : memref<64x128xf32, #tpu.memory_space<vmem>>, vector<1x16xf32>,
        %get3A_440 = vector.shape_cast %get3A_439 : vector<1x16xf32> to vector<16xf32>
        %exp3A_441 = math.exp %get3A_412 : vector<16xf32>
        %exp3A_442 = math.exp %get3A_416 : vector<16xf32>
        %exp3A_443 = math.exp %get3A_420 : vector<16xf32>
        %exp3A_444 = math.exp %get3A_424 : vector<16xf32>
        %exp3A_445 = math.exp %get3A_428 : vector<16xf32>
        %exp3A_446 = math.exp %get3A_432 : vector<16xf32>
        %exp3A_447 = math.exp %get3A_436 : vector<16xf32>
        %exp3A_448 = math.exp %get3A_440 : vector<16xf32>
        %add3A_449 = arith.addf %exp3A_441, %exp3A_442 : vector<16xf32>
        %add3A_450 = arith.addf %exp3A_443, %exp3A_444 : vector<16xf32>
        %add3A_451 = arith.addf %exp3A_445, %exp3A_446 : vector<16xf32>
        %add3A_452 = arith.addf %exp3A_447, %exp3A_448 : vector<16xf32>
        %add3A_453 = arith.addf %add3A_449, %add3A_450 : vector<16xf32>
        %add3A_454 = arith.addf %add3A_451, %add3A_452 : vector<16xf32>
        %add3A_455 = arith.addf %add3A_453, %add3A_454 : vector<16xf32>
        %broadcast_in_dim3A_456 = vector.shape_cast %xor3A_4 : vector<16xi32> to vector<16x1xi32>
        %gather3A_457 = vector.shape_cast %broadcast_in_dim3A_456 : vector<16x1xi32> to vector<16xi32>
        %gather3A_458 = tpu.dynamic_gather %add3A_455[%gather3A_457] in [0] : vector<16xf32>, vector<16xi32> -> vector<16xf32>
        %add3A_459 = arith.addf %add3A_455, %gather3A_458 : vector<16xf32>
        %broadcast_in_dim3A_460 = vector.shape_cast %xor3A_7 : vector<16xi32> to vector<16x1xi32>
        %gather3A_461 = vector.shape_cast %broadcast_in_dim3A_460 : vector<16x1xi32> to vector<16xi32>
        %gather3A_462 = tpu.dynamic_gather %add3A_459[%gather3A_461] in [0] : vector<16xf32>, vector<16xi32> -> vector<16xf32>
        %add3A_463 = arith.addf %add3A_459, %gather3A_462 : vector<16xf32>
        %broadcast_in_dim3A_464 = vector.shape_cast %xor3A_10 : vector<16xi32> to vector<16x1xi32>
        %gather3A_465 = vector.shape_cast %broadcast_in_dim3A_464 : vector<16x1xi32> to vector<16xi32>
        %gather3A_466 = tpu.dynamic_gather %add3A_463[%gather3A_465] in [0] : vector<16xf32>, vector<16xi32> -> vector<16xf32>
        %add3A_467 = arith.addf %add3A_463, %gather3A_466 : vector<16xf32>
        %broadcast_in_dim3A_468 = vector.shape_cast %xor3A_13 : vector<16xi32> to vector<16x1xi32>
        %gather3A_469 = vector.shape_cast %broadcast_in_dim3A_468 : vector<16x1xi32> to vector<16xi32>
        %gather3A_470 = tpu.dynamic_gather %add3A_467[%gather3A_469] in [0] : vector<16xf32>, vector<16xi32> -> vector<16xf32>
        %add3A_471 = arith.addf %add3A_467, %gather3A_470 : vector<16xf32>
        %bitcast_convert_type3A_472 = tpu.bitcast %add3A_471 : vector<16xf32> -> vector<16xi32>
        %shift_right_logical3A_473 = arith.constant 23 : i32
        %shift_right_logical3A_474 = vector.broadcast %shift_right_logical3A_473 : i32 to vector<16xi32>
        %shift_right_logical3A_475 = arith.shrui %bitcast_convert_type3A_472, %shift_right_logical3A_474 : vector<16xi32>
        %sub3A_476 = arith.constant 127 : i32
        %sub3A_477 = vector.broadcast %sub3A_476 : i32 to vector<16xi32>
        %sub3A_478 = arith.subi %shift_right_logical3A_475, %sub3A_477 : vector<16xi32>
        %and3A_479 = arith.constant 8388607 : i32
        %and3A_480 = vector.broadcast %and3A_479 : i32 to vector<16xi32>
        %and3A_481 = arith.andi %bitcast_convert_type3A_472, %and3A_480 : vector<16xi32>
        %or3A_482 = arith.constant 1065353216 : i32
        %or3A_483 = vector.broadcast %or3A_482 : i32 to vector<16xi32>
        %or3A_484 = arith.ori %and3A_481, %or3A_483 : vector<16xi32>
        %bitcast_convert_type3A_485 = tpu.bitcast %or3A_484 : vector<16xi32> -> vector<16xf32>
        %mul3A_486 = arith.constant 0.0439287201 : f32
        %mul3A_487 = vector.broadcast %mul3A_486 : f32 to vector<16xf32>
        %mul3A_488 = arith.mulf %mul3A_487, %bitcast_convert_type3A_485 : vector<16xf32>
        %add3A_489 = arith.constant -0.409476459 : f32
        %add3A_490 = vector.broadcast %add3A_489 : f32 to vector<16xf32>
        %add3A_491 = arith.addf %mul3A_488, %add3A_490 : vector<16xf32>
        %mul3A_492 = arith.mulf %add3A_491, %bitcast_convert_type3A_485 : vector<16xf32>
        %add3A_493 = arith.constant 1.61018062 : f32
        %add3A_494 = vector.broadcast %add3A_493 : f32 to vector<16xf32>
        %add3A_495 = arith.addf %mul3A_492, %add3A_494 : vector<16xf32>
        %mul3A_496 = arith.mulf %add3A_495, %bitcast_convert_type3A_485 : vector<16xf32>
        %add3A_497 = arith.constant -3.52022409 : f32
        %add3A_498 = vector.broadcast %add3A_497 : f32 to vector<16xf32>
        %add3A_499 = arith.addf %mul3A_496, %add3A_498 : vector<16xf32>
        %mul3A_500 = arith.mulf %add3A_499, %bitcast_convert_type3A_485 : vector<16xf32>
        %add3A_501 = arith.constant 5.0697608 : f32
        %add3A_502 = vector.broadcast %add3A_501 : f32 to vector<16xf32>
        %add3A_503 = arith.addf %mul3A_500, %add3A_502 : vector<16xf32>
        %mul3A_504 = arith.mulf %add3A_503, %bitcast_convert_type3A_485 : vector<16xf32>
        %add3A_505 = arith.constant -2.79415512 : f32
        %add3A_506 = vector.broadcast %add3A_505 : f32 to vector<16xf32>
        %add3A_507 = arith.addf %mul3A_504, %add3A_506 : vector<16xf32>
        %convert_element_type3A_508 = arith.sitofp %sub3A_478 : vector<16xi32> to vector<16xf32>
        %add3A_509 = arith.addf %convert_element_type3A_508, %add3A_507 : vector<16xf32>
        %mul3A_510 = arith.constant 0.693147182 : f32
        %mul3A_511 = vector.broadcast %mul3A_510 : f32 to vector<16xf32>
        %mul3A_512 = arith.mulf %add3A_509, %mul3A_511 : vector<16xf32>
        %sub3A_513 = arith.subf %get3A_412, %mul3A_512 : vector<16xf32>
        %swap3A_514 = arith.index_cast %add3A_408 : i32 to index
        %swap3A_515 = arith.constant 0 : index
        %swap3A_516 = tpu.vector_load %arg16[%swap3A_514, %swap3A_515] {strides = array<i32>} : memref<64x128xf32, #tpu.memory_space<vmem>>, vector<1x16xf32>,
        %swap3A_517 = vector.shape_cast %swap3A_516 : vector<1x16xf32> to vector<16xf32>
        %swap3A_518 = vector.shape_cast %sub3A_513 : vector<16xf32> to vector<1x16xf32>
        tpu.vector_store %arg16[%swap3A_514, %swap3A_515], %swap3A_518 {strides = array<i32>} : memref<64x128xf32, #tpu.memory_space<vmem>>, vector<1x16xf32>,
        %sub3A_519 = arith.subf %get3A_416, %mul3A_512 : vector<16xf32>
        %swap3A_520 = arith.index_cast %add3A_408 : i32 to index
        %swap3A_521 = arith.constant 16 : index
        %swap3A_522 = tpu.vector_load %arg16[%swap3A_520, %swap3A_521] {strides = array<i32>} : memref<64x128xf32, #tpu.memory_space<vmem>>, vector<1x16xf32>,
        %swap3A_523 = vector.shape_cast %swap3A_522 : vector<1x16xf32> to vector<16xf32>
        %swap3A_524 = vector.shape_cast %sub3A_519 : vector<16xf32> to vector<1x16xf32>
        tpu.vector_store %arg16[%swap3A_520, %swap3A_521], %swap3A_524 {strides = array<i32>} : memref<64x128xf32, #tpu.memory_space<vmem>>, vector<1x16xf32>,
        %sub3A_525 = arith.subf %get3A_420, %mul3A_512 : vector<16xf32>
        %swap3A_526 = arith.index_cast %add3A_408 : i32 to index
        %swap3A_527 = arith.constant 32 : index
        %swap3A_528 = tpu.vector_load %arg16[%swap3A_526, %swap3A_527] {strides = array<i32>} : memref<64x128xf32, #tpu.memory_space<vmem>>, vector<1x16xf32>,
        %swap3A_529 = vector.shape_cast %swap3A_528 : vector<1x16xf32> to vector<16xf32>
        %swap3A_530 = vector.shape_cast %sub3A_525 : vector<16xf32> to vector<1x16xf32>
        tpu.vector_store %arg16[%swap3A_526, %swap3A_527], %swap3A_530 {strides = array<i32>} : memref<64x128xf32, #tpu.memory_space<vmem>>, vector<1x16xf32>,
        %sub3A_531 = arith.subf %get3A_424, %mul3A_512 : vector<16xf32>
        %swap3A_532 = arith.index_cast %add3A_408 : i32 to index
        %swap3A_533 = arith.constant 48 : index
        %swap3A_534 = tpu.vector_load %arg16[%swap3A_532, %swap3A_533] {strides = array<i32>} : memref<64x128xf32, #tpu.memory_space<vmem>>, vector<1x16xf32>,
        %swap3A_535 = vector.shape_cast %swap3A_534 : vector<1x16xf32> to vector<16xf32>
        %swap3A_536 = vector.shape_cast %sub3A_531 : vector<16xf32> to vector<1x16xf32>
        tpu.vector_store %arg16[%swap3A_532, %swap3A_533], %swap3A_536 {strides = array<i32>} : memref<64x128xf32, #tpu.memory_space<vmem>>, vector<1x16xf32>,
        %sub3A_537 = arith.subf %get3A_428, %mul3A_512 : vector<16xf32>
        %swap3A_538 = arith.index_cast %add3A_408 : i32 to index
        %swap3A_539 = arith.constant 64 : index
        %swap3A_540 = tpu.vector_load %arg16[%swap3A_538, %swap3A_539] {strides = array<i32>} : memref<64x128xf32, #tpu.memory_space<vmem>>, vector<1x16xf32>,
        %swap3A_541 = vector.shape_cast %swap3A_540 : vector<1x16xf32> to vector<16xf32>
        %swap3A_542 = vector.shape_cast %sub3A_537 : vector<16xf32> to vector<1x16xf32>
        tpu.vector_store %arg16[%swap3A_538, %swap3A_539], %swap3A_542 {strides = array<i32>} : memref<64x128xf32, #tpu.memory_space<vmem>>, vector<1x16xf32>,
        %sub3A_543 = arith.subf %get3A_432, %mul3A_512 : vector<16xf32>
        %swap3A_544 = arith.index_cast %add3A_408 : i32 to index
        %swap3A_545 = arith.constant 80 : index
        %swap3A_546 = tpu.vector_load %arg16[%swap3A_544, %swap3A_545] {strides = array<i32>} : memref<64x128xf32, #tpu.memory_space<vmem>>, vector<1x16xf32>,
        %swap3A_547 = vector.shape_cast %swap3A_546 : vector<1x16xf32> to vector<16xf32>
        %swap3A_548 = vector.shape_cast %sub3A_543 : vector<16xf32> to vector<1x16xf32>
        tpu.vector_store %arg16[%swap3A_544, %swap3A_545], %swap3A_548 {strides = array<i32>} : memref<64x128xf32, #tpu.memory_space<vmem>>, vector<1x16xf32>,
        %sub3A_549 = arith.subf %get3A_436, %mul3A_512 : vector<16xf32>
        %swap3A_550 = arith.index_cast %add3A_408 : i32 to index
        %swap3A_551 = arith.constant 96 : index
        %swap3A_552 = tpu.vector_load %arg16[%swap3A_550, %swap3A_551] {strides = array<i32>} : memref<64x128xf32, #tpu.memory_space<vmem>>, vector<1x16xf32>,
        %swap3A_553 = vector.shape_cast %swap3A_552 : vector<1x16xf32> to vector<16xf32>
        %swap3A_554 = vector.shape_cast %sub3A_549 : vector<16xf32> to vector<1x16xf32>
        tpu.vector_store %arg16[%swap3A_550, %swap3A_551], %swap3A_554 {strides = array<i32>} : memref<64x128xf32, #tpu.memory_space<vmem>>, vector<1x16xf32>,
        %sub3A_555 = arith.subf %get3A_440, %mul3A_512 : vector<16xf32>
        %swap3A_556 = arith.index_cast %add3A_408 : i32 to index
        %swap3A_557 = arith.constant 112 : index
        %swap3A_558 = tpu.vector_load %arg16[%swap3A_556, %swap3A_557] {strides = array<i32>} : memref<64x128xf32, #tpu.memory_space<vmem>>, vector<1x16xf32>,
        %swap3A_559 = vector.shape_cast %swap3A_558 : vector<1x16xf32> to vector<16xf32>
        %swap3A_560 = vector.shape_cast %sub3A_555 : vector<16xf32> to vector<1x16xf32>
        tpu.vector_store %arg16[%swap3A_556, %swap3A_557], %swap3A_560 {strides = array<i32>} : memref<64x128xf32, #tpu.memory_space<vmem>>, vector<1x16xf32>,
        %scan3A_561 = arith.constant 0 : i32
        scf.yield %scan3A_561 : i32
      }
      %scan3A_216 = arith.constant 32 : i32
      %mul3A_217 = arith.constant 64 : i32
      %mul3A_218 = arith.muli %add3A_198, %mul3A_217 : i32
      %add3A_219 = arith.addi %mul3A_2, %mul3A_218 : i32
      %dma_start3A_220 = arith.constant 0 : i32
      %dma_start3A_221 = tpu.memref_slice %arg4[%add3A_219, %dma_start3A_220] : memref<204800x128xf32, #tpu.memory_space<hbm>> -> memref<64x128xf32, #tpu.memory_space<hbm>>
      %dma_start3A_222 = arith.constant 0 : i32
      %dma_start3A_223 = tpu.memref_slice %arg4[%add3A_219, %dma_start3A_222] : memref<204800x128xf32, #tpu.memory_space<hbm>> -> memref<64x128xf32, #tpu.memory_space<hbm>>
      tpu.enqueue_dma source(%arg16 : memref<64x128xf32, #tpu.memory_space<vmem>>) target(%dma_start3A_223 : memref<64x128xf32, #tpu.memory_space<hbm>>) target_semaphore(%arg26 : memref<!tpu.dma_semaphore, #tpu.memory_space<semaphore_mem>>)
      %add3A_224 = arith.constant 1 : i32
      %add3A_225 = arith.addi %scan3A_80, %add3A_224 : i32
      %lt3A = arith.constant 20 : i32
      %lt3A_226 = arith.cmpi slt, %add3A_225, %lt3A : i32
      %convert_element_type3A_227 = arith.extui %lt3A_226 : i1 to i32
      %cond3A_228 = arith.constant 0 : i32
      %cond3A_229 = arith.cmpi ne, %convert_element_type3A_227, %cond3A_228 : i32
      scf.if %cond3A_229 {
        %add3A_259 = arith.constant 1 : i32
        %add3A_260 = arith.addi %scan3A_80, %add3A_259 : i32
        %mul3A_261 = arith.constant 5 : i32
        %mul3A_262 = arith.muli %mul3A_261, %add3A_260 : i32
        %add3A_263 = arith.constant 0 : i32
        %add3A_264 = arith.addi %mul3A_262, %add3A_263 : i32
        %mul3A_265 = arith.constant 64 : i32
        %mul3A_266 = arith.muli %add3A_264, %mul3A_265 : i32
        %dma_start3A_267 = tpu.memref_slice %arg6[%mul3A_266] : memref<6400xi32, #tpu.memory_space<vmem>> -> memref<64xi32, #tpu.memory_space<vmem>>
        %dma_start3A_268 = arith.constant 0 : i32
        %dma_start3A_269 = arith.constant 0 : i32
        %dma_start3A_270 = tpu.memref_slice %arg3[%dma_start3A_268, %dma_start3A_269] : memref<500000x128xf32, #tpu.memory_space<hbm>> -> memref<500000x128xf32, #tpu.memory_space<hbm>>
        tpu.enqueue_indirect_dma source(%dma_start3A_270 : memref<500000x128xf32, #tpu.memory_space<hbm>>) target(%arg7 : memref<64x128xf32, #tpu.memory_space<vmem>>) offsets(%dma_start3A_267 : memref<64xi32, #tpu.memory_space<vmem>>) semaphore(%arg17 : memref<!tpu.dma_semaphore, #tpu.memory_space<semaphore_mem>>)
      } else {
      }
      %add3A_230 = arith.constant 1 : i32
      %add3A_231 = arith.addi %scan3A_80, %add3A_230 : i32
      %lt3A_232 = arith.constant 20 : i32
      %lt3A_233 = arith.cmpi slt, %add3A_231, %lt3A_232 : i32
      %convert_element_type3A_234 = arith.extui %lt3A_233 : i1 to i32
      %cond3A_235 = arith.constant 0 : i32
      %cond3A_236 = arith.cmpi ne, %convert_element_type3A_234, %cond3A_235 : i32
      scf.if %cond3A_236 {
        %add3A_259 = arith.constant 1 : i32
        %add3A_260 = arith.addi %scan3A_80, %add3A_259 : i32
        %mul3A_261 = arith.constant 5 : i32
        %mul3A_262 = arith.muli %mul3A_261, %add3A_260 : i32
        %add3A_263 = arith.constant 1 : i32
        %add3A_264 = arith.addi %mul3A_262, %add3A_263 : i32
        %mul3A_265 = arith.constant 64 : i32
        %mul3A_266 = arith.muli %add3A_264, %mul3A_265 : i32
        %dma_start3A_267 = tpu.memref_slice %arg6[%mul3A_266] : memref<6400xi32, #tpu.memory_space<vmem>> -> memref<64xi32, #tpu.memory_space<vmem>>
        %dma_start3A_268 = arith.constant 0 : i32
        %dma_start3A_269 = arith.constant 0 : i32
        %dma_start3A_270 = tpu.memref_slice %arg3[%dma_start3A_268, %dma_start3A_269] : memref<500000x128xf32, #tpu.memory_space<hbm>> -> memref<500000x128xf32, #tpu.memory_space<hbm>>
        tpu.enqueue_indirect_dma source(%dma_start3A_270 : memref<500000x128xf32, #tpu.memory_space<hbm>>) target(%arg8 : memref<64x128xf32, #tpu.memory_space<vmem>>) offsets(%dma_start3A_267 : memref<64xi32, #tpu.memory_space<vmem>>) semaphore(%arg18 : memref<!tpu.dma_semaphore, #tpu.memory_space<semaphore_mem>>)
      } else {
      }
      %add3A_237 = arith.constant 1 : i32
      %add3A_238 = arith.addi %scan3A_80, %add3A_237 : i32
      %lt3A_239 = arith.constant 20 : i32
      %lt3A_240 = arith.cmpi slt, %add3A_238, %lt3A_239 : i32
      %convert_element_type3A_241 = arith.extui %lt3A_240 : i1 to i32
      %cond3A_242 = arith.constant 0 : i32
      %cond3A_243 = arith.cmpi ne, %convert_element_type3A_241, %cond3A_242 : i32
      scf.if %cond3A_243 {
        %add3A_259 = arith.constant 1 : i32
        %add3A_260 = arith.addi %scan3A_80, %add3A_259 : i32
        %mul3A_261 = arith.constant 5 : i32
        %mul3A_262 = arith.muli %mul3A_261, %add3A_260 : i32
        %add3A_263 = arith.constant 2 : i32
        %add3A_264 = arith.addi %mul3A_262, %add3A_263 : i32
        %mul3A_265 = arith.constant 64 : i32
        %mul3A_266 = arith.muli %add3A_264, %mul3A_265 : i32
        %dma_start3A_267 = tpu.memref_slice %arg6[%mul3A_266] : memref<6400xi32, #tpu.memory_space<vmem>> -> memref<64xi32, #tpu.memory_space<vmem>>
        %dma_start3A_268 = arith.constant 0 : i32
        %dma_start3A_269 = arith.constant 0 : i32
        %dma_start3A_270 = tpu.memref_slice %arg3[%dma_start3A_268, %dma_start3A_269] : memref<500000x128xf32, #tpu.memory_space<hbm>> -> memref<500000x128xf32, #tpu.memory_space<hbm>>
        tpu.enqueue_indirect_dma source(%dma_start3A_270 : memref<500000x128xf32, #tpu.memory_space<hbm>>) target(%arg9 : memref<64x128xf32, #tpu.memory_space<vmem>>) offsets(%dma_start3A_267 : memref<64xi32, #tpu.memory_space<vmem>>) semaphore(%arg19 : memref<!tpu.dma_semaphore, #tpu.memory_space<semaphore_mem>>)
      } else {
      }
      %add3A_244 = arith.constant 1 : i32
      %add3A_245 = arith.addi %scan3A_80, %add3A_244 : i32
      %lt3A_246 = arith.constant 20 : i32
      %lt3A_247 = arith.cmpi slt, %add3A_245, %lt3A_246 : i32
      %convert_element_type3A_248 = arith.extui %lt3A_247 : i1 to i32
      %cond3A_249 = arith.constant 0 : i32
      %cond3A_250 = arith.cmpi ne, %convert_element_type3A_248, %cond3A_249 : i32
      scf.if %cond3A_250 {
        %add3A_259 = arith.constant 1 : i32
        %add3A_260 = arith.addi %scan3A_80, %add3A_259 : i32
        %mul3A_261 = arith.constant 5 : i32
        %mul3A_262 = arith.muli %mul3A_261, %add3A_260 : i32
        %add3A_263 = arith.constant 3 : i32
        %add3A_264 = arith.addi %mul3A_262, %add3A_263 : i32
        %mul3A_265 = arith.constant 64 : i32
        %mul3A_266 = arith.muli %add3A_264, %mul3A_265 : i32
        %dma_start3A_267 = tpu.memref_slice %arg6[%mul3A_266] : memref<6400xi32, #tpu.memory_space<vmem>> -> memref<64xi32, #tpu.memory_space<vmem>>
        %dma_start3A_268 = arith.constant 0 : i32
        %dma_start3A_269 = arith.constant 0 : i32
        %dma_start3A_270 = tpu.memref_slice %arg3[%dma_start3A_268, %dma_start3A_269] : memref<500000x128xf32, #tpu.memory_space<hbm>> -> memref<500000x128xf32, #tpu.memory_space<hbm>>
        tpu.enqueue_indirect_dma source(%dma_start3A_270 : memref<500000x128xf32, #tpu.memory_space<hbm>>) target(%arg10 : memref<64x128xf32, #tpu.memory_space<vmem>>) offsets(%dma_start3A_267 : memref<64xi32, #tpu.memory_space<vmem>>) semaphore(%arg20 : memref<!tpu.dma_semaphore, #tpu.memory_space<semaphore_mem>>)
      } else {
      }
      %add3A_251 = arith.constant 1 : i32
      %add3A_252 = arith.addi %scan3A_80, %add3A_251 : i32
      %lt3A_253 = arith.constant 20 : i32
      %lt3A_254 = arith.cmpi slt, %add3A_252, %lt3A_253 : i32
      %convert_element_type3A_255 = arith.extui %lt3A_254 : i1 to i32
      %cond3A_256 = arith.constant 0 : i32
      %cond3A_257 = arith.cmpi ne, %convert_element_type3A_255, %cond3A_256 : i32
      scf.if %cond3A_257 {
        %add3A_259 = arith.constant 1 : i32
        %add3A_260 = arith.addi %scan3A_80, %add3A_259 : i32
        %mul3A_261 = arith.constant 5 : i32
        %mul3A_262 = arith.muli %mul3A_261, %add3A_260 : i32
        %add3A_263 = arith.constant 4 : i32
        %add3A_264 = arith.addi %mul3A_262, %add3A_263 : i32
        %mul3A_265 = arith.constant 64 : i32
        %mul3A_266 = arith.muli %add3A_264, %mul3A_265 : i32
        %dma_start3A_267 = tpu.memref_slice %arg6[%mul3A_266] : memref<6400xi32, #tpu.memory_space<vmem>> -> memref<64xi32, #tpu.memory_space<vmem>>
        %dma_start3A_268 = arith.constant 0 : i32
        %dma_start3A_269 = arith.constant 0 : i32
        %dma_start3A_270 = tpu.memref_slice %arg3[%dma_start3A_268, %dma_start3A_269] : memref<500000x128xf32, #tpu.memory_space<hbm>> -> memref<500000x128xf32, #tpu.memory_space<hbm>>
        tpu.enqueue_indirect_dma source(%dma_start3A_270 : memref<500000x128xf32, #tpu.memory_space<hbm>>) target(%arg11 : memref<64x128xf32, #tpu.memory_space<vmem>>) offsets(%dma_start3A_267 : memref<64xi32, #tpu.memory_space<vmem>>) semaphore(%arg21 : memref<!tpu.dma_semaphore, #tpu.memory_space<semaphore_mem>>)
      } else {
      }
      %scan3A_258 = arith.constant 0 : i32
      scf.yield %scan3A_258 : i32
    }
    %scan3A_50 = arith.constant 20 : i32
    %add3A_51 = arith.constant 6080 : i32
    %add3A_52 = arith.addi %mul3A_2, %add3A_51 : i32
    %dma_wait3A = arith.constant 0 : i32
    %dma_wait3A_53 = tpu.memref_slice %arg4[%add3A_52, %dma_wait3A] : memref<204800x128xf32, #tpu.memory_space<hbm>> -> memref<64x128xf32, #tpu.memory_space<hbm>>
    %dma_wait3A_54 = arith.constant 0 : i32
    %dma_wait3A_55 = tpu.memref_slice %arg4[%add3A_52, %dma_wait3A_54] : memref<204800x128xf32, #tpu.memory_space<hbm>> -> memref<64x128xf32, #tpu.memory_space<hbm>>
    tpu.wait_dma2 semaphore(%arg22 : memref<!tpu.dma_semaphore, #tpu.memory_space<semaphore_mem>>) src(%arg12 : memref<64x128xf32, #tpu.memory_space<vmem>>) dst(%dma_wait3A_55 : memref<64x128xf32, #tpu.memory_space<hbm>>)
    %add3A_56 = arith.constant 6144 : i32
    %add3A_57 = arith.addi %mul3A_2, %add3A_56 : i32
    %dma_wait3A_58 = arith.constant 0 : i32
    %dma_wait3A_59 = tpu.memref_slice %arg4[%add3A_57, %dma_wait3A_58] : memref<204800x128xf32, #tpu.memory_space<hbm>> -> memref<64x128xf32, #tpu.memory_space<hbm>>
    %dma_wait3A_60 = arith.constant 0 : i32
    %dma_wait3A_61 = tpu.memref_slice %arg4[%add3A_57, %dma_wait3A_60] : memref<204800x128xf32, #tpu.memory_space<hbm>> -> memref<64x128xf32, #tpu.memory_space<hbm>>
    tpu.wait_dma2 semaphore(%arg23 : memref<!tpu.dma_semaphore, #tpu.memory_space<semaphore_mem>>) src(%arg13 : memref<64x128xf32, #tpu.memory_space<vmem>>) dst(%dma_wait3A_61 : memref<64x128xf32, #tpu.memory_space<hbm>>)
    %add3A_62 = arith.constant 6208 : i32
    %add3A_63 = arith.addi %mul3A_2, %add3A_62 : i32
    %dma_wait3A_64 = arith.constant 0 : i32
    %dma_wait3A_65 = tpu.memref_slice %arg4[%add3A_63, %dma_wait3A_64] : memref<204800x128xf32, #tpu.memory_space<hbm>> -> memref<64x128xf32, #tpu.memory_space<hbm>>
    %dma_wait3A_66 = arith.constant 0 : i32
    %dma_wait3A_67 = tpu.memref_slice %arg4[%add3A_63, %dma_wait3A_66] : memref<204800x128xf32, #tpu.memory_space<hbm>> -> memref<64x128xf32, #tpu.memory_space<hbm>>
    tpu.wait_dma2 semaphore(%arg24 : memref<!tpu.dma_semaphore, #tpu.memory_space<semaphore_mem>>) src(%arg14 : memref<64x128xf32, #tpu.memory_space<vmem>>) dst(%dma_wait3A_67 : memref<64x128xf32, #tpu.memory_space<hbm>>)
    %add3A_68 = arith.constant 6272 : i32
    %add3A_69 = arith.addi %mul3A_2, %add3A_68 : i32
    %dma_wait3A_70 = arith.constant 0 : i32
    %dma_wait3A_71 = tpu.memref_slice %arg4[%add3A_69, %dma_wait3A_70] : memref<204800x128xf32, #tpu.memory_space<hbm>> -> memref<64x128xf32, #tpu.memory_space<hbm>>
    %dma_wait3A_72 = arith.constant 0 : i32
    %dma_wait3A_73 = tpu.memref_slice %arg4[%add3A_69, %dma_wait3A_72] : memref<204800x128xf32, #tpu.memory_space<hbm>> -> memref<64x128xf32, #tpu.memory_space<hbm>>
    tpu.wait_dma2 semaphore(%arg25 : memref<!tpu.dma_semaphore, #tpu.memory_space<semaphore_mem>>) src(%arg15 : memref<64x128xf32, #tpu.memory_space<vmem>>) dst(%dma_wait3A_73 : memref<64x128xf32, #tpu.memory_space<hbm>>)
    %add3A_74 = arith.constant 6336 : i32
    %add3A_75 = arith.addi %mul3A_2, %add3A_74 : i32
    %dma_wait3A_76 = arith.constant 0 : i32
    %dma_wait3A_77 = tpu.memref_slice %arg4[%add3A_75, %dma_wait3A_76] : memref<204800x128xf32, #tpu.memory_space<hbm>> -> memref<64x128xf32, #tpu.memory_space<hbm>>
    %dma_wait3A_78 = arith.constant 0 : i32
    %dma_wait3A_79 = tpu.memref_slice %arg4[%add3A_75, %dma_wait3A_78] : memref<204800x128xf32, #tpu.memory_space<hbm>> -> memref<64x128xf32, #tpu.memory_space<hbm>>
    tpu.wait_dma2 semaphore(%arg26 : memref<!tpu.dma_semaphore, #tpu.memory_space<semaphore_mem>>) src(%arg16 : memref<64x128xf32, #tpu.memory_space<vmem>>) dst(%dma_wait3A_79 : memref<64x128xf32, #tpu.memory_space<hbm>>)
    return
  }
}

</mosaic_0001>

<sc_bundles>
// kernel: kernel.3.cloned.1.call-start
scs
__scs_entry_jumppad:
0x0: {  	(pc) =	sbr.rel $0x88, $3  }
0x1: {  	(tag) =	ssettag $0x0;
	lr =	simm.s32 $0x1  }
0x2: {  	[smem:$0x3F9F] =	sst lr;
	_ =	strace $0xD0000000  }
0x3: {  	_ = 	snop  }
0x4: {  	_ = 	snop  }
0x5: {  	_ = 	snop  }
0x6: {  	_ = 	snop  }
0x7: {  	_ = 	snop  }
__scs_overlays_trampoline_lowered:
0x8: {  	[smem:$0x3FAE] =	sst s0  }
0x9: {  	[smem:$0x3FAF] =	sst s1  }
0xa: {  	[smem:$0x3FB0] =	sst s2  }
0xb: {  	[smem:$0x3FB1] =	sst s3  }
0xc: {  	[smem:$0x3FB2] =	sst s4  }
0xd: {  	[smem:$0x3FB3] =	sst s5  }
0xe: {  	[smem:$0x3FB4] =	sst s6  }
0xf: {  	[smem:$0x3FB5] =	sst s7  }
0x10: {  	[smem:$0x3FB6] =	sst s8  }
0x11: {  	[smem:$0x3FB7] =	sst s9;
	s0 =	simm.s32 @!p0 $0x0  }
0x12: {  	s1 =	sld [smem:$0x3F9D];
	s0 =	simm.s32 @p0 $0x1  }
0x13: {  	[smem:$0x3FB8] =	sst s0;
	s0 =	simm.s32 @!p1 $0x0  }
0x14: {  	s2 =	sld [smem:$0x3F9C];
	s0 =	simm.s32 @p1 $0x1  }
0x15: {  	[smem:$0x3FB9] =	sst s0;
	s0 =	simm.s32 @!p2 $0x0  }
0x16: {  	s3 =	sld [smem:$0x3FDB];
	s0 =	simm.s32 @p2 $0x1  }
0x17: {  	s4 =	simm.s32 $0x1BF5;
	[smem:$0x3FBB] =	sst s0  }
0x18: {  	s0 =	sld [smem:$0x3F9E];
	_ =	swait.ge [sflag:s4], $0x0  }
0x19: {  	s7 =	sld [smem:$0x3F9F]  }
0x1a: {  	s8 =	sadd.s32 $0xFFFFE003, lr  }
0x1b: {  	s9 =	sadd.s32 $0xFFFFFEF7, lr;
	s5 =	simm.s32 $0xFFFFFFFF;
	p2 =	slt.u32 s8, $0xFFFFF086  }
0x1c: {  	p1 =	slt.u32 s9, $0xF7A;
	s5 =	simm.s32 @!p2 $0x0  }
0x1d: {  	s5 =	simm.s32 @p1 $0x1;
	p0 =	seq.s32 s7, s2  }
0x1e: {  	s7 =	smul.u32 @!p0 $0xF7A, s2;
	p2 =	seq.s32 @!p0 s5, $0x0  }
0x1f: {  	s9 =	smul.u32 $0xF7A, s1;
	s8 =	simm.s32 @!p0 $0x1BF5;
	p2 =	por !p2, p0  }
0x20: {  	[sflag:s8] =	ssyncset.s32 @!p0 $0xFFFFF086;
	s6 =	sadd.s32 @!p0 s3, s7;
	s7 =	simm.s32 @!p0 $0x108  }
0x21: {  	s3 =	sadd.s32 s3, s9;
	s6 =	sadd.s32 @!p0 $0x88, s6;
	s7 =	simm.s32 @p2 $0x1082  }
0x22: {  	[simem:s7], [sflag:s8] =	dma.local @!p0 [hbm:s6], $0xF7A  }
0x23: {  	s9 =	sor.u32 $0xD0000000, s2;
	s6 =	simm.s32 $0x108;
	_ =	swait.ge @!p0 [sflag:s8], $0x0  }
0x24: {  	s3 =	sadd.s32 $0x88, s3;
	s6 =	simm.s32 @!p1 $0x1082;
	[sflag:s4] =	ssyncset.s32 $0xFFFFF086  }
0x25: {  	[simem:s6], [sflag:s4] =	dma.local [hbm:s3], $0xF7A  }
0x26: {  	[smem:$0x3F9F] =	sst s1;
	(tag) =	ssettag s2;
	_ =	strace s9  }
0x27: {  	s1 =	sld [smem:$0x3FAF]  }
0x28: {  	s2 =	sld [smem:$0x3FB0]  }
0x29: {  	s4 =	sld [smem:$0x3FB2]  }
0x2a: {  	p0 =	seq.s32 s5, $0x0;
	s5 =	sld [smem:$0x3FB3]  }
0x2b: {  	s6 =	sld [smem:$0x3FB4]  }
0x2c: {  	s7 =	sld [smem:$0x3FB5]  }
0x2d: {  	s3 =	simm.s32 $0x108;
	s8 =	sld [smem:$0x3FB6]  }
0x2e: {  	s3 =	simm.s32 @!p0 $0x1082;
	s9 =	sld [smem:$0x3FB7]  }
0x2f: {  	lr =	sadd.s32 s0, s3;
	s0 =	sld [smem:$0x3FAE]  }
0x30: {  	s3 =	sld [smem:$0x3FB1]  }
0x31: {  	[smem:$0x3FBA] =	sst s10  }
0x32: {  	s10 =	sld [smem:$0x3FB8];
	_ =	sdelay $0x3  }
0x33: {  	p0 =	seq.s32 s10, $0x1;
	s10 =	sld [smem:$0x3FBA];
	_ =	sdelay $0x3  }
0x34: {  	[smem:$0x3FBA] =	sst s10  }
0x35: {  	s10 =	sld [smem:$0x3FB9];
	_ =	sdelay $0x3  }
0x36: {  	p1 =	seq.s32 s10, $0x1;
	s10 =	sld [smem:$0x3FBA];
	_ =	sdelay $0x3  }
0x37: {  	[smem:$0x3FBA] =	sst s10  }
0x38: {  	s10 =	sld [smem:$0x3FBB]  }
0x39: {  	_ = 	snop;
	(pc) =	sbr.ind lr, $3  }
0x3a: {  	_ = 	snop  }
0x3b: {  	_ = 	snop  }
0x3c: {  	p2 =	seq.s32 s10, $0x1;
	s10 =	sld [smem:$0x3FBA]  }
0x3d: {  	_ =	shalt  }
0x3e: {  	_ =	shalt  }
0x3f: {  	_ =	shalt  }
0x40: {  	_ =	shalt  }
0x41: {  	_ =	shalt  }
0x42: {  	_ =	shalt  }
0x43: {  	_ =	shalt  }
0x44: {  	_ =	shalt  }
0x45: {  	_ =	shalt  }
0x46: {  	_ =	shalt  }
0x47: {  	_ =	shalt  }
0x48: {  	_ =	shalt  }
0x49: {  	_ =	shalt  }
0x4a: {  	_ =	shalt  }
0x4b: {  	_ =	shalt  }
0x4c: {  	_ =	shalt  }
0x4d: {  	_ =	shalt  }
0x4e: {  	_ =	shalt  }
0x4f: {  	_ =	shalt  }
0x50: {  	_ =	shalt  }
0x51: {  	_ =	shalt  }
0x52: {  	_ =	shalt  }
0x53: {  	_ =	shalt  }
0x54: {  	_ =	shalt  }
0x55: {  	_ =	shalt  }
0x56: {  	_ =	shalt  }
0x57: {  	_ =	shalt  }
0x58: {  	_ =	shalt  }
0x59: {  	_ =	shalt  }
0x5a: {  	_ =	shalt  }
0x5b: {  	_ =	shalt  }
0x5c: {  	_ =	shalt  }
0x5d: {  	_ =	shalt  }
0x5e: {  	_ =	shalt  }
0x5f: {  	_ =	shalt  }
0x60: {  	_ =	shalt  }
0x61: {  	_ =	shalt  }
0x62: {  	_ =	shalt  }
0x63: {  	_ =	shalt  }
0x64: {  	_ =	shalt  }
0x65: {  	_ =	shalt  }
0x66: {  	_ =	shalt  }
0x67: {  	_ =	shalt  }
0x68: {  	_ =	shalt  }
0x69: {  	_ =	shalt  }
0x6a: {  	_ =	shalt  }
0x6b: {  	_ =	shalt  }
0x6c: {  	_ =	shalt  }
0x6d: {  	_ =	shalt  }
0x6e: {  	_ =	shalt  }
0x6f: {  	_ =	shalt  }
0x70: {  	_ =	shalt  }
0x71: {  	_ =	shalt  }
0x72: {  	_ =	shalt  }
0x73: {  	_ =	shalt  }
0x74: {  	_ =	shalt  }
0x75: {  	_ =	shalt  }
0x76: {  	_ =	shalt  }
0x77: {  	_ =	shalt  }
0x78: {  	_ =	shalt  }
0x79: {  	_ =	shalt  }
0x7a: {  	_ =	shalt  }
0x7b: {  	_ =	shalt  }
0x7c: {  	_ =	shalt  }
0x7d: {  	_ =	shalt  }
0x7e: {  	_ =	shalt  }
0x7f: {  	_ =	shalt  }
0x80: {  	_ =	shalt  }
0x81: {  	_ =	shalt  }
0x82: {  	_ =	shalt  }
0x83: {  	_ =	shalt  }
0x84: {  	_ =	shalt  }
0x85: {  	_ =	shalt  }
0x86: {  	_ =	shalt  }
0x87: {  	_ =	shalt  }
.Lfunc_end0:
.L_simem_size_0:
called_computation_lowered:
.L_overlay_start_0:
0x88: {  	s2 =	sld [smem:$0x3FD9]  }
0x89: {  	s3 =	sld [smem:$0x3FFE];
	_ =	sdelay $0x1  }
0x8a: {  	s1 =	srdreg.scid  }
0x8b: {  	s0 =	sand.u32 $0x1, s1  }
0x8c: {  	s18 =	sshll.u32 s0, $0xA;
	s2 =	sadd.s32 s3, s2  }
0x8d: {  	s2 =	sadd.s32 s2, s18  }
0x8e: {  	[smem:$0x3FC6] =	sst s2  }
0x8f: {  	_ = 	snop  }
0x90: {  	s2 =	sld [smem:$0x3FC9]  }
0x91: {  	s19 =	sld [smem:$0x3FC8]  }
0x92: {  	s4 =	sld [smem:$0x3FD0];
	(tm) =	ssettm $0x1  }
0x93: {  	s5 =	sld [smem:$0x3FFB];
	_ =	sdelay $0x3  }
0x94: {  	_ =	strace s5  }
0x95: {  	s5 =	sld [smem:$0x3FFC];
	_ =	sdelay $0x3  }
0x96: {  	_ =	strace s5  }
0x97: {  	s5 =	sld [smem:$0x3FFD];
	_ =	sdelay $0x3  }
0x98: {  	_ =	strace s5  }
0x99: {  	_ =	strace $0x8FFFFFFF  }
0x9a: {  	s20 =	sld [smem:$0x3FDB];
	_ =	sdelay $0x1  }
0x9b: {  	s6 =	simm.s32 $_scs_section_size  }
0x9c: {  	s7 =	simm.s32 $_size__tile_overlayer_lowered;
	s8 =	simm.s32 $_tile_overlayer_lowered  }
0x9d: {  	s23 =	simm.s32 $0x1BFF;
	s22 =	sshll.u32 s8, $0x1;
	s5 =	sadd.s32 s6, s20  }
0x9e: {  	s9 =	simm.s32 $0x0;
	s21 =	sshll.u32 s7, $0x1;
	s7 =	sadd.s32 s22, s5  }
0x9f: {  	[timem:s9], [sflag:s23] =	dma.local [hbm:s7], s21  }
0xa0: {  	_ =	swait.ge [sflag:s23], s21  }
0xa1: {  	s6 =	ssub.s32 $0x0, s21;
	[sflag:s23] =	ssyncset.done $0x0  }
0xa2: {  	[sflag:s23] =	ssyncadd.s32 s6;
	_ =	sdelay $0x1  }
0xa3: {  	s24 =	simm.s32 $0x1B8B  }
0xa4: {  	_ =	swait.ge [sflag:s24], $0x1  }
0xa5: {  	[sflag:s24] =	ssyncset.done $0x0  }
0xa6: {  	s25 =	simm.s32 $0x1B8E;
	[sflag:s24] =	ssyncadd.s32 $0xFFFFFFFF  }
0xa7: {  	s26 =	simm.s32 $execute0_lowered;
	[smem:$0x3FD2] =	sst s25  }
0xa8: {  	s6 =	sshll.u32 s26, $0x1;
	_ =	strace $0x80000046;
	[dreg:$0x1] =	wrdreg $0xFFFFFFFF  }
0xa9: {  	s28 =	simm.s32 $_size_execute0_lowered;
	s5 =	sadd.s32 s5, s6;
	[dreg:$0x0] =	wrdreg $0x0  }
0xaa: {  	s6 =	sshll.u32 s28, $0x1;
	[dreg:$0x2] =	wrdreg s5  }
0xab: {  	[dreg:$0x3] =	wrdreg s6  }
0xac: {  	[dreg:$0x4] =	wrdreg $0xC0  }
0xad: {  	_ =	task [dreg:s9], $0x5FFFF  }
0xae: {  	[dreg:$0x1] =	wrdreg $0xFFFFFFFF  }
0xaf: {  	[dreg:$0x0] =	wrdreg $0x60  }
0xb0: {  	[dreg:$0x2] =	wrdreg s2  }
0xb1: {  	[dreg:$0x3] =	wrdreg s19  }
0xb2: {  	[dreg:$0x4] =	wrdreg s4  }
0xb3: {  	[dreg:$0x5] =	wrdreg $0x9  }
0xb4: {  	_ =	task.clear_ibuf [dreg:s9], $0x6FFFF;
	_ =	strace $0x90000046  }
0xb5: {  	s29 =	simm.s32 $0x9;
	_ =	strace $0x80000048  }
0xb6: {  	_ =	swait.ge [sflag:s29], $0x1  }
0xb7: {  	[sflag:s29] =	ssyncadd.s32 $0xFFFFFFFF  }
0xb8: {  	_ =	strace $0x90000048  }
0xb9: {  	_ =	sfence  }
0xba: {  	s30 =	sld [smem:$0x0];
	_ =	sdelay $0x2  }
0xbb: {  	s31 =	sshll.u32 s1, $0xD;
	s1 =	sshrl.u32 s1, $0x2  }
0xbc: {  	s3 =	sand.u32 $0x4000, s31;
	s1 =	sadd.s32 s1, s30  }
0xbd: {  	s0 =	sor.u32 s3, s0;
	s1 =	sshll.u32 s1, $0x11  }
0xbe: {  	s0 =	sor.u32 s1, s0  }
0xbf: {  	s0 =	sadd.s32 $0x8F2B, s0  }
0xc0: {  	[sflag:s0] =	ssyncadd.remote.s32 $0x1  }
0xc1: {  	_ =	sfence.sel $0xFFFF  }
0xc2: {  	[dreg:$0x0] =	wrdreg $0xFFFFFFFF;
	(pc) =	sbr.abs _section_cstart, $3  }
0xc3: {  	[dreg:$0x1] =	wrdreg $0xFFFFFFFF  }
0xc4: {  	_ =	task.clear_ibuf [dreg:s9], $0x2FFFF;
	_ =	strace $0x9FFFFFFF  }
0xc5: {  	(tm) =	ssettm $0x7FFFFFFF  }
tec
execute0_lowered:
.L_overlay_start_1:
0x0: {  	(tag) =	ssettag $0x1  }
0x1: {  	s3 =	rddreg [dreg:$0x1];
	v0 =	vimm.s32 $0xFEDCBA98;
	v1 =	vimm.s32 $0x76543210  }
0x2: {  	s0 =	srdreg.scid;
	s9 =	stileid.u32;
	v2 =	vimm.s32 $0xBA98FEDC;
	v3 =	vimm.s32 $0x32107654;
	v4 =	vimm.s32 $0xDCFE98BA  }
0x3: {  	s4 =	rddreg [dreg:$0x2];
	s5 =	simm.s32 $0x0;
	s19 =	simm.s32 $0x40;
	v5 =	vimm.s32 $0x54761032;
	v6 =	vimm.s32 $0xEFCDAB89;
	v7 =	vimm.s32 $0x67452301  }
0x4: {  	s25 =	simm.s32 $0x1;
	s28 =	simm.s32 $0x2;
	s29 =	simm.s32 $0xE900;
	v0 =	vunpack.c.l.s4.s8 v0;
	v1 =	vunpack.c.l.s4.s8 v1;
	v2 =	vunpack.c.l.s4.s8 v2  }
0x5: {  	s30 =	simm.s32 $0x3;
	s31 =	simm.s32 $0x10900;
	s12 =	simm.s32 $0x14900;
	v3 =	vunpack.c.l.s4.s8 v3;
	v4 =	vunpack.c.l.s4.s8 v4;
	v5 =	vunpack.c.l.s4.s8 v5  }
0x6: {  	s15 =	simm.s32 $0x8;
	s16 =	simm.s32 $0x9;
	s20 =	simm.s32 $0xA;
	v6 =	vunpack.c.l.s4.s8 v6;
	v7 =	vunpack.c.l.s4.s8 v7;
	v0 =	vunpack.c.0.s8.s32 v0  }
0x7: {  	s0 =	sand.u32 $0x1, s0;
	s1 =	sshll.u32 s9, $0x1;
	s26 =	smul.u32 $0x3200, s9;
	v2 =	vunpack.c.0.s8.s32 v2;
	v3 =	vunpack.c.0.s8.s32 v3;
	v4 =	vunpack.c.0.s8.s32 v4  }
0x8: {  	s1 =	sor.u32 s0, s1;
	s2 =	ssub.s32 $0x2, s0;
	s0 =	smul.u32 $0x1900, s0;
	v5 =	vunpack.c.0.s8.s32 v5;
	v6 =	vunpack.c.0.s8.s32 v6;
	v1 =	vunpack.c.0.s8.s32 v1  }
0x9: {  	s21 =	simm.s32 $0x0;
	[smem:$0x7FF] =	sst s5;
	s10 =	smul.u32 $0xC8000, s1;
	v7 =	vunpack.c.0.s8.s32 v7;
	v2 =	vcombine.low v3, v2;
	v0 =	vand.u32 $0xF, v0  }
0xa: {  	_ =	strace $0x80000047;
	s11 =	sshrl.u32 s2, $0x1;
	s6 =	smul.u32 $0x1900, s1;
	v3 =	vcombine.low v5, v4;
	v0 =	vcombine.low v0, v1  }
0xb: {  	s1 =	simm.s32 $0x5;
	s2 =	ssub.s32 s2, s11;
	s18 =	sadd.s32 s0, s26;
	v4 =	vcombine.low v7, v6  }
0xc: {  	s26 =	simm.s32 $0xC900;
	s0 =	simm.s32 $0x12900;
	s7 =	sor.u32 $0x2000, s10;
	v1 =	vand.u32 $0xF, v2;
	v2 =	vand.u32 $0xF, v3;
	[tilespmem:$0x1FFD0] =	vst v0  }
0xd: {  	s8 =	sor.u32 $0x4000, s10;
	s9 =	sor.u32 $0x6000, s10;
	s2 =	smax.u32 s2, $0x1;
	v3 =	vand.u32 $0xF, v4;
	[tilespmem:$0x1FFE0] =	vst v2  }
0xe: {  	s10 =	sadd.s32 $0x8000, s10;
	[dreg:$0x4] =	wrdreg s2;
	s2 =	simm.s32 $0x4;
	[tilespmem:$0x1FFF0] =	vst v3  }
.LBB2_1:
0xf: {  	s11 =	rddreg [dreg:$0x0];
	s23 =	simm.s32 $0xB  }
0x10: {  	[tilespmem:s5], [sflag:$0xB] =	stream.linear.gather [hbm4b:s11+s5], $0x1000, $0x38;
	[tilespmem:$0x16900] =	vst v63  }
0x11: {  	s24 =	sadd.s32 $0x0, s18;
	_ =	swait.ge [sflag:s23], $0x1000  }
0x12: {  	s17 =	sand.u32 $0x70, s5;
	s13 =	sand.u32 $0xF80, s24;
	[sflag:s23] =	ssyncset.done $0x0  }
0x13: {  	s13 =	sor.u32 s17, s13;
	[sflag:s23] =	ssyncadd.s32 $0xFFFFF000  }
0x14: {  	v4 =	vld [tilespmem:s13+$0x0];
	_ =	sdelay $0x1  }
0x15: {  	s11 =	sshrl.u32 s24, $0xC  }
0x16: {  	s14 =	simm.s32 $0x10;
	s22 =	smul.u32 $0x2710, s11  }
0x17: {  	s17 =	simm.s32 $0x20;
	s11 =	simm.s32 $0x1000;
	s13 =	sadd.s32 $0x10, s18  }
.LBB2_2:
0x18: {  	p0 =	sne.s32 s17, $0x18F0;
	s23 =	sand.u32 $0xF80, s13;
	s14 =	sand.u32 $0x70, s14;
	v4 =	vadd.s32 s22, v4  }
0x19: {  	s22 =	sor.u32 s14, s23;
	[tilespmem:s11+$0x0] =	vst v4;
	s14 =	smov.u32 s17  }
.Ltmp0:
0x1a: {  	v4 =	vld [tilespmem:s22+$0x0];
	(pc) =	sbr.rel @p0 .LBB2_2-.Ltmp0, $4  }
0x1b: {  	_ = 	snop  }
0x1c: {  	s13 =	sshrl.u32 s13, $0xC  }
0x1d: {  	s22 =	smul.u32 $0x2710, s13  }
0x1e: {  	s17 =	sadd.s32 $0x10, s17;
	s11 =	sadd.s32 $0x10, s11;
	s13 =	sadd.s32 s14, s18  }
0x1f: {  	s17 =	sand.u32 $0xF80, s13;
	s14 =	sand.u32 $0x70, s14;
	v4 =	vadd.s32 s22, v4  }
0x20: {  	s14 =	sor.u32 s14, s17;
	[tilespmem:s11+$0x0] =	vst v4  }
0x21: {  	v4 =	vld [tilespmem:s14+$0x0];
	_ =	sdelay $0x1  }
0x22: {  	s24 =	sshrl.u32 s13, $0xC  }
0x23: {  	s13 =	smul.u32 $0x2710, s24;
	_ =	sdelay $0x1  }
0x24: {  	s14 =	sadd.s32 $0x10, s11;
	v4 =	vadd.s32 s13, v4  }
0x25: {  	s22 =	simm.s32 $0x2900;
	s17 =	simm.s32 $0x1000;
	[tilespmem:s14+$0x0] =	vst v4  }
0x26: {  	[tilespmem:s22], [sflag:$0x1] =	stream.indirect.gather [hbm4b:s3+s19], $0x80, s17, s19, $0xb8;
	[tilespmem:$0x16900] =	vst v63  }
0x27: {  	s23 =	simm.s32 $0x1040;
	s24 =	simm.s32 $0x4900  }
0x28: {  	[tilespmem:s24], [sflag:$0x2] =	stream.indirect.gather [hbm4b:s3+s19], $0x80, s23, s19, $0xb8;
	[tilespmem:$0x16900] =	vst v63  }
0x29: {  	s13 =	simm.s32 $0x1080;
	s14 =	simm.s32 $0x6900  }
0x2a: {  	[tilespmem:s14], [sflag:$0x3] =	stream.indirect.gather [hbm4b:s3+s19], $0x80, s13, s19, $0xb8;
	[tilespmem:$0x16900] =	vst v63  }
0x2b: {  	s17 =	simm.s32 $0x10C0;
	s22 =	simm.s32 $0x8900  }
0x2c: {  	[tilespmem:s22], [sflag:$0x4] =	stream.indirect.gather [hbm4b:s3+s19], $0x80, s17, s19, $0xb8;
	[tilespmem:$0x16900] =	vst v63  }
0x2d: {  	s23 =	simm.s32 $0x1100;
	s24 =	simm.s32 $0xA900;
	s22 =	simm.s32 $0x0  }
0x2e: {  	[tilespmem:s24], [sflag:$0x5] =	stream.indirect.gather [hbm4b:s3+s19], $0x80, s23, s19, $0xb8;
	[tilespmem:$0x16900] =	vst v63  }
.LBB2_4:
0x2f: {  	_ =	swait.ge [sflag:s25], $0x2000  }
0x30: {  	p0 =	seq.s32 s22, $0x0;
	[sflag:s25] =	ssyncset.done $0x0  }
0x31: {  	s11 =	simm.s32 @!p0 $0x6;
	[sflag:s25] =	ssyncadd.s32 $0xFFFFE000  }
0x32: {  	_ =	swait.ge @!p0 [sflag:s11], $0x2000  }
0x33: {  	[sflag:s11] =	ssyncset.done @!p0 $0x0  }
0x34: {  	s17 =	simm.s32 $0x0;
	[sflag:s11] =	ssyncadd.s32 @!p0 $0xFFFFE000  }
0x35: {  	v16 =	vld [tilespmem:s17+$0x2980]  }
0x36: {  	v13 =	vld [tilespmem:s17+$0x2990]  }
0x37: {  	v20 =	vld [tilespmem:s17+$0x29A0]  }
0x38: {  	v41 =	vld [tilespmem:s17+$0x29B0]  }
0x39: {  	v43 =	vld [tilespmem:s17+$0x29C0]  }
0x3a: {  	v39 =	vld [tilespmem:s17+$0x29D0];
	v4 =	vmul.f32 $1.442695020e+00, v16  }
0x3b: {  	v38 =	vld [tilespmem:s17+$0x29E0];
	v5 =	vmul.f32 $1.442695020e+00, v13  }
0x3c: {  	v17 =	vld [tilespmem:s17+$0x29F0];
	v6 =	vmul.f32 $1.442695020e+00, v20;
	(erf) = vpow2.f32 v4  }
0x3d: {  	v4 =	vmul.f32 $1.442695020e+00, v41;
	(erf) = vpow2.f32 v5  }
0x3e: {  	v5 =	vmul.f32 $1.442695020e+00, v43;
	(erf) = vpow2.f32 v6  }
0x3f: {  	v6 =	vmul.f32 $1.442695020e+00, v39;
	(erf) = vpow2.f32 v4  }
0x40: {  	v4 =	vmul.f32 $1.442695020e+00, v38;
	(erf) = vpow2.f32 v5  }
0x41: {  	v5 =	vmul.f32 $1.442695020e+00, v17;
	(erf) = vpow2.f32 v6  }
0x42: {  	(erf) = vpow2.f32 v4  }
0x43: {  	(erf) = vpow2.f32 v5;
	_ =	sdelay $0x1  }
0x44: {  	v4 =	vpop (erf)  }
0x45: {  	v5 =	vpop (erf)  }
0x46: {  	v6 =	vpop (erf)  }
0x47: {  	v7 =	vpop (erf)  }
0x48: {  	v8 =	vpop (erf)  }
0x49: {  	v9 =	vpop (erf)  }
0x4a: {  	v10 =	vpop (erf)  }
0x4b: {  	v4 =	vadd.f32 v5, v4;
	v5 =	vadd.f32 v7, v6;
	v6 =	vpop (erf)  }
0x4c: {  	v7 =	vadd.f32 v9, v8;
	v6 =	vadd.f32 v6, v10;
	_ =	sdelay $0x1  }
0x4d: {  	v4 =	vadd.f32 v5, v4;
	v5 =	vadd.f32 v6, v7;
	_ =	sdelay $0x1  }
0x4e: {  	v4 =	vadd.f32 v5, v4  }
0x4f: {  	v46 =	vld [tilespmem:s17+$0x2900]  }
0x50: {  	v42 =	vld [tilespmem:s17+$0x2910];
	v5 =	vperm.xlane v4, v0  }
0x51: {  	v23 =	vld [tilespmem:s17+$0x2930]  }
0x52: {  	v24 =	vld [tilespmem:s17+$0x2920];
	v4 =	vadd.f32 v4, v5;
	_ =	sdelay $0x1  }
0x53: {  	v8 =	vld [tilespmem:s17+$0x2950];
	v5 =	vperm.xlane v4, v1  }
0x54: {  	v6 =	vld [tilespmem:s17+$0x2940]  }
0x55: {  	v22 =	vld [tilespmem:s17+$0x2960];
	v11 =	vmul.f32 $1.442695020e+00, v23;
	v7 =	vmul.f32 $1.442695020e+00, v46;
	v4 =	vadd.f32 v4, v5  }
0x56: {  	v9 =	vmul.f32 $1.442695020e+00, v42;
	v10 =	vmul.f32 $1.442695020e+00, v24  }
0x57: {  	v21 =	vld [tilespmem:s17+$0x2970];
	(erf) = vpow2.f32 v7;
	v7 =	vperm.xlane v4, v2  }
0x58: {  	s23 =	simm.s32 $0x100;
	(erf) = vpow2.f32 v9;
	v9 =	vmul.f32 $1.442695020e+00, v8  }
0x59: {  	v44 =	vld [tilespmem:s23+$0x2980];
	(erf) = vpow2.f32 v10;
	v5 =	vmul.f32 $1.442695020e+00, v6;
	v4 =	vadd.f32 v4, v7  }
0x5a: {  	v40 =	vld [tilespmem:s23+$0x2990];
	v10 =	vmul.f32 $1.442695020e+00, v22;
	(erf) = vpow2.f32 v11  }
0x5b: {  	v47 =	vld [tilespmem:s23+$0x29A0];
	(erf) = vpow2.f32 v5;
	v5 =	vperm.xlane v4, v3  }
0x5c: {  	v31 =	vld [tilespmem:s23+$0x29D0];
	(erf) = vpow2.f32 v9;
	v7 =	vmul.f32 $1.442695020e+00, v21  }
0x5d: {  	v34 =	vld [tilespmem:s23+$0x29B0];
	(erf) = vpow2.f32 v10;
	v14 =	vadd.f32 v4, v5  }
0x5e: {  	(erf) = vpow2.f32 v7  }
0x5f: {  	v35 =	vld [tilespmem:s23+$0x29C0];
	v11 =	vand.u32 $0x7FFFFF, v14  }
0x60: {  	v15 =	vld [tilespmem:s23+$0x29E0];
	v9 =	vmul.f32 $1.442695020e+00, v47;
	v4 =	vmul.f32 $1.442695020e+00, v44;
	v7 =	vpop (erf)  }
0x61: {  	v45 =	vld [tilespmem:s23+$0x29F0];
	v25 =	vmul.f32 $1.442695020e+00, v31;
	v5 =	vmul.f32 $1.442695020e+00, v40;
	v12 =	vpop (erf)  }
0x62: {  	v10 =	vmul.f32 $1.442695020e+00, v34;
	(erf) = vpow2.f32 v4;
	v18 =	vor.u32 $0x3F800000, v11;
	v11 =	vpop (erf)  }
0x63: {  	(erf) = vpow2.f32 v5;
	v5 =	vmul.f32 $4.392872010e-02, v18;
	v19 =	vpop (erf)  }
0x64: {  	v4 =	vmul.f32 $1.442695020e+00, v35;
	(erf) = vpow2.f32 v9;
	v9 =	vpop (erf)  }
0x65: {  	(erf) = vpow2.f32 v10;
	v10 =	vmul.f32 $1.442695020e+00, v15;
	v5 =	vadd.f32 $-4.094764590e-01, v5;
	v26 =	vpop (erf)  }
0x66: {  	v7 =	vadd.f32 v12, v7;
	(erf) = vpow2.f32 v4;
	v4 =	vmul.f32 $1.442695020e+00, v45;
	v12 =	vpop (erf)  }
0x67: {  	v11 =	vadd.f32 v19, v11;
	(erf) = vpow2.f32 v25;
	v5 =	vmul.f32 v18, v5;
	v19 =	vpop (erf)  }
0x68: {  	v9 =	vadd.f32 v26, v9;
	(erf) = vpow2.f32 v10;
	v10 =	vadd.f32 v19, v12  }
0x69: {  	(erf) = vpow2.f32 v4;
	v4 =	vadd.f32 $1.610180620e+00, v5  }
0x6a: {  	v10 =	vadd.f32 v10, v9  }
0x6b: {  	v7 =	vadd.f32 v11, v7;
	v11 =	vmul.f32 v18, v4  }
0x6c: {  	v19 =	vpop (erf)  }
0x6d: {  	v25 =	vpop (erf);
	v11 =	vadd.f32 $-3.520224090e+00, v11  }
0x6e: {  	v5 =	vld [tilespmem:s23+$0x2920];
	v26 =	vadd.f32 v10, v7;
	v10 =	vpop (erf)  }
0x6f: {  	v30 =	vmul.f32 v18, v11;
	v27 =	vpop (erf)  }
0x70: {  	v12 =	vld [tilespmem:s23+$0x2900];
	v29 =	vpop (erf)  }
0x71: {  	v9 =	vld [tilespmem:s23+$0x2910];
	v30 =	vadd.f32 $5.069760800e+00, v30;
	v36 =	vpop (erf)  }
0x72: {  	v14 =	vshrl.u32 v14, $0x17;
	v4 =	vld [tilespmem:s23+$0x2930];
	v19 =	vadd.f32 v25, v19;
	v27 =	vadd.f32 v27, v10;
	v25 =	vpop (erf)  }
0x73: {  	v7 =	vld [tilespmem:s23+$0x2940];
	v37 =	vmul.f32 $1.442695020e+00, v5;
	v18 =	vmul.f32 v18, v30;
	v29 =	vadd.f32 v36, v29;
	v53 =	vpop (erf)  }
0x74: {  	v19 =	vadd.f32 v27, v19;
	v27 =	vadd.s32 $0xFFFFFF81, v14;
	v25 =	vadd.f32 v53, v25  }
0x75: {  	v32 =	vmul.f32 $1.442695020e+00, v12;
	v18 =	vadd.f32 $-2.794155120e+00, v18;
	v27 =	vcvt.s32.f32 v27  }
0x76: {  	v11 =	vld [tilespmem:s23+$0x2950];
	v28 =	vperm.xlane v26, v0;
	v33 =	vmul.f32 $1.442695020e+00, v9;
	v25 =	vadd.f32 v25, v29  }
0x77: {  	v49 =	vmul.f32 $1.442695020e+00, v4;
	(erf) = vpow2.f32 v32;
	v10 =	vld [tilespmem:s23+$0x2960];
	v18 =	vadd.f32 v27, v18  }
0x78: {  	v30 =	vmul.f32 $1.442695020e+00, v7;
	(erf) = vpow2.f32 v33;
	v14 =	vld [tilespmem:s23+$0x2970];
	v19 =	vadd.f32 v25, v19  }
0x79: {  	(erf) = vpow2.f32 v37;
	v48 =	vmul.f32 $6.931471820e-01, v18;
	v18 =	vadd.f32 v26, v28  }
0x7a: {  	(erf) = vpow2.f32 v49;
	v27 =	vperm.xlane v19, v0  }
0x7b: {  	v29 =	vmul.f32 $1.442695020e+00, v11;
	v17 =	vsub.f32 v17, v48;
	v28 =	vperm.xlane v18, v1  }
0x7c: {  	(erf) = vpow2.f32 v30;
	v25 =	vmul.f32 $1.442695020e+00, v10;
	v19 =	vadd.f32 v19, v27  }
0x7d: {  	s24 =	simm.s32 $0x200;
	v26 =	vmul.f32 $1.442695020e+00, v14;
	(erf) = vpow2.f32 v29;
	[tilespmem:s17+$0xC9F0] =	vst v17;
	v18 =	vadd.f32 v18, v28  }
0x7e: {  	(erf) = vpow2.f32 v25;
	v27 =	vld [tilespmem:s24+$0x2980];
	v25 =	vperm.xlane v19, v1  }
0x7f: {  	(erf) = vpow2.f32 v26;
	v32 =	vld [tilespmem:s24+$0x2990];
	v26 =	vperm.xlane v18, v2  }
0x80: {  	v28 =	vld [tilespmem:s24+$0x29A0];
	v19 =	vadd.f32 v19, v25  }
0x81: {  	v26 =	vadd.f32 v18, v26  }
0x82: {  	v17 =	vld [tilespmem:s24+$0x29B0];
	v25 =	vpop (erf);
	v30 =	vperm.xlane v19, v2  }
0x83: {  	v54 =	vsub.f32 v16, v48;
	v56 =	vperm.xlane v26, v3;
	v29 =	vpop (erf)  }
0x84: {  	v16 =	vld [tilespmem:s24+$0x29C0];
	v50 =	vmul.f32 $1.442695020e+00, v27;
	v25 =	vadd.f32 v29, v25;
	v29 =	vpop (erf);
	v30 =	vadd.f32 v19, v30  }
0x85: {  	v55 =	vsub.f32 v13, v48;
	[tilespmem:s17+$0xC980] =	vst v54;
	v51 =	vmul.f32 $1.442695020e+00, v32;
	v52 =	vmul.f32 $1.442695020e+00, v28;
	v18 =	vpop (erf)  }
0x86: {  	v13 =	vld [tilespmem:s24+$0x2900];
	(erf) = vpow2.f32 v50;
	v19 =	vadd.f32 v18, v29;
	v59 =	vperm.xlane v30, v3  }
0x87: {  	v62 =	vmul.f32 $1.442695020e+00, v17;
	v54 =	vadd.f32 v26, v56;
	(erf) = vpow2.f32 v51;
	v29 =	vpop (erf);
	v18 =	vld [tilespmem:s24+$0x29D0];
	[tilespmem:s17+$0xC990] =	vst v55  }
0x88: {  	(erf) = vpow2.f32 v52;
	v58 =	vpop (erf);
	v25 =	vadd.f32 v19, v25;
	v19 =	vld [tilespmem:s24+$0x29E0];
	v49 =	vadd.f32 v30, v59  }
0x89: {  	v63 =	vmul.f32 $1.442695020e+00, v16;
	(erf) = vpow2.f32 v62;
	v62 =	vand.u32 $0x7FFFFF, v54;
	v36 =	vld [tilespmem:s24+$0x29F0];
	v60 =	vpop (erf)  }
0x8a: {  	v29 =	vadd.f32 v58, v29;
	v58 =	vsub.f32 v20, v48;
	v61 =	vpop (erf);
	v57 =	vand.u32 $0x7FFFFF, v49  }
0x8b: {  	v26 =	vld [tilespmem:s24+$0x2920];
	(erf) = vpow2.f32 v63;
	v30 =	vadd.f32 v61, v60;
	v51 =	vor.u32 $0x3F800000, v57  }
0x8c: {  	v52 =	vor.u32 $0x3F800000, v62;
	v20 =	vld [tilespmem:s24+$0x2910];
	[tilespmem:s17+$0xC9A0] =	vst v58;
	v53 =	vmul.f32 $1.442695020e+00, v18;
	v59 =	vmul.f32 $4.392872010e-02, v51  }
0x8d: {  	v50 =	vmul.f32 $4.392872010e-02, v52;
	v37 =	vld [tilespmem:s24+$0x2940];
	v29 =	vadd.f32 v30, v29;
	v60 =	vmul.f32 $1.442695020e+00, v19  }
0x8e: {  	v61 =	vmul.f32 $1.442695020e+00, v36;
	v30 =	vld [tilespmem:s24+$0x2930];
	(erf) = vpow2.f32 v53;
	v33 =	vadd.f32 $-4.094764590e-01, v59  }
0x8f: {  	v55 =	vmul.f32 $1.442695020e+00, v13;
	v50 =	vadd.f32 $-4.094764590e-01, v50;
	(erf) = vpow2.f32 v60  }
0x90: {  	v29 =	vadd.f32 v29, v25;
	(erf) = vpow2.f32 v61;
	v25 =	vmul.f32 v51, v33  }
0x91: {  	v41 =	vsub.f32 v41, v48;
	v58 =	vmul.f32 $1.442695020e+00, v26;
	v57 =	vmul.f32 $1.442695020e+00, v20  }
0x92: {  	v56 =	vpop (erf);
	v50 =	vmul.f32 v52, v50;
	v53 =	vperm.xlane v29, v0;
	v33 =	vld [tilespmem:s24+$0x2950];
	v59 =	vadd.f32 $1.610180620e+00, v25  }
0x93: {  	v39 =	vsub.f32 v39, v48;
	v62 =	vmul.f32 $1.442695020e+00, v37;
	v60 =	vpop (erf);
	v61 =	vmul.f32 $1.442695020e+00, v30  }
0x94: {  	v49 =	vshrl.u32 v49, $0x17;
	(erf) = vpow2.f32 v55;
	v25 =	vld [tilespmem:s24+$0x2960];
	v55 =	vpop (erf);
	v59 =	vmul.f32 v51, v59  }
0x95: {  	v49 =	vadd.s32 $0xFFFFFF81, v49;
	(erf) = vpow2.f32 v57;
	v53 =	vadd.f32 v29, v53;
	v29 =	vld [tilespmem:s24+$0x2970];
	v57 =	vpop (erf)  }
0x96: {  	v50 =	vadd.f32 $1.610180620e+00, v50;
	(erf) = vpow2.f32 v58;
	v58 =	vpop (erf);
	v59 =	vadd.f32 $-3.520224090e+00, v59  }
0x97: {  	v56 =	vadd.f32 v60, v56;
	(erf) = vpow2.f32 v61;
	v60 =	vmul.f32 $1.442695020e+00, v33;
	v61 =	vpop (erf)  }
0x98: {  	v55 =	vadd.f32 v57, v55;
	(erf) = vpow2.f32 v62;
	v62 =	vpop (erf);
	v59 =	vmul.f32 v51, v59  }
0x99: {  	v57 =	vmul.f32 $1.442695020e+00, v25;
	v58 =	vadd.f32 v61, v58;
	(erf) = vpow2.f32 v60;
	v61 =	vpop (erf)  }
0x9a: {  	v63 =	vmul.f32 $1.442695020e+00, v29;
	v60 =	vadd.f32 v61, v62;
	v59 =	vadd.f32 $5.069760800e+00, v59  }
0x9b: {  	v55 =	vadd.f32 v55, v56;
	(erf) = vpow2.f32 v57;
	v61 =	vperm.xlane v53, v1  }
0x9c: {  	(erf) = vpow2.f32 v63;
	v51 =	vmul.f32 v51, v59;
	v62 =	vadd.f32 v60, v58  }
0x9d: {  	v57 =	vsub.f32 v43, v48;
	v63 =	vmul.f32 v52, v50;
	v53 =	vadd.f32 v53, v61  }
0x9e: {  	v49 =	vcvt.s32.f32 v49;
	v50 =	vpop (erf);
	v51 =	vadd.f32 $-2.794155120e+00, v51;
	v55 =	vadd.f32 v62, v55  }
0x9f: {  	v38 =	vsub.f32 v38, v48;
	v56 =	vpop (erf);
	v61 =	vadd.f32 $-3.520224090e+00, v63;
	v60 =	vperm.xlane v53, v2  }
0xa0: {  	v54 =	vshrl.u32 v54, $0x17;
	[tilespmem:s17+$0xC9B0] =	vst v41;
	v59 =	vpop (erf);
	v49 =	vadd.f32 v49, v51;
	v62 =	vperm.xlane v55, v0  }
0xa1: {  	[tilespmem:s17+$0xC9D0] =	vst v39;
	v50 =	vadd.f32 v56, v50;
	v63 =	vpop (erf);
	v41 =	vadd.f32 v53, v60;
	v51 =	vmul.f32 v52, v61  }
0xa2: {  	[tilespmem:s17+$0xC9C0] =	vst v57;
	v57 =	vpop (erf);
	v43 =	vmul.f32 $6.931471820e-01, v49;
	v49 =	vadd.s32 $0xFFFFFF81, v54;
	v39 =	vadd.f32 v55, v62  }
0xa3: {  	v60 =	vpop (erf);
	v61 =	vperm.xlane v41, v3;
	v51 =	vadd.f32 $5.069760800e+00, v51;
	v55 =	vadd.f32 v63, v59  }
0xa4: {  	[tilespmem:s17+$0xC9E0] =	vst v38;
	v38 =	vpop (erf);
	v48 =	vadd.f32 v60, v57;
	v45 =	vsub.f32 v45, v43;
	v62 =	vperm.xlane v39, v1  }
0xa5: {  	v63 =	vpop (erf);
	v60 =	vmul.f32 v52, v51;
	v61 =	vadd.f32 v41, v61;
	v50 =	vadd.f32 v55, v50  }
0xa6: {  	v52 =	vcvt.s32.f32 v49;
	v44 =	vsub.f32 v44, v43;
	v38 =	vadd.f32 v63, v38  }
0xa7: {  	s11 =	simm.s32 $0x300;
	[tilespmem:s23+$0xC9F0] =	vst v45;
	v53 =	vadd.f32 v39, v62;
	v39 =	vadd.f32 $-2.794155120e+00, v60;
	v62 =	vand.u32 $0x7FFFFF, v61  }
0xa8: {  	v51 =	vshrl.u32 v61, $0x17;
	v41 =	vld [tilespmem:s11+$0x2980];
	v63 =	vadd.f32 v38, v48;
	v45 =	vor.u32 $0x3F800000, v62  }
0xa9: {  	v49 =	vld [tilespmem:s11+$0x2990];
	v60 =	vperm.xlane v53, v2;
	v61 =	vmul.f32 $4.392872010e-02, v45;
	v52 =	vadd.f32 v52, v39  }
0xaa: {  	v59 =	vsub.f32 v47, v43;
	v48 =	vld [tilespmem:s11+$0x29A0];
	v51 =	vadd.s32 $0xFFFFFF81, v51;
	v50 =	vadd.f32 v63, v50  }
0xab: {  	v38 =	vld [tilespmem:s11+$0x29B0];
	v53 =	vadd.f32 v53, v60;
	v62 =	vadd.f32 $-4.094764590e-01, v61;
	v56 =	vmul.f32 $6.931471820e-01, v52  }
0xac: {  	v39 =	vld [tilespmem:s11+$0x29C0];
	[tilespmem:s23+$0xC980] =	vst v44;
	v44 =	vcvt.s32.f32 v51;
	v63 =	vsub.f32 v40, v43;
	v55 =	vperm.xlane v50, v0  }
0xad: {  	v40 =	vld [tilespmem:s11+$0x29D0];
	v57 =	vperm.xlane v53, v3;
	v58 =	vmul.f32 v45, v62;
	v46 =	vsub.f32 v46, v56  }
0xae: {  	v47 =	vld [tilespmem:s11+$0x2900];
	[tilespmem:s23+$0xC990] =	vst v63;
	v60 =	vmul.f32 $1.442695020e+00, v41;
	v52 =	vsub.f32 v42, v56;
	v61 =	vmul.f32 $1.442695020e+00, v49  }
0xaf: {  	s13 =	simm.s32 $0x1000;
	v42 =	vld [tilespmem:s11+$0x29E0];
	v3 =	vmovc v1;
	v55 =	vadd.f32 v50, v55;
	v51 =	vadd.f32 v53, v57;
	[tilespmem:s17+$0xC900] =	vst v46;
	v53 =	vmul.f32 $1.442695020e+00, v48  }
.LBB2_5:
0xb0: {  	v54 =	vld [tilespmem:s11+$0x29F0];
	v57 =	vmul.f32 $1.442695020e+00, v38;
	(erf) = vpow2.f32 v60  }
0xb1: {  	v58 =	vadd.f32 $1.610180620e+00, v58;
	v46 =	vld [tilespmem:s11+$0x2910];
	v22 =	vsub.f32 v22, v56;
	[tilespmem:s17+$0xC910] =	vst v52;
	(erf) = vpow2.f32 v61  }
0xb2: {  	v50 =	vmovc v49;
	v60 =	vmul.f32 $1.442695020e+00, v39;
	v61 =	vand.u32 $0x7FFFFF, v51;
	v49 =	vld [tilespmem:s11+$0x2920];
	[tilespmem:s23+$0xC9A0] =	vst v59;
	(erf) = vpow2.f32 v53  }
0xb3: {  	v52 =	vmovc v28;
	v28 =	vmovc v48;
	v62 =	vmul.f32 $1.442695020e+00, v40;
	v48 =	vld [tilespmem:s11+$0x2930];
	(erf) = vpow2.f32 v57;
	v57 =	vsub.f32 v24, v56  }
0xb4: {  	v61 =	vor.u32 $0x3F800000, v61;
	v59 =	vld [tilespmem:s11+$0x2940];
	(erf) = vpow2.f32 v60;
	v60 =	vsub.f32 v23, v56  }
0xb5: {  	v21 =	vsub.f32 v21, v56;
	v53 =	vmovc v12;
	v63 =	vld [tilespmem:s11+$0x2950];
	v12 =	vmovc v13;
	v0 =	vmul.f32 $4.392872010e-02, v61;
	v1 =	vmul.f32 $1.442695020e+00, v42;
	[tilespmem:s17+$0xC920] =	vst v57  }
0xb6: {  	v13 =	vmovc v47;
	v24 =	vmovc v5;
	v2 =	vmul.f32 $1.442695020e+00, v54;
	(erf) = vpow2.f32 v62;
	v47 =	vld [tilespmem:s11+$0x2960];
	[tilespmem:s17+$0xC930] =	vst v60;
	v60 =	vsub.f32 v6, v56  }
0xb7: {  	v5 =	vmovc v26;
	v23 =	vmovc v4;
	v62 =	vadd.f32 $-4.094764590e-01, v0;
	v57 =	vmul.f32 $1.442695020e+00, v13;
	(erf) = vpow2.f32 v1  }
0xb8: {  	v4 =	vmovc v30;
	v6 =	vmovc v7;
	v26 =	vmov v49;
	v49 =	vmul.f32 $1.442695020e+00, v46;
	(erf) = vpow2.f32 v2  }
0xb9: {  	v7 =	vmovc v37;
	v37 =	vmul.f32 v61, v62;
	v62 =	vsub.f32 v8, v56;
	v8 =	vmovc v11;
	v1 =	vmul.f32 $1.442695020e+00, v26  }
0xba: {  	v0 =	vld [tilespmem:s11+$0x2970];
	v30 =	vmov v48;
	v11 =	vmov v33;
	v48 =	vmul.f32 $1.442695020e+00, v59;
	[tilespmem:s17+$0xC940] =	vst v60;
	v60 =	vpop (erf)  }
0xbb: {  	[tilespmem:s17+$0xC970] =	vst v21;
	v33 =	vmul.f32 $1.442695020e+00, v30;
	v37 =	vadd.f32 $1.610180620e+00, v37;
	(erf) = vpow2.f32 v57;
	v57 =	vpop (erf)  }
0xbc: {  	v34 =	vsub.f32 v34, v43;
	v21 =	vperm.xlane v55, v3;
	[tilespmem:s17+$0xC950] =	vst v62;
	v62 =	vmul.f32 $1.442695020e+00, v63;
	v56 =	vpop (erf)  }
0xbd: {  	v35 =	vsub.f32 v35, v43;
	[tilespmem:s17+$0xC960] =	vst v22;
	s17 =	smov.u32 s23;
	v37 =	vmul.f32 v61, v37;
	(erf) = vpow2.f32 v49;
	v49 =	vpop (erf)  }
0xbe: {  	v31 =	vsub.f32 v31, v43;
	[tilespmem:s17+$0xC9B0] =	vst v34;
	v34 =	vmul.f32 v45, v58;
	(erf) = vpow2.f32 v1;
	v1 =	vpop (erf)  }
0xbf: {  	v22 =	vmul.f32 $1.442695020e+00, v47;
	v37 =	vadd.f32 $-3.520224090e+00, v37;
	(erf) = vpow2.f32 v33;
	v33 =	vpop (erf)  }
0xc0: {  	[tilespmem:s17+$0xC9C0] =	vst v35;
	v2 =	vmul.f32 $1.442695020e+00, v0;
	v35 =	vadd.f32 v57, v60;
	(erf) = vpow2.f32 v48;
	v48 =	vpop (erf)  }
0xc1: {  	v49 =	vadd.f32 v49, v56;
	v37 =	vmul.f32 v61, v37;
	(erf) = vpow2.f32 v62;
	v60 =	vpop (erf)  }
0xc2: {  	v1 =	vadd.f32 v33, v1;
	(erf) = vpow2.f32 v22;
	v62 =	vadd.f32 v60, v48  }
0xc3: {  	v60 =	vadd.f32 $5.069760800e+00, v37;
	(erf) = vpow2.f32 v2;
	v2 =	vadd.f32 v55, v21;
	v55 =	vld [tilespmem:$0x1FFE0]  }
0xc4: {  	v15 =	vsub.f32 v15, v43;
	v34 =	vadd.f32 $-3.520224090e+00, v34  }
0xc5: {  	v57 =	vld [tilespmem:$0x1FFD0];
	v35 =	vadd.f32 v49, v35;
	v1 =	vadd.f32 v62, v1;
	v48 =	vmul.f32 v61, v60  }
0xc6: {  	[tilespmem:s17+$0xC9D0] =	vst v31;
	v33 =	vmov v63;
	v21 =	vmov v14;
	v31 =	vpop (erf);
	v62 =	vshrl.u32 v51, $0x17  }
0xc7: {  	v51 =	vadd.s32 $0xFFFFFF81, v62;
	v14 =	vpop (erf);
	v1 =	vadd.f32 v1, v35;
	v60 =	vadd.f32 $-2.794155120e+00, v48  }
0xc8: {  	v58 =	vld [tilespmem:$0x1FFF0];
	v61 =	vcvt.s32.f32 v51;
	v31 =	vadd.f32 v14, v31;
	v14 =	vpop (erf);
	v63 =	vperm.xlane v2, v55  }
0xc9: {  	v34 =	vmul.f32 v45, v34;
	v22 =	vmov v10;
	v10 =	vmov v25;
	v62 =	vpop (erf)  }
0xca: {  	v25 =	vmovc v47;
	v56 =	vperm.xlane v1, v57;
	v35 =	vadd.f32 v61, v60;
	v47 =	vadd.f32 v62, v14  }
0xcb: {  	v61 =	vadd.f32 $5.069760800e+00, v34;
	v2 =	vadd.f32 v2, v63  }
0xcc: {  	v14 =	vmov v29;
	v1 =	vadd.f32 v1, v56;
	v43 =	vmul.f32 $6.931471820e-01, v35;
	v63 =	vpop (erf)  }
0xcd: {  	v47 =	vadd.f32 v47, v31;
	v31 =	vmul.f32 v45, v61;
	v60 =	vperm.xlane v2, v58;
	v62 =	vpop (erf)  }
0xce: {  	[tilespmem:s17+$0xC9E0] =	vst v15;
	v56 =	vsub.f32 v36, v43;
	v15 =	vadd.f32 v62, v63;
	v29 =	vpop (erf);
	v63 =	vperm.xlane v1, v3  }
0xcf: {  	v2 =	vadd.f32 v2, v60;
	v60 =	vadd.f32 $-2.794155120e+00, v31;
	v48 =	vpop (erf)  }
0xd0: {  	s23 =	smov.u32 s24;
	v37 =	vmovc v59;
	v59 =	vadd.f32 v48, v29;
	v29 =	vmov v0;
	v0 =	vadd.f32 v1, v63  }
0xd1: {  	s24 =	smov.u32 s11;
	s11 =	sshra.s32 s13, $0x2;
	[tilespmem:s23+$0xC9F0] =	vst v56;
	v1 =	vshrl.u32 v2, $0x17;
	v2 =	vand.u32 $0x7FFFFF, v2  }
0xd2: {  	v61 =	vld [tilespmem:s11+$0x2980];
	v51 =	vadd.f32 v44, v60;
	v45 =	vor.u32 $0x3F800000, v2;
	v2 =	vperm.xlane v0, v55  }
0xd3: {  	v49 =	vld [tilespmem:s11+$0x2990];
	v1 =	vadd.s32 $0xFFFFFF81, v1;
	v62 =	vadd.f32 v59, v15;
	v63 =	vmul.f32 $4.392872010e-02, v45  }
0xd4: {  	v34 =	vmovc v17;
	v17 =	vmovc v38;
	v48 =	vld [tilespmem:s11+$0x29A0];
	v44 =	vcvt.s32.f32 v1;
	v1 =	vsub.f32 v27, v43;
	v0 =	vadd.f32 v0, v2  }
0xd5: {  	p1 =	sne.s32 s13, $0x7C00;
	v36 =	vmovc v54;
	v35 =	vmovc v16;
	v16 =	vmov v39;
	v38 =	vld [tilespmem:s11+$0x29B0];
	v56 =	vmul.f32 $6.931471820e-01, v51;
	v55 =	vadd.f32 v62, v47  }
.Ltmp1:
0xd6: {  	v31 =	vmovc v18;
	v39 =	vld [tilespmem:s11+$0x29C0];
	v2 =	vadd.f32 $-4.094764590e-01, v63;
	[tilespmem:s23+$0xC980] =	vst v1;
	v1 =	vsub.f32 v32, v43;
	v32 =	vperm.xlane v0, v58;
	(pc) =	sbr.rel @p1 .LBB2_5-.Ltmp1, $4  }
0xd7: {  	v18 =	vmovc v40;
	v15 =	vmovc v19;
	v27 =	vmov v41;
	v19 =	vmov v42;
	v59 =	vsub.f32 v52, v43  }
0xd8: {  	v40 =	vld [tilespmem:s11+$0x29D0];
	v41 =	vmovc v61;
	v51 =	vperm.xlane v55, v57;
	v58 =	vmul.f32 v45, v2;
	v2 =	vsub.f32 v53, v56  }
0xd9: {  	v52 =	vsub.f32 v9, v56;
	v9 =	vmovc v20;
	v20 =	vmovc v46;
	v47 =	vld [tilespmem:s11+$0x2900];
	v61 =	vmul.f32 $1.442695020e+00, v49;
	v60 =	vmul.f32 $1.442695020e+00, v41;
	[tilespmem:s23+$0xC990] =	vst v1  }
0xda: {  	s13 =	sadd.s32 $0x400, s13;
	v53 =	vmul.f32 $1.442695020e+00, v48;
	v42 =	vld [tilespmem:s11+$0x29E0];
	v55 =	vadd.f32 v55, v51;
	v51 =	vadd.f32 v0, v32;
	[tilespmem:s17+$0xC900] =	vst v2;
	v32 =	vmovc v50  }
0xdb: {  	v57 =	vld [tilespmem:s11+$0x29F0];
	(erf) = vpow2.f32 v60  }
0xdc: {  	v0 =	vmul.f32 $1.442695020e+00, v38;
	(erf) = vpow2.f32 v61  }
0xdd: {  	v1 =	vmul.f32 $1.442695020e+00, v39;
	(erf) = vpow2.f32 v53  }
0xde: {  	v2 =	vmul.f32 $1.442695020e+00, v40;
	(erf) = vpow2.f32 v0  }
0xdf: {  	v46 =	vld [tilespmem:s11+$0x2910];
	[tilespmem:s17+$0xC910] =	vst v52;
	v0 =	vmul.f32 $1.442695020e+00, v42;
	(erf) = vpow2.f32 v1  }
0xe0: {  	v50 =	vld [tilespmem:s11+$0x2920];
	[tilespmem:s23+$0xC9A0] =	vst v59;
	v1 =	vmul.f32 $1.442695020e+00, v57;
	(erf) = vpow2.f32 v2  }
0xe1: {  	v62 =	vld [tilespmem:s11+$0x2930];
	v2 =	vsub.f32 v24, v56;
	(erf) = vpow2.f32 v0  }
0xe2: {  	v52 =	vld [tilespmem:s11+$0x2940];
	(erf) = vpow2.f32 v1  }
0xe3: {  	v53 =	vld [tilespmem:s11+$0x2950];
	[tilespmem:s17+$0xC920] =	vst v2;
	v2 =	vmul.f32 $1.442695020e+00, v47  }
0xe4: {  	v59 =	vmul.f32 $1.442695020e+00, v46;
	v0 =	vsub.f32 v23, v56;
	v23 =	vpop (erf)  }
0xe5: {  	[tilespmem:$0x1FFA0] =	vst v46;
	v1 =	vpop (erf)  }
0xe6: {  	[tilespmem:$0x1FFB0] =	vst v50;
	v24 =	vld [tilespmem:s11+$0x2960];
	v46 =	vpop (erf)  }
0xe7: {  	v50 =	vmul.f32 $1.442695020e+00, v50;
	[tilespmem:s17+$0xC930] =	vst v0;
	(erf) = vpow2.f32 v2;
	v2 =	vpop (erf)  }
0xe8: {  	[tilespmem:$0x1FFC0] =	vst v62;
	v62 =	vmul.f32 $1.442695020e+00, v62;
	v54 =	vld [tilespmem:s11+$0x2970];
	(erf) = vpow2.f32 v59;
	v59 =	vpop (erf)  }
0xe9: {  	v63 =	vmul.f32 $1.442695020e+00, v52;
	(erf) = vpow2.f32 v50;
	v60 =	vpop (erf)  }
0xea: {  	v0 =	vmul.f32 $1.442695020e+00, v53;
	v1 =	vadd.f32 v1, v23;
	(erf) = vpow2.f32 v62;
	v23 =	vpop (erf)  }
0xeb: {  	v62 =	vmul.f32 $1.442695020e+00, v24;
	(erf) = vpow2.f32 v63;
	v2 =	vadd.f32 v2, v46;
	v46 =	vpop (erf)  }
0xec: {  	(erf) = vpow2.f32 v0;
	v59 =	vadd.f32 v60, v59;
	v0 =	vadd.f32 v46, v23  }
0xed: {  	v50 =	vmul.f32 $1.442695020e+00, v54;
	v46 =	vld [tilespmem:$0x1FFD0]  }
0xee: {  	(erf) = vpow2.f32 v62;
	v1 =	vadd.f32 v2, v1;
	v0 =	vadd.f32 v0, v59  }
0xef: {  	(erf) = vpow2.f32 v50  }
0xf0: {  	v0 =	vadd.f32 v0, v1  }
0xf1: {  	v23 =	vpop (erf)  }
0xf2: {  	v59 =	vpop (erf);
	v50 =	vperm.xlane v0, v46  }
0xf3: {  	v60 =	vpop (erf)  }
0xf4: {  	v62 =	vpop (erf)  }
0xf5: {  	v2 =	vand.u32 $0x7FFFFF, v51;
	v63 =	vpop (erf)  }
0xf6: {  	v2 =	vor.u32 $0x3F800000, v2;
	v0 =	vadd.f32 v0, v50;
	v50 =	vpop (erf)  }
0xf7: {  	v23 =	vadd.f32 v59, v23;
	v1 =	vmul.f32 $4.392872010e-02, v2;
	v59 =	vadd.f32 v62, v60;
	v60 =	vpop (erf)  }
0xf8: {  	v61 =	vadd.f32 v50, v63;
	v50 =	vpop (erf)  }
0xf9: {  	v1 =	vadd.f32 $-4.094764590e-01, v1;
	v50 =	vadd.f32 v50, v60;
	_ =	sdelay $0x1  }
0xfa: {  	v1 =	vmul.f32 v2, v1;
	v50 =	vadd.f32 v50, v61;
	v61 =	vld [tilespmem:$0x1FFE0]  }
0xfb: {  	v63 =	vperm.xlane v55, v3  }
0xfc: {  	v1 =	vadd.f32 $1.610180620e+00, v1  }
0xfd: {  	v62 =	vperm.xlane v0, v3;
	v55 =	vadd.f32 v55, v63  }
0xfe: {  	v6 =	vsub.f32 v6, v56;
	v1 =	vmul.f32 v2, v1  }
0xff: {  	v8 =	vsub.f32 v8, v56;
	v0 =	vadd.f32 v0, v62;
	v62 =	vperm.xlane v55, v61  }
0x100: {  	v22 =	vsub.f32 v22, v56;
	v1 =	vadd.f32 $-3.520224090e+00, v1  }
0x101: {  	v21 =	vsub.f32 v21, v56;
	v55 =	vadd.f32 v55, v62;
	v62 =	vld [tilespmem:$0x1FFF0]  }
0x102: {  	v56 =	vadd.f32 $1.610180620e+00, v58;
	v1 =	vmul.f32 v2, v1;
	v60 =	vperm.xlane v0, v61;
	_ =	sdelay $0x1  }
0x103: {  	v56 =	vmul.f32 v45, v56;
	v1 =	vadd.f32 $5.069760800e+00, v1;
	v0 =	vadd.f32 v0, v60  }
0x104: {  	v51 =	vshrl.u32 v51, $0x17;
	v23 =	vadd.f32 v59, v23  }
0x105: {  	v1 =	vmul.f32 v2, v1;
	v2 =	vadd.f32 $-3.520224090e+00, v56;
	v63 =	vperm.xlane v0, v62  }
0x106: {  	v34 =	vsub.f32 v34, v43;
	v51 =	vadd.s32 $0xFFFFFF81, v51  }
0x107: {  	v23 =	vadd.f32 v50, v23;
	v2 =	vmul.f32 v45, v2;
	v0 =	vadd.f32 v0, v63  }
0x108: {  	v35 =	vsub.f32 v35, v43;
	[tilespmem:s17+$0xC940] =	vst v6;
	v6 =	vcvt.s32.f32 v51;
	v59 =	vperm.xlane v55, v62  }
0x109: {  	v60 =	vperm.xlane v23, v46;
	v2 =	vadd.f32 $5.069760800e+00, v2;
	v63 =	vand.u32 $0x7FFFFF, v0  }
0x10a: {  	v1 =	vadd.f32 $-2.794155120e+00, v1;
	v50 =	vadd.f32 v55, v59;
	v56 =	vor.u32 $0x3F800000, v63  }
0x10b: {  	v15 =	vsub.f32 v15, v43;
	v2 =	vmul.f32 v45, v2;
	v58 =	vmul.f32 $4.392872010e-02, v56  }
0x10c: {  	[tilespmem:s17+$0xC950] =	vst v8;
	v23 =	vadd.f32 v23, v60;
	v1 =	vadd.f32 v6, v1;
	v59 =	vand.u32 $0x7FFFFF, v50  }
0x10d: {  	[tilespmem:s17+$0xC960] =	vst v22;
	v2 =	vadd.f32 $-2.794155120e+00, v2;
	v8 =	vor.u32 $0x3F800000, v59;
	v60 =	vadd.f32 $-4.094764590e-01, v58  }
0x10e: {  	[tilespmem:s17+$0xC970] =	vst v21;
	v21 =	vsub.f32 v31, v43;
	v63 =	vperm.xlane v23, v3;
	v6 =	vmul.f32 $4.392872010e-02, v8  }
0x10f: {  	[tilespmem:s23+$0xC9B0] =	vst v34;
	v1 =	vmul.f32 $6.931471820e-01, v1;
	v2 =	vadd.f32 v44, v2;
	v22 =	vmul.f32 v56, v60  }
0x110: {  	[tilespmem:s23+$0xC9C0] =	vst v35;
	v23 =	vadd.f32 v23, v63;
	v6 =	vadd.f32 $-4.094764590e-01, v6  }
0x111: {  	[tilespmem:s23+$0xC9E0] =	vst v15;
	v51 =	vsub.f32 v36, v1;
	v2 =	vmul.f32 $6.931471820e-01, v2;
	v22 =	vadd.f32 $1.610180620e+00, v22  }
0x112: {  	[tilespmem:s23+$0xC9D0] =	vst v21;
	v21 =	vsub.f32 v27, v1;
	v31 =	vperm.xlane v23, v61;
	v6 =	vmul.f32 v8, v6  }
0x113: {  	v15 =	vsub.f32 v32, v1;
	[tilespmem:s24+$0xC9F0] =	vst v51;
	v12 =	vsub.f32 v12, v2;
	v22 =	vmul.f32 v56, v22  }
0x114: {  	[tilespmem:s24+$0xC980] =	vst v21;
	v23 =	vadd.f32 v23, v31;
	v6 =	vadd.f32 $1.610180620e+00, v6  }
0x115: {  	[tilespmem:s24+$0xC990] =	vst v15;
	v9 =	vsub.f32 v9, v2;
	v22 =	vadd.f32 $-3.520224090e+00, v22  }
0x116: {  	v27 =	vsub.f32 v28, v1;
	[tilespmem:s23+$0xC900] =	vst v12;
	v28 =	vperm.xlane v23, v62;
	v6 =	vmul.f32 v8, v6  }
0x117: {  	v5 =	vsub.f32 v5, v2;
	v4 =	vsub.f32 v4, v2;
	[tilespmem:s23+$0xC910] =	vst v9;
	v15 =	vmul.f32 v56, v22  }
0x118: {  	v0 =	vshrl.u32 v0, $0x17;
	[tilespmem:s24+$0xC9A0] =	vst v27;
	v21 =	vadd.f32 v23, v28;
	v6 =	vadd.f32 $-3.520224090e+00, v6  }
0x119: {  	v0 =	vadd.s32 $0xFFFFFF81, v0;
	v7 =	vsub.f32 v7, v2;
	[tilespmem:s23+$0xC920] =	vst v5;
	v9 =	vadd.f32 $5.069760800e+00, v15  }
0x11a: {  	v11 =	vsub.f32 v11, v2;
	[tilespmem:s23+$0xC930] =	vst v4;
	v12 =	vand.u32 $0x7FFFFF, v21;
	v6 =	vmul.f32 v8, v6  }
0x11b: {  	v4 =	vsub.f32 v10, v2;
	[tilespmem:s23+$0xC940] =	vst v7;
	v12 =	vor.u32 $0x3F800000, v12;
	v5 =	vmul.f32 v56, v9  }
0x11c: {  	[tilespmem:s23+$0xC950] =	vst v11;
	v2 =	vsub.f32 v14, v2;
	v6 =	vadd.f32 $5.069760800e+00, v6;
	v9 =	vmul.f32 $4.392872010e-02, v12  }
0x11d: {  	v0 =	vcvt.s32.f32 v0;
	[tilespmem:s23+$0xC960] =	vst v4;
	v4 =	vsub.f32 v17, v1;
	v5 =	vadd.f32 $-2.794155120e+00, v5  }
0x11e: {  	[tilespmem:s23+$0xC970] =	vst v2;
	v22 =	vshrl.u32 v50, $0x17;
	v6 =	vmul.f32 v8, v6;
	v7 =	vadd.f32 $-4.094764590e-01, v9  }
0x11f: {  	[tilespmem:s24+$0xC9B0] =	vst v4;
	v4 =	vsub.f32 v18, v1;
	v9 =	vadd.s32 $0xFFFFFF81, v22;
	v0 =	vadd.f32 v0, v5  }
0x120: {  	v2 =	vadd.f32 $-2.794155120e+00, v6;
	v5 =	vmul.f32 v12, v7;
	v7 =	vcvt.s32.f32 v9  }
0x121: {  	v8 =	vsub.f32 v16, v1;
	v1 =	vsub.f32 v19, v1;
	v0 =	vmul.f32 $6.931471820e-01, v0  }
0x122: {  	[tilespmem:s24+$0xC9D0] =	vst v4;
	v5 =	vadd.f32 $1.610180620e+00, v5;
	v2 =	vadd.f32 v7, v2  }
0x123: {  	[tilespmem:s24+$0xC9C0] =	vst v8;
	v4 =	vsub.f32 v57, v0  }
0x124: {  	[tilespmem:s24+$0xC9E0] =	vst v1;
	v5 =	vmul.f32 v12, v5;
	v1 =	vsub.f32 v41, v0;
	v2 =	vmul.f32 $6.931471820e-01, v2  }
0x125: {  	[tilespmem:s11+$0xC9F0] =	vst v4;
	v4 =	vsub.f32 v49, v0  }
0x126: {  	v5 =	vadd.f32 $-3.520224090e+00, v5;
	[tilespmem:s11+$0xC980] =	vst v1;
	v1 =	vsub.f32 v13, v2  }
0x127: {  	[tilespmem:s11+$0xC990] =	vst v4;
	v4 =	vsub.f32 v20, v2  }
0x128: {  	v6 =	vsub.f32 v48, v0;
	v5 =	vmul.f32 v12, v5;
	[tilespmem:s24+$0xC900] =	vst v1  }
0x129: {  	v1 =	vsub.f32 v26, v2;
	[tilespmem:s24+$0xC910] =	vst v4  }
0x12a: {  	v4 =	vadd.f32 $5.069760800e+00, v5;
	v5 =	vsub.f32 v30, v2;
	[tilespmem:s11+$0xC9A0] =	vst v6  }
0x12b: {  	[tilespmem:s24+$0xC920] =	vst v1;
	v1 =	vsub.f32 v37, v2  }
0x12c: {  	[tilespmem:s24+$0xC930] =	vst v5;
	v5 =	vsub.f32 v33, v2  }
0x12d: {  	[tilespmem:s24+$0xC940] =	vst v1;
	v1 =	vsub.f32 v25, v2  }
0x12e: {  	v4 =	vmul.f32 v12, v4;
	[tilespmem:s24+$0xC950] =	vst v5;
	v2 =	vsub.f32 v29, v2  }
0x12f: {  	v6 =	vshrl.u32 v21, $0x17;
	[tilespmem:s24+$0xC960] =	vst v1;
	v1 =	vsub.f32 v38, v0  }
0x130: {  	v6 =	vadd.s32 $0xFFFFFF81, v6;
	v4 =	vadd.f32 $-2.794155120e+00, v4;
	v5 =	vsub.f32 v39, v0;
	[tilespmem:s24+$0xC970] =	vst v2  }
0x131: {  	v6 =	vcvt.s32.f32 v6;
	[tilespmem:s11+$0xC9B0] =	vst v1;
	v1 =	vsub.f32 v40, v0;
	v0 =	vsub.f32 v42, v0;
	_ =	sdelay $0x1  }
0x132: {  	v4 =	vadd.f32 v6, v4;
	[tilespmem:s11+$0xC9E0] =	vst v0;
	v0 =	vld [tilespmem:$0x1FFA0];
	_ =	sdelay $0x1  }
0x133: {  	v2 =	vmul.f32 $6.931471820e-01, v4;
	_ =	sdelay $0x1  }
0x134: {  	[tilespmem:s11+$0xC9D0] =	vst v1;
	v1 =	vsub.f32 v47, v2  }
0x135: {  	v0 =	vsub.f32 v0, v2  }
0x136: {  	[tilespmem:s11+$0xC900] =	vst v1;
	v1 =	vld [tilespmem:$0x1FFB0]  }
0x137: {  	[tilespmem:s11+$0xC910] =	vst v0;
	v0 =	vld [tilespmem:$0x1FFC0];
	_ =	sdelay $0x3  }
0x138: {  	v1 =	vsub.f32 v1, v2  }
0x139: {  	[tilespmem:s11+$0xC9C0] =	vst v5;
	v0 =	vsub.f32 v0, v2  }
0x13a: {  	[tilespmem:s11+$0xC920] =	vst v1;
	v1 =	vsub.f32 v52, v2  }
0x13b: {  	s13 =	smul.u32 $0x140, s22;
	[tilespmem:s11+$0xC930] =	vst v0;
	v0 =	vsub.f32 v53, v2  }
0x13c: {  	[tilespmem:s11+$0xC940] =	vst v1;
	v1 =	vsub.f32 v24, v2  }
0x13d: {  	s13 =	sadd.s32 s6, s13;
	[tilespmem:s11+$0xC950] =	vst v0;
	v0 =	vsub.f32 v54, v2  }
0x13e: {  	s13 =	sshll.u32 s13, $0x4;
	[tilespmem:s11+$0xC960] =	vst v1  }
0x13f: {  	s24 =	sadd.s32 s4, s13;
	[tilespmem:s11+$0xC970] =	vst v0  }
0x140: {  	[hbm4b:s24+s5] =	stream.linear.scatter [tilespmem:s26], [sflag:$0x6], $0x2000, $0x38;
	[tilespmem:$0x16900] =	vst v63  }
0x141: {  	_ =	swait.ge [sflag:s28], $0x2000  }
0x142: {  	[sflag:s28] =	ssyncset.done $0x0  }
0x143: {  	s11 =	simm.s32 @!p0 $0x7;
	[sflag:s28] =	ssyncadd.s32 $0xFFFFE000  }
0x144: {  	_ =	swait.ge @!p0 [sflag:s11], $0x2000  }
0x145: {  	[sflag:s11] =	ssyncset.done @!p0 $0x0  }
0x146: {  	s17 =	simm.s32 $0x0;
	[sflag:s11] =	ssyncadd.s32 @!p0 $0xFFFFE000  }
0x147: {  	v16 =	vld [tilespmem:s17+$0x4980]  }
0x148: {  	v13 =	vld [tilespmem:s17+$0x4990]  }
0x149: {  	v20 =	vld [tilespmem:s17+$0x49A0]  }
0x14a: {  	v41 =	vld [tilespmem:s17+$0x49B0]  }
0x14b: {  	v43 =	vld [tilespmem:s17+$0x49C0]  }
0x14c: {  	v39 =	vld [tilespmem:s17+$0x49D0];
	v0 =	vmul.f32 $1.442695020e+00, v16  }
0x14d: {  	v38 =	vld [tilespmem:s17+$0x49E0];
	v1 =	vmul.f32 $1.442695020e+00, v13  }
0x14e: {  	v17 =	vld [tilespmem:s17+$0x49F0];
	v2 =	vmul.f32 $1.442695020e+00, v20;
	(erf) = vpow2.f32 v0  }
0x14f: {  	v0 =	vmul.f32 $1.442695020e+00, v41;
	(erf) = vpow2.f32 v1  }
0x150: {  	v1 =	vmul.f32 $1.442695020e+00, v43;
	(erf) = vpow2.f32 v2  }
0x151: {  	v2 =	vmul.f32 $1.442695020e+00, v39;
	(erf) = vpow2.f32 v0  }
0x152: {  	v0 =	vmul.f32 $1.442695020e+00, v38;
	(erf) = vpow2.f32 v1  }
0x153: {  	v1 =	vmul.f32 $1.442695020e+00, v17;
	(erf) = vpow2.f32 v2  }
0x154: {  	(erf) = vpow2.f32 v0  }
0x155: {  	(erf) = vpow2.f32 v1;
	_ =	sdelay $0x1  }
0x156: {  	v0 =	vpop (erf)  }
0x157: {  	v1 =	vpop (erf)  }
0x158: {  	v2 =	vpop (erf)  }
0x159: {  	v4 =	vpop (erf)  }
0x15a: {  	v5 =	vpop (erf)  }
0x15b: {  	v6 =	vpop (erf)  }
0x15c: {  	v7 =	vpop (erf)  }
0x15d: {  	v0 =	vadd.f32 v1, v0;
	v1 =	vadd.f32 v4, v2;
	v2 =	vpop (erf)  }
0x15e: {  	v4 =	vadd.f32 v6, v5;
	v2 =	vadd.f32 v2, v7;
	_ =	sdelay $0x1  }
0x15f: {  	v0 =	vadd.f32 v1, v0;
	v1 =	vadd.f32 v2, v4;
	_ =	sdelay $0x1  }
0x160: {  	v0 =	vadd.f32 v1, v0  }
0x161: {  	v60 =	vld [tilespmem:s17+$0x4900]  }
0x162: {  	v42 =	vld [tilespmem:s17+$0x4910];
	v1 =	vperm.xlane v0, v46  }
0x163: {  	v24 =	vld [tilespmem:s17+$0x4920]  }
0x164: {  	v23 =	vld [tilespmem:s17+$0x4930];
	v0 =	vadd.f32 v0, v1;
	_ =	sdelay $0x1  }
0x165: {  	v8 =	vld [tilespmem:s17+$0x4950];
	v1 =	vperm.xlane v0, v3  }
0x166: {  	v6 =	vld [tilespmem:s17+$0x4940]  }
0x167: {  	v22 =	vld [tilespmem:s17+$0x4960];
	v5 =	vmul.f32 $1.442695020e+00, v24;
	v2 =	vmul.f32 $1.442695020e+00, v60;
	v0 =	vadd.f32 v0, v1  }
0x168: {  	s23 =	simm.s32 $0x100;
	v21 =	vld [tilespmem:s17+$0x4970];
	v7 =	vmul.f32 $1.442695020e+00, v23;
	v4 =	vmul.f32 $1.442695020e+00, v42  }
0x169: {  	v44 =	vld [tilespmem:s23+$0x4980];
	(erf) = vpow2.f32 v2;
	v2 =	vperm.xlane v0, v61  }
0x16a: {  	v31 =	vld [tilespmem:s23+$0x49D0];
	(erf) = vpow2.f32 v4;
	v4 =	vmul.f32 $1.442695020e+00, v8  }
0x16b: {  	v40 =	vld [tilespmem:s23+$0x4990];
	(erf) = vpow2.f32 v5;
	v1 =	vmul.f32 $1.442695020e+00, v6;
	v0 =	vadd.f32 v0, v2  }
0x16c: {  	v34 =	vld [tilespmem:s23+$0x49B0];
	v5 =	vmul.f32 $1.442695020e+00, v22;
	(erf) = vpow2.f32 v7  }
0x16d: {  	v47 =	vld [tilespmem:s23+$0x49A0];
	(erf) = vpow2.f32 v1;
	v1 =	vperm.xlane v0, v62  }
0x16e: {  	(erf) = vpow2.f32 v4;
	v2 =	vmul.f32 $1.442695020e+00, v21  }
0x16f: {  	v35 =	vld [tilespmem:s23+$0x49C0];
	v12 =	vmul.f32 $1.442695020e+00, v31;
	(erf) = vpow2.f32 v5;
	v0 =	vadd.f32 v0, v1  }
0x170: {  	v15 =	vld [tilespmem:s23+$0x49E0];
	(erf) = vpow2.f32 v2;
	v1 =	vmul.f32 $1.442695020e+00, v44  }
0x171: {  	v45 =	vld [tilespmem:s23+$0x49F0];
	v7 =	vmul.f32 $1.442695020e+00, v34;
	v2 =	vmul.f32 $1.442695020e+00, v40;
	v9 =	vand.u32 $0x7FFFFF, v0  }
0x172: {  	v4 =	vpop (erf);
	v5 =	vmul.f32 $1.442695020e+00, v47;
	(erf) = vpow2.f32 v1;
	v14 =	vor.u32 $0x3F800000, v9  }
0x173: {  	v10 =	vpop (erf);
	(erf) = vpow2.f32 v2;
	v2 =	vmul.f32 $4.392872010e-02, v14  }
0x174: {  	v1 =	vmul.f32 $1.442695020e+00, v35;
	v9 =	vpop (erf);
	(erf) = vpow2.f32 v5  }
0x175: {  	v11 =	vpop (erf);
	(erf) = vpow2.f32 v7;
	v7 =	vmul.f32 $1.442695020e+00, v15;
	v2 =	vadd.f32 $-4.094764590e-01, v2  }
0x176: {  	v5 =	vpop (erf);
	(erf) = vpow2.f32 v1;
	v1 =	vmul.f32 $1.442695020e+00, v45  }
0x177: {  	v18 =	vpop (erf);
	(erf) = vpow2.f32 v12;
	v2 =	vmul.f32 v14, v2  }
0x178: {  	v4 =	vadd.f32 v10, v4;
	v10 =	vpop (erf);
	(erf) = vpow2.f32 v7  }
0x179: {  	v9 =	vadd.f32 v11, v9;
	v11 =	vpop (erf);
	(erf) = vpow2.f32 v1;
	v1 =	vadd.f32 $1.610180620e+00, v2;
	_ =	sdelay $0x1  }
0x17a: {  	v1 =	vmul.f32 v14, v1  }
0x17b: {  	v7 =	vadd.f32 v11, v10;
	v10 =	vpop (erf)  }
0x17c: {  	v12 =	vld [tilespmem:s23+$0x4900];
	v5 =	vadd.f32 v18, v5;
	v18 =	vpop (erf);
	v1 =	vadd.f32 $-3.520224090e+00, v1  }
0x17d: {  	v19 =	vpop (erf)  }
0x17e: {  	v25 =	vpop (erf);
	v1 =	vmul.f32 v14, v1  }
0x17f: {  	v2 =	vadd.f32 v9, v4;
	v9 =	vld [tilespmem:s23+$0x4910];
	v4 =	vadd.f32 v7, v5;
	v27 =	vpop (erf)  }
0x180: {  	v0 =	vshrl.u32 v0, $0x17;
	v5 =	vld [tilespmem:s23+$0x4920];
	v30 =	vpop (erf);
	v1 =	vadd.f32 $5.069760800e+00, v1  }
0x181: {  	v0 =	vadd.s32 $0xFFFFFF81, v0;
	v7 =	vld [tilespmem:s23+$0x4940];
	v28 =	vmul.f32 $1.442695020e+00, v12;
	v2 =	vadd.f32 v4, v2;
	v54 =	vpop (erf)  }
0x182: {  	v4 =	vld [tilespmem:s23+$0x4930];
	v19 =	vadd.f32 v25, v19;
	v25 =	vadd.f32 v30, v27;
	v27 =	vpop (erf);
	v1 =	vmul.f32 v14, v1  }
0x183: {  	v0 =	vcvt.s32.f32 v0;
	v18 =	vadd.f32 v18, v10;
	v27 =	vadd.f32 v27, v54  }
0x184: {  	v29 =	vmul.f32 $1.442695020e+00, v9;
	(erf) = vpow2.f32 v28;
	v1 =	vadd.f32 $-2.794155120e+00, v1  }
0x185: {  	v11 =	vld [tilespmem:s23+$0x4950];
	v26 =	vperm.xlane v2, v46;
	v18 =	vadd.f32 v19, v18;
	v19 =	vadd.f32 v27, v25  }
0x186: {  	v10 =	vld [tilespmem:s23+$0x4960];
	(erf) = vpow2.f32 v29;
	v53 =	vmul.f32 $1.442695020e+00, v5;
	v0 =	vadd.f32 v0, v1  }
0x187: {  	v30 =	vmul.f32 $1.442695020e+00, v7;
	v55 =	vmul.f32 $1.442695020e+00, v4;
	v14 =	vld [tilespmem:s23+$0x4970];
	v18 =	vadd.f32 v19, v18  }
0x188: {  	(erf) = vpow2.f32 v53;
	v48 =	vmul.f32 $6.931471820e-01, v0  }
0x189: {  	(erf) = vpow2.f32 v55;
	v19 =	vperm.xlane v18, v46;
	v0 =	vadd.f32 v2, v26  }
0x18a: {  	v25 =	vmul.f32 $1.442695020e+00, v11;
	(erf) = vpow2.f32 v30;
	v17 =	vsub.f32 v17, v48  }
0x18b: {  	v1 =	vmul.f32 $1.442695020e+00, v10;
	v18 =	vadd.f32 v18, v19;
	v19 =	vperm.xlane v0, v3  }
0x18c: {  	s24 =	simm.s32 $0x200;
	(erf) = vpow2.f32 v25;
	v2 =	vmul.f32 $1.442695020e+00, v14;
	[tilespmem:s17+$0xE9F0] =	vst v17  }
0x18d: {  	(erf) = vpow2.f32 v1;
	v1 =	vperm.xlane v18, v3;
	v0 =	vadd.f32 v0, v19;
	v27 =	vld [tilespmem:s24+$0x4980]  }
0x18e: {  	v32 =	vld [tilespmem:s24+$0x4990]  }
0x18f: {  	(erf) = vpow2.f32 v2;
	v28 =	vld [tilespmem:s24+$0x49A0];
	v1 =	vadd.f32 v18, v1;
	v18 =	vperm.xlane v0, v61  }
0x190: {  	v26 =	vsub.f32 v16, v48;
	v2 =	vpop (erf)  }
0x191: {  	v55 =	vsub.f32 v20, v48;
	v16 =	vld [tilespmem:s24+$0x49C0];
	v19 =	vpop (erf);
	v25 =	vperm.xlane v1, v61;
	v0 =	vadd.f32 v0, v18  }
0x192: {  	v17 =	vld [tilespmem:s24+$0x49B0];
	[tilespmem:s17+$0xE980] =	vst v26;
	v26 =	vsub.f32 v13, v48;
	v2 =	vadd.f32 v19, v2;
	v19 =	vpop (erf)  }
0x193: {  	v13 =	vld [tilespmem:s24+$0x4900];
	v18 =	vpop (erf);
	v1 =	vadd.f32 v1, v25;
	v29 =	vperm.xlane v0, v62;
	v57 =	vmul.f32 $1.442695020e+00, v27  }
0x194: {  	v58 =	vmul.f32 $1.442695020e+00, v32;
	v59 =	vmul.f32 $1.442695020e+00, v28;
	v19 =	vadd.f32 v18, v19  }
0x195: {  	v18 =	vld [tilespmem:s24+$0x49D0];
	[tilespmem:s17+$0xE990] =	vst v26;
	v25 =	vpop (erf);
	v56 =	vperm.xlane v1, v62;
	(erf) = vpow2.f32 v57;
	v0 =	vadd.f32 v0, v29  }
0x196: {  	v63 =	vmul.f32 $1.442695020e+00, v16;
	v36 =	vld [tilespmem:s24+$0x49F0];
	v30 =	vpop (erf);
	v2 =	vadd.f32 v19, v2;
	(erf) = vpow2.f32 v58  }
0x197: {  	v19 =	vld [tilespmem:s24+$0x49E0];
	v25 =	vadd.f32 v30, v25;
	v30 =	vpop (erf);
	v1 =	vadd.f32 v1, v56;
	v58 =	vand.u32 $0x7FFFFF, v0  }
0x198: {  	v49 =	vmul.f32 $1.442695020e+00, v13;
	(erf) = vpow2.f32 v59;
	v26 =	vpop (erf);
	v51 =	vor.u32 $0x3F800000, v58  }
0x199: {  	v20 =	vld [tilespmem:s24+$0x4910];
	v30 =	vadd.f32 v26, v30;
	v26 =	vmul.f32 $1.442695020e+00, v17;
	v53 =	vand.u32 $0x7FFFFF, v1  }
0x19a: {  	v54 =	vmul.f32 $1.442695020e+00, v18;
	v52 =	vmul.f32 $4.392872010e-02, v51;
	v50 =	vor.u32 $0x3F800000, v53  }
0x19b: {  	v57 =	vmul.f32 $1.442695020e+00, v36;
	v56 =	vmul.f32 $4.392872010e-02, v50  }
0x19c: {  	(erf) = vpow2.f32 v26;
	v26 =	vld [tilespmem:s24+$0x4920];
	v29 =	vmul.f32 $1.442695020e+00, v19;
	[tilespmem:s17+$0xE9A0] =	vst v55  }
0x19d: {  	v25 =	vadd.f32 v30, v25;
	(erf) = vpow2.f32 v63;
	v30 =	vld [tilespmem:s24+$0x4930];
	v59 =	vadd.f32 $-4.094764590e-01, v56  }
0x19e: {  	v52 =	vadd.f32 $-4.094764590e-01, v52;
	(erf) = vpow2.f32 v54;
	v54 =	vmul.f32 $1.442695020e+00, v20  }
0x19f: {  	v37 =	vld [tilespmem:s24+$0x4940];
	v2 =	vadd.f32 v25, v2;
	(erf) = vpow2.f32 v29;
	v25 =	vmul.f32 v50, v59  }
0x1a0: {  	v52 =	vmul.f32 v51, v52;
	(erf) = vpow2.f32 v57  }
0x1a1: {  	v33 =	vld [tilespmem:s24+$0x4950];
	v29 =	vperm.xlane v2, v46;
	v55 =	vmul.f32 $1.442695020e+00, v26;
	v56 =	vadd.f32 $1.610180620e+00, v25  }
0x1a2: {  	v53 =	vpop (erf);
	(erf) = vpow2.f32 v49;
	v25 =	vld [tilespmem:s24+$0x4960];
	v63 =	vmul.f32 $1.442695020e+00, v30  }
0x1a3: {  	v57 =	vpop (erf);
	(erf) = vpow2.f32 v54;
	v56 =	vmul.f32 v50, v56  }
0x1a4: {  	v49 =	vpop (erf);
	v59 =	vmul.f32 $1.442695020e+00, v37;
	(erf) = vpow2.f32 v55  }
0x1a5: {  	v2 =	vadd.f32 v2, v29;
	v29 =	vld [tilespmem:s24+$0x4970];
	v54 =	vpop (erf);
	(erf) = vpow2.f32 v63;
	v56 =	vadd.f32 $-3.520224090e+00, v56  }
0x1a6: {  	v53 =	vadd.f32 v57, v53;
	v57 =	vmul.f32 $1.442695020e+00, v33;
	v55 =	vpop (erf);
	(erf) = vpow2.f32 v59  }
0x1a7: {  	v49 =	vadd.f32 v54, v49;
	v63 =	vpop (erf);
	v54 =	vmul.f32 $1.442695020e+00, v25;
	v56 =	vmul.f32 v50, v56  }
0x1a8: {  	v1 =	vshrl.u32 v1, $0x17;
	v52 =	vadd.f32 $1.610180620e+00, v52;
	(erf) = vpow2.f32 v57;
	v59 =	vpop (erf)  }
0x1a9: {  	v55 =	vadd.f32 v63, v55;
	v63 =	vpop (erf);
	(erf) = vpow2.f32 v54;
	v56 =	vadd.f32 $5.069760800e+00, v56  }
0x1aa: {  	v54 =	vmul.f32 $1.442695020e+00, v29;
	v57 =	vadd.f32 v63, v59;
	v63 =	vperm.xlane v2, v3  }
0x1ab: {  	v1 =	vadd.s32 $0xFFFFFF81, v1;
	v49 =	vadd.f32 v49, v53;
	v50 =	vmul.f32 v50, v56  }
0x1ac: {  	(erf) = vpow2.f32 v54;
	v2 =	vadd.f32 v2, v63;
	v58 =	vadd.f32 v57, v55  }
0x1ad: {  	v1 =	vcvt.s32.f32 v1;
	v50 =	vadd.f32 $-2.794155120e+00, v50  }
0x1ae: {  	v59 =	vmul.f32 v51, v52;
	v52 =	vpop (erf);
	v63 =	vperm.xlane v2, v61;
	v49 =	vadd.f32 v58, v49  }
0x1af: {  	v41 =	vsub.f32 v41, v48;
	v53 =	vpop (erf);
	v1 =	vadd.f32 v1, v50  }
0x1b0: {  	v56 =	vpop (erf);
	v50 =	vadd.f32 $-3.520224090e+00, v59;
	v2 =	vadd.f32 v2, v63;
	v63 =	vperm.xlane v49, v46  }
0x1b1: {  	v39 =	vsub.f32 v39, v48;
	v38 =	vsub.f32 v38, v48;
	v0 =	vshrl.u32 v0, $0x17;
	v57 =	vpop (erf)  }
0x1b2: {  	v54 =	vsub.f32 v43, v48;
	v58 =	vpop (erf);
	v43 =	vmul.f32 $6.931471820e-01, v1;
	v1 =	vmul.f32 v51, v50  }
0x1b3: {  	v0 =	vadd.s32 $0xFFFFFF81, v0;
	[tilespmem:s17+$0xE9D0] =	vst v39;
	v57 =	vadd.f32 v57, v56;
	v59 =	vpop (erf);
	v39 =	vadd.f32 v49, v63  }
0x1b4: {  	v49 =	vadd.f32 v53, v52;
	v50 =	vperm.xlane v2, v62;
	v1 =	vadd.f32 $5.069760800e+00, v1;
	v63 =	vpop (erf)  }
0x1b5: {  	[tilespmem:s17+$0xE9B0] =	vst v41;
	v48 =	vadd.f32 v59, v58;
	v45 =	vsub.f32 v45, v43;
	v58 =	vperm.xlane v39, v3;
	v59 =	vpop (erf)  }
0x1b6: {  	[tilespmem:s17+$0xE9E0] =	vst v38;
	v2 =	vadd.f32 v2, v50;
	v1 =	vmul.f32 v51, v1;
	v38 =	vadd.f32 v59, v63  }
0x1b7: {  	v0 =	vcvt.s32.f32 v0;
	[tilespmem:s17+$0xE9C0] =	vst v54;
	v63 =	vadd.f32 v57, v49;
	v57 =	vadd.f32 v39, v58  }
0x1b8: {  	s11 =	simm.s32 $0x300;
	v44 =	vsub.f32 v44, v43;
	[tilespmem:s23+$0xE9F0] =	vst v45;
	v58 =	vand.u32 $0x7FFFFF, v2;
	v1 =	vadd.f32 $-2.794155120e+00, v1  }
0x1b9: {  	v41 =	vld [tilespmem:s11+$0x4980];
	v45 =	vor.u32 $0x3F800000, v58;
	v59 =	vadd.f32 v38, v48;
	v53 =	vperm.xlane v57, v61  }
0x1ba: {  	v2 =	vshrl.u32 v2, $0x17;
	v49 =	vld [tilespmem:s11+$0x4990];
	v61 =	vmul.f32 $4.392872010e-02, v45;
	v0 =	vadd.f32 v0, v1  }
0x1bb: {  	v48 =	vld [tilespmem:s11+$0x49A0];
	v1 =	vadd.s32 $0xFFFFFF81, v2;
	v2 =	vadd.f32 v59, v63;
	v50 =	vadd.f32 v57, v53  }
0x1bc: {  	v39 =	vld [tilespmem:s11+$0x49C0];
	v63 =	vadd.f32 $-4.094764590e-01, v61;
	v59 =	vsub.f32 v47, v43;
	v56 =	vmul.f32 $6.931471820e-01, v0  }
0x1bd: {  	v38 =	vld [tilespmem:s11+$0x49B0];
	[tilespmem:s23+$0xE980] =	vst v44;
	v44 =	vcvt.s32.f32 v1;
	v0 =	vsub.f32 v40, v43;
	v1 =	vperm.xlane v2, v46  }
0x1be: {  	v47 =	vld [tilespmem:s11+$0x4900];
	v53 =	vperm.xlane v50, v62;
	v58 =	vmul.f32 v45, v63;
	v57 =	vsub.f32 v60, v56  }
0x1bf: {  	v40 =	vld [tilespmem:s11+$0x49D0];
	v61 =	vmul.f32 $1.442695020e+00, v49;
	[tilespmem:s23+$0xE990] =	vst v0;
	v60 =	vmul.f32 $1.442695020e+00, v41;
	v55 =	vadd.f32 v2, v1  }
0x1c0: {  	s13 =	simm.s32 $0x1000;
	v52 =	vsub.f32 v42, v56;
	v51 =	vadd.f32 v50, v53;
	v53 =	vmul.f32 $1.442695020e+00, v48;
	v42 =	vld [tilespmem:s11+$0x49E0];
	[tilespmem:s17+$0xE900] =	vst v57  }
.LBB2_7:
0x1c1: {  	v1 =	vadd.f32 $1.610180620e+00, v58;
	v34 =	vsub.f32 v34, v43  }
0x1c2: {  	v54 =	vld [tilespmem:s11+$0x49F0];
	v35 =	vsub.f32 v35, v43;
	(erf) = vpow2.f32 v60;
	v0 =	vmul.f32 $1.442695020e+00, v38  }
0x1c3: {  	v57 =	vand.u32 $0x7FFFFF, v51;
	v2 =	vmul.f32 $1.442695020e+00, v39;
	(erf) = vpow2.f32 v61  }
0x1c4: {  	v46 =	vld [tilespmem:s11+$0x4910];
	[tilespmem:s17+$0xE910] =	vst v52;
	v57 =	vor.u32 $0x3F800000, v57;
	v1 =	vmul.f32 v45, v1;
	(erf) = vpow2.f32 v53  }
0x1c5: {  	v50 =	vmovc v49;
	v52 =	vmovc v28;
	v49 =	vld [tilespmem:s11+$0x4920];
	[tilespmem:s23+$0xE9A0] =	vst v59;
	v61 =	vsub.f32 v24, v56;
	v58 =	vmul.f32 $1.442695020e+00, v40;
	(erf) = vpow2.f32 v0  }
0x1c6: {  	v28 =	vmovc v48;
	v53 =	vmovc v12;
	v0 =	vmul.f32 $4.392872010e-02, v57;
	v62 =	vmul.f32 $1.442695020e+00, v42;
	v1 =	vadd.f32 $-3.520224090e+00, v1  }
0x1c7: {  	v48 =	vld [tilespmem:s11+$0x4930];
	v12 =	vmovc v13;
	v13 =	vmovc v47;
	(erf) = vpow2.f32 v2;
	v2 =	vsub.f32 v23, v56;
	v63 =	vmul.f32 $1.442695020e+00, v54  }
0x1c8: {  	v24 =	vmovc v5;
	v59 =	vld [tilespmem:s11+$0x4940];
	(erf) = vpow2.f32 v58;
	v0 =	vadd.f32 $-4.094764590e-01, v0;
	v58 =	vmul.f32 $1.442695020e+00, v13  }
0x1c9: {  	v5 =	vmovc v26;
	v60 =	vld [tilespmem:s11+$0x4950];
	[tilespmem:s17+$0xE920] =	vst v61;
	v23 =	vmovc v4;
	v4 =	vmov v30;
	v1 =	vmul.f32 v45, v1;
	(erf) = vpow2.f32 v62  }
0x1ca: {  	v47 =	vld [tilespmem:s11+$0x4960];
	[tilespmem:s17+$0xE930] =	vst v2;
	v2 =	vsub.f32 v6, v56;
	v6 =	vmovc v7;
	v7 =	vmov v37;
	v0 =	vmul.f32 v57, v0  }
0x1cb: {  	v37 =	vsub.f32 v8, v56;
	v26 =	vmovc v49;
	v8 =	vmovc v11;
	v49 =	vmul.f32 $1.442695020e+00, v46;
	(erf) = vpow2.f32 v63  }
0x1cc: {  	v11 =	vmovc v33;
	v61 =	vld [tilespmem:s11+$0x4970];
	v62 =	vmul.f32 $1.442695020e+00, v26;
	v30 =	vmovc v48;
	[tilespmem:s17+$0xE940] =	vst v2;
	v2 =	vsub.f32 v22, v56;
	v0 =	vadd.f32 $1.610180620e+00, v0  }
0x1cd: {  	v33 =	vmul.f32 $1.442695020e+00, v59;
	v1 =	vadd.f32 $5.069760800e+00, v1;
	v22 =	vmul.f32 $1.442695020e+00, v30;
	v48 =	vpop (erf)  }
0x1ce: {  	(erf) = vpow2.f32 v58;
	v58 =	vpop (erf);
	[tilespmem:s17+$0xE960] =	vst v2;
	v2 =	vsub.f32 v21, v56;
	v0 =	vmul.f32 v57, v0  }
0x1cf: {  	v31 =	vsub.f32 v31, v43;
	[tilespmem:s17+$0xE950] =	vst v37;
	v37 =	vmul.f32 $1.442695020e+00, v60;
	v56 =	vpop (erf);
	(erf) = vpow2.f32 v49  }
0x1d0: {  	v1 =	vmul.f32 v45, v1;
	v21 =	vmul.f32 $1.442695020e+00, v47;
	v49 =	vpop (erf);
	[tilespmem:s17+$0xE970] =	vst v2;
	s17 =	smov.u32 s23;
	v0 =	vadd.f32 $-3.520224090e+00, v0  }
0x1d1: {  	(erf) = vpow2.f32 v62;
	[tilespmem:s17+$0xE9B0] =	vst v34;
	v34 =	vadd.f32 v58, v48;
	v56 =	vadd.f32 v49, v56  }
0x1d2: {  	v1 =	vadd.f32 $-2.794155120e+00, v1;
	v62 =	vperm.xlane v55, v3;
	v2 =	vpop (erf);
	(erf) = vpow2.f32 v22  }
0x1d3: {  	v22 =	vpop (erf);
	(erf) = vpow2.f32 v33;
	v0 =	vmul.f32 v57, v0;
	v34 =	vadd.f32 v56, v34;
	v56 =	vld [tilespmem:$0x1FFE0]  }
0x1d4: {  	v63 =	vmul.f32 $1.442695020e+00, v61;
	[tilespmem:s17+$0xE9C0] =	vst v35;
	v35 =	vadd.f32 v55, v62;
	v48 =	vpop (erf);
	(erf) = vpow2.f32 v37  }
0x1d5: {  	v2 =	vadd.f32 v22, v2;
	v22 =	vpop (erf);
	(erf) = vpow2.f32 v21;
	v0 =	vadd.f32 $5.069760800e+00, v0  }
0x1d6: {  	v55 =	vld [tilespmem:$0x1FFD0];
	v33 =	vmovc v60;
	v58 =	vadd.f32 v22, v48;
	(erf) = vpow2.f32 v63;
	v63 =	vshrl.u32 v51, $0x17  }
0x1d7: {  	[tilespmem:s17+$0xE9D0] =	vst v31;
	v21 =	vmov v14;
	v31 =	vpop (erf);
	v0 =	vmul.f32 v57, v0;
	v62 =	vadd.s32 $0xFFFFFF81, v63;
	v57 =	vld [tilespmem:$0x1FFF0]  }
0x1d8: {  	v2 =	vadd.f32 v58, v2;
	v60 =	vperm.xlane v35, v56;
	v14 =	vpop (erf);
	v63 =	vcvt.s32.f32 v62  }
0x1d9: {  	v0 =	vadd.f32 $-2.794155120e+00, v0;
	v31 =	vadd.f32 v14, v31  }
0x1da: {  	v14 =	vpop (erf);
	v2 =	vadd.f32 v2, v34;
	v35 =	vadd.f32 v35, v60  }
0x1db: {  	v22 =	vmov v10;
	v10 =	vmov v25;
	v62 =	vpop (erf);
	v0 =	vadd.f32 v63, v0  }
0x1dc: {  	v25 =	vmov v47;
	v47 =	vperm.xlane v2, v55;
	v63 =	vpop (erf);
	v60 =	vperm.xlane v35, v57  }
0x1dd: {  	v58 =	vsub.f32 v15, v43;
	v34 =	vadd.f32 v62, v14;
	v62 =	vpop (erf);
	v43 =	vmul.f32 $6.931471820e-01, v0  }
0x1de: {  	v2 =	vadd.f32 v2, v47;
	v15 =	vpop (erf);
	v49 =	vadd.f32 v35, v60  }
0x1df: {  	v14 =	vmov v29;
	v0 =	vadd.f32 v62, v63;
	v29 =	vpop (erf);
	v60 =	vsub.f32 v36, v43  }
0x1e0: {  	s23 =	smov.u32 s24;
	v37 =	vmovc v59;
	[tilespmem:s17+$0xE9E0] =	vst v58;
	v63 =	vperm.xlane v2, v3;
	v62 =	vadd.f32 v29, v15;
	v59 =	vand.u32 $0x7FFFFF, v49  }
0x1e1: {  	s24 =	smov.u32 s11;
	s11 =	sshra.s32 s13, $0x2;
	v1 =	vadd.f32 v44, v1;
	v47 =	vadd.f32 v34, v31;
	[tilespmem:s23+$0xE9F0] =	vst v60;
	v45 =	vor.u32 $0x3F800000, v59  }
0x1e2: {  	v2 =	vadd.f32 v2, v63;
	v63 =	vshrl.u32 v49, $0x17;
	v51 =	vld [tilespmem:s11+$0x4980];
	v0 =	vadd.f32 v62, v0  }
0x1e3: {  	v35 =	vmovc v16;
	v49 =	vld [tilespmem:s11+$0x4990];
	v62 =	vmul.f32 $4.392872010e-02, v45;
	v60 =	vadd.s32 $0xFFFFFF81, v63;
	v63 =	vsub.f32 v27, v43  }
0x1e4: {  	v16 =	vmovc v39;
	v29 =	vmovc v61;
	v48 =	vld [tilespmem:s11+$0x49A0];
	v61 =	vperm.xlane v2, v56;
	v0 =	vadd.f32 v0, v47;
	v56 =	vmul.f32 $6.931471820e-01, v1  }
0x1e5: {  	p1 =	sne.s32 s13, $0x7C00;
	v31 =	vmovc v18;
	v18 =	vmovc v40;
	v36 =	vmov v54;
	v47 =	vadd.f32 $-4.094764590e-01, v62;
	v62 =	vsub.f32 v32, v43  }
.Ltmp2:
0x1e6: {  	v34 =	vmovc v17;
	v17 =	vmovc v38;
	v15 =	vmov v19;
	v38 =	vld [tilespmem:s11+$0x49B0];
	v2 =	vadd.f32 v2, v61;
	v32 =	vsub.f32 v53, v56;
	(pc) =	sbr.rel @p1 .LBB2_7-.Ltmp2, $4  }
0x1e7: {  	v19 =	vmovc v42;
	v59 =	vsub.f32 v52, v43;
	v39 =	vld [tilespmem:s11+$0x49C0];
	v44 =	vcvt.s32.f32 v60;
	[tilespmem:s23+$0xE980] =	vst v63;
	v1 =	vperm.xlane v0, v55  }
0x1e8: {  	v27 =	vmovc v41;
	v40 =	vld [tilespmem:s11+$0x49D0];
	v58 =	vmul.f32 v45, v47;
	v52 =	vsub.f32 v9, v56;
	v54 =	vperm.xlane v2, v57  }
0x1e9: {  	v47 =	vld [tilespmem:s11+$0x4900];
	[tilespmem:s23+$0xE990] =	vst v62;
	v9 =	vmovc v20;
	v20 =	vmovc v46;
	v41 =	vmov v51;
	v61 =	vmul.f32 $1.442695020e+00, v49;
	v53 =	vmul.f32 $1.442695020e+00, v48  }
0x1ea: {  	s13 =	sadd.s32 $0x400, s13;
	v42 =	vld [tilespmem:s11+$0x49E0];
	v60 =	vmul.f32 $1.442695020e+00, v41;
	v55 =	vadd.f32 v0, v1;
	[tilespmem:s17+$0xE900] =	vst v32;
	v51 =	vadd.f32 v2, v54;
	v32 =	vmovc v50  }
0x1eb: {  	_ = 	snop  }
0x1ec: {  	v57 =	vld [tilespmem:s11+$0x49F0];
	(erf) = vpow2.f32 v60  }
0x1ed: {  	v0 =	vmul.f32 $1.442695020e+00, v38;
	(erf) = vpow2.f32 v61  }
0x1ee: {  	v1 =	vmul.f32 $1.442695020e+00, v39;
	(erf) = vpow2.f32 v53  }
0x1ef: {  	v2 =	vmul.f32 $1.442695020e+00, v40;
	(erf) = vpow2.f32 v0  }
0x1f0: {  	v46 =	vld [tilespmem:s11+$0x4910];
	[tilespmem:s17+$0xE910] =	vst v52;
	v0 =	vmul.f32 $1.442695020e+00, v42;
	(erf) = vpow2.f32 v1  }
0x1f1: {  	v50 =	vld [tilespmem:s11+$0x4920];
	[tilespmem:s23+$0xE9A0] =	vst v59;
	v1 =	vmul.f32 $1.442695020e+00, v57;
	(erf) = vpow2.f32 v2  }
0x1f2: {  	v62 =	vld [tilespmem:s11+$0x4930];
	v2 =	vsub.f32 v24, v56;
	(erf) = vpow2.f32 v0  }
0x1f3: {  	v52 =	vld [tilespmem:s11+$0x4940];
	(erf) = vpow2.f32 v1  }
0x1f4: {  	v53 =	vld [tilespmem:s11+$0x4950];
	[tilespmem:s17+$0xE920] =	vst v2;
	v2 =	vmul.f32 $1.442695020e+00, v47  }
0x1f5: {  	v59 =	vmul.f32 $1.442695020e+00, v46;
	v0 =	vsub.f32 v23, v56;
	v23 =	vpop (erf)  }
0x1f6: {  	[tilespmem:$0x1FF70] =	vst v46;
	v1 =	vpop (erf)  }
0x1f7: {  	[tilespmem:$0x1FF80] =	vst v50;
	v24 =	vld [tilespmem:s11+$0x4960];
	v46 =	vpop (erf)  }
0x1f8: {  	v50 =	vmul.f32 $1.442695020e+00, v50;
	[tilespmem:s17+$0xE930] =	vst v0;
	(erf) = vpow2.f32 v2;
	v2 =	vpop (erf)  }
0x1f9: {  	[tilespmem:$0x1FF90] =	vst v62;
	v62 =	vmul.f32 $1.442695020e+00, v62;
	v54 =	vld [tilespmem:s11+$0x4970];
	(erf) = vpow2.f32 v59;
	v59 =	vpop (erf)  }
0x1fa: {  	v63 =	vmul.f32 $1.442695020e+00, v52;
	(erf) = vpow2.f32 v50;
	v60 =	vpop (erf)  }
0x1fb: {  	v0 =	vmul.f32 $1.442695020e+00, v53;
	v1 =	vadd.f32 v1, v23;
	(erf) = vpow2.f32 v62;
	v23 =	vpop (erf)  }
0x1fc: {  	v62 =	vmul.f32 $1.442695020e+00, v24;
	(erf) = vpow2.f32 v63;
	v2 =	vadd.f32 v2, v46;
	v46 =	vpop (erf)  }
0x1fd: {  	(erf) = vpow2.f32 v0;
	v59 =	vadd.f32 v60, v59;
	v0 =	vadd.f32 v46, v23  }
0x1fe: {  	v50 =	vmul.f32 $1.442695020e+00, v54;
	v46 =	vld [tilespmem:$0x1FFD0]  }
0x1ff: {  	(erf) = vpow2.f32 v62;
	v1 =	vadd.f32 v2, v1;
	v0 =	vadd.f32 v0, v59  }
0x200: {  	(erf) = vpow2.f32 v50  }
0x201: {  	v0 =	vadd.f32 v0, v1  }
0x202: {  	v23 =	vpop (erf)  }
0x203: {  	v59 =	vpop (erf);
	v50 =	vperm.xlane v0, v46  }
0x204: {  	v60 =	vpop (erf)  }
0x205: {  	v62 =	vpop (erf)  }
0x206: {  	v2 =	vand.u32 $0x7FFFFF, v51;
	v63 =	vpop (erf)  }
0x207: {  	v2 =	vor.u32 $0x3F800000, v2;
	v0 =	vadd.f32 v0, v50;
	v50 =	vpop (erf)  }
0x208: {  	v23 =	vadd.f32 v59, v23;
	v1 =	vmul.f32 $4.392872010e-02, v2;
	v59 =	vadd.f32 v62, v60;
	v60 =	vpop (erf)  }
0x209: {  	v61 =	vadd.f32 v50, v63;
	v50 =	vpop (erf)  }
0x20a: {  	v1 =	vadd.f32 $-4.094764590e-01, v1;
	v50 =	vadd.f32 v50, v60;
	_ =	sdelay $0x1  }
0x20b: {  	v1 =	vmul.f32 v2, v1;
	v50 =	vadd.f32 v50, v61;
	v61 =	vld [tilespmem:$0x1FFE0]  }
0x20c: {  	v63 =	vperm.xlane v55, v3  }
0x20d: {  	v1 =	vadd.f32 $1.610180620e+00, v1  }
0x20e: {  	v62 =	vperm.xlane v0, v3;
	v55 =	vadd.f32 v55, v63  }
0x20f: {  	v6 =	vsub.f32 v6, v56;
	v1 =	vmul.f32 v2, v1  }
0x210: {  	v8 =	vsub.f32 v8, v56;
	v0 =	vadd.f32 v0, v62;
	v62 =	vperm.xlane v55, v61  }
0x211: {  	v22 =	vsub.f32 v22, v56;
	v1 =	vadd.f32 $-3.520224090e+00, v1  }
0x212: {  	v21 =	vsub.f32 v21, v56;
	v55 =	vadd.f32 v55, v62;
	v62 =	vld [tilespmem:$0x1FFF0]  }
0x213: {  	v56 =	vadd.f32 $1.610180620e+00, v58;
	v1 =	vmul.f32 v2, v1;
	v60 =	vperm.xlane v0, v61;
	_ =	sdelay $0x1  }
0x214: {  	v56 =	vmul.f32 v45, v56;
	v1 =	vadd.f32 $5.069760800e+00, v1;
	v0 =	vadd.f32 v0, v60  }
0x215: {  	v51 =	vshrl.u32 v51, $0x17;
	v23 =	vadd.f32 v59, v23  }
0x216: {  	v1 =	vmul.f32 v2, v1;
	v2 =	vadd.f32 $-3.520224090e+00, v56;
	v63 =	vperm.xlane v0, v62  }
0x217: {  	v34 =	vsub.f32 v34, v43;
	v51 =	vadd.s32 $0xFFFFFF81, v51  }
0x218: {  	v23 =	vadd.f32 v50, v23;
	v2 =	vmul.f32 v45, v2;
	v0 =	vadd.f32 v0, v63  }
0x219: {  	v35 =	vsub.f32 v35, v43;
	[tilespmem:s17+$0xE940] =	vst v6;
	v6 =	vcvt.s32.f32 v51;
	v59 =	vperm.xlane v55, v62  }
0x21a: {  	v60 =	vperm.xlane v23, v46;
	v2 =	vadd.f32 $5.069760800e+00, v2;
	v63 =	vand.u32 $0x7FFFFF, v0  }
0x21b: {  	v1 =	vadd.f32 $-2.794155120e+00, v1;
	v50 =	vadd.f32 v55, v59;
	v56 =	vor.u32 $0x3F800000, v63  }
0x21c: {  	v15 =	vsub.f32 v15, v43;
	v2 =	vmul.f32 v45, v2;
	v58 =	vmul.f32 $4.392872010e-02, v56  }
0x21d: {  	[tilespmem:s17+$0xE950] =	vst v8;
	v23 =	vadd.f32 v23, v60;
	v1 =	vadd.f32 v6, v1;
	v59 =	vand.u32 $0x7FFFFF, v50  }
0x21e: {  	[tilespmem:s17+$0xE960] =	vst v22;
	v2 =	vadd.f32 $-2.794155120e+00, v2;
	v8 =	vor.u32 $0x3F800000, v59;
	v60 =	vadd.f32 $-4.094764590e-01, v58  }
0x21f: {  	[tilespmem:s17+$0xE970] =	vst v21;
	v21 =	vsub.f32 v31, v43;
	v63 =	vperm.xlane v23, v3;
	v6 =	vmul.f32 $4.392872010e-02, v8  }
0x220: {  	[tilespmem:s23+$0xE9B0] =	vst v34;
	v1 =	vmul.f32 $6.931471820e-01, v1;
	v2 =	vadd.f32 v44, v2;
	v22 =	vmul.f32 v56, v60  }
0x221: {  	[tilespmem:s23+$0xE9C0] =	vst v35;
	v23 =	vadd.f32 v23, v63;
	v6 =	vadd.f32 $-4.094764590e-01, v6  }
0x222: {  	[tilespmem:s23+$0xE9E0] =	vst v15;
	v51 =	vsub.f32 v36, v1;
	v2 =	vmul.f32 $6.931471820e-01, v2;
	v22 =	vadd.f32 $1.610180620e+00, v22  }
0x223: {  	[tilespmem:s23+$0xE9D0] =	vst v21;
	v21 =	vsub.f32 v27, v1;
	v31 =	vperm.xlane v23, v61;
	v6 =	vmul.f32 v8, v6  }
0x224: {  	v15 =	vsub.f32 v32, v1;
	[tilespmem:s24+$0xE9F0] =	vst v51;
	v12 =	vsub.f32 v12, v2;
	v22 =	vmul.f32 v56, v22  }
0x225: {  	[tilespmem:s24+$0xE980] =	vst v21;
	v23 =	vadd.f32 v23, v31;
	v6 =	vadd.f32 $1.610180620e+00, v6  }
0x226: {  	[tilespmem:s24+$0xE990] =	vst v15;
	v9 =	vsub.f32 v9, v2;
	v22 =	vadd.f32 $-3.520224090e+00, v22  }
0x227: {  	v27 =	vsub.f32 v28, v1;
	[tilespmem:s23+$0xE900] =	vst v12;
	v28 =	vperm.xlane v23, v62;
	v6 =	vmul.f32 v8, v6  }
0x228: {  	v5 =	vsub.f32 v5, v2;
	v4 =	vsub.f32 v4, v2;
	[tilespmem:s23+$0xE910] =	vst v9;
	v15 =	vmul.f32 v56, v22  }
0x229: {  	v0 =	vshrl.u32 v0, $0x17;
	[tilespmem:s24+$0xE9A0] =	vst v27;
	v21 =	vadd.f32 v23, v28;
	v6 =	vadd.f32 $-3.520224090e+00, v6  }
0x22a: {  	v0 =	vadd.s32 $0xFFFFFF81, v0;
	v7 =	vsub.f32 v7, v2;
	[tilespmem:s23+$0xE920] =	vst v5;
	v9 =	vadd.f32 $5.069760800e+00, v15  }
0x22b: {  	v11 =	vsub.f32 v11, v2;
	[tilespmem:s23+$0xE930] =	vst v4;
	v12 =	vand.u32 $0x7FFFFF, v21;
	v6 =	vmul.f32 v8, v6  }
0x22c: {  	v4 =	vsub.f32 v10, v2;
	[tilespmem:s23+$0xE940] =	vst v7;
	v12 =	vor.u32 $0x3F800000, v12;
	v5 =	vmul.f32 v56, v9  }
0x22d: {  	[tilespmem:s23+$0xE950] =	vst v11;
	v2 =	vsub.f32 v14, v2;
	v6 =	vadd.f32 $5.069760800e+00, v6;
	v9 =	vmul.f32 $4.392872010e-02, v12  }
0x22e: {  	v0 =	vcvt.s32.f32 v0;
	[tilespmem:s23+$0xE960] =	vst v4;
	v4 =	vsub.f32 v17, v1;
	v5 =	vadd.f32 $-2.794155120e+00, v5  }
0x22f: {  	[tilespmem:s23+$0xE970] =	vst v2;
	v22 =	vshrl.u32 v50, $0x17;
	v6 =	vmul.f32 v8, v6;
	v7 =	vadd.f32 $-4.094764590e-01, v9  }
0x230: {  	[tilespmem:s24+$0xE9B0] =	vst v4;
	v4 =	vsub.f32 v18, v1;
	v9 =	vadd.s32 $0xFFFFFF81, v22;
	v0 =	vadd.f32 v0, v5  }
0x231: {  	v2 =	vadd.f32 $-2.794155120e+00, v6;
	v5 =	vmul.f32 v12, v7;
	v7 =	vcvt.s32.f32 v9  }
0x232: {  	v8 =	vsub.f32 v16, v1;
	v1 =	vsub.f32 v19, v1;
	v0 =	vmul.f32 $6.931471820e-01, v0  }
0x233: {  	[tilespmem:s24+$0xE9D0] =	vst v4;
	v5 =	vadd.f32 $1.610180620e+00, v5;
	v2 =	vadd.f32 v7, v2  }
0x234: {  	[tilespmem:s24+$0xE9C0] =	vst v8;
	v4 =	vsub.f32 v57, v0  }
0x235: {  	[tilespmem:s24+$0xE9E0] =	vst v1;
	v5 =	vmul.f32 v12, v5;
	v1 =	vsub.f32 v41, v0;
	v2 =	vmul.f32 $6.931471820e-01, v2  }
0x236: {  	[tilespmem:s11+$0xE9F0] =	vst v4;
	v4 =	vsub.f32 v49, v0  }
0x237: {  	v5 =	vadd.f32 $-3.520224090e+00, v5;
	[tilespmem:s11+$0xE980] =	vst v1;
	v1 =	vsub.f32 v13, v2  }
0x238: {  	[tilespmem:s11+$0xE990] =	vst v4;
	v4 =	vsub.f32 v20, v2  }
0x239: {  	v6 =	vsub.f32 v48, v0;
	v5 =	vmul.f32 v12, v5;
	[tilespmem:s24+$0xE900] =	vst v1  }
0x23a: {  	v1 =	vsub.f32 v26, v2;
	[tilespmem:s24+$0xE910] =	vst v4  }
0x23b: {  	v4 =	vadd.f32 $5.069760800e+00, v5;
	v5 =	vsub.f32 v30, v2;
	[tilespmem:s11+$0xE9A0] =	vst v6  }
0x23c: {  	[tilespmem:s24+$0xE920] =	vst v1;
	v1 =	vsub.f32 v37, v2  }
0x23d: {  	[tilespmem:s24+$0xE930] =	vst v5;
	v5 =	vsub.f32 v33, v2  }
0x23e: {  	[tilespmem:s24+$0xE940] =	vst v1;
	v1 =	vsub.f32 v25, v2  }
0x23f: {  	v4 =	vmul.f32 v12, v4;
	[tilespmem:s24+$0xE950] =	vst v5;
	v2 =	vsub.f32 v29, v2  }
0x240: {  	v6 =	vshrl.u32 v21, $0x17;
	[tilespmem:s24+$0xE960] =	vst v1;
	v1 =	vsub.f32 v38, v0  }
0x241: {  	v6 =	vadd.s32 $0xFFFFFF81, v6;
	v4 =	vadd.f32 $-2.794155120e+00, v4;
	v5 =	vsub.f32 v39, v0;
	[tilespmem:s24+$0xE970] =	vst v2  }
0x242: {  	v6 =	vcvt.s32.f32 v6;
	[tilespmem:s11+$0xE9B0] =	vst v1;
	v1 =	vsub.f32 v40, v0;
	v0 =	vsub.f32 v42, v0;
	_ =	sdelay $0x1  }
0x243: {  	v4 =	vadd.f32 v6, v4;
	[tilespmem:s11+$0xE9E0] =	vst v0;
	v0 =	vld [tilespmem:$0x1FF70];
	_ =	sdelay $0x1  }
0x244: {  	v2 =	vmul.f32 $6.931471820e-01, v4;
	_ =	sdelay $0x1  }
0x245: {  	[tilespmem:s11+$0xE9D0] =	vst v1;
	v1 =	vsub.f32 v47, v2  }
0x246: {  	v0 =	vsub.f32 v0, v2  }
0x247: {  	[tilespmem:s11+$0xE900] =	vst v1;
	v1 =	vld [tilespmem:$0x1FF80]  }
0x248: {  	[tilespmem:s11+$0xE910] =	vst v0;
	v0 =	vld [tilespmem:$0x1FF90];
	_ =	sdelay $0x3  }
0x249: {  	v1 =	vsub.f32 v1, v2  }
0x24a: {  	[tilespmem:s11+$0xE9C0] =	vst v5;
	v0 =	vsub.f32 v0, v2  }
0x24b: {  	[tilespmem:s11+$0xE920] =	vst v1;
	v1 =	vsub.f32 v52, v2  }
0x24c: {  	s23 =	smul.u32 $0xA000, s22;
	[tilespmem:s11+$0xE930] =	vst v0;
	v0 =	vsub.f32 v53, v2  }
0x24d: {  	[tilespmem:s11+$0xE940] =	vst v1;
	v1 =	vsub.f32 v24, v2  }
0x24e: {  	s13 =	sadd.s32 s7, s23;
	[tilespmem:s11+$0xE950] =	vst v0;
	v0 =	vsub.f32 v54, v2  }
0x24f: {  	s13 =	sshrl.u32 s13, $0x3;
	[tilespmem:s11+$0xE960] =	vst v1  }
0x250: {  	s24 =	sadd.s32 s4, s13;
	[tilespmem:s11+$0xE970] =	vst v0  }
0x251: {  	[hbm4b:s24+s5] =	stream.linear.scatter [tilespmem:s29], [sflag:$0x7], $0x2000, $0x38;
	[tilespmem:$0x16900] =	vst v63  }
0x252: {  	_ =	swait.ge [sflag:s30], $0x2000  }
0x253: {  	[sflag:s30] =	ssyncset.done $0x0  }
0x254: {  	s11 =	simm.s32 @!p0 $0x8;
	[sflag:s30] =	ssyncadd.s32 $0xFFFFE000  }
0x255: {  	_ =	swait.ge @!p0 [sflag:s11], $0x2000  }
0x256: {  	[sflag:s11] =	ssyncset.done @!p0 $0x0  }
0x257: {  	s17 =	simm.s32 $0x0;
	[sflag:s11] =	ssyncadd.s32 @!p0 $0xFFFFE000  }
0x258: {  	v16 =	vld [tilespmem:s17+$0x6980]  }
0x259: {  	v13 =	vld [tilespmem:s17+$0x6990]  }
0x25a: {  	v20 =	vld [tilespmem:s17+$0x69A0]  }
0x25b: {  	v41 =	vld [tilespmem:s17+$0x69B0]  }
0x25c: {  	v43 =	vld [tilespmem:s17+$0x69C0]  }
0x25d: {  	v39 =	vld [tilespmem:s17+$0x69D0];
	v0 =	vmul.f32 $1.442695020e+00, v16  }
0x25e: {  	v38 =	vld [tilespmem:s17+$0x69E0];
	v1 =	vmul.f32 $1.442695020e+00, v13  }
0x25f: {  	v17 =	vld [tilespmem:s17+$0x69F0];
	v2 =	vmul.f32 $1.442695020e+00, v20;
	(erf) = vpow2.f32 v0  }
0x260: {  	v0 =	vmul.f32 $1.442695020e+00, v41;
	(erf) = vpow2.f32 v1  }
0x261: {  	v1 =	vmul.f32 $1.442695020e+00, v43;
	(erf) = vpow2.f32 v2  }
0x262: {  	v2 =	vmul.f32 $1.442695020e+00, v39;
	(erf) = vpow2.f32 v0  }
0x263: {  	v0 =	vmul.f32 $1.442695020e+00, v38;
	(erf) = vpow2.f32 v1  }
0x264: {  	v1 =	vmul.f32 $1.442695020e+00, v17;
	(erf) = vpow2.f32 v2  }
0x265: {  	(erf) = vpow2.f32 v0  }
0x266: {  	(erf) = vpow2.f32 v1;
	_ =	sdelay $0x1  }
0x267: {  	v0 =	vpop (erf)  }
0x268: {  	v1 =	vpop (erf)  }
0x269: {  	v2 =	vpop (erf)  }
0x26a: {  	v4 =	vpop (erf)  }
0x26b: {  	v5 =	vpop (erf)  }
0x26c: {  	v6 =	vpop (erf)  }
0x26d: {  	v7 =	vpop (erf)  }
0x26e: {  	v0 =	vadd.f32 v1, v0;
	v1 =	vadd.f32 v4, v2;
	v2 =	vpop (erf)  }
0x26f: {  	v4 =	vadd.f32 v6, v5;
	v2 =	vadd.f32 v2, v7;
	_ =	sdelay $0x1  }
0x270: {  	v0 =	vadd.f32 v1, v0;
	v1 =	vadd.f32 v2, v4;
	_ =	sdelay $0x1  }
0x271: {  	v0 =	vadd.f32 v1, v0  }
0x272: {  	v60 =	vld [tilespmem:s17+$0x6900]  }
0x273: {  	v42 =	vld [tilespmem:s17+$0x6910];
	v1 =	vperm.xlane v0, v46  }
0x274: {  	v24 =	vld [tilespmem:s17+$0x6920]  }
0x275: {  	v23 =	vld [tilespmem:s17+$0x6930];
	v0 =	vadd.f32 v0, v1;
	_ =	sdelay $0x1  }
0x276: {  	v8 =	vld [tilespmem:s17+$0x6950];
	v1 =	vperm.xlane v0, v3  }
0x277: {  	v6 =	vld [tilespmem:s17+$0x6940]  }
0x278: {  	v22 =	vld [tilespmem:s17+$0x6960];
	v5 =	vmul.f32 $1.442695020e+00, v24;
	v2 =	vmul.f32 $1.442695020e+00, v60;
	v0 =	vadd.f32 v0, v1  }
0x279: {  	s24 =	simm.s32 $0x100;
	v21 =	vld [tilespmem:s17+$0x6970];
	v7 =	vmul.f32 $1.442695020e+00, v23;
	v4 =	vmul.f32 $1.442695020e+00, v42  }
0x27a: {  	v44 =	vld [tilespmem:s24+$0x6980];
	(erf) = vpow2.f32 v2;
	v2 =	vperm.xlane v0, v61  }
0x27b: {  	v31 =	vld [tilespmem:s24+$0x69D0];
	(erf) = vpow2.f32 v4;
	v4 =	vmul.f32 $1.442695020e+00, v8  }
0x27c: {  	v40 =	vld [tilespmem:s24+$0x6990];
	(erf) = vpow2.f32 v5;
	v1 =	vmul.f32 $1.442695020e+00, v6;
	v0 =	vadd.f32 v0, v2  }
0x27d: {  	v34 =	vld [tilespmem:s24+$0x69B0];
	v5 =	vmul.f32 $1.442695020e+00, v22;
	(erf) = vpow2.f32 v7  }
0x27e: {  	v47 =	vld [tilespmem:s24+$0x69A0];
	(erf) = vpow2.f32 v1;
	v1 =	vperm.xlane v0, v62  }
0x27f: {  	(erf) = vpow2.f32 v4;
	v2 =	vmul.f32 $1.442695020e+00, v21  }
0x280: {  	v35 =	vld [tilespmem:s24+$0x69C0];
	v12 =	vmul.f32 $1.442695020e+00, v31;
	(erf) = vpow2.f32 v5;
	v0 =	vadd.f32 v0, v1  }
0x281: {  	v15 =	vld [tilespmem:s24+$0x69E0];
	(erf) = vpow2.f32 v2;
	v1 =	vmul.f32 $1.442695020e+00, v44  }
0x282: {  	v45 =	vld [tilespmem:s24+$0x69F0];
	v7 =	vmul.f32 $1.442695020e+00, v34;
	v2 =	vmul.f32 $1.442695020e+00, v40;
	v9 =	vand.u32 $0x7FFFFF, v0  }
0x283: {  	v4 =	vpop (erf);
	v5 =	vmul.f32 $1.442695020e+00, v47;
	(erf) = vpow2.f32 v1;
	v14 =	vor.u32 $0x3F800000, v9  }
0x284: {  	v10 =	vpop (erf);
	(erf) = vpow2.f32 v2;
	v2 =	vmul.f32 $4.392872010e-02, v14  }
0x285: {  	v1 =	vmul.f32 $1.442695020e+00, v35;
	v9 =	vpop (erf);
	(erf) = vpow2.f32 v5  }
0x286: {  	v11 =	vpop (erf);
	(erf) = vpow2.f32 v7;
	v7 =	vmul.f32 $1.442695020e+00, v15;
	v2 =	vadd.f32 $-4.094764590e-01, v2  }
0x287: {  	v5 =	vpop (erf);
	(erf) = vpow2.f32 v1;
	v1 =	vmul.f32 $1.442695020e+00, v45  }
0x288: {  	v18 =	vpop (erf);
	(erf) = vpow2.f32 v12;
	v2 =	vmul.f32 v14, v2  }
0x289: {  	v4 =	vadd.f32 v10, v4;
	v10 =	vpop (erf);
	(erf) = vpow2.f32 v7  }
0x28a: {  	v9 =	vadd.f32 v11, v9;
	v11 =	vpop (erf);
	(erf) = vpow2.f32 v1;
	v1 =	vadd.f32 $1.610180620e+00, v2;
	_ =	sdelay $0x1  }
0x28b: {  	v1 =	vmul.f32 v14, v1  }
0x28c: {  	v7 =	vadd.f32 v11, v10;
	v10 =	vpop (erf)  }
0x28d: {  	v12 =	vld [tilespmem:s24+$0x6900];
	v5 =	vadd.f32 v18, v5;
	v18 =	vpop (erf);
	v1 =	vadd.f32 $-3.520224090e+00, v1  }
0x28e: {  	v19 =	vpop (erf)  }
0x28f: {  	v25 =	vpop (erf);
	v1 =	vmul.f32 v14, v1  }
0x290: {  	v2 =	vadd.f32 v9, v4;
	v9 =	vld [tilespmem:s24+$0x6910];
	v4 =	vadd.f32 v7, v5;
	v27 =	vpop (erf)  }
0x291: {  	v0 =	vshrl.u32 v0, $0x17;
	v5 =	vld [tilespmem:s24+$0x6920];
	v30 =	vpop (erf);
	v1 =	vadd.f32 $5.069760800e+00, v1  }
0x292: {  	v0 =	vadd.s32 $0xFFFFFF81, v0;
	v7 =	vld [tilespmem:s24+$0x6940];
	v28 =	vmul.f32 $1.442695020e+00, v12;
	v2 =	vadd.f32 v4, v2;
	v54 =	vpop (erf)  }
0x293: {  	v4 =	vld [tilespmem:s24+$0x6930];
	v19 =	vadd.f32 v25, v19;
	v25 =	vadd.f32 v30, v27;
	v27 =	vpop (erf);
	v1 =	vmul.f32 v14, v1  }
0x294: {  	v0 =	vcvt.s32.f32 v0;
	v18 =	vadd.f32 v18, v10;
	v27 =	vadd.f32 v27, v54  }
0x295: {  	v29 =	vmul.f32 $1.442695020e+00, v9;
	(erf) = vpow2.f32 v28;
	v1 =	vadd.f32 $-2.794155120e+00, v1  }
0x296: {  	v11 =	vld [tilespmem:s24+$0x6950];
	v26 =	vperm.xlane v2, v46;
	v18 =	vadd.f32 v19, v18;
	v19 =	vadd.f32 v27, v25  }
0x297: {  	v10 =	vld [tilespmem:s24+$0x6960];
	(erf) = vpow2.f32 v29;
	v53 =	vmul.f32 $1.442695020e+00, v5;
	v0 =	vadd.f32 v0, v1  }
0x298: {  	v30 =	vmul.f32 $1.442695020e+00, v7;
	v55 =	vmul.f32 $1.442695020e+00, v4;
	v14 =	vld [tilespmem:s24+$0x6970];
	v18 =	vadd.f32 v19, v18  }
0x299: {  	(erf) = vpow2.f32 v53;
	v48 =	vmul.f32 $6.931471820e-01, v0  }
0x29a: {  	(erf) = vpow2.f32 v55;
	v19 =	vperm.xlane v18, v46;
	v0 =	vadd.f32 v2, v26  }
0x29b: {  	v25 =	vmul.f32 $1.442695020e+00, v11;
	(erf) = vpow2.f32 v30;
	v17 =	vsub.f32 v17, v48  }
0x29c: {  	v1 =	vmul.f32 $1.442695020e+00, v10;
	v18 =	vadd.f32 v18, v19;
	v19 =	vperm.xlane v0, v3  }
0x29d: {  	s11 =	simm.s32 $0x200;
	(erf) = vpow2.f32 v25;
	v2 =	vmul.f32 $1.442695020e+00, v14;
	[tilespmem:s17+$0x109F0] =	vst v17  }
0x29e: {  	(erf) = vpow2.f32 v1;
	v1 =	vperm.xlane v18, v3;
	v0 =	vadd.f32 v0, v19;
	v27 =	vld [tilespmem:s11+$0x6980]  }
0x29f: {  	v32 =	vld [tilespmem:s11+$0x6990]  }
0x2a0: {  	(erf) = vpow2.f32 v2;
	v28 =	vld [tilespmem:s11+$0x69A0];
	v1 =	vadd.f32 v18, v1;
	v18 =	vperm.xlane v0, v61  }
0x2a1: {  	v26 =	vsub.f32 v16, v48;
	v2 =	vpop (erf)  }
0x2a2: {  	v55 =	vsub.f32 v20, v48;
	v16 =	vld [tilespmem:s11+$0x69C0];
	v19 =	vpop (erf);
	v25 =	vperm.xlane v1, v61;
	v0 =	vadd.f32 v0, v18  }
0x2a3: {  	v17 =	vld [tilespmem:s11+$0x69B0];
	[tilespmem:s17+$0x10980] =	vst v26;
	v26 =	vsub.f32 v13, v48;
	v2 =	vadd.f32 v19, v2;
	v19 =	vpop (erf)  }
0x2a4: {  	v13 =	vld [tilespmem:s11+$0x6900];
	v18 =	vpop (erf);
	v1 =	vadd.f32 v1, v25;
	v29 =	vperm.xlane v0, v62;
	v57 =	vmul.f32 $1.442695020e+00, v27  }
0x2a5: {  	v58 =	vmul.f32 $1.442695020e+00, v32;
	v59 =	vmul.f32 $1.442695020e+00, v28;
	v19 =	vadd.f32 v18, v19  }
0x2a6: {  	v18 =	vld [tilespmem:s11+$0x69D0];
	[tilespmem:s17+$0x10990] =	vst v26;
	v25 =	vpop (erf);
	v56 =	vperm.xlane v1, v62;
	(erf) = vpow2.f32 v57;
	v0 =	vadd.f32 v0, v29  }
0x2a7: {  	v63 =	vmul.f32 $1.442695020e+00, v16;
	v36 =	vld [tilespmem:s11+$0x69F0];
	v30 =	vpop (erf);
	v2 =	vadd.f32 v19, v2;
	(erf) = vpow2.f32 v58  }
0x2a8: {  	v19 =	vld [tilespmem:s11+$0x69E0];
	v25 =	vadd.f32 v30, v25;
	v30 =	vpop (erf);
	v1 =	vadd.f32 v1, v56;
	v58 =	vand.u32 $0x7FFFFF, v0  }
0x2a9: {  	v49 =	vmul.f32 $1.442695020e+00, v13;
	(erf) = vpow2.f32 v59;
	v26 =	vpop (erf);
	v51 =	vor.u32 $0x3F800000, v58  }
0x2aa: {  	v20 =	vld [tilespmem:s11+$0x6910];
	v30 =	vadd.f32 v26, v30;
	v26 =	vmul.f32 $1.442695020e+00, v17;
	v53 =	vand.u32 $0x7FFFFF, v1  }
0x2ab: {  	v54 =	vmul.f32 $1.442695020e+00, v18;
	v52 =	vmul.f32 $4.392872010e-02, v51;
	v50 =	vor.u32 $0x3F800000, v53  }
0x2ac: {  	v57 =	vmul.f32 $1.442695020e+00, v36;
	v56 =	vmul.f32 $4.392872010e-02, v50  }
0x2ad: {  	(erf) = vpow2.f32 v26;
	v26 =	vld [tilespmem:s11+$0x6920];
	v29 =	vmul.f32 $1.442695020e+00, v19;
	[tilespmem:s17+$0x109A0] =	vst v55  }
0x2ae: {  	v25 =	vadd.f32 v30, v25;
	(erf) = vpow2.f32 v63;
	v30 =	vld [tilespmem:s11+$0x6930];
	v59 =	vadd.f32 $-4.094764590e-01, v56  }
0x2af: {  	v52 =	vadd.f32 $-4.094764590e-01, v52;
	(erf) = vpow2.f32 v54;
	v54 =	vmul.f32 $1.442695020e+00, v20  }
0x2b0: {  	v37 =	vld [tilespmem:s11+$0x6940];
	v2 =	vadd.f32 v25, v2;
	(erf) = vpow2.f32 v29;
	v25 =	vmul.f32 v50, v59  }
0x2b1: {  	v52 =	vmul.f32 v51, v52;
	(erf) = vpow2.f32 v57  }
0x2b2: {  	v33 =	vld [tilespmem:s11+$0x6950];
	v29 =	vperm.xlane v2, v46;
	v55 =	vmul.f32 $1.442695020e+00, v26;
	v56 =	vadd.f32 $1.610180620e+00, v25  }
0x2b3: {  	v53 =	vpop (erf);
	(erf) = vpow2.f32 v49;
	v25 =	vld [tilespmem:s11+$0x6960];
	v63 =	vmul.f32 $1.442695020e+00, v30  }
0x2b4: {  	v57 =	vpop (erf);
	(erf) = vpow2.f32 v54;
	v56 =	vmul.f32 v50, v56  }
0x2b5: {  	v49 =	vpop (erf);
	v59 =	vmul.f32 $1.442695020e+00, v37;
	(erf) = vpow2.f32 v55  }
0x2b6: {  	v2 =	vadd.f32 v2, v29;
	v29 =	vld [tilespmem:s11+$0x6970];
	v54 =	vpop (erf);
	(erf) = vpow2.f32 v63;
	v56 =	vadd.f32 $-3.520224090e+00, v56  }
0x2b7: {  	v53 =	vadd.f32 v57, v53;
	v57 =	vmul.f32 $1.442695020e+00, v33;
	v55 =	vpop (erf);
	(erf) = vpow2.f32 v59  }
0x2b8: {  	v49 =	vadd.f32 v54, v49;
	v63 =	vpop (erf);
	v54 =	vmul.f32 $1.442695020e+00, v25;
	v56 =	vmul.f32 v50, v56  }
0x2b9: {  	v1 =	vshrl.u32 v1, $0x17;
	v52 =	vadd.f32 $1.610180620e+00, v52;
	(erf) = vpow2.f32 v57;
	v59 =	vpop (erf)  }
0x2ba: {  	v55 =	vadd.f32 v63, v55;
	v63 =	vpop (erf);
	(erf) = vpow2.f32 v54;
	v56 =	vadd.f32 $5.069760800e+00, v56  }
0x2bb: {  	v54 =	vmul.f32 $1.442695020e+00, v29;
	v57 =	vadd.f32 v63, v59;
	v63 =	vperm.xlane v2, v3  }
0x2bc: {  	v1 =	vadd.s32 $0xFFFFFF81, v1;
	v49 =	vadd.f32 v49, v53;
	v50 =	vmul.f32 v50, v56  }
0x2bd: {  	(erf) = vpow2.f32 v54;
	v2 =	vadd.f32 v2, v63;
	v58 =	vadd.f32 v57, v55  }
0x2be: {  	v1 =	vcvt.s32.f32 v1;
	v50 =	vadd.f32 $-2.794155120e+00, v50  }
0x2bf: {  	v59 =	vmul.f32 v51, v52;
	v52 =	vpop (erf);
	v63 =	vperm.xlane v2, v61;
	v49 =	vadd.f32 v58, v49  }
0x2c0: {  	v41 =	vsub.f32 v41, v48;
	v53 =	vpop (erf);
	v1 =	vadd.f32 v1, v50  }
0x2c1: {  	v56 =	vpop (erf);
	v50 =	vadd.f32 $-3.520224090e+00, v59;
	v2 =	vadd.f32 v2, v63;
	v63 =	vperm.xlane v49, v46  }
0x2c2: {  	v39 =	vsub.f32 v39, v48;
	v38 =	vsub.f32 v38, v48;
	v0 =	vshrl.u32 v0, $0x17;
	v57 =	vpop (erf)  }
0x2c3: {  	v54 =	vsub.f32 v43, v48;
	v58 =	vpop (erf);
	v43 =	vmul.f32 $6.931471820e-01, v1;
	v1 =	vmul.f32 v51, v50  }
0x2c4: {  	v0 =	vadd.s32 $0xFFFFFF81, v0;
	[tilespmem:s17+$0x109D0] =	vst v39;
	v57 =	vadd.f32 v57, v56;
	v59 =	vpop (erf);
	v39 =	vadd.f32 v49, v63  }
0x2c5: {  	v49 =	vadd.f32 v53, v52;
	v50 =	vperm.xlane v2, v62;
	v1 =	vadd.f32 $5.069760800e+00, v1;
	v63 =	vpop (erf)  }
0x2c6: {  	[tilespmem:s17+$0x109B0] =	vst v41;
	v48 =	vadd.f32 v59, v58;
	v45 =	vsub.f32 v45, v43;
	v58 =	vperm.xlane v39, v3;
	v59 =	vpop (erf)  }
0x2c7: {  	[tilespmem:s17+$0x109E0] =	vst v38;
	v2 =	vadd.f32 v2, v50;
	v1 =	vmul.f32 v51, v1;
	v38 =	vadd.f32 v59, v63  }
0x2c8: {  	v0 =	vcvt.s32.f32 v0;
	[tilespmem:s17+$0x109C0] =	vst v54;
	v63 =	vadd.f32 v57, v49;
	v57 =	vadd.f32 v39, v58  }
0x2c9: {  	s13 =	simm.s32 $0x300;
	v44 =	vsub.f32 v44, v43;
	[tilespmem:s24+$0x109F0] =	vst v45;
	v58 =	vand.u32 $0x7FFFFF, v2;
	v1 =	vadd.f32 $-2.794155120e+00, v1  }
0x2ca: {  	v41 =	vld [tilespmem:s13+$0x6980];
	v45 =	vor.u32 $0x3F800000, v58;
	v59 =	vadd.f32 v38, v48;
	v53 =	vperm.xlane v57, v61  }
0x2cb: {  	v2 =	vshrl.u32 v2, $0x17;
	v49 =	vld [tilespmem:s13+$0x6990];
	v61 =	vmul.f32 $4.392872010e-02, v45;
	v0 =	vadd.f32 v0, v1  }
0x2cc: {  	v48 =	vld [tilespmem:s13+$0x69A0];
	v1 =	vadd.s32 $0xFFFFFF81, v2;
	v2 =	vadd.f32 v59, v63;
	v50 =	vadd.f32 v57, v53  }
0x2cd: {  	v39 =	vld [tilespmem:s13+$0x69C0];
	v63 =	vadd.f32 $-4.094764590e-01, v61;
	v59 =	vsub.f32 v47, v43;
	v56 =	vmul.f32 $6.931471820e-01, v0  }
0x2ce: {  	v38 =	vld [tilespmem:s13+$0x69B0];
	[tilespmem:s24+$0x10980] =	vst v44;
	v44 =	vcvt.s32.f32 v1;
	v0 =	vsub.f32 v40, v43;
	v1 =	vperm.xlane v2, v46  }
0x2cf: {  	v47 =	vld [tilespmem:s13+$0x6900];
	v53 =	vperm.xlane v50, v62;
	v58 =	vmul.f32 v45, v63;
	v57 =	vsub.f32 v60, v56  }
0x2d0: {  	v40 =	vld [tilespmem:s13+$0x69D0];
	v61 =	vmul.f32 $1.442695020e+00, v49;
	[tilespmem:s24+$0x10990] =	vst v0;
	v60 =	vmul.f32 $1.442695020e+00, v41;
	v55 =	vadd.f32 v2, v1  }
0x2d1: {  	s14 =	simm.s32 $0x1000;
	v52 =	vsub.f32 v42, v56;
	v51 =	vadd.f32 v50, v53;
	v53 =	vmul.f32 $1.442695020e+00, v48;
	v42 =	vld [tilespmem:s13+$0x69E0];
	[tilespmem:s17+$0x10900] =	vst v57  }
.LBB2_9:
0x2d2: {  	v1 =	vadd.f32 $1.610180620e+00, v58;
	v34 =	vsub.f32 v34, v43  }
0x2d3: {  	v54 =	vld [tilespmem:s13+$0x69F0];
	v35 =	vsub.f32 v35, v43;
	(erf) = vpow2.f32 v60;
	v0 =	vmul.f32 $1.442695020e+00, v38  }
0x2d4: {  	v57 =	vand.u32 $0x7FFFFF, v51;
	v2 =	vmul.f32 $1.442695020e+00, v39;
	(erf) = vpow2.f32 v61  }
0x2d5: {  	v46 =	vld [tilespmem:s13+$0x6910];
	[tilespmem:s17+$0x10910] =	vst v52;
	v57 =	vor.u32 $0x3F800000, v57;
	v1 =	vmul.f32 v45, v1;
	(erf) = vpow2.f32 v53  }
0x2d6: {  	v50 =	vmovc v49;
	v52 =	vmovc v28;
	v49 =	vld [tilespmem:s13+$0x6920];
	[tilespmem:s24+$0x109A0] =	vst v59;
	v61 =	vsub.f32 v24, v56;
	v58 =	vmul.f32 $1.442695020e+00, v40;
	(erf) = vpow2.f32 v0  }
0x2d7: {  	v28 =	vmovc v48;
	v53 =	vmovc v12;
	v0 =	vmul.f32 $4.392872010e-02, v57;
	v62 =	vmul.f32 $1.442695020e+00, v42;
	v1 =	vadd.f32 $-3.520224090e+00, v1  }
0x2d8: {  	v48 =	vld [tilespmem:s13+$0x6930];
	v12 =	vmovc v13;
	v13 =	vmovc v47;
	(erf) = vpow2.f32 v2;
	v2 =	vsub.f32 v23, v56;
	v63 =	vmul.f32 $1.442695020e+00, v54  }
0x2d9: {  	v24 =	vmovc v5;
	v59 =	vld [tilespmem:s13+$0x6940];
	(erf) = vpow2.f32 v58;
	v0 =	vadd.f32 $-4.094764590e-01, v0;
	v58 =	vmul.f32 $1.442695020e+00, v13  }
0x2da: {  	v5 =	vmovc v26;
	v60 =	vld [tilespmem:s13+$0x6950];
	[tilespmem:s17+$0x10920] =	vst v61;
	v23 =	vmovc v4;
	v4 =	vmov v30;
	v1 =	vmul.f32 v45, v1;
	(erf) = vpow2.f32 v62  }
0x2db: {  	v47 =	vld [tilespmem:s13+$0x6960];
	[tilespmem:s17+$0x10930] =	vst v2;
	v2 =	vsub.f32 v6, v56;
	v6 =	vmovc v7;
	v7 =	vmov v37;
	v0 =	vmul.f32 v57, v0  }
0x2dc: {  	v37 =	vsub.f32 v8, v56;
	v26 =	vmovc v49;
	v8 =	vmovc v11;
	v49 =	vmul.f32 $1.442695020e+00, v46;
	(erf) = vpow2.f32 v63  }
0x2dd: {  	v11 =	vmovc v33;
	v61 =	vld [tilespmem:s13+$0x6970];
	v62 =	vmul.f32 $1.442695020e+00, v26;
	v30 =	vmovc v48;
	[tilespmem:s17+$0x10940] =	vst v2;
	v2 =	vsub.f32 v22, v56;
	v0 =	vadd.f32 $1.610180620e+00, v0  }
0x2de: {  	v33 =	vmul.f32 $1.442695020e+00, v59;
	v1 =	vadd.f32 $5.069760800e+00, v1;
	v22 =	vmul.f32 $1.442695020e+00, v30;
	v48 =	vpop (erf)  }
0x2df: {  	(erf) = vpow2.f32 v58;
	v58 =	vpop (erf);
	[tilespmem:s17+$0x10960] =	vst v2;
	v2 =	vsub.f32 v21, v56;
	v0 =	vmul.f32 v57, v0  }
0x2e0: {  	v31 =	vsub.f32 v31, v43;
	[tilespmem:s17+$0x10950] =	vst v37;
	v37 =	vmul.f32 $1.442695020e+00, v60;
	v56 =	vpop (erf);
	(erf) = vpow2.f32 v49  }
0x2e1: {  	v1 =	vmul.f32 v45, v1;
	v21 =	vmul.f32 $1.442695020e+00, v47;
	v49 =	vpop (erf);
	[tilespmem:s17+$0x10970] =	vst v2;
	s17 =	smov.u32 s24;
	v0 =	vadd.f32 $-3.520224090e+00, v0  }
0x2e2: {  	(erf) = vpow2.f32 v62;
	[tilespmem:s17+$0x109B0] =	vst v34;
	v34 =	vadd.f32 v58, v48;
	v56 =	vadd.f32 v49, v56  }
0x2e3: {  	v1 =	vadd.f32 $-2.794155120e+00, v1;
	v62 =	vperm.xlane v55, v3;
	v2 =	vpop (erf);
	(erf) = vpow2.f32 v22  }
0x2e4: {  	v22 =	vpop (erf);
	(erf) = vpow2.f32 v33;
	v0 =	vmul.f32 v57, v0;
	v34 =	vadd.f32 v56, v34;
	v56 =	vld [tilespmem:$0x1FFE0]  }
0x2e5: {  	v63 =	vmul.f32 $1.442695020e+00, v61;
	[tilespmem:s17+$0x109C0] =	vst v35;
	v35 =	vadd.f32 v55, v62;
	v48 =	vpop (erf);
	(erf) = vpow2.f32 v37  }
0x2e6: {  	v2 =	vadd.f32 v22, v2;
	v22 =	vpop (erf);
	(erf) = vpow2.f32 v21;
	v0 =	vadd.f32 $5.069760800e+00, v0  }
0x2e7: {  	v55 =	vld [tilespmem:$0x1FFD0];
	v33 =	vmovc v60;
	v58 =	vadd.f32 v22, v48;
	(erf) = vpow2.f32 v63;
	v63 =	vshrl.u32 v51, $0x17  }
0x2e8: {  	[tilespmem:s17+$0x109D0] =	vst v31;
	v21 =	vmov v14;
	v31 =	vpop (erf);
	v0 =	vmul.f32 v57, v0;
	v62 =	vadd.s32 $0xFFFFFF81, v63;
	v57 =	vld [tilespmem:$0x1FFF0]  }
0x2e9: {  	v2 =	vadd.f32 v58, v2;
	v60 =	vperm.xlane v35, v56;
	v14 =	vpop (erf);
	v63 =	vcvt.s32.f32 v62  }
0x2ea: {  	v0 =	vadd.f32 $-2.794155120e+00, v0;
	v31 =	vadd.f32 v14, v31  }
0x2eb: {  	v14 =	vpop (erf);
	v2 =	vadd.f32 v2, v34;
	v35 =	vadd.f32 v35, v60  }
0x2ec: {  	v22 =	vmov v10;
	v10 =	vmov v25;
	v62 =	vpop (erf);
	v0 =	vadd.f32 v63, v0  }
0x2ed: {  	v25 =	vmov v47;
	v47 =	vperm.xlane v2, v55;
	v63 =	vpop (erf);
	v60 =	vperm.xlane v35, v57  }
0x2ee: {  	v58 =	vsub.f32 v15, v43;
	v34 =	vadd.f32 v62, v14;
	v62 =	vpop (erf);
	v43 =	vmul.f32 $6.931471820e-01, v0  }
0x2ef: {  	v2 =	vadd.f32 v2, v47;
	v15 =	vpop (erf);
	v49 =	vadd.f32 v35, v60  }
0x2f0: {  	v14 =	vmov v29;
	v0 =	vadd.f32 v62, v63;
	v29 =	vpop (erf);
	v60 =	vsub.f32 v36, v43  }
0x2f1: {  	s24 =	smov.u32 s11;
	v37 =	vmovc v59;
	[tilespmem:s17+$0x109E0] =	vst v58;
	v63 =	vperm.xlane v2, v3;
	v62 =	vadd.f32 v29, v15;
	v59 =	vand.u32 $0x7FFFFF, v49  }
0x2f2: {  	s11 =	smov.u32 s13;
	s13 =	sshra.s32 s14, $0x2;
	v1 =	vadd.f32 v44, v1;
	v47 =	vadd.f32 v34, v31;
	[tilespmem:s24+$0x109F0] =	vst v60;
	v45 =	vor.u32 $0x3F800000, v59  }
0x2f3: {  	v2 =	vadd.f32 v2, v63;
	v63 =	vshrl.u32 v49, $0x17;
	v51 =	vld [tilespmem:s13+$0x6980];
	v0 =	vadd.f32 v62, v0  }
0x2f4: {  	v35 =	vmovc v16;
	v49 =	vld [tilespmem:s13+$0x6990];
	v62 =	vmul.f32 $4.392872010e-02, v45;
	v60 =	vadd.s32 $0xFFFFFF81, v63;
	v63 =	vsub.f32 v27, v43  }
0x2f5: {  	v16 =	vmovc v39;
	v29 =	vmovc v61;
	v48 =	vld [tilespmem:s13+$0x69A0];
	v61 =	vperm.xlane v2, v56;
	v0 =	vadd.f32 v0, v47;
	v56 =	vmul.f32 $6.931471820e-01, v1  }
0x2f6: {  	p1 =	sne.s32 s14, $0x7C00;
	v31 =	vmovc v18;
	v18 =	vmovc v40;
	v36 =	vmov v54;
	v47 =	vadd.f32 $-4.094764590e-01, v62;
	v62 =	vsub.f32 v32, v43  }
.Ltmp3:
0x2f7: {  	v34 =	vmovc v17;
	v17 =	vmovc v38;
	v15 =	vmov v19;
	v38 =	vld [tilespmem:s13+$0x69B0];
	v2 =	vadd.f32 v2, v61;
	v32 =	vsub.f32 v53, v56;
	(pc) =	sbr.rel @p1 .LBB2_9-.Ltmp3, $4  }
0x2f8: {  	v19 =	vmovc v42;
	v59 =	vsub.f32 v52, v43;
	v39 =	vld [tilespmem:s13+$0x69C0];
	v44 =	vcvt.s32.f32 v60;
	[tilespmem:s24+$0x10980] =	vst v63;
	v1 =	vperm.xlane v0, v55  }
0x2f9: {  	v27 =	vmovc v41;
	v40 =	vld [tilespmem:s13+$0x69D0];
	v58 =	vmul.f32 v45, v47;
	v52 =	vsub.f32 v9, v56;
	v54 =	vperm.xlane v2, v57  }
0x2fa: {  	v47 =	vld [tilespmem:s13+$0x6900];
	[tilespmem:s24+$0x10990] =	vst v62;
	v9 =	vmovc v20;
	v20 =	vmovc v46;
	v41 =	vmov v51;
	v61 =	vmul.f32 $1.442695020e+00, v49;
	v53 =	vmul.f32 $1.442695020e+00, v48  }
0x2fb: {  	s14 =	sadd.s32 $0x400, s14;
	v42 =	vld [tilespmem:s13+$0x69E0];
	v60 =	vmul.f32 $1.442695020e+00, v41;
	v55 =	vadd.f32 v0, v1;
	[tilespmem:s17+$0x10900] =	vst v32;
	v51 =	vadd.f32 v2, v54;
	v32 =	vmovc v50  }
0x2fc: {  	_ = 	snop  }
0x2fd: {  	v57 =	vld [tilespmem:s13+$0x69F0];
	(erf) = vpow2.f32 v60  }
0x2fe: {  	v0 =	vmul.f32 $1.442695020e+00, v38;
	(erf) = vpow2.f32 v61  }
0x2ff: {  	v1 =	vmul.f32 $1.442695020e+00, v39;
	(erf) = vpow2.f32 v53  }
0x300: {  	v2 =	vmul.f32 $1.442695020e+00, v40;
	(erf) = vpow2.f32 v0  }
0x301: {  	v46 =	vld [tilespmem:s13+$0x6910];
	[tilespmem:s17+$0x10910] =	vst v52;
	v0 =	vmul.f32 $1.442695020e+00, v42;
	(erf) = vpow2.f32 v1  }
0x302: {  	v50 =	vld [tilespmem:s13+$0x6920];
	[tilespmem:s24+$0x109A0] =	vst v59;
	v1 =	vmul.f32 $1.442695020e+00, v57;
	(erf) = vpow2.f32 v2  }
0x303: {  	v62 =	vld [tilespmem:s13+$0x6930];
	v2 =	vsub.f32 v24, v56;
	(erf) = vpow2.f32 v0  }
0x304: {  	v52 =	vld [tilespmem:s13+$0x6940];
	(erf) = vpow2.f32 v1  }
0x305: {  	v53 =	vld [tilespmem:s13+$0x6950];
	[tilespmem:s17+$0x10920] =	vst v2;
	v2 =	vmul.f32 $1.442695020e+00, v47  }
0x306: {  	v59 =	vmul.f32 $1.442695020e+00, v46;
	v0 =	vsub.f32 v23, v56;
	v23 =	vpop (erf)  }
0x307: {  	[tilespmem:$0x1FF40] =	vst v46;
	v1 =	vpop (erf)  }
0x308: {  	[tilespmem:$0x1FF50] =	vst v50;
	v24 =	vld [tilespmem:s13+$0x6960];
	v46 =	vpop (erf)  }
0x309: {  	v50 =	vmul.f32 $1.442695020e+00, v50;
	[tilespmem:s17+$0x10930] =	vst v0;
	(erf) = vpow2.f32 v2;
	v2 =	vpop (erf)  }
0x30a: {  	[tilespmem:$0x1FF60] =	vst v62;
	v62 =	vmul.f32 $1.442695020e+00, v62;
	v54 =	vld [tilespmem:s13+$0x6970];
	(erf) = vpow2.f32 v59;
	v59 =	vpop (erf)  }
0x30b: {  	v63 =	vmul.f32 $1.442695020e+00, v52;
	(erf) = vpow2.f32 v50;
	v60 =	vpop (erf)  }
0x30c: {  	v0 =	vmul.f32 $1.442695020e+00, v53;
	v1 =	vadd.f32 v1, v23;
	(erf) = vpow2.f32 v62;
	v23 =	vpop (erf)  }
0x30d: {  	v62 =	vmul.f32 $1.442695020e+00, v24;
	(erf) = vpow2.f32 v63;
	v2 =	vadd.f32 v2, v46;
	v46 =	vpop (erf)  }
0x30e: {  	(erf) = vpow2.f32 v0;
	v59 =	vadd.f32 v60, v59;
	v0 =	vadd.f32 v46, v23  }
0x30f: {  	v50 =	vmul.f32 $1.442695020e+00, v54;
	v46 =	vld [tilespmem:$0x1FFD0]  }
0x310: {  	(erf) = vpow2.f32 v62;
	v1 =	vadd.f32 v2, v1;
	v0 =	vadd.f32 v0, v59  }
0x311: {  	(erf) = vpow2.f32 v50  }
0x312: {  	v0 =	vadd.f32 v0, v1  }
0x313: {  	v23 =	vpop (erf)  }
0x314: {  	v59 =	vpop (erf);
	v50 =	vperm.xlane v0, v46  }
0x315: {  	v60 =	vpop (erf)  }
0x316: {  	v62 =	vpop (erf)  }
0x317: {  	v2 =	vand.u32 $0x7FFFFF, v51;
	v63 =	vpop (erf)  }
0x318: {  	v2 =	vor.u32 $0x3F800000, v2;
	v0 =	vadd.f32 v0, v50;
	v50 =	vpop (erf)  }
0x319: {  	v23 =	vadd.f32 v59, v23;
	v1 =	vmul.f32 $4.392872010e-02, v2;
	v59 =	vadd.f32 v62, v60;
	v60 =	vpop (erf)  }
0x31a: {  	v61 =	vadd.f32 v50, v63;
	v50 =	vpop (erf)  }
0x31b: {  	v1 =	vadd.f32 $-4.094764590e-01, v1;
	v50 =	vadd.f32 v50, v60;
	_ =	sdelay $0x1  }
0x31c: {  	v1 =	vmul.f32 v2, v1;
	v50 =	vadd.f32 v50, v61;
	v61 =	vld [tilespmem:$0x1FFE0]  }
0x31d: {  	v63 =	vperm.xlane v55, v3  }
0x31e: {  	v1 =	vadd.f32 $1.610180620e+00, v1  }
0x31f: {  	v62 =	vperm.xlane v0, v3;
	v55 =	vadd.f32 v55, v63  }
0x320: {  	v6 =	vsub.f32 v6, v56;
	v1 =	vmul.f32 v2, v1  }
0x321: {  	v8 =	vsub.f32 v8, v56;
	v0 =	vadd.f32 v0, v62;
	v62 =	vperm.xlane v55, v61  }
0x322: {  	v22 =	vsub.f32 v22, v56;
	v1 =	vadd.f32 $-3.520224090e+00, v1  }
0x323: {  	v21 =	vsub.f32 v21, v56;
	v55 =	vadd.f32 v55, v62;
	v62 =	vld [tilespmem:$0x1FFF0]  }
0x324: {  	v56 =	vadd.f32 $1.610180620e+00, v58;
	v1 =	vmul.f32 v2, v1;
	v60 =	vperm.xlane v0, v61;
	_ =	sdelay $0x1  }
0x325: {  	v56 =	vmul.f32 v45, v56;
	v1 =	vadd.f32 $5.069760800e+00, v1;
	v0 =	vadd.f32 v0, v60  }
0x326: {  	v51 =	vshrl.u32 v51, $0x17;
	v23 =	vadd.f32 v59, v23  }
0x327: {  	v1 =	vmul.f32 v2, v1;
	v2 =	vadd.f32 $-3.520224090e+00, v56;
	v63 =	vperm.xlane v0, v62  }
0x328: {  	v34 =	vsub.f32 v34, v43;
	v51 =	vadd.s32 $0xFFFFFF81, v51  }
0x329: {  	v23 =	vadd.f32 v50, v23;
	v2 =	vmul.f32 v45, v2;
	v0 =	vadd.f32 v0, v63  }
0x32a: {  	v35 =	vsub.f32 v35, v43;
	[tilespmem:s17+$0x10940] =	vst v6;
	v6 =	vcvt.s32.f32 v51;
	v59 =	vperm.xlane v55, v62  }
0x32b: {  	v60 =	vperm.xlane v23, v46;
	v2 =	vadd.f32 $5.069760800e+00, v2;
	v63 =	vand.u32 $0x7FFFFF, v0  }
0x32c: {  	v1 =	vadd.f32 $-2.794155120e+00, v1;
	v50 =	vadd.f32 v55, v59;
	v56 =	vor.u32 $0x3F800000, v63  }
0x32d: {  	v15 =	vsub.f32 v15, v43;
	v2 =	vmul.f32 v45, v2;
	v58 =	vmul.f32 $4.392872010e-02, v56  }
0x32e: {  	[tilespmem:s17+$0x10950] =	vst v8;
	v23 =	vadd.f32 v23, v60;
	v1 =	vadd.f32 v6, v1;
	v59 =	vand.u32 $0x7FFFFF, v50  }
0x32f: {  	[tilespmem:s17+$0x10960] =	vst v22;
	v2 =	vadd.f32 $-2.794155120e+00, v2;
	v8 =	vor.u32 $0x3F800000, v59;
	v60 =	vadd.f32 $-4.094764590e-01, v58  }
0x330: {  	[tilespmem:s17+$0x10970] =	vst v21;
	v21 =	vsub.f32 v31, v43;
	v63 =	vperm.xlane v23, v3;
	v6 =	vmul.f32 $4.392872010e-02, v8  }
0x331: {  	[tilespmem:s24+$0x109B0] =	vst v34;
	v1 =	vmul.f32 $6.931471820e-01, v1;
	v2 =	vadd.f32 v44, v2;
	v22 =	vmul.f32 v56, v60  }
0x332: {  	[tilespmem:s24+$0x109C0] =	vst v35;
	v23 =	vadd.f32 v23, v63;
	v6 =	vadd.f32 $-4.094764590e-01, v6  }
0x333: {  	[tilespmem:s24+$0x109E0] =	vst v15;
	v51 =	vsub.f32 v36, v1;
	v2 =	vmul.f32 $6.931471820e-01, v2;
	v22 =	vadd.f32 $1.610180620e+00, v22  }
0x334: {  	[tilespmem:s24+$0x109D0] =	vst v21;
	v21 =	vsub.f32 v27, v1;
	v31 =	vperm.xlane v23, v61;
	v6 =	vmul.f32 v8, v6  }
0x335: {  	v15 =	vsub.f32 v32, v1;
	[tilespmem:s11+$0x109F0] =	vst v51;
	v12 =	vsub.f32 v12, v2;
	v22 =	vmul.f32 v56, v22  }
0x336: {  	[tilespmem:s11+$0x10980] =	vst v21;
	v23 =	vadd.f32 v23, v31;
	v6 =	vadd.f32 $1.610180620e+00, v6  }
0x337: {  	[tilespmem:s11+$0x10990] =	vst v15;
	v9 =	vsub.f32 v9, v2;
	v22 =	vadd.f32 $-3.520224090e+00, v22  }
0x338: {  	v27 =	vsub.f32 v28, v1;
	[tilespmem:s24+$0x10900] =	vst v12;
	v28 =	vperm.xlane v23, v62;
	v6 =	vmul.f32 v8, v6  }
0x339: {  	v5 =	vsub.f32 v5, v2;
	v4 =	vsub.f32 v4, v2;
	[tilespmem:s24+$0x10910] =	vst v9;
	v15 =	vmul.f32 v56, v22  }
0x33a: {  	v0 =	vshrl.u32 v0, $0x17;
	[tilespmem:s11+$0x109A0] =	vst v27;
	v21 =	vadd.f32 v23, v28;
	v6 =	vadd.f32 $-3.520224090e+00, v6  }
0x33b: {  	v0 =	vadd.s32 $0xFFFFFF81, v0;
	v7 =	vsub.f32 v7, v2;
	[tilespmem:s24+$0x10920] =	vst v5;
	v9 =	vadd.f32 $5.069760800e+00, v15  }
0x33c: {  	v11 =	vsub.f32 v11, v2;
	[tilespmem:s24+$0x10930] =	vst v4;
	v12 =	vand.u32 $0x7FFFFF, v21;
	v6 =	vmul.f32 v8, v6  }
0x33d: {  	v4 =	vsub.f32 v10, v2;
	[tilespmem:s24+$0x10940] =	vst v7;
	v12 =	vor.u32 $0x3F800000, v12;
	v5 =	vmul.f32 v56, v9  }
0x33e: {  	[tilespmem:s24+$0x10950] =	vst v11;
	v2 =	vsub.f32 v14, v2;
	v6 =	vadd.f32 $5.069760800e+00, v6;
	v9 =	vmul.f32 $4.392872010e-02, v12  }
0x33f: {  	v0 =	vcvt.s32.f32 v0;
	[tilespmem:s24+$0x10960] =	vst v4;
	v4 =	vsub.f32 v17, v1;
	v5 =	vadd.f32 $-2.794155120e+00, v5  }
0x340: {  	[tilespmem:s24+$0x10970] =	vst v2;
	v22 =	vshrl.u32 v50, $0x17;
	v6 =	vmul.f32 v8, v6;
	v7 =	vadd.f32 $-4.094764590e-01, v9  }
0x341: {  	[tilespmem:s11+$0x109B0] =	vst v4;
	v4 =	vsub.f32 v18, v1;
	v9 =	vadd.s32 $0xFFFFFF81, v22;
	v0 =	vadd.f32 v0, v5  }
0x342: {  	v2 =	vadd.f32 $-2.794155120e+00, v6;
	v5 =	vmul.f32 v12, v7;
	v7 =	vcvt.s32.f32 v9  }
0x343: {  	v8 =	vsub.f32 v16, v1;
	v1 =	vsub.f32 v19, v1;
	v0 =	vmul.f32 $6.931471820e-01, v0  }
0x344: {  	[tilespmem:s11+$0x109D0] =	vst v4;
	v5 =	vadd.f32 $1.610180620e+00, v5;
	v2 =	vadd.f32 v7, v2  }
0x345: {  	[tilespmem:s11+$0x109C0] =	vst v8;
	v4 =	vsub.f32 v57, v0  }
0x346: {  	[tilespmem:s11+$0x109E0] =	vst v1;
	v5 =	vmul.f32 v12, v5;
	v1 =	vsub.f32 v41, v0;
	v2 =	vmul.f32 $6.931471820e-01, v2  }
0x347: {  	[tilespmem:s13+$0x109F0] =	vst v4;
	v4 =	vsub.f32 v49, v0  }
0x348: {  	v5 =	vadd.f32 $-3.520224090e+00, v5;
	[tilespmem:s13+$0x10980] =	vst v1;
	v1 =	vsub.f32 v13, v2  }
0x349: {  	[tilespmem:s13+$0x10990] =	vst v4;
	v4 =	vsub.f32 v20, v2  }
0x34a: {  	v6 =	vsub.f32 v48, v0;
	v5 =	vmul.f32 v12, v5;
	[tilespmem:s11+$0x10900] =	vst v1  }
0x34b: {  	v1 =	vsub.f32 v26, v2;
	[tilespmem:s11+$0x10910] =	vst v4  }
0x34c: {  	v4 =	vadd.f32 $5.069760800e+00, v5;
	v5 =	vsub.f32 v30, v2;
	[tilespmem:s13+$0x109A0] =	vst v6  }
0x34d: {  	[tilespmem:s11+$0x10920] =	vst v1;
	v1 =	vsub.f32 v37, v2  }
0x34e: {  	[tilespmem:s11+$0x10930] =	vst v5;
	v5 =	vsub.f32 v33, v2  }
0x34f: {  	[tilespmem:s11+$0x10940] =	vst v1;
	v1 =	vsub.f32 v25, v2  }
0x350: {  	v4 =	vmul.f32 v12, v4;
	[tilespmem:s11+$0x10950] =	vst v5;
	v2 =	vsub.f32 v29, v2  }
0x351: {  	v6 =	vshrl.u32 v21, $0x17;
	[tilespmem:s11+$0x10960] =	vst v1;
	v1 =	vsub.f32 v38, v0  }
0x352: {  	v6 =	vadd.s32 $0xFFFFFF81, v6;
	v4 =	vadd.f32 $-2.794155120e+00, v4;
	v5 =	vsub.f32 v39, v0;
	[tilespmem:s11+$0x10970] =	vst v2  }
0x353: {  	v6 =	vcvt.s32.f32 v6;
	[tilespmem:s13+$0x109B0] =	vst v1;
	v1 =	vsub.f32 v40, v0;
	v0 =	vsub.f32 v42, v0;
	_ =	sdelay $0x1  }
0x354: {  	v4 =	vadd.f32 v6, v4;
	[tilespmem:s13+$0x109E0] =	vst v0;
	v0 =	vld [tilespmem:$0x1FF40];
	_ =	sdelay $0x1  }
0x355: {  	v2 =	vmul.f32 $6.931471820e-01, v4;
	_ =	sdelay $0x1  }
0x356: {  	[tilespmem:s13+$0x109D0] =	vst v1;
	v1 =	vsub.f32 v47, v2  }
0x357: {  	v0 =	vsub.f32 v0, v2  }
0x358: {  	[tilespmem:s13+$0x10900] =	vst v1;
	v1 =	vld [tilespmem:$0x1FF50]  }
0x359: {  	[tilespmem:s13+$0x10910] =	vst v0;
	v0 =	vld [tilespmem:$0x1FF60];
	_ =	sdelay $0x3  }
0x35a: {  	v1 =	vsub.f32 v1, v2  }
0x35b: {  	[tilespmem:s13+$0x109C0] =	vst v5;
	v0 =	vsub.f32 v0, v2  }
0x35c: {  	[tilespmem:s13+$0x10920] =	vst v1;
	v1 =	vsub.f32 v52, v2  }
0x35d: {  	[tilespmem:s13+$0x10930] =	vst v0;
	v0 =	vsub.f32 v53, v2  }
0x35e: {  	[tilespmem:s13+$0x10940] =	vst v1;
	v1 =	vsub.f32 v24, v2  }
0x35f: {  	s24 =	sadd.s32 s8, s23;
	[tilespmem:s13+$0x10950] =	vst v0;
	v0 =	vsub.f32 v54, v2  }
0x360: {  	s11 =	sshrl.u32 s24, $0x3;
	[tilespmem:s13+$0x10960] =	vst v1  }
0x361: {  	s11 =	sadd.s32 s4, s11;
	[tilespmem:s13+$0x10970] =	vst v0  }
0x362: {  	[hbm4b:s11+s5] =	stream.linear.scatter [tilespmem:s31], [sflag:$0x8], $0x2000, $0x38;
	[tilespmem:$0x16900] =	vst v63  }
0x363: {  	_ =	swait.ge [sflag:s2], $0x2000  }
0x364: {  	[sflag:s2] =	ssyncset.done $0x0  }
0x365: {  	s11 =	simm.s32 @!p0 $0x9;
	[sflag:s2] =	ssyncadd.s32 $0xFFFFE000  }
0x366: {  	_ =	swait.ge @!p0 [sflag:s11], $0x2000  }
0x367: {  	[sflag:s11] =	ssyncset.done @!p0 $0x0  }
0x368: {  	s17 =	simm.s32 $0x0;
	[sflag:s11] =	ssyncadd.s32 @!p0 $0xFFFFE000  }
0x369: {  	v16 =	vld [tilespmem:s17+$0x8980]  }
0x36a: {  	v13 =	vld [tilespmem:s17+$0x8990]  }
0x36b: {  	v20 =	vld [tilespmem:s17+$0x89A0]  }
0x36c: {  	v41 =	vld [tilespmem:s17+$0x89B0]  }
0x36d: {  	v43 =	vld [tilespmem:s17+$0x89C0]  }
0x36e: {  	v39 =	vld [tilespmem:s17+$0x89D0];
	v0 =	vmul.f32 $1.442695020e+00, v16  }
0x36f: {  	v38 =	vld [tilespmem:s17+$0x89E0];
	v1 =	vmul.f32 $1.442695020e+00, v13  }
0x370: {  	v17 =	vld [tilespmem:s17+$0x89F0];
	v2 =	vmul.f32 $1.442695020e+00, v20;
	(erf) = vpow2.f32 v0  }
0x371: {  	v0 =	vmul.f32 $1.442695020e+00, v41;
	(erf) = vpow2.f32 v1  }
0x372: {  	v1 =	vmul.f32 $1.442695020e+00, v43;
	(erf) = vpow2.f32 v2  }
0x373: {  	v2 =	vmul.f32 $1.442695020e+00, v39;
	(erf) = vpow2.f32 v0  }
0x374: {  	v0 =	vmul.f32 $1.442695020e+00, v38;
	(erf) = vpow2.f32 v1  }
0x375: {  	v1 =	vmul.f32 $1.442695020e+00, v17;
	(erf) = vpow2.f32 v2  }
0x376: {  	(erf) = vpow2.f32 v0  }
0x377: {  	(erf) = vpow2.f32 v1;
	_ =	sdelay $0x1  }
0x378: {  	v0 =	vpop (erf)  }
0x379: {  	v1 =	vpop (erf)  }
0x37a: {  	v2 =	vpop (erf)  }
0x37b: {  	v4 =	vpop (erf)  }
0x37c: {  	v5 =	vpop (erf)  }
0x37d: {  	v6 =	vpop (erf)  }
0x37e: {  	v7 =	vpop (erf)  }
0x37f: {  	v0 =	vadd.f32 v1, v0;
	v1 =	vadd.f32 v4, v2;
	v2 =	vpop (erf)  }
0x380: {  	v4 =	vadd.f32 v6, v5;
	v2 =	vadd.f32 v2, v7;
	_ =	sdelay $0x1  }
0x381: {  	v0 =	vadd.f32 v1, v0;
	v1 =	vadd.f32 v2, v4;
	_ =	sdelay $0x1  }
0x382: {  	v0 =	vadd.f32 v1, v0  }
0x383: {  	v60 =	vld [tilespmem:s17+$0x8900]  }
0x384: {  	v42 =	vld [tilespmem:s17+$0x8910];
	v1 =	vperm.xlane v0, v46  }
0x385: {  	v24 =	vld [tilespmem:s17+$0x8920]  }
0x386: {  	v23 =	vld [tilespmem:s17+$0x8930];
	v0 =	vadd.f32 v0, v1;
	_ =	sdelay $0x1  }
0x387: {  	v8 =	vld [tilespmem:s17+$0x8950];
	v1 =	vperm.xlane v0, v3  }
0x388: {  	v6 =	vld [tilespmem:s17+$0x8940]  }
0x389: {  	v22 =	vld [tilespmem:s17+$0x8960];
	v5 =	vmul.f32 $1.442695020e+00, v24;
	v2 =	vmul.f32 $1.442695020e+00, v60;
	v0 =	vadd.f32 v0, v1  }
0x38a: {  	s24 =	simm.s32 $0x100;
	v21 =	vld [tilespmem:s17+$0x8970];
	v7 =	vmul.f32 $1.442695020e+00, v23;
	v4 =	vmul.f32 $1.442695020e+00, v42  }
0x38b: {  	v44 =	vld [tilespmem:s24+$0x8980];
	(erf) = vpow2.f32 v2;
	v2 =	vperm.xlane v0, v61  }
0x38c: {  	v31 =	vld [tilespmem:s24+$0x89D0];
	(erf) = vpow2.f32 v4;
	v4 =	vmul.f32 $1.442695020e+00, v8  }
0x38d: {  	v40 =	vld [tilespmem:s24+$0x8990];
	(erf) = vpow2.f32 v5;
	v1 =	vmul.f32 $1.442695020e+00, v6;
	v0 =	vadd.f32 v0, v2  }
0x38e: {  	v34 =	vld [tilespmem:s24+$0x89B0];
	v5 =	vmul.f32 $1.442695020e+00, v22;
	(erf) = vpow2.f32 v7  }
0x38f: {  	v47 =	vld [tilespmem:s24+$0x89A0];
	(erf) = vpow2.f32 v1;
	v1 =	vperm.xlane v0, v62  }
0x390: {  	(erf) = vpow2.f32 v4;
	v2 =	vmul.f32 $1.442695020e+00, v21  }
0x391: {  	v35 =	vld [tilespmem:s24+$0x89C0];
	v12 =	vmul.f32 $1.442695020e+00, v31;
	(erf) = vpow2.f32 v5;
	v0 =	vadd.f32 v0, v1  }
0x392: {  	v15 =	vld [tilespmem:s24+$0x89E0];
	(erf) = vpow2.f32 v2;
	v1 =	vmul.f32 $1.442695020e+00, v44  }
0x393: {  	v45 =	vld [tilespmem:s24+$0x89F0];
	v7 =	vmul.f32 $1.442695020e+00, v34;
	v2 =	vmul.f32 $1.442695020e+00, v40;
	v9 =	vand.u32 $0x7FFFFF, v0  }
0x394: {  	v4 =	vpop (erf);
	v5 =	vmul.f32 $1.442695020e+00, v47;
	(erf) = vpow2.f32 v1;
	v14 =	vor.u32 $0x3F800000, v9  }
0x395: {  	v10 =	vpop (erf);
	(erf) = vpow2.f32 v2;
	v2 =	vmul.f32 $4.392872010e-02, v14  }
0x396: {  	v1 =	vmul.f32 $1.442695020e+00, v35;
	v9 =	vpop (erf);
	(erf) = vpow2.f32 v5  }
0x397: {  	v11 =	vpop (erf);
	(erf) = vpow2.f32 v7;
	v7 =	vmul.f32 $1.442695020e+00, v15;
	v2 =	vadd.f32 $-4.094764590e-01, v2  }
0x398: {  	v5 =	vpop (erf);
	(erf) = vpow2.f32 v1;
	v1 =	vmul.f32 $1.442695020e+00, v45  }
0x399: {  	v18 =	vpop (erf);
	(erf) = vpow2.f32 v12;
	v2 =	vmul.f32 v14, v2  }
0x39a: {  	v4 =	vadd.f32 v10, v4;
	v10 =	vpop (erf);
	(erf) = vpow2.f32 v7  }
0x39b: {  	v9 =	vadd.f32 v11, v9;
	v11 =	vpop (erf);
	(erf) = vpow2.f32 v1;
	v1 =	vadd.f32 $1.610180620e+00, v2;
	_ =	sdelay $0x1  }
0x39c: {  	v1 =	vmul.f32 v14, v1  }
0x39d: {  	v7 =	vadd.f32 v11, v10;
	v10 =	vpop (erf)  }
0x39e: {  	v12 =	vld [tilespmem:s24+$0x8900];
	v5 =	vadd.f32 v18, v5;
	v18 =	vpop (erf);
	v1 =	vadd.f32 $-3.520224090e+00, v1  }
0x39f: {  	v19 =	vpop (erf)  }
0x3a0: {  	v25 =	vpop (erf);
	v1 =	vmul.f32 v14, v1  }
0x3a1: {  	v2 =	vadd.f32 v9, v4;
	v9 =	vld [tilespmem:s24+$0x8910];
	v4 =	vadd.f32 v7, v5;
	v27 =	vpop (erf)  }
0x3a2: {  	v0 =	vshrl.u32 v0, $0x17;
	v5 =	vld [tilespmem:s24+$0x8920];
	v30 =	vpop (erf);
	v1 =	vadd.f32 $5.069760800e+00, v1  }
0x3a3: {  	v0 =	vadd.s32 $0xFFFFFF81, v0;
	v7 =	vld [tilespmem:s24+$0x8940];
	v28 =	vmul.f32 $1.442695020e+00, v12;
	v2 =	vadd.f32 v4, v2;
	v54 =	vpop (erf)  }
0x3a4: {  	v4 =	vld [tilespmem:s24+$0x8930];
	v19 =	vadd.f32 v25, v19;
	v25 =	vadd.f32 v30, v27;
	v27 =	vpop (erf);
	v1 =	vmul.f32 v14, v1  }
0x3a5: {  	v0 =	vcvt.s32.f32 v0;
	v18 =	vadd.f32 v18, v10;
	v27 =	vadd.f32 v27, v54  }
0x3a6: {  	v29 =	vmul.f32 $1.442695020e+00, v9;
	(erf) = vpow2.f32 v28;
	v1 =	vadd.f32 $-2.794155120e+00, v1  }
0x3a7: {  	v11 =	vld [tilespmem:s24+$0x8950];
	v26 =	vperm.xlane v2, v46;
	v18 =	vadd.f32 v19, v18;
	v19 =	vadd.f32 v27, v25  }
0x3a8: {  	v10 =	vld [tilespmem:s24+$0x8960];
	(erf) = vpow2.f32 v29;
	v53 =	vmul.f32 $1.442695020e+00, v5;
	v0 =	vadd.f32 v0, v1  }
0x3a9: {  	v30 =	vmul.f32 $1.442695020e+00, v7;
	v55 =	vmul.f32 $1.442695020e+00, v4;
	v14 =	vld [tilespmem:s24+$0x8970];
	v18 =	vadd.f32 v19, v18  }
0x3aa: {  	(erf) = vpow2.f32 v53;
	v48 =	vmul.f32 $6.931471820e-01, v0  }
0x3ab: {  	(erf) = vpow2.f32 v55;
	v19 =	vperm.xlane v18, v46;
	v0 =	vadd.f32 v2, v26  }
0x3ac: {  	v25 =	vmul.f32 $1.442695020e+00, v11;
	(erf) = vpow2.f32 v30;
	v17 =	vsub.f32 v17, v48  }
0x3ad: {  	v1 =	vmul.f32 $1.442695020e+00, v10;
	v18 =	vadd.f32 v18, v19;
	v19 =	vperm.xlane v0, v3  }
0x3ae: {  	s11 =	simm.s32 $0x200;
	(erf) = vpow2.f32 v25;
	v2 =	vmul.f32 $1.442695020e+00, v14;
	[tilespmem:s17+$0x129F0] =	vst v17  }
0x3af: {  	(erf) = vpow2.f32 v1;
	v1 =	vperm.xlane v18, v3;
	v0 =	vadd.f32 v0, v19;
	v27 =	vld [tilespmem:s11+$0x8980]  }
0x3b0: {  	v32 =	vld [tilespmem:s11+$0x8990]  }
0x3b1: {  	(erf) = vpow2.f32 v2;
	v28 =	vld [tilespmem:s11+$0x89A0];
	v1 =	vadd.f32 v18, v1;
	v18 =	vperm.xlane v0, v61  }
0x3b2: {  	v26 =	vsub.f32 v16, v48;
	v2 =	vpop (erf)  }
0x3b3: {  	v55 =	vsub.f32 v20, v48;
	v16 =	vld [tilespmem:s11+$0x89C0];
	v19 =	vpop (erf);
	v25 =	vperm.xlane v1, v61;
	v0 =	vadd.f32 v0, v18  }
0x3b4: {  	v17 =	vld [tilespmem:s11+$0x89B0];
	[tilespmem:s17+$0x12980] =	vst v26;
	v26 =	vsub.f32 v13, v48;
	v2 =	vadd.f32 v19, v2;
	v19 =	vpop (erf)  }
0x3b5: {  	v13 =	vld [tilespmem:s11+$0x8900];
	v18 =	vpop (erf);
	v1 =	vadd.f32 v1, v25;
	v29 =	vperm.xlane v0, v62;
	v57 =	vmul.f32 $1.442695020e+00, v27  }
0x3b6: {  	v58 =	vmul.f32 $1.442695020e+00, v32;
	v59 =	vmul.f32 $1.442695020e+00, v28;
	v19 =	vadd.f32 v18, v19  }
0x3b7: {  	v18 =	vld [tilespmem:s11+$0x89D0];
	[tilespmem:s17+$0x12990] =	vst v26;
	v25 =	vpop (erf);
	v56 =	vperm.xlane v1, v62;
	(erf) = vpow2.f32 v57;
	v0 =	vadd.f32 v0, v29  }
0x3b8: {  	v63 =	vmul.f32 $1.442695020e+00, v16;
	v36 =	vld [tilespmem:s11+$0x89F0];
	v30 =	vpop (erf);
	v2 =	vadd.f32 v19, v2;
	(erf) = vpow2.f32 v58  }
0x3b9: {  	v19 =	vld [tilespmem:s11+$0x89E0];
	v25 =	vadd.f32 v30, v25;
	v30 =	vpop (erf);
	v1 =	vadd.f32 v1, v56;
	v58 =	vand.u32 $0x7FFFFF, v0  }
0x3ba: {  	v49 =	vmul.f32 $1.442695020e+00, v13;
	(erf) = vpow2.f32 v59;
	v26 =	vpop (erf);
	v51 =	vor.u32 $0x3F800000, v58  }
0x3bb: {  	v20 =	vld [tilespmem:s11+$0x8910];
	v30 =	vadd.f32 v26, v30;
	v26 =	vmul.f32 $1.442695020e+00, v17;
	v53 =	vand.u32 $0x7FFFFF, v1  }
0x3bc: {  	v54 =	vmul.f32 $1.442695020e+00, v18;
	v52 =	vmul.f32 $4.392872010e-02, v51;
	v50 =	vor.u32 $0x3F800000, v53  }
0x3bd: {  	v57 =	vmul.f32 $1.442695020e+00, v36;
	v56 =	vmul.f32 $4.392872010e-02, v50  }
0x3be: {  	(erf) = vpow2.f32 v26;
	v26 =	vld [tilespmem:s11+$0x8920];
	v29 =	vmul.f32 $1.442695020e+00, v19;
	[tilespmem:s17+$0x129A0] =	vst v55  }
0x3bf: {  	v25 =	vadd.f32 v30, v25;
	(erf) = vpow2.f32 v63;
	v30 =	vld [tilespmem:s11+$0x8930];
	v59 =	vadd.f32 $-4.094764590e-01, v56  }
0x3c0: {  	v52 =	vadd.f32 $-4.094764590e-01, v52;
	(erf) = vpow2.f32 v54;
	v54 =	vmul.f32 $1.442695020e+00, v20  }
0x3c1: {  	v37 =	vld [tilespmem:s11+$0x8940];
	v2 =	vadd.f32 v25, v2;
	(erf) = vpow2.f32 v29;
	v25 =	vmul.f32 v50, v59  }
0x3c2: {  	v52 =	vmul.f32 v51, v52;
	(erf) = vpow2.f32 v57  }
0x3c3: {  	v33 =	vld [tilespmem:s11+$0x8950];
	v29 =	vperm.xlane v2, v46;
	v55 =	vmul.f32 $1.442695020e+00, v26;
	v56 =	vadd.f32 $1.610180620e+00, v25  }
0x3c4: {  	v53 =	vpop (erf);
	(erf) = vpow2.f32 v49;
	v25 =	vld [tilespmem:s11+$0x8960];
	v63 =	vmul.f32 $1.442695020e+00, v30  }
0x3c5: {  	v57 =	vpop (erf);
	(erf) = vpow2.f32 v54;
	v56 =	vmul.f32 v50, v56  }
0x3c6: {  	v49 =	vpop (erf);
	v59 =	vmul.f32 $1.442695020e+00, v37;
	(erf) = vpow2.f32 v55  }
0x3c7: {  	v2 =	vadd.f32 v2, v29;
	v29 =	vld [tilespmem:s11+$0x8970];
	v54 =	vpop (erf);
	(erf) = vpow2.f32 v63;
	v56 =	vadd.f32 $-3.520224090e+00, v56  }
0x3c8: {  	v53 =	vadd.f32 v57, v53;
	v57 =	vmul.f32 $1.442695020e+00, v33;
	v55 =	vpop (erf);
	(erf) = vpow2.f32 v59  }
0x3c9: {  	v49 =	vadd.f32 v54, v49;
	v63 =	vpop (erf);
	v54 =	vmul.f32 $1.442695020e+00, v25;
	v56 =	vmul.f32 v50, v56  }
0x3ca: {  	v1 =	vshrl.u32 v1, $0x17;
	v52 =	vadd.f32 $1.610180620e+00, v52;
	(erf) = vpow2.f32 v57;
	v59 =	vpop (erf)  }
0x3cb: {  	v55 =	vadd.f32 v63, v55;
	v63 =	vpop (erf);
	(erf) = vpow2.f32 v54;
	v56 =	vadd.f32 $5.069760800e+00, v56  }
0x3cc: {  	v54 =	vmul.f32 $1.442695020e+00, v29;
	v57 =	vadd.f32 v63, v59;
	v63 =	vperm.xlane v2, v3  }
0x3cd: {  	v1 =	vadd.s32 $0xFFFFFF81, v1;
	v49 =	vadd.f32 v49, v53;
	v50 =	vmul.f32 v50, v56  }
0x3ce: {  	(erf) = vpow2.f32 v54;
	v2 =	vadd.f32 v2, v63;
	v58 =	vadd.f32 v57, v55  }
0x3cf: {  	v1 =	vcvt.s32.f32 v1;
	v50 =	vadd.f32 $-2.794155120e+00, v50  }
0x3d0: {  	v59 =	vmul.f32 v51, v52;
	v52 =	vpop (erf);
	v63 =	vperm.xlane v2, v61;
	v49 =	vadd.f32 v58, v49  }
0x3d1: {  	v41 =	vsub.f32 v41, v48;
	v53 =	vpop (erf);
	v1 =	vadd.f32 v1, v50  }
0x3d2: {  	v56 =	vpop (erf);
	v50 =	vadd.f32 $-3.520224090e+00, v59;
	v2 =	vadd.f32 v2, v63;
	v63 =	vperm.xlane v49, v46  }
0x3d3: {  	v39 =	vsub.f32 v39, v48;
	v38 =	vsub.f32 v38, v48;
	v0 =	vshrl.u32 v0, $0x17;
	v57 =	vpop (erf)  }
0x3d4: {  	v54 =	vsub.f32 v43, v48;
	v58 =	vpop (erf);
	v43 =	vmul.f32 $6.931471820e-01, v1;
	v1 =	vmul.f32 v51, v50  }
0x3d5: {  	v0 =	vadd.s32 $0xFFFFFF81, v0;
	[tilespmem:s17+$0x129D0] =	vst v39;
	v57 =	vadd.f32 v57, v56;
	v59 =	vpop (erf);
	v39 =	vadd.f32 v49, v63  }
0x3d6: {  	v49 =	vadd.f32 v53, v52;
	v50 =	vperm.xlane v2, v62;
	v1 =	vadd.f32 $5.069760800e+00, v1;
	v63 =	vpop (erf)  }
0x3d7: {  	[tilespmem:s17+$0x129B0] =	vst v41;
	v48 =	vadd.f32 v59, v58;
	v45 =	vsub.f32 v45, v43;
	v58 =	vperm.xlane v39, v3;
	v59 =	vpop (erf)  }
0x3d8: {  	[tilespmem:s17+$0x129E0] =	vst v38;
	v2 =	vadd.f32 v2, v50;
	v1 =	vmul.f32 v51, v1;
	v38 =	vadd.f32 v59, v63  }
0x3d9: {  	v0 =	vcvt.s32.f32 v0;
	[tilespmem:s17+$0x129C0] =	vst v54;
	v63 =	vadd.f32 v57, v49;
	v57 =	vadd.f32 v39, v58  }
0x3da: {  	s13 =	simm.s32 $0x300;
	v44 =	vsub.f32 v44, v43;
	[tilespmem:s24+$0x129F0] =	vst v45;
	v58 =	vand.u32 $0x7FFFFF, v2;
	v1 =	vadd.f32 $-2.794155120e+00, v1  }
0x3db: {  	v41 =	vld [tilespmem:s13+$0x8980];
	v45 =	vor.u32 $0x3F800000, v58;
	v59 =	vadd.f32 v38, v48;
	v53 =	vperm.xlane v57, v61  }
0x3dc: {  	v2 =	vshrl.u32 v2, $0x17;
	v49 =	vld [tilespmem:s13+$0x8990];
	v61 =	vmul.f32 $4.392872010e-02, v45;
	v0 =	vadd.f32 v0, v1  }
0x3dd: {  	v48 =	vld [tilespmem:s13+$0x89A0];
	v1 =	vadd.s32 $0xFFFFFF81, v2;
	v2 =	vadd.f32 v59, v63;
	v50 =	vadd.f32 v57, v53  }
0x3de: {  	v39 =	vld [tilespmem:s13+$0x89C0];
	v63 =	vadd.f32 $-4.094764590e-01, v61;
	v59 =	vsub.f32 v47, v43;
	v56 =	vmul.f32 $6.931471820e-01, v0  }
0x3df: {  	v38 =	vld [tilespmem:s13+$0x89B0];
	[tilespmem:s24+$0x12980] =	vst v44;
	v44 =	vcvt.s32.f32 v1;
	v0 =	vsub.f32 v40, v43;
	v1 =	vperm.xlane v2, v46  }
0x3e0: {  	v47 =	vld [tilespmem:s13+$0x8900];
	v53 =	vperm.xlane v50, v62;
	v58 =	vmul.f32 v45, v63;
	v57 =	vsub.f32 v60, v56  }
0x3e1: {  	v40 =	vld [tilespmem:s13+$0x89D0];
	v61 =	vmul.f32 $1.442695020e+00, v49;
	[tilespmem:s24+$0x12990] =	vst v0;
	v60 =	vmul.f32 $1.442695020e+00, v41;
	v55 =	vadd.f32 v2, v1  }
0x3e2: {  	s14 =	simm.s32 $0x1000;
	v52 =	vsub.f32 v42, v56;
	v51 =	vadd.f32 v50, v53;
	v53 =	vmul.f32 $1.442695020e+00, v48;
	v42 =	vld [tilespmem:s13+$0x89E0];
	[tilespmem:s17+$0x12900] =	vst v57  }
.LBB2_11:
0x3e3: {  	v1 =	vadd.f32 $1.610180620e+00, v58;
	v34 =	vsub.f32 v34, v43  }
0x3e4: {  	v54 =	vld [tilespmem:s13+$0x89F0];
	v35 =	vsub.f32 v35, v43;
	(erf) = vpow2.f32 v60;
	v0 =	vmul.f32 $1.442695020e+00, v38  }
0x3e5: {  	v57 =	vand.u32 $0x7FFFFF, v51;
	v2 =	vmul.f32 $1.442695020e+00, v39;
	(erf) = vpow2.f32 v61  }
0x3e6: {  	v46 =	vld [tilespmem:s13+$0x8910];
	[tilespmem:s17+$0x12910] =	vst v52;
	v57 =	vor.u32 $0x3F800000, v57;
	v1 =	vmul.f32 v45, v1;
	(erf) = vpow2.f32 v53  }
0x3e7: {  	v50 =	vmovc v49;
	v52 =	vmovc v28;
	v49 =	vld [tilespmem:s13+$0x8920];
	[tilespmem:s24+$0x129A0] =	vst v59;
	v61 =	vsub.f32 v24, v56;
	v58 =	vmul.f32 $1.442695020e+00, v40;
	(erf) = vpow2.f32 v0  }
0x3e8: {  	v28 =	vmovc v48;
	v53 =	vmovc v12;
	v0 =	vmul.f32 $4.392872010e-02, v57;
	v62 =	vmul.f32 $1.442695020e+00, v42;
	v1 =	vadd.f32 $-3.520224090e+00, v1  }
0x3e9: {  	v48 =	vld [tilespmem:s13+$0x8930];
	v12 =	vmovc v13;
	v13 =	vmovc v47;
	(erf) = vpow2.f32 v2;
	v2 =	vsub.f32 v23, v56;
	v63 =	vmul.f32 $1.442695020e+00, v54  }
0x3ea: {  	v24 =	vmovc v5;
	v59 =	vld [tilespmem:s13+$0x8940];
	(erf) = vpow2.f32 v58;
	v0 =	vadd.f32 $-4.094764590e-01, v0;
	v58 =	vmul.f32 $1.442695020e+00, v13  }
0x3eb: {  	v5 =	vmovc v26;
	v60 =	vld [tilespmem:s13+$0x8950];
	[tilespmem:s17+$0x12920] =	vst v61;
	v23 =	vmovc v4;
	v4 =	vmov v30;
	v1 =	vmul.f32 v45, v1;
	(erf) = vpow2.f32 v62  }
0x3ec: {  	v47 =	vld [tilespmem:s13+$0x8960];
	[tilespmem:s17+$0x12930] =	vst v2;
	v2 =	vsub.f32 v6, v56;
	v6 =	vmovc v7;
	v7 =	vmov v37;
	v0 =	vmul.f32 v57, v0  }
0x3ed: {  	v37 =	vsub.f32 v8, v56;
	v26 =	vmovc v49;
	v8 =	vmovc v11;
	v49 =	vmul.f32 $1.442695020e+00, v46;
	(erf) = vpow2.f32 v63  }
0x3ee: {  	v11 =	vmovc v33;
	v61 =	vld [tilespmem:s13+$0x8970];
	v62 =	vmul.f32 $1.442695020e+00, v26;
	v30 =	vmovc v48;
	[tilespmem:s17+$0x12940] =	vst v2;
	v2 =	vsub.f32 v22, v56;
	v0 =	vadd.f32 $1.610180620e+00, v0  }
0x3ef: {  	v33 =	vmul.f32 $1.442695020e+00, v59;
	v1 =	vadd.f32 $5.069760800e+00, v1;
	v22 =	vmul.f32 $1.442695020e+00, v30;
	v48 =	vpop (erf)  }
0x3f0: {  	(erf) = vpow2.f32 v58;
	v58 =	vpop (erf);
	[tilespmem:s17+$0x12960] =	vst v2;
	v2 =	vsub.f32 v21, v56;
	v0 =	vmul.f32 v57, v0  }
0x3f1: {  	v31 =	vsub.f32 v31, v43;
	[tilespmem:s17+$0x12950] =	vst v37;
	v37 =	vmul.f32 $1.442695020e+00, v60;
	v56 =	vpop (erf);
	(erf) = vpow2.f32 v49  }
0x3f2: {  	v1 =	vmul.f32 v45, v1;
	v21 =	vmul.f32 $1.442695020e+00, v47;
	v49 =	vpop (erf);
	[tilespmem:s17+$0x12970] =	vst v2;
	s17 =	smov.u32 s24;
	v0 =	vadd.f32 $-3.520224090e+00, v0  }
0x3f3: {  	(erf) = vpow2.f32 v62;
	[tilespmem:s17+$0x129B0] =	vst v34;
	v34 =	vadd.f32 v58, v48;
	v56 =	vadd.f32 v49, v56  }
0x3f4: {  	v1 =	vadd.f32 $-2.794155120e+00, v1;
	v62 =	vperm.xlane v55, v3;
	v2 =	vpop (erf);
	(erf) = vpow2.f32 v22  }
0x3f5: {  	v22 =	vpop (erf);
	(erf) = vpow2.f32 v33;
	v0 =	vmul.f32 v57, v0;
	v34 =	vadd.f32 v56, v34;
	v56 =	vld [tilespmem:$0x1FFE0]  }
0x3f6: {  	v63 =	vmul.f32 $1.442695020e+00, v61;
	[tilespmem:s17+$0x129C0] =	vst v35;
	v35 =	vadd.f32 v55, v62;
	v48 =	vpop (erf);
	(erf) = vpow2.f32 v37  }
0x3f7: {  	v2 =	vadd.f32 v22, v2;
	v22 =	vpop (erf);
	(erf) = vpow2.f32 v21;
	v0 =	vadd.f32 $5.069760800e+00, v0  }
0x3f8: {  	v55 =	vld [tilespmem:$0x1FFD0];
	v33 =	vmovc v60;
	v58 =	vadd.f32 v22, v48;
	(erf) = vpow2.f32 v63;
	v63 =	vshrl.u32 v51, $0x17  }
0x3f9: {  	[tilespmem:s17+$0x129D0] =	vst v31;
	v21 =	vmov v14;
	v31 =	vpop (erf);
	v0 =	vmul.f32 v57, v0;
	v62 =	vadd.s32 $0xFFFFFF81, v63;
	v57 =	vld [tilespmem:$0x1FFF0]  }
0x3fa: {  	v2 =	vadd.f32 v58, v2;
	v60 =	vperm.xlane v35, v56;
	v14 =	vpop (erf);
	v63 =	vcvt.s32.f32 v62  }
0x3fb: {  	v0 =	vadd.f32 $-2.794155120e+00, v0;
	v31 =	vadd.f32 v14, v31  }
0x3fc: {  	v14 =	vpop (erf);
	v2 =	vadd.f32 v2, v34;
	v35 =	vadd.f32 v35, v60  }
0x3fd: {  	v22 =	vmov v10;
	v10 =	vmov v25;
	v62 =	vpop (erf);
	v0 =	vadd.f32 v63, v0  }
0x3fe: {  	v25 =	vmov v47;
	v47 =	vperm.xlane v2, v55;
	v63 =	vpop (erf);
	v60 =	vperm.xlane v35, v57  }
0x3ff: {  	v58 =	vsub.f32 v15, v43;
	v34 =	vadd.f32 v62, v14;
	v62 =	vpop (erf);
	v43 =	vmul.f32 $6.931471820e-01, v0  }
0x400: {  	v2 =	vadd.f32 v2, v47;
	v15 =	vpop (erf);
	v49 =	vadd.f32 v35, v60  }
0x401: {  	v14 =	vmov v29;
	v0 =	vadd.f32 v62, v63;
	v29 =	vpop (erf);
	v60 =	vsub.f32 v36, v43  }
0x402: {  	s24 =	smov.u32 s11;
	v37 =	vmovc v59;
	[tilespmem:s17+$0x129E0] =	vst v58;
	v63 =	vperm.xlane v2, v3;
	v62 =	vadd.f32 v29, v15;
	v59 =	vand.u32 $0x7FFFFF, v49  }
0x403: {  	s11 =	smov.u32 s13;
	s13 =	sshra.s32 s14, $0x2;
	v1 =	vadd.f32 v44, v1;
	v47 =	vadd.f32 v34, v31;
	[tilespmem:s24+$0x129F0] =	vst v60;
	v45 =	vor.u32 $0x3F800000, v59  }
0x404: {  	v2 =	vadd.f32 v2, v63;
	v63 =	vshrl.u32 v49, $0x17;
	v51 =	vld [tilespmem:s13+$0x8980];
	v0 =	vadd.f32 v62, v0  }
0x405: {  	v35 =	vmovc v16;
	v49 =	vld [tilespmem:s13+$0x8990];
	v62 =	vmul.f32 $4.392872010e-02, v45;
	v60 =	vadd.s32 $0xFFFFFF81, v63;
	v63 =	vsub.f32 v27, v43  }
0x406: {  	v16 =	vmovc v39;
	v29 =	vmovc v61;
	v48 =	vld [tilespmem:s13+$0x89A0];
	v61 =	vperm.xlane v2, v56;
	v0 =	vadd.f32 v0, v47;
	v56 =	vmul.f32 $6.931471820e-01, v1  }
0x407: {  	p1 =	sne.s32 s14, $0x7C00;
	v31 =	vmovc v18;
	v18 =	vmovc v40;
	v36 =	vmov v54;
	v47 =	vadd.f32 $-4.094764590e-01, v62;
	v62 =	vsub.f32 v32, v43  }
.Ltmp4:
0x408: {  	v34 =	vmovc v17;
	v17 =	vmovc v38;
	v15 =	vmov v19;
	v38 =	vld [tilespmem:s13+$0x89B0];
	v2 =	vadd.f32 v2, v61;
	v32 =	vsub.f32 v53, v56;
	(pc) =	sbr.rel @p1 .LBB2_11-.Ltmp4, $4  }
0x409: {  	v19 =	vmovc v42;
	v59 =	vsub.f32 v52, v43;
	v39 =	vld [tilespmem:s13+$0x89C0];
	v44 =	vcvt.s32.f32 v60;
	[tilespmem:s24+$0x12980] =	vst v63;
	v1 =	vperm.xlane v0, v55  }
0x40a: {  	v27 =	vmovc v41;
	v40 =	vld [tilespmem:s13+$0x89D0];
	v58 =	vmul.f32 v45, v47;
	v52 =	vsub.f32 v9, v56;
	v54 =	vperm.xlane v2, v57  }
0x40b: {  	v47 =	vld [tilespmem:s13+$0x8900];
	[tilespmem:s24+$0x12990] =	vst v62;
	v9 =	vmovc v20;
	v20 =	vmovc v46;
	v41 =	vmov v51;
	v61 =	vmul.f32 $1.442695020e+00, v49;
	v53 =	vmul.f32 $1.442695020e+00, v48  }
0x40c: {  	s14 =	sadd.s32 $0x400, s14;
	v42 =	vld [tilespmem:s13+$0x89E0];
	v60 =	vmul.f32 $1.442695020e+00, v41;
	v55 =	vadd.f32 v0, v1;
	[tilespmem:s17+$0x12900] =	vst v32;
	v51 =	vadd.f32 v2, v54;
	v32 =	vmovc v50  }
0x40d: {  	_ = 	snop  }
0x40e: {  	v57 =	vld [tilespmem:s13+$0x89F0];
	(erf) = vpow2.f32 v60  }
0x40f: {  	v0 =	vmul.f32 $1.442695020e+00, v38;
	(erf) = vpow2.f32 v61  }
0x410: {  	v1 =	vmul.f32 $1.442695020e+00, v39;
	(erf) = vpow2.f32 v53  }
0x411: {  	v2 =	vmul.f32 $1.442695020e+00, v40;
	(erf) = vpow2.f32 v0  }
0x412: {  	v46 =	vld [tilespmem:s13+$0x8910];
	[tilespmem:s17+$0x12910] =	vst v52;
	v0 =	vmul.f32 $1.442695020e+00, v42;
	(erf) = vpow2.f32 v1  }
0x413: {  	v50 =	vld [tilespmem:s13+$0x8920];
	[tilespmem:s24+$0x129A0] =	vst v59;
	v1 =	vmul.f32 $1.442695020e+00, v57;
	(erf) = vpow2.f32 v2  }
0x414: {  	v62 =	vld [tilespmem:s13+$0x8930];
	v2 =	vsub.f32 v24, v56;
	(erf) = vpow2.f32 v0  }
0x415: {  	v52 =	vld [tilespmem:s13+$0x8940];
	(erf) = vpow2.f32 v1  }
0x416: {  	v53 =	vld [tilespmem:s13+$0x8950];
	[tilespmem:s17+$0x12920] =	vst v2;
	v2 =	vmul.f32 $1.442695020e+00, v47  }
0x417: {  	v59 =	vmul.f32 $1.442695020e+00, v46;
	v0 =	vsub.f32 v23, v56;
	v23 =	vpop (erf)  }
0x418: {  	[tilespmem:$0x1FF10] =	vst v46;
	v1 =	vpop (erf)  }
0x419: {  	[tilespmem:$0x1FF20] =	vst v50;
	v24 =	vld [tilespmem:s13+$0x8960];
	v46 =	vpop (erf)  }
0x41a: {  	v50 =	vmul.f32 $1.442695020e+00, v50;
	[tilespmem:s17+$0x12930] =	vst v0;
	(erf) = vpow2.f32 v2;
	v2 =	vpop (erf)  }
0x41b: {  	[tilespmem:$0x1FF30] =	vst v62;
	v62 =	vmul.f32 $1.442695020e+00, v62;
	v54 =	vld [tilespmem:s13+$0x8970];
	(erf) = vpow2.f32 v59;
	v59 =	vpop (erf)  }
0x41c: {  	v63 =	vmul.f32 $1.442695020e+00, v52;
	(erf) = vpow2.f32 v50;
	v60 =	vpop (erf)  }
0x41d: {  	v0 =	vmul.f32 $1.442695020e+00, v53;
	v1 =	vadd.f32 v1, v23;
	(erf) = vpow2.f32 v62;
	v23 =	vpop (erf)  }
0x41e: {  	v62 =	vmul.f32 $1.442695020e+00, v24;
	(erf) = vpow2.f32 v63;
	v2 =	vadd.f32 v2, v46;
	v46 =	vpop (erf)  }
0x41f: {  	(erf) = vpow2.f32 v0;
	v59 =	vadd.f32 v60, v59;
	v0 =	vadd.f32 v46, v23  }
0x420: {  	v50 =	vmul.f32 $1.442695020e+00, v54;
	v46 =	vld [tilespmem:$0x1FFD0]  }
0x421: {  	(erf) = vpow2.f32 v62;
	v1 =	vadd.f32 v2, v1;
	v0 =	vadd.f32 v0, v59  }
0x422: {  	(erf) = vpow2.f32 v50  }
0x423: {  	v0 =	vadd.f32 v0, v1  }
0x424: {  	v23 =	vpop (erf)  }
0x425: {  	v59 =	vpop (erf);
	v50 =	vperm.xlane v0, v46  }
0x426: {  	v60 =	vpop (erf)  }
0x427: {  	v62 =	vpop (erf)  }
0x428: {  	v2 =	vand.u32 $0x7FFFFF, v51;
	v63 =	vpop (erf)  }
0x429: {  	v2 =	vor.u32 $0x3F800000, v2;
	v0 =	vadd.f32 v0, v50;
	v50 =	vpop (erf)  }
0x42a: {  	v23 =	vadd.f32 v59, v23;
	v1 =	vmul.f32 $4.392872010e-02, v2;
	v59 =	vadd.f32 v62, v60;
	v60 =	vpop (erf)  }
0x42b: {  	v61 =	vadd.f32 v50, v63;
	v50 =	vpop (erf)  }
0x42c: {  	v1 =	vadd.f32 $-4.094764590e-01, v1;
	v50 =	vadd.f32 v50, v60;
	_ =	sdelay $0x1  }
0x42d: {  	v1 =	vmul.f32 v2, v1;
	v50 =	vadd.f32 v50, v61;
	v61 =	vld [tilespmem:$0x1FFE0]  }
0x42e: {  	v63 =	vperm.xlane v55, v3  }
0x42f: {  	v1 =	vadd.f32 $1.610180620e+00, v1  }
0x430: {  	v62 =	vperm.xlane v0, v3;
	v55 =	vadd.f32 v55, v63  }
0x431: {  	v6 =	vsub.f32 v6, v56;
	v1 =	vmul.f32 v2, v1  }
0x432: {  	v8 =	vsub.f32 v8, v56;
	v0 =	vadd.f32 v0, v62;
	v62 =	vperm.xlane v55, v61  }
0x433: {  	v22 =	vsub.f32 v22, v56;
	v1 =	vadd.f32 $-3.520224090e+00, v1  }
0x434: {  	v21 =	vsub.f32 v21, v56;
	v55 =	vadd.f32 v55, v62;
	v62 =	vld [tilespmem:$0x1FFF0]  }
0x435: {  	v56 =	vadd.f32 $1.610180620e+00, v58;
	v1 =	vmul.f32 v2, v1;
	v60 =	vperm.xlane v0, v61;
	_ =	sdelay $0x1  }
0x436: {  	v56 =	vmul.f32 v45, v56;
	v1 =	vadd.f32 $5.069760800e+00, v1;
	v0 =	vadd.f32 v0, v60  }
0x437: {  	v51 =	vshrl.u32 v51, $0x17;
	v23 =	vadd.f32 v59, v23  }
0x438: {  	v1 =	vmul.f32 v2, v1;
	v2 =	vadd.f32 $-3.520224090e+00, v56;
	v63 =	vperm.xlane v0, v62  }
0x439: {  	v34 =	vsub.f32 v34, v43;
	v51 =	vadd.s32 $0xFFFFFF81, v51  }
0x43a: {  	v23 =	vadd.f32 v50, v23;
	v2 =	vmul.f32 v45, v2;
	v0 =	vadd.f32 v0, v63  }
0x43b: {  	v35 =	vsub.f32 v35, v43;
	[tilespmem:s17+$0x12940] =	vst v6;
	v6 =	vcvt.s32.f32 v51;
	v59 =	vperm.xlane v55, v62  }
0x43c: {  	v60 =	vperm.xlane v23, v46;
	v2 =	vadd.f32 $5.069760800e+00, v2;
	v63 =	vand.u32 $0x7FFFFF, v0  }
0x43d: {  	v1 =	vadd.f32 $-2.794155120e+00, v1;
	v50 =	vadd.f32 v55, v59;
	v56 =	vor.u32 $0x3F800000, v63  }
0x43e: {  	v15 =	vsub.f32 v15, v43;
	v2 =	vmul.f32 v45, v2;
	v58 =	vmul.f32 $4.392872010e-02, v56  }
0x43f: {  	[tilespmem:s17+$0x12950] =	vst v8;
	v23 =	vadd.f32 v23, v60;
	v1 =	vadd.f32 v6, v1;
	v59 =	vand.u32 $0x7FFFFF, v50  }
0x440: {  	[tilespmem:s17+$0x12960] =	vst v22;
	v2 =	vadd.f32 $-2.794155120e+00, v2;
	v8 =	vor.u32 $0x3F800000, v59;
	v60 =	vadd.f32 $-4.094764590e-01, v58  }
0x441: {  	[tilespmem:s17+$0x12970] =	vst v21;
	v21 =	vsub.f32 v31, v43;
	v63 =	vperm.xlane v23, v3;
	v6 =	vmul.f32 $4.392872010e-02, v8  }
0x442: {  	[tilespmem:s24+$0x129B0] =	vst v34;
	v1 =	vmul.f32 $6.931471820e-01, v1;
	v2 =	vadd.f32 v44, v2;
	v22 =	vmul.f32 v56, v60  }
0x443: {  	[tilespmem:s24+$0x129C0] =	vst v35;
	v23 =	vadd.f32 v23, v63;
	v6 =	vadd.f32 $-4.094764590e-01, v6  }
0x444: {  	[tilespmem:s24+$0x129E0] =	vst v15;
	v51 =	vsub.f32 v36, v1;
	v2 =	vmul.f32 $6.931471820e-01, v2;
	v22 =	vadd.f32 $1.610180620e+00, v22  }
0x445: {  	[tilespmem:s24+$0x129D0] =	vst v21;
	v21 =	vsub.f32 v27, v1;
	v31 =	vperm.xlane v23, v61;
	v6 =	vmul.f32 v8, v6  }
0x446: {  	v15 =	vsub.f32 v32, v1;
	[tilespmem:s11+$0x129F0] =	vst v51;
	v12 =	vsub.f32 v12, v2;
	v22 =	vmul.f32 v56, v22  }
0x447: {  	[tilespmem:s11+$0x12980] =	vst v21;
	v23 =	vadd.f32 v23, v31;
	v6 =	vadd.f32 $1.610180620e+00, v6  }
0x448: {  	[tilespmem:s11+$0x12990] =	vst v15;
	v9 =	vsub.f32 v9, v2;
	v22 =	vadd.f32 $-3.520224090e+00, v22  }
0x449: {  	v27 =	vsub.f32 v28, v1;
	[tilespmem:s24+$0x12900] =	vst v12;
	v28 =	vperm.xlane v23, v62;
	v6 =	vmul.f32 v8, v6  }
0x44a: {  	v5 =	vsub.f32 v5, v2;
	v4 =	vsub.f32 v4, v2;
	[tilespmem:s24+$0x12910] =	vst v9;
	v15 =	vmul.f32 v56, v22  }
0x44b: {  	v0 =	vshrl.u32 v0, $0x17;
	[tilespmem:s11+$0x129A0] =	vst v27;
	v21 =	vadd.f32 v23, v28;
	v6 =	vadd.f32 $-3.520224090e+00, v6  }
0x44c: {  	v0 =	vadd.s32 $0xFFFFFF81, v0;
	v7 =	vsub.f32 v7, v2;
	[tilespmem:s24+$0x12920] =	vst v5;
	v9 =	vadd.f32 $5.069760800e+00, v15  }
0x44d: {  	v11 =	vsub.f32 v11, v2;
	[tilespmem:s24+$0x12930] =	vst v4;
	v12 =	vand.u32 $0x7FFFFF, v21;
	v6 =	vmul.f32 v8, v6  }
0x44e: {  	v4 =	vsub.f32 v10, v2;
	[tilespmem:s24+$0x12940] =	vst v7;
	v12 =	vor.u32 $0x3F800000, v12;
	v5 =	vmul.f32 v56, v9  }
0x44f: {  	[tilespmem:s24+$0x12950] =	vst v11;
	v2 =	vsub.f32 v14, v2;
	v6 =	vadd.f32 $5.069760800e+00, v6;
	v9 =	vmul.f32 $4.392872010e-02, v12  }
0x450: {  	v0 =	vcvt.s32.f32 v0;
	[tilespmem:s24+$0x12960] =	vst v4;
	v4 =	vsub.f32 v17, v1;
	v5 =	vadd.f32 $-2.794155120e+00, v5  }
0x451: {  	[tilespmem:s24+$0x12970] =	vst v2;
	v22 =	vshrl.u32 v50, $0x17;
	v6 =	vmul.f32 v8, v6;
	v7 =	vadd.f32 $-4.094764590e-01, v9  }
0x452: {  	[tilespmem:s11+$0x129B0] =	vst v4;
	v4 =	vsub.f32 v18, v1;
	v9 =	vadd.s32 $0xFFFFFF81, v22;
	v0 =	vadd.f32 v0, v5  }
0x453: {  	v2 =	vadd.f32 $-2.794155120e+00, v6;
	v5 =	vmul.f32 v12, v7;
	v7 =	vcvt.s32.f32 v9  }
0x454: {  	v8 =	vsub.f32 v16, v1;
	v1 =	vsub.f32 v19, v1;
	v0 =	vmul.f32 $6.931471820e-01, v0  }
0x455: {  	[tilespmem:s11+$0x129D0] =	vst v4;
	v5 =	vadd.f32 $1.610180620e+00, v5;
	v2 =	vadd.f32 v7, v2  }
0x456: {  	[tilespmem:s11+$0x129C0] =	vst v8;
	v4 =	vsub.f32 v57, v0  }
0x457: {  	[tilespmem:s11+$0x129E0] =	vst v1;
	v5 =	vmul.f32 v12, v5;
	v1 =	vsub.f32 v41, v0;
	v2 =	vmul.f32 $6.931471820e-01, v2  }
0x458: {  	[tilespmem:s13+$0x129F0] =	vst v4;
	v4 =	vsub.f32 v49, v0  }
0x459: {  	v5 =	vadd.f32 $-3.520224090e+00, v5;
	[tilespmem:s13+$0x12980] =	vst v1;
	v1 =	vsub.f32 v13, v2  }
0x45a: {  	[tilespmem:s13+$0x12990] =	vst v4;
	v4 =	vsub.f32 v20, v2  }
0x45b: {  	v6 =	vsub.f32 v48, v0;
	v5 =	vmul.f32 v12, v5;
	[tilespmem:s11+$0x12900] =	vst v1  }
0x45c: {  	v1 =	vsub.f32 v26, v2;
	[tilespmem:s11+$0x12910] =	vst v4  }
0x45d: {  	v4 =	vadd.f32 $5.069760800e+00, v5;
	v5 =	vsub.f32 v30, v2;
	[tilespmem:s13+$0x129A0] =	vst v6  }
0x45e: {  	[tilespmem:s11+$0x12920] =	vst v1;
	v1 =	vsub.f32 v37, v2  }
0x45f: {  	[tilespmem:s11+$0x12930] =	vst v5;
	v5 =	vsub.f32 v33, v2  }
0x460: {  	[tilespmem:s11+$0x12940] =	vst v1;
	v1 =	vsub.f32 v25, v2  }
0x461: {  	v4 =	vmul.f32 v12, v4;
	[tilespmem:s11+$0x12950] =	vst v5;
	v2 =	vsub.f32 v29, v2  }
0x462: {  	v6 =	vshrl.u32 v21, $0x17;
	[tilespmem:s11+$0x12960] =	vst v1;
	v1 =	vsub.f32 v38, v0  }
0x463: {  	v6 =	vadd.s32 $0xFFFFFF81, v6;
	v4 =	vadd.f32 $-2.794155120e+00, v4;
	v5 =	vsub.f32 v39, v0;
	[tilespmem:s11+$0x12970] =	vst v2  }
0x464: {  	v6 =	vcvt.s32.f32 v6;
	[tilespmem:s13+$0x129B0] =	vst v1;
	v1 =	vsub.f32 v40, v0;
	v0 =	vsub.f32 v42, v0;
	_ =	sdelay $0x1  }
0x465: {  	v4 =	vadd.f32 v6, v4;
	[tilespmem:s13+$0x129E0] =	vst v0;
	v0 =	vld [tilespmem:$0x1FF10];
	_ =	sdelay $0x1  }
0x466: {  	v2 =	vmul.f32 $6.931471820e-01, v4;
	_ =	sdelay $0x1  }
0x467: {  	[tilespmem:s13+$0x129D0] =	vst v1;
	v1 =	vsub.f32 v47, v2  }
0x468: {  	v0 =	vsub.f32 v0, v2  }
0x469: {  	[tilespmem:s13+$0x12900] =	vst v1;
	v1 =	vld [tilespmem:$0x1FF20]  }
0x46a: {  	[tilespmem:s13+$0x12910] =	vst v0;
	v0 =	vld [tilespmem:$0x1FF30];
	_ =	sdelay $0x3  }
0x46b: {  	v1 =	vsub.f32 v1, v2  }
0x46c: {  	[tilespmem:s13+$0x129C0] =	vst v5;
	v0 =	vsub.f32 v0, v2  }
0x46d: {  	[tilespmem:s13+$0x12920] =	vst v1;
	v1 =	vsub.f32 v52, v2  }
0x46e: {  	[tilespmem:s13+$0x12930] =	vst v0;
	v0 =	vsub.f32 v53, v2  }
0x46f: {  	[tilespmem:s13+$0x12940] =	vst v1;
	v1 =	vsub.f32 v24, v2  }
0x470: {  	s24 =	sadd.s32 s9, s23;
	[tilespmem:s13+$0x12950] =	vst v0;
	v0 =	vsub.f32 v54, v2  }
0x471: {  	s11 =	sshrl.u32 s24, $0x3;
	[tilespmem:s13+$0x12960] =	vst v1  }
0x472: {  	s11 =	sadd.s32 s4, s11;
	[tilespmem:s13+$0x12970] =	vst v0  }
0x473: {  	[hbm4b:s11+s5] =	stream.linear.scatter [tilespmem:s0], [sflag:$0x9], $0x2000, $0x38;
	[tilespmem:$0x16900] =	vst v63  }
0x474: {  	_ =	swait.ge [sflag:s1], $0x2000  }
0x475: {  	[sflag:s1] =	ssyncset.done $0x0  }
0x476: {  	s11 =	simm.s32 @!p0 $0xA;
	[sflag:s1] =	ssyncadd.s32 $0xFFFFE000  }
0x477: {  	_ =	swait.ge @!p0 [sflag:s11], $0x2000  }
0x478: {  	[sflag:s11] =	ssyncset.done @!p0 $0x0  }
0x479: {  	s17 =	simm.s32 $0x0;
	[sflag:s11] =	ssyncadd.s32 @!p0 $0xFFFFE000  }
0x47a: {  	v16 =	vld [tilespmem:s17+$0xA980]  }
0x47b: {  	v13 =	vld [tilespmem:s17+$0xA990]  }
0x47c: {  	v20 =	vld [tilespmem:s17+$0xA9A0]  }
0x47d: {  	v41 =	vld [tilespmem:s17+$0xA9B0]  }
0x47e: {  	v43 =	vld [tilespmem:s17+$0xA9C0]  }
0x47f: {  	v39 =	vld [tilespmem:s17+$0xA9D0];
	v0 =	vmul.f32 $1.442695020e+00, v16  }
0x480: {  	v38 =	vld [tilespmem:s17+$0xA9E0];
	v1 =	vmul.f32 $1.442695020e+00, v13  }
0x481: {  	v17 =	vld [tilespmem:s17+$0xA9F0];
	v2 =	vmul.f32 $1.442695020e+00, v20;
	(erf) = vpow2.f32 v0  }
0x482: {  	v0 =	vmul.f32 $1.442695020e+00, v41;
	(erf) = vpow2.f32 v1  }
0x483: {  	v1 =	vmul.f32 $1.442695020e+00, v43;
	(erf) = vpow2.f32 v2  }
0x484: {  	v2 =	vmul.f32 $1.442695020e+00, v39;
	(erf) = vpow2.f32 v0  }
0x485: {  	v0 =	vmul.f32 $1.442695020e+00, v38;
	(erf) = vpow2.f32 v1  }
0x486: {  	v1 =	vmul.f32 $1.442695020e+00, v17;
	(erf) = vpow2.f32 v2  }
0x487: {  	(erf) = vpow2.f32 v0  }
0x488: {  	(erf) = vpow2.f32 v1;
	_ =	sdelay $0x1  }
0x489: {  	v0 =	vpop (erf)  }
0x48a: {  	v1 =	vpop (erf)  }
0x48b: {  	v2 =	vpop (erf)  }
0x48c: {  	v4 =	vpop (erf)  }
0x48d: {  	v5 =	vpop (erf)  }
0x48e: {  	v6 =	vpop (erf)  }
0x48f: {  	v7 =	vpop (erf)  }
0x490: {  	v0 =	vadd.f32 v1, v0;
	v1 =	vadd.f32 v4, v2;
	v2 =	vpop (erf)  }
0x491: {  	v4 =	vadd.f32 v6, v5;
	v2 =	vadd.f32 v2, v7;
	_ =	sdelay $0x1  }
0x492: {  	v0 =	vadd.f32 v1, v0;
	v1 =	vadd.f32 v2, v4;
	_ =	sdelay $0x1  }
0x493: {  	v0 =	vadd.f32 v1, v0;
	_ =	sdelay $0x1  }
0x494: {  	v60 =	vld [tilespmem:s17+$0xA900];
	v1 =	vperm.xlane v0, v46  }
0x495: {  	v42 =	vld [tilespmem:s17+$0xA910]  }
0x496: {  	v24 =	vld [tilespmem:s17+$0xA920];
	v0 =	vadd.f32 v0, v1  }
0x497: {  	v23 =	vld [tilespmem:s17+$0xA930]  }
0x498: {  	v22 =	vld [tilespmem:s17+$0xA960];
	v1 =	vperm.xlane v0, v3  }
0x499: {  	v6 =	vld [tilespmem:s17+$0xA940];
	v2 =	vmul.f32 $1.442695020e+00, v60  }
0x49a: {  	v5 =	vmul.f32 $1.442695020e+00, v42;
	v4 =	vld [tilespmem:s17+$0xA950];
	v0 =	vadd.f32 v0, v1  }
0x49b: {  	s24 =	simm.s32 $0x100;
	v21 =	vld [tilespmem:s17+$0xA970];
	v7 =	vmul.f32 $1.442695020e+00, v24;
	(erf) = vpow2.f32 v2  }
0x49c: {  	v44 =	vld [tilespmem:s24+$0xA980];
	(erf) = vpow2.f32 v5;
	v2 =	vperm.xlane v0, v61  }
0x49d: {  	v31 =	vld [tilespmem:s24+$0xA9D0];
	v8 =	vmul.f32 $1.442695020e+00, v23;
	(erf) = vpow2.f32 v7  }
0x49e: {  	v40 =	vld [tilespmem:s24+$0xA990];
	v7 =	vmul.f32 $1.442695020e+00, v22;
	v1 =	vmul.f32 $1.442695020e+00, v6;
	v0 =	vadd.f32 v0, v2  }
0x49f: {  	v33 =	vld [tilespmem:s24+$0xA9B0];
	v5 =	vmul.f32 $1.442695020e+00, v4;
	(erf) = vpow2.f32 v8  }
0x4a0: {  	v47 =	vld [tilespmem:s24+$0xA9A0];
	(erf) = vpow2.f32 v1;
	v1 =	vperm.xlane v0, v62  }
0x4a1: {  	(erf) = vpow2.f32 v5;
	v2 =	vmul.f32 $1.442695020e+00, v21  }
0x4a2: {  	v32 =	vld [tilespmem:s24+$0xA9C0];
	v12 =	vmul.f32 $1.442695020e+00, v31;
	(erf) = vpow2.f32 v7;
	v0 =	vadd.f32 v0, v1  }
0x4a3: {  	v14 =	vld [tilespmem:s24+$0xA9E0];
	(erf) = vpow2.f32 v2;
	v1 =	vmul.f32 $1.442695020e+00, v44  }
0x4a4: {  	v45 =	vld [tilespmem:s24+$0xA9F0];
	v8 =	vmul.f32 $1.442695020e+00, v33;
	v2 =	vmul.f32 $1.442695020e+00, v40;
	v9 =	vand.u32 $0x7FFFFF, v0  }
0x4a5: {  	v5 =	vpop (erf);
	v7 =	vmul.f32 $1.442695020e+00, v47;
	(erf) = vpow2.f32 v1;
	v15 =	vor.u32 $0x3F800000, v9  }
0x4a6: {  	v10 =	vpop (erf);
	(erf) = vpow2.f32 v2;
	v2 =	vmul.f32 $4.392872010e-02, v15  }
0x4a7: {  	v1 =	vmul.f32 $1.442695020e+00, v32;
	v9 =	vpop (erf);
	(erf) = vpow2.f32 v7  }
0x4a8: {  	v11 =	vpop (erf);
	(erf) = vpow2.f32 v8;
	v8 =	vmul.f32 $1.442695020e+00, v14;
	v2 =	vadd.f32 $-4.094764590e-01, v2  }
0x4a9: {  	v7 =	vpop (erf);
	(erf) = vpow2.f32 v1;
	v1 =	vmul.f32 $1.442695020e+00, v45  }
0x4aa: {  	v18 =	vpop (erf);
	(erf) = vpow2.f32 v12;
	v2 =	vmul.f32 v15, v2  }
0x4ab: {  	v5 =	vadd.f32 v10, v5;
	v10 =	vpop (erf);
	(erf) = vpow2.f32 v8  }
0x4ac: {  	v9 =	vadd.f32 v11, v9;
	v11 =	vpop (erf);
	(erf) = vpow2.f32 v1;
	v1 =	vadd.f32 $1.610180620e+00, v2;
	_ =	sdelay $0x1  }
0x4ad: {  	v1 =	vmul.f32 v15, v1  }
0x4ae: {  	v8 =	vadd.f32 v11, v10;
	v10 =	vpop (erf)  }
0x4af: {  	v12 =	vld [tilespmem:s24+$0xA900];
	v7 =	vadd.f32 v18, v7;
	v18 =	vpop (erf);
	v1 =	vadd.f32 $-3.520224090e+00, v1  }
0x4b0: {  	v19 =	vpop (erf)  }
0x4b1: {  	v25 =	vpop (erf);
	v1 =	vmul.f32 v15, v1  }
0x4b2: {  	v2 =	vadd.f32 v9, v5;
	v5 =	vld [tilespmem:s24+$0xA910];
	v8 =	vadd.f32 v8, v7;
	v27 =	vpop (erf)  }
0x4b3: {  	v0 =	vshrl.u32 v0, $0x17;
	v9 =	vld [tilespmem:s24+$0xA940];
	v30 =	vpop (erf);
	v1 =	vadd.f32 $5.069760800e+00, v1  }
0x4b4: {  	v0 =	vadd.s32 $0xFFFFFF81, v0;
	v7 =	vld [tilespmem:s24+$0xA920];
	v28 =	vmul.f32 $1.442695020e+00, v12;
	v2 =	vadd.f32 v8, v2;
	v54 =	vpop (erf)  }
0x4b5: {  	v8 =	vld [tilespmem:s24+$0xA930];
	v19 =	vadd.f32 v25, v19;
	v25 =	vadd.f32 v30, v27;
	v27 =	vpop (erf);
	v1 =	vmul.f32 v15, v1  }
0x4b6: {  	v0 =	vcvt.s32.f32 v0;
	v18 =	vadd.f32 v18, v10;
	v27 =	vadd.f32 v27, v54  }
0x4b7: {  	v29 =	vmul.f32 $1.442695020e+00, v5;
	(erf) = vpow2.f32 v28;
	v1 =	vadd.f32 $-2.794155120e+00, v1  }
0x4b8: {  	v11 =	vld [tilespmem:s24+$0xA950];
	v26 =	vperm.xlane v2, v46;
	v18 =	vadd.f32 v19, v18;
	v19 =	vadd.f32 v27, v25  }
0x4b9: {  	v10 =	vld [tilespmem:s24+$0xA960];
	(erf) = vpow2.f32 v29;
	v53 =	vmul.f32 $1.442695020e+00, v7;
	v0 =	vadd.f32 v0, v1  }
0x4ba: {  	v30 =	vmul.f32 $1.442695020e+00, v9;
	v55 =	vmul.f32 $1.442695020e+00, v8;
	v15 =	vld [tilespmem:s24+$0xA970];
	v18 =	vadd.f32 v19, v18  }
0x4bb: {  	(erf) = vpow2.f32 v53;
	v48 =	vmul.f32 $6.931471820e-01, v0  }
0x4bc: {  	(erf) = vpow2.f32 v55;
	v19 =	vperm.xlane v18, v46;
	v0 =	vadd.f32 v2, v26  }
0x4bd: {  	v25 =	vmul.f32 $1.442695020e+00, v11;
	(erf) = vpow2.f32 v30;
	v17 =	vsub.f32 v17, v48  }
0x4be: {  	v1 =	vmul.f32 $1.442695020e+00, v10;
	v18 =	vadd.f32 v18, v19;
	v19 =	vperm.xlane v0, v3  }
0x4bf: {  	s11 =	simm.s32 $0x200;
	(erf) = vpow2.f32 v25;
	v2 =	vmul.f32 $1.442695020e+00, v15;
	[tilespmem:s17+$0x149F0] =	vst v17  }
0x4c0: {  	(erf) = vpow2.f32 v1;
	v1 =	vperm.xlane v18, v3;
	v0 =	vadd.f32 v0, v19;
	v26 =	vld [tilespmem:s11+$0xA980]  }
0x4c1: {  	v34 =	vld [tilespmem:s11+$0xA990]  }
0x4c2: {  	(erf) = vpow2.f32 v2;
	v27 =	vld [tilespmem:s11+$0xA9A0];
	v1 =	vadd.f32 v18, v1;
	v18 =	vperm.xlane v0, v61  }
0x4c3: {  	v28 =	vsub.f32 v16, v48;
	v2 =	vpop (erf)  }
0x4c4: {  	v55 =	vsub.f32 v20, v48;
	v16 =	vld [tilespmem:s11+$0xA9C0];
	v19 =	vpop (erf);
	v25 =	vperm.xlane v1, v61;
	v0 =	vadd.f32 v0, v18  }
0x4c5: {  	v17 =	vld [tilespmem:s11+$0xA9B0];
	[tilespmem:s17+$0x14980] =	vst v28;
	v28 =	vsub.f32 v13, v48;
	v2 =	vadd.f32 v19, v2;
	v19 =	vpop (erf)  }
0x4c6: {  	v13 =	vld [tilespmem:s11+$0xA900];
	v18 =	vpop (erf);
	v1 =	vadd.f32 v1, v25;
	v29 =	vperm.xlane v0, v62;
	v57 =	vmul.f32 $1.442695020e+00, v26  }
0x4c7: {  	v58 =	vmul.f32 $1.442695020e+00, v34;
	v59 =	vmul.f32 $1.442695020e+00, v27;
	v19 =	vadd.f32 v18, v19  }
0x4c8: {  	v18 =	vld [tilespmem:s11+$0xA9D0];
	[tilespmem:s17+$0x14990] =	vst v28;
	v25 =	vpop (erf);
	v56 =	vperm.xlane v1, v62;
	(erf) = vpow2.f32 v57;
	v0 =	vadd.f32 v0, v29  }
0x4c9: {  	v63 =	vmul.f32 $1.442695020e+00, v16;
	v36 =	vld [tilespmem:s11+$0xA9F0];
	v30 =	vpop (erf);
	v2 =	vadd.f32 v19, v2;
	(erf) = vpow2.f32 v58  }
0x4ca: {  	v19 =	vld [tilespmem:s11+$0xA9E0];
	v25 =	vadd.f32 v30, v25;
	v30 =	vpop (erf);
	v1 =	vadd.f32 v1, v56;
	v58 =	vand.u32 $0x7FFFFF, v0  }
0x4cb: {  	v49 =	vmul.f32 $1.442695020e+00, v13;
	(erf) = vpow2.f32 v59;
	v28 =	vpop (erf);
	v51 =	vor.u32 $0x3F800000, v58  }
0x4cc: {  	v20 =	vld [tilespmem:s11+$0xA910];
	v30 =	vadd.f32 v28, v30;
	v28 =	vmul.f32 $1.442695020e+00, v17;
	v53 =	vand.u32 $0x7FFFFF, v1  }
0x4cd: {  	v54 =	vmul.f32 $1.442695020e+00, v18;
	v52 =	vmul.f32 $4.392872010e-02, v51;
	v50 =	vor.u32 $0x3F800000, v53  }
0x4ce: {  	v57 =	vmul.f32 $1.442695020e+00, v36;
	v56 =	vmul.f32 $4.392872010e-02, v50  }
0x4cf: {  	(erf) = vpow2.f32 v28;
	v28 =	vld [tilespmem:s11+$0xA920];
	v29 =	vmul.f32 $1.442695020e+00, v19;
	[tilespmem:s17+$0x149A0] =	vst v55  }
0x4d0: {  	v25 =	vadd.f32 v30, v25;
	(erf) = vpow2.f32 v63;
	v30 =	vld [tilespmem:s11+$0xA930];
	v59 =	vadd.f32 $-4.094764590e-01, v56  }
0x4d1: {  	v52 =	vadd.f32 $-4.094764590e-01, v52;
	(erf) = vpow2.f32 v54;
	v54 =	vmul.f32 $1.442695020e+00, v20  }
0x4d2: {  	v37 =	vld [tilespmem:s11+$0xA940];
	v2 =	vadd.f32 v25, v2;
	(erf) = vpow2.f32 v29;
	v25 =	vmul.f32 v50, v59  }
0x4d3: {  	v52 =	vmul.f32 v51, v52;
	(erf) = vpow2.f32 v57  }
0x4d4: {  	v35 =	vld [tilespmem:s11+$0xA950];
	v29 =	vperm.xlane v2, v46;
	v55 =	vmul.f32 $1.442695020e+00, v28;
	v56 =	vadd.f32 $1.610180620e+00, v25  }
0x4d5: {  	v53 =	vpop (erf);
	(erf) = vpow2.f32 v49;
	v25 =	vld [tilespmem:s11+$0xA960];
	v63 =	vmul.f32 $1.442695020e+00, v30  }
0x4d6: {  	v57 =	vpop (erf);
	(erf) = vpow2.f32 v54;
	v56 =	vmul.f32 v50, v56  }
0x4d7: {  	v49 =	vpop (erf);
	v59 =	vmul.f32 $1.442695020e+00, v37;
	(erf) = vpow2.f32 v55  }
0x4d8: {  	v2 =	vadd.f32 v2, v29;
	v29 =	vld [tilespmem:s11+$0xA970];
	v54 =	vpop (erf);
	(erf) = vpow2.f32 v63;
	v56 =	vadd.f32 $-3.520224090e+00, v56  }
0x4d9: {  	v53 =	vadd.f32 v57, v53;
	v57 =	vmul.f32 $1.442695020e+00, v35;
	v55 =	vpop (erf);
	(erf) = vpow2.f32 v59  }
0x4da: {  	v49 =	vadd.f32 v54, v49;
	v63 =	vpop (erf);
	v54 =	vmul.f32 $1.442695020e+00, v25;
	v56 =	vmul.f32 v50, v56  }
0x4db: {  	v1 =	vshrl.u32 v1, $0x17;
	v52 =	vadd.f32 $1.610180620e+00, v52;
	(erf) = vpow2.f32 v57;
	v59 =	vpop (erf)  }
0x4dc: {  	v55 =	vadd.f32 v63, v55;
	v63 =	vpop (erf);
	(erf) = vpow2.f32 v54;
	v56 =	vadd.f32 $5.069760800e+00, v56  }
0x4dd: {  	v54 =	vmul.f32 $1.442695020e+00, v29;
	v57 =	vadd.f32 v63, v59;
	v63 =	vperm.xlane v2, v3  }
0x4de: {  	v1 =	vadd.s32 $0xFFFFFF81, v1;
	v49 =	vadd.f32 v49, v53;
	v50 =	vmul.f32 v50, v56  }
0x4df: {  	(erf) = vpow2.f32 v54;
	v2 =	vadd.f32 v2, v63;
	v58 =	vadd.f32 v57, v55  }
0x4e0: {  	v1 =	vcvt.s32.f32 v1;
	v50 =	vadd.f32 $-2.794155120e+00, v50  }
0x4e1: {  	v59 =	vmul.f32 v51, v52;
	v52 =	vpop (erf);
	v63 =	vperm.xlane v2, v61;
	v49 =	vadd.f32 v58, v49  }
0x4e2: {  	v41 =	vsub.f32 v41, v48;
	v53 =	vpop (erf);
	v1 =	vadd.f32 v1, v50  }
0x4e3: {  	v56 =	vpop (erf);
	v50 =	vadd.f32 $-3.520224090e+00, v59;
	v2 =	vadd.f32 v2, v63;
	v63 =	vperm.xlane v49, v46  }
0x4e4: {  	v39 =	vsub.f32 v39, v48;
	v38 =	vsub.f32 v38, v48;
	v0 =	vshrl.u32 v0, $0x17;
	v57 =	vpop (erf)  }
0x4e5: {  	v54 =	vsub.f32 v43, v48;
	v58 =	vpop (erf);
	v43 =	vmul.f32 $6.931471820e-01, v1;
	v1 =	vmul.f32 v51, v50  }
0x4e6: {  	v0 =	vadd.s32 $0xFFFFFF81, v0;
	[tilespmem:s17+$0x149D0] =	vst v39;
	v57 =	vadd.f32 v57, v56;
	v59 =	vpop (erf);
	v39 =	vadd.f32 v49, v63  }
0x4e7: {  	v49 =	vadd.f32 v53, v52;
	v50 =	vperm.xlane v2, v62;
	v1 =	vadd.f32 $5.069760800e+00, v1;
	v63 =	vpop (erf)  }
0x4e8: {  	[tilespmem:s17+$0x149B0] =	vst v41;
	v48 =	vadd.f32 v59, v58;
	v45 =	vsub.f32 v45, v43;
	v58 =	vperm.xlane v39, v3;
	v59 =	vpop (erf)  }
0x4e9: {  	[tilespmem:s17+$0x149E0] =	vst v38;
	v2 =	vadd.f32 v2, v50;
	v1 =	vmul.f32 v51, v1;
	v38 =	vadd.f32 v59, v63  }
0x4ea: {  	v0 =	vcvt.s32.f32 v0;
	[tilespmem:s17+$0x149C0] =	vst v54;
	v63 =	vadd.f32 v57, v49;
	v57 =	vadd.f32 v39, v58  }
0x4eb: {  	s13 =	simm.s32 $0x300;
	v44 =	vsub.f32 v44, v43;
	[tilespmem:s24+$0x149F0] =	vst v45;
	v58 =	vand.u32 $0x7FFFFF, v2;
	v1 =	vadd.f32 $-2.794155120e+00, v1  }
0x4ec: {  	v41 =	vld [tilespmem:s13+$0xA980];
	v45 =	vor.u32 $0x3F800000, v58;
	v59 =	vadd.f32 v38, v48;
	v53 =	vperm.xlane v57, v61  }
0x4ed: {  	v2 =	vshrl.u32 v2, $0x17;
	v49 =	vld [tilespmem:s13+$0xA990];
	v61 =	vmul.f32 $4.392872010e-02, v45;
	v0 =	vadd.f32 v0, v1  }
0x4ee: {  	v48 =	vld [tilespmem:s13+$0xA9A0];
	v1 =	vadd.s32 $0xFFFFFF81, v2;
	v2 =	vadd.f32 v59, v63;
	v50 =	vadd.f32 v57, v53  }
0x4ef: {  	v39 =	vld [tilespmem:s13+$0xA9C0];
	v63 =	vadd.f32 $-4.094764590e-01, v61;
	v59 =	vsub.f32 v47, v43;
	v56 =	vmul.f32 $6.931471820e-01, v0  }
0x4f0: {  	v38 =	vld [tilespmem:s13+$0xA9B0];
	[tilespmem:s24+$0x14980] =	vst v44;
	v44 =	vcvt.s32.f32 v1;
	v0 =	vsub.f32 v40, v43;
	v1 =	vperm.xlane v2, v46  }
0x4f1: {  	v47 =	vld [tilespmem:s13+$0xA900];
	v53 =	vperm.xlane v50, v62;
	v58 =	vmul.f32 v45, v63;
	v57 =	vsub.f32 v60, v56  }
0x4f2: {  	v40 =	vld [tilespmem:s13+$0xA9D0];
	v61 =	vmul.f32 $1.442695020e+00, v49;
	[tilespmem:s24+$0x14990] =	vst v0;
	v60 =	vmul.f32 $1.442695020e+00, v41;
	v55 =	vadd.f32 v2, v1  }
0x4f3: {  	s14 =	simm.s32 $0x1000;
	v52 =	vsub.f32 v42, v56;
	v51 =	vadd.f32 v50, v53;
	v53 =	vmul.f32 $1.442695020e+00, v48;
	v42 =	vld [tilespmem:s13+$0xA9E0];
	[tilespmem:s17+$0x14900] =	vst v57  }
.LBB2_13:
0x4f4: {  	v1 =	vadd.f32 $1.610180620e+00, v58;
	v33 =	vsub.f32 v33, v43  }
0x4f5: {  	v54 =	vld [tilespmem:s13+$0xA9F0];
	v32 =	vsub.f32 v32, v43;
	(erf) = vpow2.f32 v60;
	v0 =	vmul.f32 $1.442695020e+00, v38  }
0x4f6: {  	v57 =	vand.u32 $0x7FFFFF, v51;
	v2 =	vmul.f32 $1.442695020e+00, v39;
	(erf) = vpow2.f32 v61  }
0x4f7: {  	v46 =	vld [tilespmem:s13+$0xA910];
	[tilespmem:s17+$0x14910] =	vst v52;
	v57 =	vor.u32 $0x3F800000, v57;
	v1 =	vmul.f32 v45, v1;
	(erf) = vpow2.f32 v53  }
0x4f8: {  	v50 =	vmovc v49;
	v52 =	vmovc v27;
	v49 =	vld [tilespmem:s13+$0xA920];
	[tilespmem:s24+$0x149A0] =	vst v59;
	v61 =	vsub.f32 v24, v56;
	v58 =	vmul.f32 $1.442695020e+00, v40;
	(erf) = vpow2.f32 v0  }
0x4f9: {  	v27 =	vmovc v48;
	v53 =	vmovc v12;
	v0 =	vmul.f32 $4.392872010e-02, v57;
	v62 =	vmul.f32 $1.442695020e+00, v42;
	v1 =	vadd.f32 $-3.520224090e+00, v1  }
0x4fa: {  	v48 =	vld [tilespmem:s13+$0xA930];
	v12 =	vmovc v13;
	v13 =	vmovc v47;
	(erf) = vpow2.f32 v2;
	v2 =	vsub.f32 v23, v56;
	v63 =	vmul.f32 $1.442695020e+00, v54  }
0x4fb: {  	v24 =	vmovc v7;
	v59 =	vld [tilespmem:s13+$0xA940];
	(erf) = vpow2.f32 v58;
	v0 =	vadd.f32 $-4.094764590e-01, v0;
	v58 =	vmul.f32 $1.442695020e+00, v13  }
0x4fc: {  	v7 =	vmovc v28;
	v60 =	vld [tilespmem:s13+$0xA950];
	[tilespmem:s17+$0x14920] =	vst v61;
	v23 =	vmovc v8;
	v8 =	vmov v30;
	v1 =	vmul.f32 v45, v1;
	(erf) = vpow2.f32 v62  }
0x4fd: {  	v47 =	vld [tilespmem:s13+$0xA960];
	[tilespmem:s17+$0x14930] =	vst v2;
	v2 =	vsub.f32 v6, v56;
	v6 =	vmovc v9;
	v9 =	vmov v37;
	v0 =	vmul.f32 v57, v0  }
0x4fe: {  	v37 =	vsub.f32 v4, v56;
	v28 =	vmovc v49;
	v4 =	vmovc v11;
	v49 =	vmul.f32 $1.442695020e+00, v46;
	(erf) = vpow2.f32 v63  }
0x4ff: {  	v11 =	vmovc v35;
	v61 =	vld [tilespmem:s13+$0xA970];
	v62 =	vmul.f32 $1.442695020e+00, v28;
	v30 =	vmovc v48;
	[tilespmem:s17+$0x14940] =	vst v2;
	v2 =	vsub.f32 v22, v56;
	v0 =	vadd.f32 $1.610180620e+00, v0  }
0x500: {  	v35 =	vmul.f32 $1.442695020e+00, v59;
	v1 =	vadd.f32 $5.069760800e+00, v1;
	v22 =	vmul.f32 $1.442695020e+00, v30;
	v48 =	vpop (erf)  }
0x501: {  	(erf) = vpow2.f32 v58;
	v58 =	vpop (erf);
	[tilespmem:s17+$0x14960] =	vst v2;
	v2 =	vsub.f32 v21, v56;
	v0 =	vmul.f32 v57, v0  }
0x502: {  	v31 =	vsub.f32 v31, v43;
	[tilespmem:s17+$0x14950] =	vst v37;
	v37 =	vmul.f32 $1.442695020e+00, v60;
	v56 =	vpop (erf);
	(erf) = vpow2.f32 v49  }
0x503: {  	v1 =	vmul.f32 v45, v1;
	v21 =	vmul.f32 $1.442695020e+00, v47;
	v49 =	vpop (erf);
	[tilespmem:s17+$0x14970] =	vst v2;
	s17 =	smov.u32 s24;
	v0 =	vadd.f32 $-3.520224090e+00, v0  }
0x504: {  	(erf) = vpow2.f32 v62;
	[tilespmem:s17+$0x149C0] =	vst v32;
	v32 =	vadd.f32 v58, v48;
	v56 =	vadd.f32 v49, v56  }
0x505: {  	v1 =	vadd.f32 $-2.794155120e+00, v1;
	v62 =	vperm.xlane v55, v3;
	v2 =	vpop (erf);
	(erf) = vpow2.f32 v22  }
0x506: {  	v22 =	vpop (erf);
	(erf) = vpow2.f32 v35;
	v0 =	vmul.f32 v57, v0;
	v32 =	vadd.f32 v56, v32;
	v56 =	vld [tilespmem:$0x1FFE0]  }
0x507: {  	v63 =	vmul.f32 $1.442695020e+00, v61;
	[tilespmem:s17+$0x149B0] =	vst v33;
	v33 =	vadd.f32 v55, v62;
	v58 =	vpop (erf);
	(erf) = vpow2.f32 v37  }
0x508: {  	v2 =	vadd.f32 v22, v2;
	v22 =	vpop (erf);
	(erf) = vpow2.f32 v21;
	v0 =	vadd.f32 $5.069760800e+00, v0  }
0x509: {  	v55 =	vld [tilespmem:$0x1FFD0];
	v35 =	vmovc v60;
	v58 =	vadd.f32 v22, v58;
	(erf) = vpow2.f32 v63;
	v63 =	vshrl.u32 v51, $0x17  }
0x50a: {  	[tilespmem:s17+$0x149D0] =	vst v31;
	v21 =	vmov v15;
	v31 =	vpop (erf);
	v0 =	vmul.f32 v57, v0;
	v62 =	vadd.s32 $0xFFFFFF81, v63;
	v57 =	vld [tilespmem:$0x1FFF0]  }
0x50b: {  	v2 =	vadd.f32 v58, v2;
	v60 =	vperm.xlane v33, v56;
	v15 =	vpop (erf);
	v63 =	vcvt.s32.f32 v62  }
0x50c: {  	v0 =	vadd.f32 $-2.794155120e+00, v0;
	v31 =	vadd.f32 v15, v31  }
0x50d: {  	v15 =	vpop (erf);
	v2 =	vadd.f32 v2, v32;
	v33 =	vadd.f32 v33, v60  }
0x50e: {  	v22 =	vmov v10;
	v10 =	vmov v25;
	v62 =	vpop (erf);
	v0 =	vadd.f32 v63, v0  }
0x50f: {  	v25 =	vmov v47;
	v47 =	vperm.xlane v2, v55;
	v63 =	vpop (erf);
	v60 =	vperm.xlane v33, v57  }
0x510: {  	v58 =	vsub.f32 v14, v43;
	v32 =	vadd.f32 v62, v15;
	v62 =	vpop (erf);
	v43 =	vmul.f32 $6.931471820e-01, v0  }
0x511: {  	v2 =	vadd.f32 v2, v47;
	v14 =	vpop (erf);
	v49 =	vadd.f32 v33, v60  }
0x512: {  	v15 =	vmov v29;
	v0 =	vadd.f32 v62, v63;
	v29 =	vpop (erf);
	v60 =	vsub.f32 v36, v43  }
0x513: {  	s24 =	smov.u32 s11;
	v37 =	vmovc v59;
	[tilespmem:s17+$0x149E0] =	vst v58;
	v63 =	vperm.xlane v2, v3;
	v62 =	vadd.f32 v29, v14;
	v59 =	vand.u32 $0x7FFFFF, v49  }
0x514: {  	s11 =	smov.u32 s13;
	s13 =	sshra.s32 s14, $0x2;
	v1 =	vadd.f32 v44, v1;
	v47 =	vadd.f32 v32, v31;
	[tilespmem:s24+$0x149F0] =	vst v60;
	v45 =	vor.u32 $0x3F800000, v59  }
0x515: {  	v2 =	vadd.f32 v2, v63;
	v63 =	vshrl.u32 v49, $0x17;
	v51 =	vld [tilespmem:s13+$0xA980];
	v0 =	vadd.f32 v62, v0  }
0x516: {  	v33 =	vmovc v17;
	v49 =	vld [tilespmem:s13+$0xA990];
	v62 =	vmul.f32 $4.392872010e-02, v45;
	v60 =	vadd.s32 $0xFFFFFF81, v63;
	v63 =	vsub.f32 v26, v43  }
0x517: {  	v17 =	vmovc v38;
	v29 =	vmovc v61;
	v48 =	vld [tilespmem:s13+$0xA9A0];
	v61 =	vperm.xlane v2, v56;
	v0 =	vadd.f32 v0, v47;
	v56 =	vmul.f32 $6.931471820e-01, v1  }
0x518: {  	p0 =	sne.s32 s14, $0x7C00;
	v31 =	vmovc v18;
	v18 =	vmovc v40;
	v36 =	vmov v54;
	v47 =	vadd.f32 $-4.094764590e-01, v62;
	v62 =	vsub.f32 v34, v43  }
.Ltmp5:
0x519: {  	v32 =	vmovc v16;
	v16 =	vmovc v39;
	v14 =	vmov v19;
	v38 =	vld [tilespmem:s13+$0xA9B0];
	v2 =	vadd.f32 v2, v61;
	v34 =	vsub.f32 v53, v56;
	(pc) =	sbr.rel @p0 .LBB2_13-.Ltmp5, $4  }
0x51a: {  	v19 =	vmovc v42;
	v59 =	vsub.f32 v52, v43;
	v39 =	vld [tilespmem:s13+$0xA9C0];
	v44 =	vcvt.s32.f32 v60;
	[tilespmem:s24+$0x14980] =	vst v63;
	v1 =	vperm.xlane v0, v55  }
0x51b: {  	v26 =	vmovc v41;
	v40 =	vld [tilespmem:s13+$0xA9D0];
	v58 =	vmul.f32 v45, v47;
	v52 =	vsub.f32 v5, v56;
	v54 =	vperm.xlane v2, v57  }
0x51c: {  	v47 =	vld [tilespmem:s13+$0xA900];
	[tilespmem:s24+$0x14990] =	vst v62;
	v5 =	vmovc v20;
	v20 =	vmovc v46;
	v41 =	vmov v51;
	v61 =	vmul.f32 $1.442695020e+00, v49;
	v53 =	vmul.f32 $1.442695020e+00, v48  }
0x51d: {  	s14 =	sadd.s32 $0x400, s14;
	v42 =	vld [tilespmem:s13+$0xA9E0];
	v60 =	vmul.f32 $1.442695020e+00, v41;
	v55 =	vadd.f32 v0, v1;
	[tilespmem:s17+$0x14900] =	vst v34;
	v51 =	vadd.f32 v2, v54;
	v34 =	vmovc v50  }
0x51e: {  	_ = 	snop  }
0x51f: {  	v57 =	vld [tilespmem:s13+$0xA9F0];
	(erf) = vpow2.f32 v60  }
0x520: {  	v0 =	vmul.f32 $1.442695020e+00, v38;
	(erf) = vpow2.f32 v61  }
0x521: {  	v54 =	vld [tilespmem:s13+$0xA910];
	[tilespmem:s17+$0x14910] =	vst v52;
	v1 =	vmul.f32 $1.442695020e+00, v39;
	(erf) = vpow2.f32 v53  }
0x522: {  	v60 =	vld [tilespmem:s13+$0xA920];
	v2 =	vmul.f32 $1.442695020e+00, v40;
	(erf) = vpow2.f32 v0  }
0x523: {  	v0 =	vmul.f32 $1.442695020e+00, v42;
	(erf) = vpow2.f32 v1  }
0x524: {  	v1 =	vmul.f32 $1.442695020e+00, v57;
	(erf) = vpow2.f32 v2  }
0x525: {  	[tilespmem:s24+$0x149A0] =	vst v59;
	(erf) = vpow2.f32 v0  }
0x526: {  	v52 =	vld [tilespmem:s13+$0xA930];
	v2 =	vsub.f32 v24, v56;
	(erf) = vpow2.f32 v1  }
0x527: {  	v50 =	vld [tilespmem:s13+$0xA940];
	[tilespmem:$0x1FF00] =	vst v60;
	v0 =	vsub.f32 v23, v56;
	v1 =	vmul.f32 $1.442695020e+00, v47  }
0x528: {  	v53 =	vld [tilespmem:s13+$0xA950];
	v60 =	vmul.f32 $1.442695020e+00, v60;
	[tilespmem:s17+$0x14920] =	vst v2;
	v23 =	vpop (erf)  }
0x529: {  	v46 =	vld [tilespmem:s13+$0xA960];
	[tilespmem:s17+$0x14930] =	vst v0;
	v0 =	vmul.f32 $1.442695020e+00, v54;
	v59 =	vpop (erf)  }
0x52a: {  	[tilespmem:$0x1FEF0] =	vst v54;
	v54 =	vld [tilespmem:s13+$0xA970];
	(erf) = vpow2.f32 v1;
	v2 =	vpop (erf)  }
0x52b: {  	v24 =	vmul.f32 $1.442695020e+00, v52;
	(erf) = vpow2.f32 v0;
	v1 =	vpop (erf)  }
0x52c: {  	v62 =	vmul.f32 $1.442695020e+00, v50;
	(erf) = vpow2.f32 v60;
	v60 =	vpop (erf)  }
0x52d: {  	v63 =	vmul.f32 $1.442695020e+00, v53;
	(erf) = vpow2.f32 v24;
	v61 =	vpop (erf)  }
0x52e: {  	v23 =	vadd.f32 v59, v23;
	v0 =	vmul.f32 $1.442695020e+00, v46;
	(erf) = vpow2.f32 v62;
	v59 =	vpop (erf)  }
0x52f: {  	v1 =	vadd.f32 v1, v2;
	v24 =	vmul.f32 $1.442695020e+00, v54;
	(erf) = vpow2.f32 v63;
	v2 =	vpop (erf)  }
0x530: {  	v60 =	vadd.f32 v61, v60;
	(erf) = vpow2.f32 v0;
	v2 =	vadd.f32 v2, v59  }
0x531: {  	(erf) = vpow2.f32 v24;
	v24 =	vld [tilespmem:$0x1FFD0]  }
0x532: {  	v0 =	vadd.f32 v1, v23;
	v1 =	vadd.f32 v2, v60;
	_ =	sdelay $0x1  }
0x533: {  	v0 =	vadd.f32 v1, v0  }
0x534: {  	v23 =	vpop (erf)  }
0x535: {  	v1 =	vpop (erf);
	v61 =	vperm.xlane v0, v24  }
0x536: {  	v60 =	vpop (erf)  }
0x537: {  	v62 =	vpop (erf)  }
0x538: {  	v2 =	vand.u32 $0x7FFFFF, v51;
	v63 =	vpop (erf)  }
0x539: {  	v2 =	vor.u32 $0x3F800000, v2;
	v0 =	vadd.f32 v0, v61;
	v61 =	vpop (erf)  }
0x53a: {  	v59 =	vmul.f32 $4.392872010e-02, v2;
	v1 =	vadd.f32 v1, v23;
	v23 =	vpop (erf)  }
0x53b: {  	v61 =	vadd.f32 v61, v63;
	v63 =	vpop (erf)  }
0x53c: {  	v59 =	vadd.f32 $-4.094764590e-01, v59;
	v23 =	vadd.f32 v63, v23  }
0x53d: {  	v58 =	vadd.f32 $1.610180620e+00, v58;
	v6 =	vsub.f32 v6, v56  }
0x53e: {  	v4 =	vsub.f32 v4, v56;
	v59 =	vmul.f32 v2, v59;
	v23 =	vadd.f32 v23, v61;
	v61 =	vld [tilespmem:$0x1FFE0]  }
0x53f: {  	v22 =	vsub.f32 v22, v56;
	v60 =	vadd.f32 v62, v60;
	v62 =	vperm.xlane v0, v3  }
0x540: {  	v21 =	vsub.f32 v21, v56;
	v56 =	vmul.f32 v45, v58;
	v59 =	vadd.f32 $1.610180620e+00, v59  }
0x541: {  	v1 =	vadd.f32 v60, v1;
	v60 =	vperm.xlane v55, v3;
	v0 =	vadd.f32 v0, v62  }
0x542: {  	v56 =	vadd.f32 $-3.520224090e+00, v56;
	v59 =	vmul.f32 v2, v59;
	v63 =	vld [tilespmem:$0x1FFF0]  }
0x543: {  	v55 =	vadd.f32 v55, v60;
	v60 =	vperm.xlane v0, v61  }
0x544: {  	v56 =	vmul.f32 v45, v56;
	v59 =	vadd.f32 $-3.520224090e+00, v59  }
0x545: {  	v1 =	vadd.f32 v23, v1;
	v23 =	vperm.xlane v55, v61;
	v0 =	vadd.f32 v0, v60  }
0x546: {  	v56 =	vadd.f32 $5.069760800e+00, v56  }
0x547: {  	v59 =	vmul.f32 v2, v59;
	v23 =	vadd.f32 v55, v23;
	v55 =	vperm.xlane v0, v63  }
0x548: {  	[tilespmem:s17+$0x14940] =	vst v6;
	v6 =	vsub.f32 v32, v43;
	v60 =	vperm.xlane v1, v24  }
0x549: {  	v45 =	vmul.f32 v45, v56;
	v62 =	vadd.f32 $5.069760800e+00, v59;
	v0 =	vadd.f32 v0, v55  }
0x54a: {  	v59 =	vshrl.u32 v51, $0x17;
	v1 =	vadd.f32 v1, v60;
	v60 =	vperm.xlane v23, v63  }
0x54b: {  	v51 =	vadd.s32 $0xFFFFFF81, v59;
	v2 =	vmul.f32 v2, v62;
	v62 =	vand.u32 $0x7FFFFF, v0  }
0x54c: {  	v23 =	vadd.f32 v23, v60;
	v60 =	vperm.xlane v1, v3;
	v55 =	vor.u32 $0x3F800000, v62  }
0x54d: {  	v51 =	vcvt.s32.f32 v51;
	v2 =	vadd.f32 $-2.794155120e+00, v2;
	v62 =	vmul.f32 $4.392872010e-02, v55  }
0x54e: {  	v59 =	vadd.f32 $-2.794155120e+00, v45;
	v1 =	vadd.f32 v1, v60;
	v60 =	vand.u32 $0x7FFFFF, v23  }
0x54f: {  	v2 =	vadd.f32 v51, v2;
	v32 =	vor.u32 $0x3F800000, v60;
	v51 =	vadd.f32 $-4.094764590e-01, v62  }
0x550: {  	[tilespmem:s17+$0x14960] =	vst v22;
	v22 =	vadd.f32 v44, v59;
	v58 =	vmul.f32 $4.392872010e-02, v32;
	v62 =	vperm.xlane v1, v61  }
0x551: {  	v33 =	vsub.f32 v33, v43;
	v14 =	vsub.f32 v14, v43;
	[tilespmem:s17+$0x14950] =	vst v4;
	v51 =	vmul.f32 v55, v51  }
0x552: {  	[tilespmem:s17+$0x14970] =	vst v21;
	v22 =	vmul.f32 $6.931471820e-01, v22;
	v1 =	vadd.f32 v1, v62;
	v62 =	vadd.f32 $-4.094764590e-01, v58  }
0x553: {  	v4 =	vsub.f32 v31, v43;
	[tilespmem:s24+$0x149B0] =	vst v33;
	v2 =	vmul.f32 $6.931471820e-01, v2;
	v60 =	vadd.f32 $1.610180620e+00, v51  }
0x554: {  	[tilespmem:s24+$0x149E0] =	vst v14;
	v12 =	vsub.f32 v12, v22;
	v21 =	vmul.f32 v32, v62  }
0x555: {  	[tilespmem:s24+$0x149D0] =	vst v4;
	v8 =	vsub.f32 v8, v22;
	v4 =	vsub.f32 v26, v2;
	v56 =	vmul.f32 v55, v60  }
0x556: {  	[tilespmem:s24+$0x149C0] =	vst v6;
	v58 =	vsub.f32 v36, v2;
	v21 =	vadd.f32 $1.610180620e+00, v21  }
0x557: {  	[tilespmem:s11+$0x14980] =	vst v4;
	v51 =	vperm.xlane v1, v63;
	v60 =	vsub.f32 v34, v2;
	v59 =	vadd.f32 $-3.520224090e+00, v56  }
0x558: {  	v9 =	vsub.f32 v9, v22;
	v4 =	vsub.f32 v5, v22;
	[tilespmem:s11+$0x149F0] =	vst v58;
	v21 =	vmul.f32 v32, v21  }
0x559: {  	v5 =	vsub.f32 v7, v22;
	v1 =	vadd.f32 v1, v51;
	[tilespmem:s11+$0x14990] =	vst v60;
	v26 =	vmul.f32 v55, v59  }
0x55a: {  	v62 =	vsub.f32 v27, v2;
	[tilespmem:s24+$0x14900] =	vst v12;
	v7 =	vadd.f32 $-3.520224090e+00, v21  }
0x55b: {  	v44 =	vsub.f32 v15, v22;
	v31 =	vand.u32 $0x7FFFFF, v1;
	[tilespmem:s24+$0x14910] =	vst v4;
	v26 =	vadd.f32 $5.069760800e+00, v26  }
0x55c: {  	v0 =	vshrl.u32 v0, $0x17;
	v34 =	vor.u32 $0x3F800000, v31;
	[tilespmem:s11+$0x149A0] =	vst v62;
	v33 =	vmul.f32 v32, v7  }
0x55d: {  	v4 =	vsub.f32 v11, v22;
	v36 =	vmul.f32 $4.392872010e-02, v34;
	[tilespmem:s24+$0x14920] =	vst v5;
	v27 =	vmul.f32 v55, v26  }
0x55e: {  	v0 =	vadd.s32 $0xFFFFFF81, v0;
	v5 =	vsub.f32 v10, v22;
	[tilespmem:s24+$0x14930] =	vst v8;
	v6 =	vadd.f32 $5.069760800e+00, v33  }
0x55f: {  	v0 =	vcvt.s32.f32 v0;
	[tilespmem:s24+$0x14940] =	vst v9;
	v10 =	vadd.f32 $-4.094764590e-01, v36;
	v43 =	vadd.f32 $-2.794155120e+00, v27  }
0x560: {  	v45 =	vshrl.u32 v23, $0x17;
	v51 =	vsub.f32 v17, v2;
	[tilespmem:s24+$0x14950] =	vst v4;
	v4 =	vmul.f32 v32, v6  }
0x561: {  	[tilespmem:s24+$0x14960] =	vst v5;
	v5 =	vadd.s32 $0xFFFFFF81, v45;
	v55 =	vmul.f32 v34, v10;
	v0 =	vadd.f32 v0, v43  }
0x562: {  	v56 =	vsub.f32 v16, v2;
	[tilespmem:s24+$0x14970] =	vst v44;
	v5 =	vcvt.s32.f32 v5;
	v4 =	vadd.f32 $-2.794155120e+00, v4  }
0x563: {  	v58 =	vsub.f32 v18, v2;
	[tilespmem:s11+$0x149B0] =	vst v51;
	v8 =	vadd.f32 $1.610180620e+00, v55;
	v0 =	vmul.f32 $6.931471820e-01, v0  }
0x564: {  	v2 =	vsub.f32 v19, v2;
	[tilespmem:s11+$0x149C0] =	vst v56;
	v4 =	vadd.f32 v5, v4  }
0x565: {  	[tilespmem:s11+$0x149D0] =	vst v58;
	v59 =	vmul.f32 v34, v8;
	v5 =	vsub.f32 v57, v0  }
0x566: {  	[tilespmem:s11+$0x149E0] =	vst v2;
	v2 =	vsub.f32 v41, v0;
	v4 =	vmul.f32 $6.931471820e-01, v4  }
0x567: {  	v6 =	vadd.f32 $-3.520224090e+00, v59;
	[tilespmem:s13+$0x149F0] =	vst v5;
	v5 =	vsub.f32 v49, v0  }
0x568: {  	[tilespmem:s13+$0x14980] =	vst v2;
	v2 =	vsub.f32 v13, v4  }
0x569: {  	v6 =	vmul.f32 v34, v6;
	[tilespmem:s13+$0x14990] =	vst v5;
	v5 =	vsub.f32 v20, v4  }
0x56a: {  	[tilespmem:s11+$0x14900] =	vst v2;
	v2 =	vsub.f32 v48, v0  }
0x56b: {  	v6 =	vadd.f32 $5.069760800e+00, v6;
	[tilespmem:s11+$0x14910] =	vst v5;
	v5 =	vsub.f32 v28, v4  }
0x56c: {  	[tilespmem:s13+$0x149A0] =	vst v2  }
0x56d: {  	v1 =	vshrl.u32 v1, $0x17;
	v2 =	vsub.f32 v30, v4;
	[tilespmem:s11+$0x14920] =	vst v5;
	v5 =	vmul.f32 v34, v6  }
0x56e: {  	v1 =	vadd.s32 $0xFFFFFF81, v1;
	v60 =	vsub.f32 v37, v4  }
0x56f: {  	v1 =	vcvt.s32.f32 v1;
	[tilespmem:s11+$0x14930] =	vst v2;
	v2 =	vsub.f32 v35, v4;
	v5 =	vadd.f32 $-2.794155120e+00, v5  }
0x570: {  	v62 =	vsub.f32 v25, v4;
	[tilespmem:s11+$0x14940] =	vst v60  }
0x571: {  	[tilespmem:s11+$0x14950] =	vst v2;
	v2 =	vsub.f32 v29, v4;
	v1 =	vadd.f32 v1, v5  }
0x572: {  	[tilespmem:s11+$0x14960] =	vst v62;
	v4 =	vsub.f32 v38, v0  }
0x573: {  	[tilespmem:s11+$0x14970] =	vst v2;
	v2 =	vsub.f32 v39, v0;
	v1 =	vmul.f32 $6.931471820e-01, v1  }
0x574: {  	[tilespmem:s13+$0x149B0] =	vst v4;
	v4 =	vsub.f32 v40, v0;
	v0 =	vsub.f32 v42, v0  }
0x575: {  	[tilespmem:s13+$0x149C0] =	vst v2;
	v2 =	vsub.f32 v47, v1  }
0x576: {  	[tilespmem:s13+$0x149E0] =	vst v0;
	v0 =	vld [tilespmem:$0x1FEF0]  }
0x577: {  	[tilespmem:s13+$0x14900] =	vst v2;
	v2 =	vld [tilespmem:$0x1FF00];
	_ =	sdelay $0x3  }
0x578: {  	v0 =	vsub.f32 v0, v1  }
0x579: {  	[tilespmem:s13+$0x149D0] =	vst v4;
	v2 =	vsub.f32 v2, v1  }
0x57a: {  	[tilespmem:s13+$0x14910] =	vst v0;
	v0 =	vsub.f32 v52, v1  }
0x57b: {  	[tilespmem:s13+$0x14920] =	vst v2;
	v2 =	vsub.f32 v50, v1  }
0x57c: {  	[tilespmem:s13+$0x14930] =	vst v0;
	v0 =	vsub.f32 v53, v1  }
0x57d: {  	[tilespmem:s13+$0x14940] =	vst v2;
	v2 =	vsub.f32 v46, v1  }
0x57e: {  	p0 =	seq.s32 s22, $0x13;
	s24 =	sadd.s32 s10, s23;
	[tilespmem:s13+$0x14950] =	vst v0;
	v0 =	vsub.f32 v54, v1  }
0x57f: {  	s22 =	sadd.s32 @!p0 $0x1, s22;
	s11 =	sshrl.u32 s24, $0x3;
	[tilespmem:s13+$0x14960] =	vst v2  }
0x580: {  	s11 =	sadd.s32 s4, s11;
	[tilespmem:s13+$0x14970] =	vst v0;
	s13 =	smul.u32 @!p0 $0x500, s22  }
0x581: {  	[hbm4b:s11+s5] =	stream.linear.scatter [tilespmem:s12], [sflag:$0xA], $0x2000, $0x38;
	[tilespmem:$0x16900] =	vst v63  }
0x582: {  	s11 =	sshra.s32 @!p0 s13, $0x2  }
0x583: {  	s14 =	simm.s32 @!p0 $0x40;
	s17 =	simm.s32 @!p0 $0x2900;
	s13 =	sadd.s32 @!p0 $0x1000, s11  }
0x584: {  	[tilespmem:s17], [sflag:$0x1] =	stream.indirect.gather @!p0 [hbm4b:s3+s14], $0x80, s13, s14, $0xb8;
	[tilespmem:$0x16900] =	vst v63  }
0x585: {  	s13 =	sadd.s32 @!p0 $0x1040, s11;
	s17 =	simm.s32 @!p0 $0x4900  }
0x586: {  	[tilespmem:s17], [sflag:$0x2] =	stream.indirect.gather @!p0 [hbm4b:s3+s14], $0x80, s13, s14, $0xb8;
	[tilespmem:$0x16900] =	vst v63  }
0x587: {  	s13 =	sadd.s32 @!p0 $0x1080, s11;
	s17 =	simm.s32 @!p0 $0x6900  }
0x588: {  	[tilespmem:s17], [sflag:$0x3] =	stream.indirect.gather @!p0 [hbm4b:s3+s14], $0x80, s13, s14, $0xb8;
	[tilespmem:$0x16900] =	vst v63  }
0x589: {  	s13 =	sadd.s32 @!p0 $0x10C0, s11;
	s17 =	simm.s32 @!p0 $0x8900  }
0x58a: {  	[tilespmem:s17], [sflag:$0x4] =	stream.indirect.gather @!p0 [hbm4b:s3+s14], $0x80, s13, s14, $0xb8;
	[tilespmem:$0x16900] =	vst v63  }
0x58b: {  	p1 =	sne.s32 @!p0 s22, $0x14;
	s11 =	sadd.s32 @!p0 $0x1100, s11;
	s13 =	simm.s32 @!p0 $0xA900  }
0x58c: {  	[tilespmem:s13], [sflag:$0x5] =	stream.indirect.gather @!p0 [hbm4b:s3+s14], $0x80, s11, s14, $0xb8;
	[tilespmem:$0x16900] =	vst v63  }
0x58d: {  	p0 =	por p0, !p1  }
.Ltmp6:
0x58e: {  	_ = 	snop;
	(pc) =	sbr.rel @!p0 .LBB2_4-.Ltmp6, $2  }
0x58f: {  	_ =	sdelay $0x2  }
0x590: {  	v1 =	vmovc v3;
	v3 =	vmov v63;
	v0 =	vmov v24;
	v2 =	vmov v61  }
0x591: {  	s11 =	simm.s32 $0x6  }
0x592: {  	_ =	swait.ge [sflag:s11], $0x2000  }
0x593: {  	[sflag:s11] =	ssyncset.done $0x0  }
0x594: {  	s23 =	simm.s32 $0x7;
	[sflag:s11] =	ssyncadd.s32 $0xFFFFE000  }
0x595: {  	_ =	swait.ge [sflag:s23], $0x2000  }
0x596: {  	[sflag:s23] =	ssyncset.done $0x0  }
0x597: {  	[sflag:s23] =	ssyncadd.s32 $0xFFFFE000  }
0x598: {  	_ =	swait.ge [sflag:s15], $0x2000  }
0x599: {  	[sflag:s15] =	ssyncset.done $0x0  }
0x59a: {  	[sflag:s15] =	ssyncadd.s32 $0xFFFFE000  }
0x59b: {  	_ =	swait.ge [sflag:s16], $0x2000  }
0x59c: {  	[sflag:s16] =	ssyncset.done $0x0  }
0x59d: {  	[sflag:s16] =	ssyncadd.s32 $0xFFFFE000  }
0x59e: {  	_ =	swait.ge [sflag:s20], $0x2000  }
0x59f: {  	s21 =	sadd.s32 $0x1, s21;
	s24 =	rddreg [dreg:$0x4]  }
0x5a0: {  	p0 =	sne.s32 s21, s24  }
.Ltmp7:
0x5a1: {  	_ = 	snop;
	(pc) =	sbr.rel @p0 .LBB2_1-.Ltmp7, $3  }
0x5a2: {  	_ =	sdelay $0x1  }
0x5a3: {  	[sflag:s20] =	ssyncset.done $0x0  }
0x5a4: {  	[sflag:s20] =	ssyncadd.s32 $0xFFFFE000  }
0x5a5: {  	_ =	sfence.sel $0x180000  }
0x5a6: {  	[bflag:$0x0] =	sbarrier.arrive $0xFFFF  }
0x5a7: {  	_ =	strace $0x90000047  }
0x5a8: {  	s0 =	stileid.u32;
	[bflag:$0x2] =	sbarrier.arrive $0xFFFF  }
0x5a9: {  	p0 =	sne.s32 s0, $0x0;
	s0 =	rddreg [dreg:$0x3]  }
0x5aa: {  	s0 =	sadd.s32 @!p0 $0x100000, s0  }
0x5ab: {  	[sflag:s0] =	ssyncadd.tile.s32 @!p0 $0x1;
	_ =	shalt  }
.Lfunc_end2:
_tile_overlayer_lowered:
.L_overlay_start_2:
0x5ac: {  	(tag) =	ssettag $0x2  }
0x5ad: {  	s0 =	rddreg [dreg:$0x0];
	s2 =	stileid.u32  }
0x5ae: {  	s1 =	rddreg [dreg:$0x1];
	p0 =	sne.s32 s2, $0x0  }
0x5af: {  	s3 =	rddreg [dreg:$0x2];
	[bflag:$0x3] =	sbarrier.arrive $0xFFFF;
	s2 =	simm.s32 @!p0 $0x1C0B  }
0x5b0: {  	[timem:s3], [sflag:s2] =	dma.local @!p0 [hbm:s0], s1  }
0x5b1: {  	s0 =	simm.s32 @!p0 $0xB  }
0x5b2: {  	_ =	swait.ge @!p0 [sflag:s0], s1  }
0x5b3: {  	s1 =	ssub.s32 @!p0 $0x0, s1;
	[sflag:s0] =	ssyncset.done @!p0 $0x0  }
0x5b4: {  	[sflag:s0] =	ssyncadd.s32 @!p0 s1  }
0x5b5: {  	[bflag:$0x3] =	sbarrier.arrive $0xFFFF  }
0x5b6: {  	_ =	shalt  }

</sc_bundles>
